<compile_context>
chip_gen: v7x
topology: tpu7x:2x2x1
jax: 0.10.2.dev20260603
libtpu: 0.0.44.dev20260713+nightly
codegen_flags: <defaults>
</compile_context>

<pallas_src>
import jax
import jax.numpy as jnp
from jax import lax
from jax.experimental import pallas as pl
from jax.experimental.pallas import tpu as pltpu
from jax.experimental.pallas import tpu_sc as plsc

_B = 16384
_E = 64
_L = 16
_NC = 2
_NS = 16
_NW = _NC * _NS
_RPW = _B // _NW
_NBLK = _RPW // _L


def _router_body(x_hbm, idx_hbm, pmax_hbm, pmax2_hbm, part_hbm,
                 x_v, ebuf, colacc, cnt64, idxout, pmaxout, partv,
                 s_buf, m_buf, inv_buf, dma_sem):
    cid = lax.axis_index("c")
    sid = lax.axis_index("s")
    wid = sid * _NC + cid
    base = wid * _RPW

    copies = [
        pltpu.async_copy(x_hbm.at[c, pl.ds(4 * wid, 4)], x_v.at[c], dma_sem)
        for c in range(_E)
    ]
    for cp in copies:
        cp.wait()

    zf = jnp.zeros((_L,), jnp.float32)
    for c in range(_E):
        colacc[pl.ds(c * _L, _L)] = zf
    for j in range(_E // _L):
        cnt64[pl.ds(j * _L, _L)] = zf

    lane = lax.iota(jnp.int32, _L)
    ones = jnp.ones((_L,), jnp.float32)

    def block(b, carry):
        t = b >> 3
        q = (b & 7) * _L
        minf = jnp.full((_L,), -jnp.inf, jnp.float32)

        @plsc.parallel_loop(0, _E, 1, unroll=8,
                            carry=(zf, minf, jnp.zeros((_L,), jnp.int32)))
        def pass1(c, cr):
            s, m, idxv = cr
            v = x_v[c, t, pl.ds(q, _L)]
            e = jnp.exp(v)
            ebuf[pl.ds((b * _E + c) * _L, _L)] = e
            gt = v > m
            idxv = jnp.where(gt, c, idxv)
            m = jnp.maximum(m, v)
            return (s + e, m, idxv)

        s, m, idxv = pass1
        s_buf[pl.ds(b * _L, _L)] = s
        m_buf[pl.ds(b * _L, _L)] = m
        idxout[pl.ds(b * _L, _L)] = idxv
        plsc.addupdate_scatter(cnt64, [idxv], ones)
        return carry

    lax.fori_loop(0, _NBLK, block, 0)

    @plsc.parallel_loop(0, _NBLK, 1, unroll=4)
    def finalize(b):
        s = s_buf[pl.ds(b * _L, _L)]
        inv = 1.0 / s
        inv_buf[pl.ds(b * _L, _L)] = inv
        pmaxout[pl.ds(b * _L, _L)] = jnp.exp(m_buf[pl.ds(b * _L, _L)]) * inv

    def block2(b, carry):
        inv = inv_buf[pl.ds(b * _L, _L)]

        @plsc.parallel_loop(0, _E, 1, unroll=8)
        def pass2(c):
            q = ebuf[pl.ds((b * _E + c) * _L, _L)] * inv
            colacc[pl.ds(c * _L, _L)] = colacc[pl.ds(c * _L, _L)] + q

        return carry

    lax.fori_loop(0, _NBLK, block2, 0)

    for j in range(_E // _L):
        accv = zf
        for k in range(_L):
            s = jnp.sum(colacc[pl.ds((j * _L + k) * _L, _L)])
            accv = jnp.where(lane == k, jnp.broadcast_to(s, (_L,)), accv)
        partv[pl.ds(j * _L, _L)] = accv
    for j in range(_E // _L):
        partv[pl.ds(_E + j * _L, _L)] = cnt64[pl.ds(j * _L, _L)]

    pltpu.sync_copy(idxout, idx_hbm.at[pl.ds(base, _RPW)])
    pltpu.sync_copy(pmaxout, pmax_hbm.at[pl.ds(base, _RPW)])
    pltpu.sync_copy(pmaxout, pmax2_hbm.at[pl.ds(base, _RPW)])
    pltpu.sync_copy(partv, part_hbm.at[wid])


def _tc_finish_body(part_ref, *out_ref):
    p = part_ref[...]
    tot = jnp.sum(p, axis=0, keepdims=True)
    inv_b = 1.0 / _B
    mean = tot[:, :_E] * inv_b
    frac = tot[:, _E:] * inv_b
    d = jnp.sum(frac * mean)
    loss = _E * d - 1.0
    fmin = jnp.min(frac)
    fmax = jnp.max(frac)
    fmean = jnp.sum(frac) * (1.0 / _E)
    var = jnp.sum((frac - fmean) ** 2) * (1.0 / (_E - 1))
    std = jnp.sqrt(var)
    loss_ref, fmin_ref, fmax_ref, std_ref = out_ref
    loss_ref[0, 0] = loss
    fmin_ref[0, 0] = fmin
    fmax_ref[0, 0] = fmax
    std_ref[0, 0] = std


def kernel(route_logits):
    mesh = plsc.VectorSubcoreMesh(core_axis_name="c", subcore_axis_name="s")
    router = pl.kernel(
        _router_body,
        out_type=(
            jax.ShapeDtypeStruct((_B,), jnp.int32),
            jax.ShapeDtypeStruct((_B,), jnp.float32),
            jax.ShapeDtypeStruct((_B,), jnp.float32),
            jax.ShapeDtypeStruct((_NW, 2 * _E), jnp.float32),
        ),
        mesh=mesh,
        compiler_params=pltpu.CompilerParams(needs_layout_passes=False),
        scratch_types=[
            pltpu.VMEM((_E, 4, 128), jnp.float32),
            pltpu.VMEM((_RPW * _E,), jnp.float32),
            pltpu.VMEM((_E * _L,), jnp.float32),
            pltpu.VMEM((_E,), jnp.float32),
            pltpu.VMEM((_RPW,), jnp.int32),
            pltpu.VMEM((_RPW,), jnp.float32),
            pltpu.VMEM((2 * _E,), jnp.float32),
            pltpu.VMEM((_RPW,), jnp.float32),
            pltpu.VMEM((_RPW,), jnp.float32),
            pltpu.VMEM((_RPW,), jnp.float32),
            pltpu.SemaphoreType.DMA,
        ],
    )
    scalar_spec = pl.BlockSpec(memory_space=pltpu.SMEM)
    finish = pl.pallas_call(
        _tc_finish_body,
        out_shape=[jax.ShapeDtypeStruct((1, 1), jnp.float32)] * 4,
        out_specs=[scalar_spec] * 4,
    )
    xt = route_logits.T.reshape(_E, 128, 128)
    route_idx, route_prob_max, route_mult, partials = router(xt)
    loss, fmin, fmax, std = finish(partials)
    return (route_idx, route_mult, loss[0, 0], route_prob_max,
            fmin[0, 0], fmax[0, 0], std[0, 0])

# --- scband reference (transcript-rebuilt; emitter-appended) ---
"""Pipeline reference for scband-switch-gate-5033701671493 (READ-ONLY COPY).

The authoritative reference and input builder live on the scoring server;
editing this copy changes nothing except your own understanding.
"""

import jax, jax.numpy as jnp
import numpy as np

NUM_EXPERTS = 64

def setup_inputs(seed: int = 0) -> dict:
    key = jax.random.key(seed)
    route_logits = jax.random.normal(key, (16384, NUM_EXPERTS), dtype=jnp.float32)
    return {"route_logits": route_logits}

def reference(route_logits):
    # jitter_eps = 0.0 so no input jitter is applied (matches module in both train/eval)
    route_probs = jax.nn.softmax(route_logits, axis=1)
    route_prob_max = jnp.max(route_probs, axis=1)
    route_idx = jnp.argmax(route_probs, axis=1)
    inv_batch_size = 1.0 / route_logits.shape[0]
    route_frac = jnp.bincount(route_idx, length=NUM_EXPERTS).astype(route_probs.dtype) * inv_batch_size
    route_prob_mean = route_probs.mean(0)
    load_balancing_loss = NUM_EXPERTS * jnp.dot(route_frac, route_prob_mean) - 1.0
    # no_scaling=False -> route_multiplier = route_prob_max
    route_multiplier = route_prob_max
    # aux outputs flattened into the tuple (route_prob_max, frac_min, frac_max, frac_std)
    route_frac_std = jnp.std(route_frac, ddof=1)
    return (route_idx, route_multiplier, load_balancing_loss, route_prob_max, route_frac.min(), route_frac.max(), route_frac_std)

if __name__ == "__main__":
    import jax
    _d = setup_inputs()
    print(jax.jit(kernel)(*tuple(_d.values())))

</pallas_src>

<mosaic_0001>
#map = affine_map<(d0, d1) -> (0, 0, 0)>
#map1 = affine_map<(d0, d1) -> (0)>
#map2 = affine_map<(d0, d1) -> (0, 0)>
module attributes {stable_mosaic.version = 14 : i64} {
  func.func @_router_body(%arg0: i32, %arg1: i32, %arg2: memref<64x128x128xf32, #tpu.memory_space<hbm>>, %arg3: memref<16384xi32, #tpu.memory_space<hbm>>, %arg4: memref<16384xf32, #tpu.memory_space<hbm>>, %arg5: memref<16384xf32, #tpu.memory_space<hbm>>, %arg6: memref<32x128xf32, #tpu.memory_space<hbm>>, %arg7: memref<64x4x128xf32, #tpu.memory_space<vmem>>, %arg8: memref<32768xf32, #tpu.memory_space<vmem>>, %arg9: memref<1024xf32, #tpu.memory_space<vmem>>, %arg10: memref<64xf32, #tpu.memory_space<vmem>>, %arg11: memref<512xi32, #tpu.memory_space<vmem>>, %arg12: memref<512xf32, #tpu.memory_space<vmem>>, %arg13: memref<128xf32, #tpu.memory_space<vmem>>, %arg14: memref<512xf32, #tpu.memory_space<vmem>>, %arg15: memref<512xf32, #tpu.memory_space<vmem>>, %arg16: memref<512xf32, #tpu.memory_space<vmem>>, %arg17: memref<!tpu.dma_semaphore, #tpu.memory_space<semaphore_mem>>) attributes {dimension_semantics = [#tpu.dimension_semantics<core_parallel>, #tpu.dimension_semantics<subcore_parallel>], iteration_bounds = array<i64: 2, 16>, scalar_prefetch = 0 : i64, scratch_operands = 11 : i64, tpu.core_type = #tpu.core_type<sc_vector_subcore>, window_params = [{transform_indices = #map}, {transform_indices = #map1}, {transform_indices = #map1}, {transform_indices = #map1}, {transform_indices = #map2}]} {
    %mul3A = arith.constant 2 : i32
    %mul3A_0 = arith.muli %arg1, %mul3A : i32
    %add3A = arith.addi %mul3A_0, %arg0 : i32
    %mul3A_1 = arith.constant 512 : i32
    %mul3A_2 = arith.muli %add3A, %mul3A_1 : i32
    %mul3A_3 = arith.constant 4 : i32
    %mul3A_4 = arith.muli %mul3A_3, %add3A : i32
    %dma_start3A = arith.constant 0 : i32
    %dma_start3A_5 = arith.constant 0 : i32
    %dma_start3A_6 = arith.constant 0 : i32
    %dma_start3A_7 = arith.constant 0 : i32
    %dma_start3A_8 = tpu.memref_slice %arg7[%dma_start3A_5, %dma_start3A_6, %dma_start3A_7] : memref<64x4x128xf32, #tpu.memory_space<vmem>> -> memref<1x4x128xf32, #tpu.memory_space<vmem>>
    %dma_start3A_9 = tpu.memref_squeeze %dma_start3A_8 : memref<1x4x128xf32, #tpu.memory_space<vmem>> -> memref<4x128xf32, #tpu.memory_space<vmem>>
    %dma_start3A_10 = arith.constant 0 : i32
    %dma_start3A_11 = tpu.memref_slice %arg2[%dma_start3A, %mul3A_4, %dma_start3A_10] : memref<64x128x128xf32, #tpu.memory_space<hbm>> -> memref<1x4x128xf32, #tpu.memory_space<hbm>>
    %dma_start3A_12 = tpu.memref_squeeze %dma_start3A_11 : memref<1x4x128xf32, #tpu.memory_space<hbm>> -> memref<4x128xf32, #tpu.memory_space<hbm>>
    %dma_start3A_13 = arith.constant 0 : i32
    %dma_start3A_14 = arith.constant 0 : i32
    %dma_start3A_15 = tpu.memref_slice %arg7[%dma_start3A_5, %dma_start3A_13, %dma_start3A_14] : memref<64x4x128xf32, #tpu.memory_space<vmem>> -> memref<1x4x128xf32, #tpu.memory_space<vmem>>
    %dma_start3A_16 = tpu.memref_squeeze %dma_start3A_15 : memref<1x4x128xf32, #tpu.memory_space<vmem>> -> memref<4x128xf32, #tpu.memory_space<vmem>>
    %dma_start3A_17 = arith.constant 0 : i32
    %dma_start3A_18 = tpu.memref_slice %arg2[%dma_start3A, %mul3A_4, %dma_start3A_17] : memref<64x128x128xf32, #tpu.memory_space<hbm>> -> memref<1x4x128xf32, #tpu.memory_space<hbm>>
    %dma_start3A_19 = tpu.memref_squeeze %dma_start3A_18 : memref<1x4x128xf32, #tpu.memory_space<hbm>> -> memref<4x128xf32, #tpu.memory_space<hbm>>
    tpu.enqueue_dma source(%dma_start3A_19 : memref<4x128xf32, #tpu.memory_space<hbm>>) target(%dma_start3A_16 : memref<4x128xf32, #tpu.memory_space<vmem>>) target_semaphore(%arg17 : memref<!tpu.dma_semaphore, #tpu.memory_space<semaphore_mem>>)
    %mul3A_20 = arith.constant 4 : i32
    %mul3A_21 = arith.muli %mul3A_20, %add3A : i32
    %dma_start3A_22 = arith.constant 1 : i32
    %dma_start3A_23 = arith.constant 1 : i32
    %dma_start3A_24 = arith.constant 0 : i32
    %dma_start3A_25 = arith.constant 0 : i32
    %dma_start3A_26 = tpu.memref_slice %arg7[%dma_start3A_23, %dma_start3A_24, %dma_start3A_25] : memref<64x4x128xf32, #tpu.memory_space<vmem>> -> memref<1x4x128xf32, #tpu.memory_space<vmem>>
    %dma_start3A_27 = tpu.memref_squeeze %dma_start3A_26 : memref<1x4x128xf32, #tpu.memory_space<vmem>> -> memref<4x128xf32, #tpu.memory_space<vmem>>
    %dma_start3A_28 = arith.constant 0 : i32
    %dma_start3A_29 = tpu.memref_slice %arg2[%dma_start3A_22, %mul3A_21, %dma_start3A_28] : memref<64x128x128xf32, #tpu.memory_space<hbm>> -> memref<1x4x128xf32, #tpu.memory_space<hbm>>
    %dma_start3A_30 = tpu.memref_squeeze %dma_start3A_29 : memref<1x4x128xf32, #tpu.memory_space<hbm>> -> memref<4x128xf32, #tpu.memory_space<hbm>>
    %dma_start3A_31 = arith.constant 0 : i32
    %dma_start3A_32 = arith.constant 0 : i32
    %dma_start3A_33 = tpu.memref_slice %arg7[%dma_start3A_23, %dma_start3A_31, %dma_start3A_32] : memref<64x4x128xf32, #tpu.memory_space<vmem>> -> memref<1x4x128xf32, #tpu.memory_space<vmem>>
    %dma_start3A_34 = tpu.memref_squeeze %dma_start3A_33 : memref<1x4x128xf32, #tpu.memory_space<vmem>> -> memref<4x128xf32, #tpu.memory_space<vmem>>
    %dma_start3A_35 = arith.constant 0 : i32
    %dma_start3A_36 = tpu.memref_slice %arg2[%dma_start3A_22, %mul3A_21, %dma_start3A_35] : memref<64x128x128xf32, #tpu.memory_space<hbm>> -> memref<1x4x128xf32, #tpu.memory_space<hbm>>
    %dma_start3A_37 = tpu.memref_squeeze %dma_start3A_36 : memref<1x4x128xf32, #tpu.memory_space<hbm>> -> memref<4x128xf32, #tpu.memory_space<hbm>>
    tpu.enqueue_dma source(%dma_start3A_37 : memref<4x128xf32, #tpu.memory_space<hbm>>) target(%dma_start3A_34 : memref<4x128xf32, #tpu.memory_space<vmem>>) target_semaphore(%arg17 : memref<!tpu.dma_semaphore, #tpu.memory_space<semaphore_mem>>)
    %mul3A_38 = arith.constant 4 : i32
    %mul3A_39 = arith.muli %mul3A_38, %add3A : i32
    %dma_start3A_40 = arith.constant 2 : i32
    %dma_start3A_41 = arith.constant 2 : i32
    %dma_start3A_42 = arith.constant 0 : i32
    %dma_start3A_43 = arith.constant 0 : i32
    %dma_start3A_44 = tpu.memref_slice %arg7[%dma_start3A_41, %dma_start3A_42, %dma_start3A_43] : memref<64x4x128xf32, #tpu.memory_space<vmem>> -> memref<1x4x128xf32, #tpu.memory_space<vmem>>
    %dma_start3A_45 = tpu.memref_squeeze %dma_start3A_44 : memref<1x4x128xf32, #tpu.memory_space<vmem>> -> memref<4x128xf32, #tpu.memory_space<vmem>>
    %dma_start3A_46 = arith.constant 0 : i32
    %dma_start3A_47 = tpu.memref_slice %arg2[%dma_start3A_40, %mul3A_39, %dma_start3A_46] : memref<64x128x128xf32, #tpu.memory_space<hbm>> -> memref<1x4x128xf32, #tpu.memory_space<hbm>>
    %dma_start3A_48 = tpu.memref_squeeze %dma_start3A_47 : memref<1x4x128xf32, #tpu.memory_space<hbm>> -> memref<4x128xf32, #tpu.memory_space<hbm>>
    %dma_start3A_49 = arith.constant 0 : i32
    %dma_start3A_50 = arith.constant 0 : i32
    %dma_start3A_51 = tpu.memref_slice %arg7[%dma_start3A_41, %dma_start3A_49, %dma_start3A_50] : memref<64x4x128xf32, #tpu.memory_space<vmem>> -> memref<1x4x128xf32, #tpu.memory_space<vmem>>
    %dma_start3A_52 = tpu.memref_squeeze %dma_start3A_51 : memref<1x4x128xf32, #tpu.memory_space<vmem>> -> memref<4x128xf32, #tpu.memory_space<vmem>>
    %dma_start3A_53 = arith.constant 0 : i32
    %dma_start3A_54 = tpu.memref_slice %arg2[%dma_start3A_40, %mul3A_39, %dma_start3A_53] : memref<64x128x128xf32, #tpu.memory_space<hbm>> -> memref<1x4x128xf32, #tpu.memory_space<hbm>>
    %dma_start3A_55 = tpu.memref_squeeze %dma_start3A_54 : memref<1x4x128xf32, #tpu.memory_space<hbm>> -> memref<4x128xf32, #tpu.memory_space<hbm>>
    tpu.enqueue_dma source(%dma_start3A_55 : memref<4x128xf32, #tpu.memory_space<hbm>>) target(%dma_start3A_52 : memref<4x128xf32, #tpu.memory_space<vmem>>) target_semaphore(%arg17 : memref<!tpu.dma_semaphore, #tpu.memory_space<semaphore_mem>>)
    %mul3A_56 = arith.constant 4 : i32
    %mul3A_57 = arith.muli %mul3A_56, %add3A : i32
    %dma_start3A_58 = arith.constant 3 : i32
    %dma_start3A_59 = arith.constant 3 : i32
    %dma_start3A_60 = arith.constant 0 : i32
    %dma_start3A_61 = arith.constant 0 : i32
    %dma_start3A_62 = tpu.memref_slice %arg7[%dma_start3A_59, %dma_start3A_60, %dma_start3A_61] : memref<64x4x128xf32, #tpu.memory_space<vmem>> -> memref<1x4x128xf32, #tpu.memory_space<vmem>>
    %dma_start3A_63 = tpu.memref_squeeze %dma_start3A_62 : memref<1x4x128xf32, #tpu.memory_space<vmem>> -> memref<4x128xf32, #tpu.memory_space<vmem>>
    %dma_start3A_64 = arith.constant 0 : i32
    %dma_start3A_65 = tpu.memref_slice %arg2[%dma_start3A_58, %mul3A_57, %dma_start3A_64] : memref<64x128x128xf32, #tpu.memory_space<hbm>> -> memref<1x4x128xf32, #tpu.memory_space<hbm>>
    %dma_start3A_66 = tpu.memref_squeeze %dma_start3A_65 : memref<1x4x128xf32, #tpu.memory_space<hbm>> -> memref<4x128xf32, #tpu.memory_space<hbm>>
    %dma_start3A_67 = arith.constant 0 : i32
    %dma_start3A_68 = arith.constant 0 : i32
    %dma_start3A_69 = tpu.memref_slice %arg7[%dma_start3A_59, %dma_start3A_67, %dma_start3A_68] : memref<64x4x128xf32, #tpu.memory_space<vmem>> -> memref<1x4x128xf32, #tpu.memory_space<vmem>>
    %dma_start3A_70 = tpu.memref_squeeze %dma_start3A_69 : memref<1x4x128xf32, #tpu.memory_space<vmem>> -> memref<4x128xf32, #tpu.memory_space<vmem>>
    %dma_start3A_71 = arith.constant 0 : i32
    %dma_start3A_72 = tpu.memref_slice %arg2[%dma_start3A_58, %mul3A_57, %dma_start3A_71] : memref<64x128x128xf32, #tpu.memory_space<hbm>> -> memref<1x4x128xf32, #tpu.memory_space<hbm>>
    %dma_start3A_73 = tpu.memref_squeeze %dma_start3A_72 : memref<1x4x128xf32, #tpu.memory_space<hbm>> -> memref<4x128xf32, #tpu.memory_space<hbm>>
    tpu.enqueue_dma source(%dma_start3A_73 : memref<4x128xf32, #tpu.memory_space<hbm>>) target(%dma_start3A_70 : memref<4x128xf32, #tpu.memory_space<vmem>>) target_semaphore(%arg17 : memref<!tpu.dma_semaphore, #tpu.memory_space<semaphore_mem>>)
    %mul3A_74 = arith.constant 4 : i32
    %mul3A_75 = arith.muli %mul3A_74, %add3A : i32
    %dma_start3A_76 = arith.constant 4 : i32
    %dma_start3A_77 = arith.constant 4 : i32
    %dma_start3A_78 = arith.constant 0 : i32
    %dma_start3A_79 = arith.constant 0 : i32
    %dma_start3A_80 = tpu.memref_slice %arg7[%dma_start3A_77, %dma_start3A_78, %dma_start3A_79] : memref<64x4x128xf32, #tpu.memory_space<vmem>> -> memref<1x4x128xf32, #tpu.memory_space<vmem>>
    %dma_start3A_81 = tpu.memref_squeeze %dma_start3A_80 : memref<1x4x128xf32, #tpu.memory_space<vmem>> -> memref<4x128xf32, #tpu.memory_space<vmem>>
    %dma_start3A_82 = arith.constant 0 : i32
    %dma_start3A_83 = tpu.memref_slice %arg2[%dma_start3A_76, %mul3A_75, %dma_start3A_82] : memref<64x128x128xf32, #tpu.memory_space<hbm>> -> memref<1x4x128xf32, #tpu.memory_space<hbm>>
    %dma_start3A_84 = tpu.memref_squeeze %dma_start3A_83 : memref<1x4x128xf32, #tpu.memory_space<hbm>> -> memref<4x128xf32, #tpu.memory_space<hbm>>
    %dma_start3A_85 = arith.constant 0 : i32
    %dma_start3A_86 = arith.constant 0 : i32
    %dma_start3A_87 = tpu.memref_slice %arg7[%dma_start3A_77, %dma_start3A_85, %dma_start3A_86] : memref<64x4x128xf32, #tpu.memory_space<vmem>> -> memref<1x4x128xf32, #tpu.memory_space<vmem>>
    %dma_start3A_88 = tpu.memref_squeeze %dma_start3A_87 : memref<1x4x128xf32, #tpu.memory_space<vmem>> -> memref<4x128xf32, #tpu.memory_space<vmem>>
    %dma_start3A_89 = arith.constant 0 : i32
    %dma_start3A_90 = tpu.memref_slice %arg2[%dma_start3A_76, %mul3A_75, %dma_start3A_89] : memref<64x128x128xf32, #tpu.memory_space<hbm>> -> memref<1x4x128xf32, #tpu.memory_space<hbm>>
    %dma_start3A_91 = tpu.memref_squeeze %dma_start3A_90 : memref<1x4x128xf32, #tpu.memory_space<hbm>> -> memref<4x128xf32, #tpu.memory_space<hbm>>
    tpu.enqueue_dma source(%dma_start3A_91 : memref<4x128xf32, #tpu.memory_space<hbm>>) target(%dma_start3A_88 : memref<4x128xf32, #tpu.memory_space<vmem>>) target_semaphore(%arg17 : memref<!tpu.dma_semaphore, #tpu.memory_space<semaphore_mem>>)
    %mul3A_92 = arith.constant 4 : i32
    %mul3A_93 = arith.muli %mul3A_92, %add3A : i32
    %dma_start3A_94 = arith.constant 5 : i32
    %dma_start3A_95 = arith.constant 5 : i32
    %dma_start3A_96 = arith.constant 0 : i32
    %dma_start3A_97 = arith.constant 0 : i32
    %dma_start3A_98 = tpu.memref_slice %arg7[%dma_start3A_95, %dma_start3A_96, %dma_start3A_97] : memref<64x4x128xf32, #tpu.memory_space<vmem>> -> memref<1x4x128xf32, #tpu.memory_space<vmem>>
    %dma_start3A_99 = tpu.memref_squeeze %dma_start3A_98 : memref<1x4x128xf32, #tpu.memory_space<vmem>> -> memref<4x128xf32, #tpu.memory_space<vmem>>
    %dma_start3A_100 = arith.constant 0 : i32
    %dma_start3A_101 = tpu.memref_slice %arg2[%dma_start3A_94, %mul3A_93, %dma_start3A_100] : memref<64x128x128xf32, #tpu.memory_space<hbm>> -> memref<1x4x128xf32, #tpu.memory_space<hbm>>
    %dma_start3A_102 = tpu.memref_squeeze %dma_start3A_101 : memref<1x4x128xf32, #tpu.memory_space<hbm>> -> memref<4x128xf32, #tpu.memory_space<hbm>>
    %dma_start3A_103 = arith.constant 0 : i32
    %dma_start3A_104 = arith.constant 0 : i32
    %dma_start3A_105 = tpu.memref_slice %arg7[%dma_start3A_95, %dma_start3A_103, %dma_start3A_104] : memref<64x4x128xf32, #tpu.memory_space<vmem>> -> memref<1x4x128xf32, #tpu.memory_space<vmem>>
    %dma_start3A_106 = tpu.memref_squeeze %dma_start3A_105 : memref<1x4x128xf32, #tpu.memory_space<vmem>> -> memref<4x128xf32, #tpu.memory_space<vmem>>
    %dma_start3A_107 = arith.constant 0 : i32
    %dma_start3A_108 = tpu.memref_slice %arg2[%dma_start3A_94, %mul3A_93, %dma_start3A_107] : memref<64x128x128xf32, #tpu.memory_space<hbm>> -> memref<1x4x128xf32, #tpu.memory_space<hbm>>
    %dma_start3A_109 = tpu.memref_squeeze %dma_start3A_108 : memref<1x4x128xf32, #tpu.memory_space<hbm>> -> memref<4x128xf32, #tpu.memory_space<hbm>>
    tpu.enqueue_dma source(%dma_start3A_109 : memref<4x128xf32, #tpu.memory_space<hbm>>) target(%dma_start3A_106 : memref<4x128xf32, #tpu.memory_space<vmem>>) target_semaphore(%arg17 : memref<!tpu.dma_semaphore, #tpu.memory_space<semaphore_mem>>)
    %mul3A_110 = arith.constant 4 : i32
    %mul3A_111 = arith.muli %mul3A_110, %add3A : i32
    %dma_start3A_112 = arith.constant 6 : i32
    %dma_start3A_113 = arith.constant 6 : i32
    %dma_start3A_114 = arith.constant 0 : i32
    %dma_start3A_115 = arith.constant 0 : i32
    %dma_start3A_116 = tpu.memref_slice %arg7[%dma_start3A_113, %dma_start3A_114, %dma_start3A_115] : memref<64x4x128xf32, #tpu.memory_space<vmem>> -> memref<1x4x128xf32, #tpu.memory_space<vmem>>
    %dma_start3A_117 = tpu.memref_squeeze %dma_start3A_116 : memref<1x4x128xf32, #tpu.memory_space<vmem>> -> memref<4x128xf32, #tpu.memory_space<vmem>>
    %dma_start3A_118 = arith.constant 0 : i32
    %dma_start3A_119 = tpu.memref_slice %arg2[%dma_start3A_112, %mul3A_111, %dma_start3A_118] : memref<64x128x128xf32, #tpu.memory_space<hbm>> -> memref<1x4x128xf32, #tpu.memory_space<hbm>>
    %dma_start3A_120 = tpu.memref_squeeze %dma_start3A_119 : memref<1x4x128xf32, #tpu.memory_space<hbm>> -> memref<4x128xf32, #tpu.memory_space<hbm>>
    %dma_start3A_121 = arith.constant 0 : i32
    %dma_start3A_122 = arith.constant 0 : i32
    %dma_start3A_123 = tpu.memref_slice %arg7[%dma_start3A_113, %dma_start3A_121, %dma_start3A_122] : memref<64x4x128xf32, #tpu.memory_space<vmem>> -> memref<1x4x128xf32, #tpu.memory_space<vmem>>
    %dma_start3A_124 = tpu.memref_squeeze %dma_start3A_123 : memref<1x4x128xf32, #tpu.memory_space<vmem>> -> memref<4x128xf32, #tpu.memory_space<vmem>>
    %dma_start3A_125 = arith.constant 0 : i32
    %dma_start3A_126 = tpu.memref_slice %arg2[%dma_start3A_112, %mul3A_111, %dma_start3A_125] : memref<64x128x128xf32, #tpu.memory_space<hbm>> -> memref<1x4x128xf32, #tpu.memory_space<hbm>>
    %dma_start3A_127 = tpu.memref_squeeze %dma_start3A_126 : memref<1x4x128xf32, #tpu.memory_space<hbm>> -> memref<4x128xf32, #tpu.memory_space<hbm>>
    tpu.enqueue_dma source(%dma_start3A_127 : memref<4x128xf32, #tpu.memory_space<hbm>>) target(%dma_start3A_124 : memref<4x128xf32, #tpu.memory_space<vmem>>) target_semaphore(%arg17 : memref<!tpu.dma_semaphore, #tpu.memory_space<semaphore_mem>>)
    %mul3A_128 = arith.constant 4 : i32
    %mul3A_129 = arith.muli %mul3A_128, %add3A : i32
    %dma_start3A_130 = arith.constant 7 : i32
    %dma_start3A_131 = arith.constant 7 : i32
    %dma_start3A_132 = arith.constant 0 : i32
    %dma_start3A_133 = arith.constant 0 : i32
    %dma_start3A_134 = tpu.memref_slice %arg7[%dma_start3A_131, %dma_start3A_132, %dma_start3A_133] : memref<64x4x128xf32, #tpu.memory_space<vmem>> -> memref<1x4x128xf32, #tpu.memory_space<vmem>>
    %dma_start3A_135 = tpu.memref_squeeze %dma_start3A_134 : memref<1x4x128xf32, #tpu.memory_space<vmem>> -> memref<4x128xf32, #tpu.memory_space<vmem>>
    %dma_start3A_136 = arith.constant 0 : i32
    %dma_start3A_137 = tpu.memref_slice %arg2[%dma_start3A_130, %mul3A_129, %dma_start3A_136] : memref<64x128x128xf32, #tpu.memory_space<hbm>> -> memref<1x4x128xf32, #tpu.memory_space<hbm>>
    %dma_start3A_138 = tpu.memref_squeeze %dma_start3A_137 : memref<1x4x128xf32, #tpu.memory_space<hbm>> -> memref<4x128xf32, #tpu.memory_space<hbm>>
    %dma_start3A_139 = arith.constant 0 : i32
    %dma_start3A_140 = arith.constant 0 : i32
    %dma_start3A_141 = tpu.memref_slice %arg7[%dma_start3A_131, %dma_start3A_139, %dma_start3A_140] : memref<64x4x128xf32, #tpu.memory_space<vmem>> -> memref<1x4x128xf32, #tpu.memory_space<vmem>>
    %dma_start3A_142 = tpu.memref_squeeze %dma_start3A_141 : memref<1x4x128xf32, #tpu.memory_space<vmem>> -> memref<4x128xf32, #tpu.memory_space<vmem>>
    %dma_start3A_143 = arith.constant 0 : i32
    %dma_start3A_144 = tpu.memref_slice %arg2[%dma_start3A_130, %mul3A_129, %dma_start3A_143] : memref<64x128x128xf32, #tpu.memory_space<hbm>> -> memref<1x4x128xf32, #tpu.memory_space<hbm>>
    %dma_start3A_145 = tpu.memref_squeeze %dma_start3A_144 : memref<1x4x128xf32, #tpu.memory_space<hbm>> -> memref<4x128xf32, #tpu.memory_space<hbm>>
    tpu.enqueue_dma source(%dma_start3A_145 : memref<4x128xf32, #tpu.memory_space<hbm>>) target(%dma_start3A_142 : memref<4x128xf32, #tpu.memory_space<vmem>>) target_semaphore(%arg17 : memref<!tpu.dma_semaphore, #tpu.memory_space<semaphore_mem>>)
    %mul3A_146 = arith.constant 4 : i32
    %mul3A_147 = arith.muli %mul3A_146, %add3A : i32
    %dma_start3A_148 = arith.constant 8 : i32
    %dma_start3A_149 = arith.constant 8 : i32
    %dma_start3A_150 = arith.constant 0 : i32
    %dma_start3A_151 = arith.constant 0 : i32
    %dma_start3A_152 = tpu.memref_slice %arg7[%dma_start3A_149, %dma_start3A_150, %dma_start3A_151] : memref<64x4x128xf32, #tpu.memory_space<vmem>> -> memref<1x4x128xf32, #tpu.memory_space<vmem>>
    %dma_start3A_153 = tpu.memref_squeeze %dma_start3A_152 : memref<1x4x128xf32, #tpu.memory_space<vmem>> -> memref<4x128xf32, #tpu.memory_space<vmem>>
    %dma_start3A_154 = arith.constant 0 : i32
    %dma_start3A_155 = tpu.memref_slice %arg2[%dma_start3A_148, %mul3A_147, %dma_start3A_154] : memref<64x128x128xf32, #tpu.memory_space<hbm>> -> memref<1x4x128xf32, #tpu.memory_space<hbm>>
    %dma_start3A_156 = tpu.memref_squeeze %dma_start3A_155 : memref<1x4x128xf32, #tpu.memory_space<hbm>> -> memref<4x128xf32, #tpu.memory_space<hbm>>
    %dma_start3A_157 = arith.constant 0 : i32
    %dma_start3A_158 = arith.constant 0 : i32
    %dma_start3A_159 = tpu.memref_slice %arg7[%dma_start3A_149, %dma_start3A_157, %dma_start3A_158] : memref<64x4x128xf32, #tpu.memory_space<vmem>> -> memref<1x4x128xf32, #tpu.memory_space<vmem>>
    %dma_start3A_160 = tpu.memref_squeeze %dma_start3A_159 : memref<1x4x128xf32, #tpu.memory_space<vmem>> -> memref<4x128xf32, #tpu.memory_space<vmem>>
    %dma_start3A_161 = arith.constant 0 : i32
    %dma_start3A_162 = tpu.memref_slice %arg2[%dma_start3A_148, %mul3A_147, %dma_start3A_161] : memref<64x128x128xf32, #tpu.memory_space<hbm>> -> memref<1x4x128xf32, #tpu.memory_space<hbm>>
    %dma_start3A_163 = tpu.memref_squeeze %dma_start3A_162 : memref<1x4x128xf32, #tpu.memory_space<hbm>> -> memref<4x128xf32, #tpu.memory_space<hbm>>
    tpu.enqueue_dma source(%dma_start3A_163 : memref<4x128xf32, #tpu.memory_space<hbm>>) target(%dma_start3A_160 : memref<4x128xf32, #tpu.memory_space<vmem>>) target_semaphore(%arg17 : memref<!tpu.dma_semaphore, #tpu.memory_space<semaphore_mem>>)
    %mul3A_164 = arith.constant 4 : i32
    %mul3A_165 = arith.muli %mul3A_164, %add3A : i32
    %dma_start3A_166 = arith.constant 9 : i32
    %dma_start3A_167 = arith.constant 9 : i32
    %dma_start3A_168 = arith.constant 0 : i32
    %dma_start3A_169 = arith.constant 0 : i32
    %dma_start3A_170 = tpu.memref_slice %arg7[%dma_start3A_167, %dma_start3A_168, %dma_start3A_169] : memref<64x4x128xf32, #tpu.memory_space<vmem>> -> memref<1x4x128xf32, #tpu.memory_space<vmem>>
    %dma_start3A_171 = tpu.memref_squeeze %dma_start3A_170 : memref<1x4x128xf32, #tpu.memory_space<vmem>> -> memref<4x128xf32, #tpu.memory_space<vmem>>
    %dma_start3A_172 = arith.constant 0 : i32
    %dma_start3A_173 = tpu.memref_slice %arg2[%dma_start3A_166, %mul3A_165, %dma_start3A_172] : memref<64x128x128xf32, #tpu.memory_space<hbm>> -> memref<1x4x128xf32, #tpu.memory_space<hbm>>
    %dma_start3A_174 = tpu.memref_squeeze %dma_start3A_173 : memref<1x4x128xf32, #tpu.memory_space<hbm>> -> memref<4x128xf32, #tpu.memory_space<hbm>>
    %dma_start3A_175 = arith.constant 0 : i32
    %dma_start3A_176 = arith.constant 0 : i32
    %dma_start3A_177 = tpu.memref_slice %arg7[%dma_start3A_167, %dma_start3A_175, %dma_start3A_176] : memref<64x4x128xf32, #tpu.memory_space<vmem>> -> memref<1x4x128xf32, #tpu.memory_space<vmem>>
    %dma_start3A_178 = tpu.memref_squeeze %dma_start3A_177 : memref<1x4x128xf32, #tpu.memory_space<vmem>> -> memref<4x128xf32, #tpu.memory_space<vmem>>
    %dma_start3A_179 = arith.constant 0 : i32
    %dma_start3A_180 = tpu.memref_slice %arg2[%dma_start3A_166, %mul3A_165, %dma_start3A_179] : memref<64x128x128xf32, #tpu.memory_space<hbm>> -> memref<1x4x128xf32, #tpu.memory_space<hbm>>
    %dma_start3A_181 = tpu.memref_squeeze %dma_start3A_180 : memref<1x4x128xf32, #tpu.memory_space<hbm>> -> memref<4x128xf32, #tpu.memory_space<hbm>>
    tpu.enqueue_dma source(%dma_start3A_181 : memref<4x128xf32, #tpu.memory_space<hbm>>) target(%dma_start3A_178 : memref<4x128xf32, #tpu.memory_space<vmem>>) target_semaphore(%arg17 : memref<!tpu.dma_semaphore, #tpu.memory_space<semaphore_mem>>)
    %mul3A_182 = arith.constant 4 : i32
    %mul3A_183 = arith.muli %mul3A_182, %add3A : i32
    %dma_start3A_184 = arith.constant 10 : i32
    %dma_start3A_185 = arith.constant 10 : i32
    %dma_start3A_186 = arith.constant 0 : i32
    %dma_start3A_187 = arith.constant 0 : i32
    %dma_start3A_188 = tpu.memref_slice %arg7[%dma_start3A_185, %dma_start3A_186, %dma_start3A_187] : memref<64x4x128xf32, #tpu.memory_space<vmem>> -> memref<1x4x128xf32, #tpu.memory_space<vmem>>
    %dma_start3A_189 = tpu.memref_squeeze %dma_start3A_188 : memref<1x4x128xf32, #tpu.memory_space<vmem>> -> memref<4x128xf32, #tpu.memory_space<vmem>>
    %dma_start3A_190 = arith.constant 0 : i32
    %dma_start3A_191 = tpu.memref_slice %arg2[%dma_start3A_184, %mul3A_183, %dma_start3A_190] : memref<64x128x128xf32, #tpu.memory_space<hbm>> -> memref<1x4x128xf32, #tpu.memory_space<hbm>>
    %dma_start3A_192 = tpu.memref_squeeze %dma_start3A_191 : memref<1x4x128xf32, #tpu.memory_space<hbm>> -> memref<4x128xf32, #tpu.memory_space<hbm>>
    %dma_start3A_193 = arith.constant 0 : i32
    %dma_start3A_194 = arith.constant 0 : i32
    %dma_start3A_195 = tpu.memref_slice %arg7[%dma_start3A_185, %dma_start3A_193, %dma_start3A_194] : memref<64x4x128xf32, #tpu.memory_space<vmem>> -> memref<1x4x128xf32, #tpu.memory_space<vmem>>
    %dma_start3A_196 = tpu.memref_squeeze %dma_start3A_195 : memref<1x4x128xf32, #tpu.memory_space<vmem>> -> memref<4x128xf32, #tpu.memory_space<vmem>>
    %dma_start3A_197 = arith.constant 0 : i32
    %dma_start3A_198 = tpu.memref_slice %arg2[%dma_start3A_184, %mul3A_183, %dma_start3A_197] : memref<64x128x128xf32, #tpu.memory_space<hbm>> -> memref<1x4x128xf32, #tpu.memory_space<hbm>>
    %dma_start3A_199 = tpu.memref_squeeze %dma_start3A_198 : memref<1x4x128xf32, #tpu.memory_space<hbm>> -> memref<4x128xf32, #tpu.memory_space<hbm>>
    tpu.enqueue_dma source(%dma_start3A_199 : memref<4x128xf32, #tpu.memory_space<hbm>>) target(%dma_start3A_196 : memref<4x128xf32, #tpu.memory_space<vmem>>) target_semaphore(%arg17 : memref<!tpu.dma_semaphore, #tpu.memory_space<semaphore_mem>>)
    %mul3A_200 = arith.constant 4 : i32
    %mul3A_201 = arith.muli %mul3A_200, %add3A : i32
    %dma_start3A_202 = arith.constant 11 : i32
    %dma_start3A_203 = arith.constant 11 : i32
    %dma_start3A_204 = arith.constant 0 : i32
    %dma_start3A_205 = arith.constant 0 : i32
    %dma_start3A_206 = tpu.memref_slice %arg7[%dma_start3A_203, %dma_start3A_204, %dma_start3A_205] : memref<64x4x128xf32, #tpu.memory_space<vmem>> -> memref<1x4x128xf32, #tpu.memory_space<vmem>>
    %dma_start3A_207 = tpu.memref_squeeze %dma_start3A_206 : memref<1x4x128xf32, #tpu.memory_space<vmem>> -> memref<4x128xf32, #tpu.memory_space<vmem>>
    %dma_start3A_208 = arith.constant 0 : i32
    %dma_start3A_209 = tpu.memref_slice %arg2[%dma_start3A_202, %mul3A_201, %dma_start3A_208] : memref<64x128x128xf32, #tpu.memory_space<hbm>> -> memref<1x4x128xf32, #tpu.memory_space<hbm>>
    %dma_start3A_210 = tpu.memref_squeeze %dma_start3A_209 : memref<1x4x128xf32, #tpu.memory_space<hbm>> -> memref<4x128xf32, #tpu.memory_space<hbm>>
    %dma_start3A_211 = arith.constant 0 : i32
    %dma_start3A_212 = arith.constant 0 : i32
    %dma_start3A_213 = tpu.memref_slice %arg7[%dma_start3A_203, %dma_start3A_211, %dma_start3A_212] : memref<64x4x128xf32, #tpu.memory_space<vmem>> -> memref<1x4x128xf32, #tpu.memory_space<vmem>>
    %dma_start3A_214 = tpu.memref_squeeze %dma_start3A_213 : memref<1x4x128xf32, #tpu.memory_space<vmem>> -> memref<4x128xf32, #tpu.memory_space<vmem>>
    %dma_start3A_215 = arith.constant 0 : i32
    %dma_start3A_216 = tpu.memref_slice %arg2[%dma_start3A_202, %mul3A_201, %dma_start3A_215] : memref<64x128x128xf32, #tpu.memory_space<hbm>> -> memref<1x4x128xf32, #tpu.memory_space<hbm>>
    %dma_start3A_217 = tpu.memref_squeeze %dma_start3A_216 : memref<1x4x128xf32, #tpu.memory_space<hbm>> -> memref<4x128xf32, #tpu.memory_space<hbm>>
    tpu.enqueue_dma source(%dma_start3A_217 : memref<4x128xf32, #tpu.memory_space<hbm>>) target(%dma_start3A_214 : memref<4x128xf32, #tpu.memory_space<vmem>>) target_semaphore(%arg17 : memref<!tpu.dma_semaphore, #tpu.memory_space<semaphore_mem>>)
    %mul3A_218 = arith.constant 4 : i32
    %mul3A_219 = arith.muli %mul3A_218, %add3A : i32
    %dma_start3A_220 = arith.constant 12 : i32
    %dma_start3A_221 = arith.constant 12 : i32
    %dma_start3A_222 = arith.constant 0 : i32
    %dma_start3A_223 = arith.constant 0 : i32
    %dma_start3A_224 = tpu.memref_slice %arg7[%dma_start3A_221, %dma_start3A_222, %dma_start3A_223] : memref<64x4x128xf32, #tpu.memory_space<vmem>> -> memref<1x4x128xf32, #tpu.memory_space<vmem>>
    %dma_start3A_225 = tpu.memref_squeeze %dma_start3A_224 : memref<1x4x128xf32, #tpu.memory_space<vmem>> -> memref<4x128xf32, #tpu.memory_space<vmem>>
    %dma_start3A_226 = arith.constant 0 : i32
    %dma_start3A_227 = tpu.memref_slice %arg2[%dma_start3A_220, %mul3A_219, %dma_start3A_226] : memref<64x128x128xf32, #tpu.memory_space<hbm>> -> memref<1x4x128xf32, #tpu.memory_space<hbm>>
    %dma_start3A_228 = tpu.memref_squeeze %dma_start3A_227 : memref<1x4x128xf32, #tpu.memory_space<hbm>> -> memref<4x128xf32, #tpu.memory_space<hbm>>
    %dma_start3A_229 = arith.constant 0 : i32
    %dma_start3A_230 = arith.constant 0 : i32
    %dma_start3A_231 = tpu.memref_slice %arg7[%dma_start3A_221, %dma_start3A_229, %dma_start3A_230] : memref<64x4x128xf32, #tpu.memory_space<vmem>> -> memref<1x4x128xf32, #tpu.memory_space<vmem>>
    %dma_start3A_232 = tpu.memref_squeeze %dma_start3A_231 : memref<1x4x128xf32, #tpu.memory_space<vmem>> -> memref<4x128xf32, #tpu.memory_space<vmem>>
    %dma_start3A_233 = arith.constant 0 : i32
    %dma_start3A_234 = tpu.memref_slice %arg2[%dma_start3A_220, %mul3A_219, %dma_start3A_233] : memref<64x128x128xf32, #tpu.memory_space<hbm>> -> memref<1x4x128xf32, #tpu.memory_space<hbm>>
    %dma_start3A_235 = tpu.memref_squeeze %dma_start3A_234 : memref<1x4x128xf32, #tpu.memory_space<hbm>> -> memref<4x128xf32, #tpu.memory_space<hbm>>
    tpu.enqueue_dma source(%dma_start3A_235 : memref<4x128xf32, #tpu.memory_space<hbm>>) target(%dma_start3A_232 : memref<4x128xf32, #tpu.memory_space<vmem>>) target_semaphore(%arg17 : memref<!tpu.dma_semaphore, #tpu.memory_space<semaphore_mem>>)
    %mul3A_236 = arith.constant 4 : i32
    %mul3A_237 = arith.muli %mul3A_236, %add3A : i32
    %dma_start3A_238 = arith.constant 13 : i32
    %dma_start3A_239 = arith.constant 13 : i32
    %dma_start3A_240 = arith.constant 0 : i32
    %dma_start3A_241 = arith.constant 0 : i32
    %dma_start3A_242 = tpu.memref_slice %arg7[%dma_start3A_239, %dma_start3A_240, %dma_start3A_241] : memref<64x4x128xf32, #tpu.memory_space<vmem>> -> memref<1x4x128xf32, #tpu.memory_space<vmem>>
    %dma_start3A_243 = tpu.memref_squeeze %dma_start3A_242 : memref<1x4x128xf32, #tpu.memory_space<vmem>> -> memref<4x128xf32, #tpu.memory_space<vmem>>
    %dma_start3A_244 = arith.constant 0 : i32
    %dma_start3A_245 = tpu.memref_slice %arg2[%dma_start3A_238, %mul3A_237, %dma_start3A_244] : memref<64x128x128xf32, #tpu.memory_space<hbm>> -> memref<1x4x128xf32, #tpu.memory_space<hbm>>
    %dma_start3A_246 = tpu.memref_squeeze %dma_start3A_245 : memref<1x4x128xf32, #tpu.memory_space<hbm>> -> memref<4x128xf32, #tpu.memory_space<hbm>>
    %dma_start3A_247 = arith.constant 0 : i32
    %dma_start3A_248 = arith.constant 0 : i32
    %dma_start3A_249 = tpu.memref_slice %arg7[%dma_start3A_239, %dma_start3A_247, %dma_start3A_248] : memref<64x4x128xf32, #tpu.memory_space<vmem>> -> memref<1x4x128xf32, #tpu.memory_space<vmem>>
    %dma_start3A_250 = tpu.memref_squeeze %dma_start3A_249 : memref<1x4x128xf32, #tpu.memory_space<vmem>> -> memref<4x128xf32, #tpu.memory_space<vmem>>
    %dma_start3A_251 = arith.constant 0 : i32
    %dma_start3A_252 = tpu.memref_slice %arg2[%dma_start3A_238, %mul3A_237, %dma_start3A_251] : memref<64x128x128xf32, #tpu.memory_space<hbm>> -> memref<1x4x128xf32, #tpu.memory_space<hbm>>
    %dma_start3A_253 = tpu.memref_squeeze %dma_start3A_252 : memref<1x4x128xf32, #tpu.memory_space<hbm>> -> memref<4x128xf32, #tpu.memory_space<hbm>>
    tpu.enqueue_dma source(%dma_start3A_253 : memref<4x128xf32, #tpu.memory_space<hbm>>) target(%dma_start3A_250 : memref<4x128xf32, #tpu.memory_space<vmem>>) target_semaphore(%arg17 : memref<!tpu.dma_semaphore, #tpu.memory_space<semaphore_mem>>)
    %mul3A_254 = arith.constant 4 : i32
    %mul3A_255 = arith.muli %mul3A_254, %add3A : i32
    %dma_start3A_256 = arith.constant 14 : i32
    %dma_start3A_257 = arith.constant 14 : i32
    %dma_start3A_258 = arith.constant 0 : i32
    %dma_start3A_259 = arith.constant 0 : i32
    %dma_start3A_260 = tpu.memref_slice %arg7[%dma_start3A_257, %dma_start3A_258, %dma_start3A_259] : memref<64x4x128xf32, #tpu.memory_space<vmem>> -> memref<1x4x128xf32, #tpu.memory_space<vmem>>
    %dma_start3A_261 = tpu.memref_squeeze %dma_start3A_260 : memref<1x4x128xf32, #tpu.memory_space<vmem>> -> memref<4x128xf32, #tpu.memory_space<vmem>>
    %dma_start3A_262 = arith.constant 0 : i32
    %dma_start3A_263 = tpu.memref_slice %arg2[%dma_start3A_256, %mul3A_255, %dma_start3A_262] : memref<64x128x128xf32, #tpu.memory_space<hbm>> -> memref<1x4x128xf32, #tpu.memory_space<hbm>>
    %dma_start3A_264 = tpu.memref_squeeze %dma_start3A_263 : memref<1x4x128xf32, #tpu.memory_space<hbm>> -> memref<4x128xf32, #tpu.memory_space<hbm>>
    %dma_start3A_265 = arith.constant 0 : i32
    %dma_start3A_266 = arith.constant 0 : i32
    %dma_start3A_267 = tpu.memref_slice %arg7[%dma_start3A_257, %dma_start3A_265, %dma_start3A_266] : memref<64x4x128xf32, #tpu.memory_space<vmem>> -> memref<1x4x128xf32, #tpu.memory_space<vmem>>
    %dma_start3A_268 = tpu.memref_squeeze %dma_start3A_267 : memref<1x4x128xf32, #tpu.memory_space<vmem>> -> memref<4x128xf32, #tpu.memory_space<vmem>>
    %dma_start3A_269 = arith.constant 0 : i32
    %dma_start3A_270 = tpu.memref_slice %arg2[%dma_start3A_256, %mul3A_255, %dma_start3A_269] : memref<64x128x128xf32, #tpu.memory_space<hbm>> -> memref<1x4x128xf32, #tpu.memory_space<hbm>>
    %dma_start3A_271 = tpu.memref_squeeze %dma_start3A_270 : memref<1x4x128xf32, #tpu.memory_space<hbm>> -> memref<4x128xf32, #tpu.memory_space<hbm>>
    tpu.enqueue_dma source(%dma_start3A_271 : memref<4x128xf32, #tpu.memory_space<hbm>>) target(%dma_start3A_268 : memref<4x128xf32, #tpu.memory_space<vmem>>) target_semaphore(%arg17 : memref<!tpu.dma_semaphore, #tpu.memory_space<semaphore_mem>>)
    %mul3A_272 = arith.constant 4 : i32
    %mul3A_273 = arith.muli %mul3A_272, %add3A : i32
    %dma_start3A_274 = arith.constant 15 : i32
    %dma_start3A_275 = arith.constant 15 : i32
    %dma_start3A_276 = arith.constant 0 : i32
    %dma_start3A_277 = arith.constant 0 : i32
    %dma_start3A_278 = tpu.memref_slice %arg7[%dma_start3A_275, %dma_start3A_276, %dma_start3A_277] : memref<64x4x128xf32, #tpu.memory_space<vmem>> -> memref<1x4x128xf32, #tpu.memory_space<vmem>>
    %dma_start3A_279 = tpu.memref_squeeze %dma_start3A_278 : memref<1x4x128xf32, #tpu.memory_space<vmem>> -> memref<4x128xf32, #tpu.memory_space<vmem>>
    %dma_start3A_280 = arith.constant 0 : i32
    %dma_start3A_281 = tpu.memref_slice %arg2[%dma_start3A_274, %mul3A_273, %dma_start3A_280] : memref<64x128x128xf32, #tpu.memory_space<hbm>> -> memref<1x4x128xf32, #tpu.memory_space<hbm>>
    %dma_start3A_282 = tpu.memref_squeeze %dma_start3A_281 : memref<1x4x128xf32, #tpu.memory_space<hbm>> -> memref<4x128xf32, #tpu.memory_space<hbm>>
    %dma_start3A_283 = arith.constant 0 : i32
    %dma_start3A_284 = arith.constant 0 : i32
    %dma_start3A_285 = tpu.memref_slice %arg7[%dma_start3A_275, %dma_start3A_283, %dma_start3A_284] : memref<64x4x128xf32, #tpu.memory_space<vmem>> -> memref<1x4x128xf32, #tpu.memory_space<vmem>>
    %dma_start3A_286 = tpu.memref_squeeze %dma_start3A_285 : memref<1x4x128xf32, #tpu.memory_space<vmem>> -> memref<4x128xf32, #tpu.memory_space<vmem>>
    %dma_start3A_287 = arith.constant 0 : i32
    %dma_start3A_288 = tpu.memref_slice %arg2[%dma_start3A_274, %mul3A_273, %dma_start3A_287] : memref<64x128x128xf32, #tpu.memory_space<hbm>> -> memref<1x4x128xf32, #tpu.memory_space<hbm>>
    %dma_start3A_289 = tpu.memref_squeeze %dma_start3A_288 : memref<1x4x128xf32, #tpu.memory_space<hbm>> -> memref<4x128xf32, #tpu.memory_space<hbm>>
    tpu.enqueue_dma source(%dma_start3A_289 : memref<4x128xf32, #tpu.memory_space<hbm>>) target(%dma_start3A_286 : memref<4x128xf32, #tpu.memory_space<vmem>>) target_semaphore(%arg17 : memref<!tpu.dma_semaphore, #tpu.memory_space<semaphore_mem>>)
    %mul3A_290 = arith.constant 4 : i32
    %mul3A_291 = arith.muli %mul3A_290, %add3A : i32
    %dma_start3A_292 = arith.constant 16 : i32
    %dma_start3A_293 = arith.constant 16 : i32
    %dma_start3A_294 = arith.constant 0 : i32
    %dma_start3A_295 = arith.constant 0 : i32
    %dma_start3A_296 = tpu.memref_slice %arg7[%dma_start3A_293, %dma_start3A_294, %dma_start3A_295] : memref<64x4x128xf32, #tpu.memory_space<vmem>> -> memref<1x4x128xf32, #tpu.memory_space<vmem>>
    %dma_start3A_297 = tpu.memref_squeeze %dma_start3A_296 : memref<1x4x128xf32, #tpu.memory_space<vmem>> -> memref<4x128xf32, #tpu.memory_space<vmem>>
    %dma_start3A_298 = arith.constant 0 : i32
    %dma_start3A_299 = tpu.memref_slice %arg2[%dma_start3A_292, %mul3A_291, %dma_start3A_298] : memref<64x128x128xf32, #tpu.memory_space<hbm>> -> memref<1x4x128xf32, #tpu.memory_space<hbm>>
    %dma_start3A_300 = tpu.memref_squeeze %dma_start3A_299 : memref<1x4x128xf32, #tpu.memory_space<hbm>> -> memref<4x128xf32, #tpu.memory_space<hbm>>
    %dma_start3A_301 = arith.constant 0 : i32
    %dma_start3A_302 = arith.constant 0 : i32
    %dma_start3A_303 = tpu.memref_slice %arg7[%dma_start3A_293, %dma_start3A_301, %dma_start3A_302] : memref<64x4x128xf32, #tpu.memory_space<vmem>> -> memref<1x4x128xf32, #tpu.memory_space<vmem>>
    %dma_start3A_304 = tpu.memref_squeeze %dma_start3A_303 : memref<1x4x128xf32, #tpu.memory_space<vmem>> -> memref<4x128xf32, #tpu.memory_space<vmem>>
    %dma_start3A_305 = arith.constant 0 : i32
    %dma_start3A_306 = tpu.memref_slice %arg2[%dma_start3A_292, %mul3A_291, %dma_start3A_305] : memref<64x128x128xf32, #tpu.memory_space<hbm>> -> memref<1x4x128xf32, #tpu.memory_space<hbm>>
    %dma_start3A_307 = tpu.memref_squeeze %dma_start3A_306 : memref<1x4x128xf32, #tpu.memory_space<hbm>> -> memref<4x128xf32, #tpu.memory_space<hbm>>
    tpu.enqueue_dma source(%dma_start3A_307 : memref<4x128xf32, #tpu.memory_space<hbm>>) target(%dma_start3A_304 : memref<4x128xf32, #tpu.memory_space<vmem>>) target_semaphore(%arg17 : memref<!tpu.dma_semaphore, #tpu.memory_space<semaphore_mem>>)
    %mul3A_308 = arith.constant 4 : i32
    %mul3A_309 = arith.muli %mul3A_308, %add3A : i32
    %dma_start3A_310 = arith.constant 17 : i32
    %dma_start3A_311 = arith.constant 17 : i32
    %dma_start3A_312 = arith.constant 0 : i32
    %dma_start3A_313 = arith.constant 0 : i32
    %dma_start3A_314 = tpu.memref_slice %arg7[%dma_start3A_311, %dma_start3A_312, %dma_start3A_313] : memref<64x4x128xf32, #tpu.memory_space<vmem>> -> memref<1x4x128xf32, #tpu.memory_space<vmem>>
    %dma_start3A_315 = tpu.memref_squeeze %dma_start3A_314 : memref<1x4x128xf32, #tpu.memory_space<vmem>> -> memref<4x128xf32, #tpu.memory_space<vmem>>
    %dma_start3A_316 = arith.constant 0 : i32
    %dma_start3A_317 = tpu.memref_slice %arg2[%dma_start3A_310, %mul3A_309, %dma_start3A_316] : memref<64x128x128xf32, #tpu.memory_space<hbm>> -> memref<1x4x128xf32, #tpu.memory_space<hbm>>
    %dma_start3A_318 = tpu.memref_squeeze %dma_start3A_317 : memref<1x4x128xf32, #tpu.memory_space<hbm>> -> memref<4x128xf32, #tpu.memory_space<hbm>>
    %dma_start3A_319 = arith.constant 0 : i32
    %dma_start3A_320 = arith.constant 0 : i32
    %dma_start3A_321 = tpu.memref_slice %arg7[%dma_start3A_311, %dma_start3A_319, %dma_start3A_320] : memref<64x4x128xf32, #tpu.memory_space<vmem>> -> memref<1x4x128xf32, #tpu.memory_space<vmem>>
    %dma_start3A_322 = tpu.memref_squeeze %dma_start3A_321 : memref<1x4x128xf32, #tpu.memory_space<vmem>> -> memref<4x128xf32, #tpu.memory_space<vmem>>
    %dma_start3A_323 = arith.constant 0 : i32
    %dma_start3A_324 = tpu.memref_slice %arg2[%dma_start3A_310, %mul3A_309, %dma_start3A_323] : memref<64x128x128xf32, #tpu.memory_space<hbm>> -> memref<1x4x128xf32, #tpu.memory_space<hbm>>
    %dma_start3A_325 = tpu.memref_squeeze %dma_start3A_324 : memref<1x4x128xf32, #tpu.memory_space<hbm>> -> memref<4x128xf32, #tpu.memory_space<hbm>>
    tpu.enqueue_dma source(%dma_start3A_325 : memref<4x128xf32, #tpu.memory_space<hbm>>) target(%dma_start3A_322 : memref<4x128xf32, #tpu.memory_space<vmem>>) target_semaphore(%arg17 : memref<!tpu.dma_semaphore, #tpu.memory_space<semaphore_mem>>)
    %mul3A_326 = arith.constant 4 : i32
    %mul3A_327 = arith.muli %mul3A_326, %add3A : i32
    %dma_start3A_328 = arith.constant 18 : i32
    %dma_start3A_329 = arith.constant 18 : i32
    %dma_start3A_330 = arith.constant 0 : i32
    %dma_start3A_331 = arith.constant 0 : i32
    %dma_start3A_332 = tpu.memref_slice %arg7[%dma_start3A_329, %dma_start3A_330, %dma_start3A_331] : memref<64x4x128xf32, #tpu.memory_space<vmem>> -> memref<1x4x128xf32, #tpu.memory_space<vmem>>
    %dma_start3A_333 = tpu.memref_squeeze %dma_start3A_332 : memref<1x4x128xf32, #tpu.memory_space<vmem>> -> memref<4x128xf32, #tpu.memory_space<vmem>>
    %dma_start3A_334 = arith.constant 0 : i32
    %dma_start3A_335 = tpu.memref_slice %arg2[%dma_start3A_328, %mul3A_327, %dma_start3A_334] : memref<64x128x128xf32, #tpu.memory_space<hbm>> -> memref<1x4x128xf32, #tpu.memory_space<hbm>>
    %dma_start3A_336 = tpu.memref_squeeze %dma_start3A_335 : memref<1x4x128xf32, #tpu.memory_space<hbm>> -> memref<4x128xf32, #tpu.memory_space<hbm>>
    %dma_start3A_337 = arith.constant 0 : i32
    %dma_start3A_338 = arith.constant 0 : i32
    %dma_start3A_339 = tpu.memref_slice %arg7[%dma_start3A_329, %dma_start3A_337, %dma_start3A_338] : memref<64x4x128xf32, #tpu.memory_space<vmem>> -> memref<1x4x128xf32, #tpu.memory_space<vmem>>
    %dma_start3A_340 = tpu.memref_squeeze %dma_start3A_339 : memref<1x4x128xf32, #tpu.memory_space<vmem>> -> memref<4x128xf32, #tpu.memory_space<vmem>>
    %dma_start3A_341 = arith.constant 0 : i32
    %dma_start3A_342 = tpu.memref_slice %arg2[%dma_start3A_328, %mul3A_327, %dma_start3A_341] : memref<64x128x128xf32, #tpu.memory_space<hbm>> -> memref<1x4x128xf32, #tpu.memory_space<hbm>>
    %dma_start3A_343 = tpu.memref_squeeze %dma_start3A_342 : memref<1x4x128xf32, #tpu.memory_space<hbm>> -> memref<4x128xf32, #tpu.memory_space<hbm>>
    tpu.enqueue_dma source(%dma_start3A_343 : memref<4x128xf32, #tpu.memory_space<hbm>>) target(%dma_start3A_340 : memref<4x128xf32, #tpu.memory_space<vmem>>) target_semaphore(%arg17 : memref<!tpu.dma_semaphore, #tpu.memory_space<semaphore_mem>>)
    %mul3A_344 = arith.constant 4 : i32
    %mul3A_345 = arith.muli %mul3A_344, %add3A : i32
    %dma_start3A_346 = arith.constant 19 : i32
    %dma_start3A_347 = arith.constant 19 : i32
    %dma_start3A_348 = arith.constant 0 : i32
    %dma_start3A_349 = arith.constant 0 : i32
    %dma_start3A_350 = tpu.memref_slice %arg7[%dma_start3A_347, %dma_start3A_348, %dma_start3A_349] : memref<64x4x128xf32, #tpu.memory_space<vmem>> -> memref<1x4x128xf32, #tpu.memory_space<vmem>>
    %dma_start3A_351 = tpu.memref_squeeze %dma_start3A_350 : memref<1x4x128xf32, #tpu.memory_space<vmem>> -> memref<4x128xf32, #tpu.memory_space<vmem>>
    %dma_start3A_352 = arith.constant 0 : i32
    %dma_start3A_353 = tpu.memref_slice %arg2[%dma_start3A_346, %mul3A_345, %dma_start3A_352] : memref<64x128x128xf32, #tpu.memory_space<hbm>> -> memref<1x4x128xf32, #tpu.memory_space<hbm>>
    %dma_start3A_354 = tpu.memref_squeeze %dma_start3A_353 : memref<1x4x128xf32, #tpu.memory_space<hbm>> -> memref<4x128xf32, #tpu.memory_space<hbm>>
    %dma_start3A_355 = arith.constant 0 : i32
    %dma_start3A_356 = arith.constant 0 : i32
    %dma_start3A_357 = tpu.memref_slice %arg7[%dma_start3A_347, %dma_start3A_355, %dma_start3A_356] : memref<64x4x128xf32, #tpu.memory_space<vmem>> -> memref<1x4x128xf32, #tpu.memory_space<vmem>>
    %dma_start3A_358 = tpu.memref_squeeze %dma_start3A_357 : memref<1x4x128xf32, #tpu.memory_space<vmem>> -> memref<4x128xf32, #tpu.memory_space<vmem>>
    %dma_start3A_359 = arith.constant 0 : i32
    %dma_start3A_360 = tpu.memref_slice %arg2[%dma_start3A_346, %mul3A_345, %dma_start3A_359] : memref<64x128x128xf32, #tpu.memory_space<hbm>> -> memref<1x4x128xf32, #tpu.memory_space<hbm>>
    %dma_start3A_361 = tpu.memref_squeeze %dma_start3A_360 : memref<1x4x128xf32, #tpu.memory_space<hbm>> -> memref<4x128xf32, #tpu.memory_space<hbm>>
    tpu.enqueue_dma source(%dma_start3A_361 : memref<4x128xf32, #tpu.memory_space<hbm>>) target(%dma_start3A_358 : memref<4x128xf32, #tpu.memory_space<vmem>>) target_semaphore(%arg17 : memref<!tpu.dma_semaphore, #tpu.memory_space<semaphore_mem>>)
    %mul3A_362 = arith.constant 4 : i32
    %mul3A_363 = arith.muli %mul3A_362, %add3A : i32
    %dma_start3A_364 = arith.constant 20 : i32
    %dma_start3A_365 = arith.constant 20 : i32
    %dma_start3A_366 = arith.constant 0 : i32
    %dma_start3A_367 = arith.constant 0 : i32
    %dma_start3A_368 = tpu.memref_slice %arg7[%dma_start3A_365, %dma_start3A_366, %dma_start3A_367] : memref<64x4x128xf32, #tpu.memory_space<vmem>> -> memref<1x4x128xf32, #tpu.memory_space<vmem>>
    %dma_start3A_369 = tpu.memref_squeeze %dma_start3A_368 : memref<1x4x128xf32, #tpu.memory_space<vmem>> -> memref<4x128xf32, #tpu.memory_space<vmem>>
    %dma_start3A_370 = arith.constant 0 : i32
    %dma_start3A_371 = tpu.memref_slice %arg2[%dma_start3A_364, %mul3A_363, %dma_start3A_370] : memref<64x128x128xf32, #tpu.memory_space<hbm>> -> memref<1x4x128xf32, #tpu.memory_space<hbm>>
    %dma_start3A_372 = tpu.memref_squeeze %dma_start3A_371 : memref<1x4x128xf32, #tpu.memory_space<hbm>> -> memref<4x128xf32, #tpu.memory_space<hbm>>
    %dma_start3A_373 = arith.constant 0 : i32
    %dma_start3A_374 = arith.constant 0 : i32
    %dma_start3A_375 = tpu.memref_slice %arg7[%dma_start3A_365, %dma_start3A_373, %dma_start3A_374] : memref<64x4x128xf32, #tpu.memory_space<vmem>> -> memref<1x4x128xf32, #tpu.memory_space<vmem>>
    %dma_start3A_376 = tpu.memref_squeeze %dma_start3A_375 : memref<1x4x128xf32, #tpu.memory_space<vmem>> -> memref<4x128xf32, #tpu.memory_space<vmem>>
    %dma_start3A_377 = arith.constant 0 : i32
    %dma_start3A_378 = tpu.memref_slice %arg2[%dma_start3A_364, %mul3A_363, %dma_start3A_377] : memref<64x128x128xf32, #tpu.memory_space<hbm>> -> memref<1x4x128xf32, #tpu.memory_space<hbm>>
    %dma_start3A_379 = tpu.memref_squeeze %dma_start3A_378 : memref<1x4x128xf32, #tpu.memory_space<hbm>> -> memref<4x128xf32, #tpu.memory_space<hbm>>
    tpu.enqueue_dma source(%dma_start3A_379 : memref<4x128xf32, #tpu.memory_space<hbm>>) target(%dma_start3A_376 : memref<4x128xf32, #tpu.memory_space<vmem>>) target_semaphore(%arg17 : memref<!tpu.dma_semaphore, #tpu.memory_space<semaphore_mem>>)
    %mul3A_380 = arith.constant 4 : i32
    %mul3A_381 = arith.muli %mul3A_380, %add3A : i32
    %dma_start3A_382 = arith.constant 21 : i32
    %dma_start3A_383 = arith.constant 21 : i32
    %dma_start3A_384 = arith.constant 0 : i32
    %dma_start3A_385 = arith.constant 0 : i32
    %dma_start3A_386 = tpu.memref_slice %arg7[%dma_start3A_383, %dma_start3A_384, %dma_start3A_385] : memref<64x4x128xf32, #tpu.memory_space<vmem>> -> memref<1x4x128xf32, #tpu.memory_space<vmem>>
    %dma_start3A_387 = tpu.memref_squeeze %dma_start3A_386 : memref<1x4x128xf32, #tpu.memory_space<vmem>> -> memref<4x128xf32, #tpu.memory_space<vmem>>
    %dma_start3A_388 = arith.constant 0 : i32
    %dma_start3A_389 = tpu.memref_slice %arg2[%dma_start3A_382, %mul3A_381, %dma_start3A_388] : memref<64x128x128xf32, #tpu.memory_space<hbm>> -> memref<1x4x128xf32, #tpu.memory_space<hbm>>
    %dma_start3A_390 = tpu.memref_squeeze %dma_start3A_389 : memref<1x4x128xf32, #tpu.memory_space<hbm>> -> memref<4x128xf32, #tpu.memory_space<hbm>>
    %dma_start3A_391 = arith.constant 0 : i32
    %dma_start3A_392 = arith.constant 0 : i32
    %dma_start3A_393 = tpu.memref_slice %arg7[%dma_start3A_383, %dma_start3A_391, %dma_start3A_392] : memref<64x4x128xf32, #tpu.memory_space<vmem>> -> memref<1x4x128xf32, #tpu.memory_space<vmem>>
    %dma_start3A_394 = tpu.memref_squeeze %dma_start3A_393 : memref<1x4x128xf32, #tpu.memory_space<vmem>> -> memref<4x128xf32, #tpu.memory_space<vmem>>
    %dma_start3A_395 = arith.constant 0 : i32
    %dma_start3A_396 = tpu.memref_slice %arg2[%dma_start3A_382, %mul3A_381, %dma_start3A_395] : memref<64x128x128xf32, #tpu.memory_space<hbm>> -> memref<1x4x128xf32, #tpu.memory_space<hbm>>
    %dma_start3A_397 = tpu.memref_squeeze %dma_start3A_396 : memref<1x4x128xf32, #tpu.memory_space<hbm>> -> memref<4x128xf32, #tpu.memory_space<hbm>>
    tpu.enqueue_dma source(%dma_start3A_397 : memref<4x128xf32, #tpu.memory_space<hbm>>) target(%dma_start3A_394 : memref<4x128xf32, #tpu.memory_space<vmem>>) target_semaphore(%arg17 : memref<!tpu.dma_semaphore, #tpu.memory_space<semaphore_mem>>)
    %mul3A_398 = arith.constant 4 : i32
    %mul3A_399 = arith.muli %mul3A_398, %add3A : i32
    %dma_start3A_400 = arith.constant 22 : i32
    %dma_start3A_401 = arith.constant 22 : i32
    %dma_start3A_402 = arith.constant 0 : i32
    %dma_start3A_403 = arith.constant 0 : i32
    %dma_start3A_404 = tpu.memref_slice %arg7[%dma_start3A_401, %dma_start3A_402, %dma_start3A_403] : memref<64x4x128xf32, #tpu.memory_space<vmem>> -> memref<1x4x128xf32, #tpu.memory_space<vmem>>
    %dma_start3A_405 = tpu.memref_squeeze %dma_start3A_404 : memref<1x4x128xf32, #tpu.memory_space<vmem>> -> memref<4x128xf32, #tpu.memory_space<vmem>>
    %dma_start3A_406 = arith.constant 0 : i32
    %dma_start3A_407 = tpu.memref_slice %arg2[%dma_start3A_400, %mul3A_399, %dma_start3A_406] : memref<64x128x128xf32, #tpu.memory_space<hbm>> -> memref<1x4x128xf32, #tpu.memory_space<hbm>>
    %dma_start3A_408 = tpu.memref_squeeze %dma_start3A_407 : memref<1x4x128xf32, #tpu.memory_space<hbm>> -> memref<4x128xf32, #tpu.memory_space<hbm>>
    %dma_start3A_409 = arith.constant 0 : i32
    %dma_start3A_410 = arith.constant 0 : i32
    %dma_start3A_411 = tpu.memref_slice %arg7[%dma_start3A_401, %dma_start3A_409, %dma_start3A_410] : memref<64x4x128xf32, #tpu.memory_space<vmem>> -> memref<1x4x128xf32, #tpu.memory_space<vmem>>
    %dma_start3A_412 = tpu.memref_squeeze %dma_start3A_411 : memref<1x4x128xf32, #tpu.memory_space<vmem>> -> memref<4x128xf32, #tpu.memory_space<vmem>>
    %dma_start3A_413 = arith.constant 0 : i32
    %dma_start3A_414 = tpu.memref_slice %arg2[%dma_start3A_400, %mul3A_399, %dma_start3A_413] : memref<64x128x128xf32, #tpu.memory_space<hbm>> -> memref<1x4x128xf32, #tpu.memory_space<hbm>>
    %dma_start3A_415 = tpu.memref_squeeze %dma_start3A_414 : memref<1x4x128xf32, #tpu.memory_space<hbm>> -> memref<4x128xf32, #tpu.memory_space<hbm>>
    tpu.enqueue_dma source(%dma_start3A_415 : memref<4x128xf32, #tpu.memory_space<hbm>>) target(%dma_start3A_412 : memref<4x128xf32, #tpu.memory_space<vmem>>) target_semaphore(%arg17 : memref<!tpu.dma_semaphore, #tpu.memory_space<semaphore_mem>>)
    %mul3A_416 = arith.constant 4 : i32
    %mul3A_417 = arith.muli %mul3A_416, %add3A : i32
    %dma_start3A_418 = arith.constant 23 : i32
    %dma_start3A_419 = arith.constant 23 : i32
    %dma_start3A_420 = arith.constant 0 : i32
    %dma_start3A_421 = arith.constant 0 : i32
    %dma_start3A_422 = tpu.memref_slice %arg7[%dma_start3A_419, %dma_start3A_420, %dma_start3A_421] : memref<64x4x128xf32, #tpu.memory_space<vmem>> -> memref<1x4x128xf32, #tpu.memory_space<vmem>>
    %dma_start3A_423 = tpu.memref_squeeze %dma_start3A_422 : memref<1x4x128xf32, #tpu.memory_space<vmem>> -> memref<4x128xf32, #tpu.memory_space<vmem>>
    %dma_start3A_424 = arith.constant 0 : i32
    %dma_start3A_425 = tpu.memref_slice %arg2[%dma_start3A_418, %mul3A_417, %dma_start3A_424] : memref<64x128x128xf32, #tpu.memory_space<hbm>> -> memref<1x4x128xf32, #tpu.memory_space<hbm>>
    %dma_start3A_426 = tpu.memref_squeeze %dma_start3A_425 : memref<1x4x128xf32, #tpu.memory_space<hbm>> -> memref<4x128xf32, #tpu.memory_space<hbm>>
    %dma_start3A_427 = arith.constant 0 : i32
    %dma_start3A_428 = arith.constant 0 : i32
    %dma_start3A_429 = tpu.memref_slice %arg7[%dma_start3A_419, %dma_start3A_427, %dma_start3A_428] : memref<64x4x128xf32, #tpu.memory_space<vmem>> -> memref<1x4x128xf32, #tpu.memory_space<vmem>>
    %dma_start3A_430 = tpu.memref_squeeze %dma_start3A_429 : memref<1x4x128xf32, #tpu.memory_space<vmem>> -> memref<4x128xf32, #tpu.memory_space<vmem>>
    %dma_start3A_431 = arith.constant 0 : i32
    %dma_start3A_432 = tpu.memref_slice %arg2[%dma_start3A_418, %mul3A_417, %dma_start3A_431] : memref<64x128x128xf32, #tpu.memory_space<hbm>> -> memref<1x4x128xf32, #tpu.memory_space<hbm>>
    %dma_start3A_433 = tpu.memref_squeeze %dma_start3A_432 : memref<1x4x128xf32, #tpu.memory_space<hbm>> -> memref<4x128xf32, #tpu.memory_space<hbm>>
    tpu.enqueue_dma source(%dma_start3A_433 : memref<4x128xf32, #tpu.memory_space<hbm>>) target(%dma_start3A_430 : memref<4x128xf32, #tpu.memory_space<vmem>>) target_semaphore(%arg17 : memref<!tpu.dma_semaphore, #tpu.memory_space<semaphore_mem>>)
    %mul3A_434 = arith.constant 4 : i32
    %mul3A_435 = arith.muli %mul3A_434, %add3A : i32
    %dma_start3A_436 = arith.constant 24 : i32
    %dma_start3A_437 = arith.constant 24 : i32
    %dma_start3A_438 = arith.constant 0 : i32
    %dma_start3A_439 = arith.constant 0 : i32
    %dma_start3A_440 = tpu.memref_slice %arg7[%dma_start3A_437, %dma_start3A_438, %dma_start3A_439] : memref<64x4x128xf32, #tpu.memory_space<vmem>> -> memref<1x4x128xf32, #tpu.memory_space<vmem>>
    %dma_start3A_441 = tpu.memref_squeeze %dma_start3A_440 : memref<1x4x128xf32, #tpu.memory_space<vmem>> -> memref<4x128xf32, #tpu.memory_space<vmem>>
    %dma_start3A_442 = arith.constant 0 : i32
    %dma_start3A_443 = tpu.memref_slice %arg2[%dma_start3A_436, %mul3A_435, %dma_start3A_442] : memref<64x128x128xf32, #tpu.memory_space<hbm>> -> memref<1x4x128xf32, #tpu.memory_space<hbm>>
    %dma_start3A_444 = tpu.memref_squeeze %dma_start3A_443 : memref<1x4x128xf32, #tpu.memory_space<hbm>> -> memref<4x128xf32, #tpu.memory_space<hbm>>
    %dma_start3A_445 = arith.constant 0 : i32
    %dma_start3A_446 = arith.constant 0 : i32
    %dma_start3A_447 = tpu.memref_slice %arg7[%dma_start3A_437, %dma_start3A_445, %dma_start3A_446] : memref<64x4x128xf32, #tpu.memory_space<vmem>> -> memref<1x4x128xf32, #tpu.memory_space<vmem>>
    %dma_start3A_448 = tpu.memref_squeeze %dma_start3A_447 : memref<1x4x128xf32, #tpu.memory_space<vmem>> -> memref<4x128xf32, #tpu.memory_space<vmem>>
    %dma_start3A_449 = arith.constant 0 : i32
    %dma_start3A_450 = tpu.memref_slice %arg2[%dma_start3A_436, %mul3A_435, %dma_start3A_449] : memref<64x128x128xf32, #tpu.memory_space<hbm>> -> memref<1x4x128xf32, #tpu.memory_space<hbm>>
    %dma_start3A_451 = tpu.memref_squeeze %dma_start3A_450 : memref<1x4x128xf32, #tpu.memory_space<hbm>> -> memref<4x128xf32, #tpu.memory_space<hbm>>
    tpu.enqueue_dma source(%dma_start3A_451 : memref<4x128xf32, #tpu.memory_space<hbm>>) target(%dma_start3A_448 : memref<4x128xf32, #tpu.memory_space<vmem>>) target_semaphore(%arg17 : memref<!tpu.dma_semaphore, #tpu.memory_space<semaphore_mem>>)
    %mul3A_452 = arith.constant 4 : i32
    %mul3A_453 = arith.muli %mul3A_452, %add3A : i32
    %dma_start3A_454 = arith.constant 25 : i32
    %dma_start3A_455 = arith.constant 25 : i32
    %dma_start3A_456 = arith.constant 0 : i32
    %dma_start3A_457 = arith.constant 0 : i32
    %dma_start3A_458 = tpu.memref_slice %arg7[%dma_start3A_455, %dma_start3A_456, %dma_start3A_457] : memref<64x4x128xf32, #tpu.memory_space<vmem>> -> memref<1x4x128xf32, #tpu.memory_space<vmem>>
    %dma_start3A_459 = tpu.memref_squeeze %dma_start3A_458 : memref<1x4x128xf32, #tpu.memory_space<vmem>> -> memref<4x128xf32, #tpu.memory_space<vmem>>
    %dma_start3A_460 = arith.constant 0 : i32
    %dma_start3A_461 = tpu.memref_slice %arg2[%dma_start3A_454, %mul3A_453, %dma_start3A_460] : memref<64x128x128xf32, #tpu.memory_space<hbm>> -> memref<1x4x128xf32, #tpu.memory_space<hbm>>
    %dma_start3A_462 = tpu.memref_squeeze %dma_start3A_461 : memref<1x4x128xf32, #tpu.memory_space<hbm>> -> memref<4x128xf32, #tpu.memory_space<hbm>>
    %dma_start3A_463 = arith.constant 0 : i32
    %dma_start3A_464 = arith.constant 0 : i32
    %dma_start3A_465 = tpu.memref_slice %arg7[%dma_start3A_455, %dma_start3A_463, %dma_start3A_464] : memref<64x4x128xf32, #tpu.memory_space<vmem>> -> memref<1x4x128xf32, #tpu.memory_space<vmem>>
    %dma_start3A_466 = tpu.memref_squeeze %dma_start3A_465 : memref<1x4x128xf32, #tpu.memory_space<vmem>> -> memref<4x128xf32, #tpu.memory_space<vmem>>
    %dma_start3A_467 = arith.constant 0 : i32
    %dma_start3A_468 = tpu.memref_slice %arg2[%dma_start3A_454, %mul3A_453, %dma_start3A_467] : memref<64x128x128xf32, #tpu.memory_space<hbm>> -> memref<1x4x128xf32, #tpu.memory_space<hbm>>
    %dma_start3A_469 = tpu.memref_squeeze %dma_start3A_468 : memref<1x4x128xf32, #tpu.memory_space<hbm>> -> memref<4x128xf32, #tpu.memory_space<hbm>>
    tpu.enqueue_dma source(%dma_start3A_469 : memref<4x128xf32, #tpu.memory_space<hbm>>) target(%dma_start3A_466 : memref<4x128xf32, #tpu.memory_space<vmem>>) target_semaphore(%arg17 : memref<!tpu.dma_semaphore, #tpu.memory_space<semaphore_mem>>)
    %mul3A_470 = arith.constant 4 : i32
    %mul3A_471 = arith.muli %mul3A_470, %add3A : i32
    %dma_start3A_472 = arith.constant 26 : i32
    %dma_start3A_473 = arith.constant 26 : i32
    %dma_start3A_474 = arith.constant 0 : i32
    %dma_start3A_475 = arith.constant 0 : i32
    %dma_start3A_476 = tpu.memref_slice %arg7[%dma_start3A_473, %dma_start3A_474, %dma_start3A_475] : memref<64x4x128xf32, #tpu.memory_space<vmem>> -> memref<1x4x128xf32, #tpu.memory_space<vmem>>
    %dma_start3A_477 = tpu.memref_squeeze %dma_start3A_476 : memref<1x4x128xf32, #tpu.memory_space<vmem>> -> memref<4x128xf32, #tpu.memory_space<vmem>>
    %dma_start3A_478 = arith.constant 0 : i32
    %dma_start3A_479 = tpu.memref_slice %arg2[%dma_start3A_472, %mul3A_471, %dma_start3A_478] : memref<64x128x128xf32, #tpu.memory_space<hbm>> -> memref<1x4x128xf32, #tpu.memory_space<hbm>>
    %dma_start3A_480 = tpu.memref_squeeze %dma_start3A_479 : memref<1x4x128xf32, #tpu.memory_space<hbm>> -> memref<4x128xf32, #tpu.memory_space<hbm>>
    %dma_start3A_481 = arith.constant 0 : i32
    %dma_start3A_482 = arith.constant 0 : i32
    %dma_start3A_483 = tpu.memref_slice %arg7[%dma_start3A_473, %dma_start3A_481, %dma_start3A_482] : memref<64x4x128xf32, #tpu.memory_space<vmem>> -> memref<1x4x128xf32, #tpu.memory_space<vmem>>
    %dma_start3A_484 = tpu.memref_squeeze %dma_start3A_483 : memref<1x4x128xf32, #tpu.memory_space<vmem>> -> memref<4x128xf32, #tpu.memory_space<vmem>>
    %dma_start3A_485 = arith.constant 0 : i32
    %dma_start3A_486 = tpu.memref_slice %arg2[%dma_start3A_472, %mul3A_471, %dma_start3A_485] : memref<64x128x128xf32, #tpu.memory_space<hbm>> -> memref<1x4x128xf32, #tpu.memory_space<hbm>>
    %dma_start3A_487 = tpu.memref_squeeze %dma_start3A_486 : memref<1x4x128xf32, #tpu.memory_space<hbm>> -> memref<4x128xf32, #tpu.memory_space<hbm>>
    tpu.enqueue_dma source(%dma_start3A_487 : memref<4x128xf32, #tpu.memory_space<hbm>>) target(%dma_start3A_484 : memref<4x128xf32, #tpu.memory_space<vmem>>) target_semaphore(%arg17 : memref<!tpu.dma_semaphore, #tpu.memory_space<semaphore_mem>>)
    %mul3A_488 = arith.constant 4 : i32
    %mul3A_489 = arith.muli %mul3A_488, %add3A : i32
    %dma_start3A_490 = arith.constant 27 : i32
    %dma_start3A_491 = arith.constant 27 : i32
    %dma_start3A_492 = arith.constant 0 : i32
    %dma_start3A_493 = arith.constant 0 : i32
    %dma_start3A_494 = tpu.memref_slice %arg7[%dma_start3A_491, %dma_start3A_492, %dma_start3A_493] : memref<64x4x128xf32, #tpu.memory_space<vmem>> -> memref<1x4x128xf32, #tpu.memory_space<vmem>>
    %dma_start3A_495 = tpu.memref_squeeze %dma_start3A_494 : memref<1x4x128xf32, #tpu.memory_space<vmem>> -> memref<4x128xf32, #tpu.memory_space<vmem>>
    %dma_start3A_496 = arith.constant 0 : i32
    %dma_start3A_497 = tpu.memref_slice %arg2[%dma_start3A_490, %mul3A_489, %dma_start3A_496] : memref<64x128x128xf32, #tpu.memory_space<hbm>> -> memref<1x4x128xf32, #tpu.memory_space<hbm>>
    %dma_start3A_498 = tpu.memref_squeeze %dma_start3A_497 : memref<1x4x128xf32, #tpu.memory_space<hbm>> -> memref<4x128xf32, #tpu.memory_space<hbm>>
    %dma_start3A_499 = arith.constant 0 : i32
    %dma_start3A_500 = arith.constant 0 : i32
    %dma_start3A_501 = tpu.memref_slice %arg7[%dma_start3A_491, %dma_start3A_499, %dma_start3A_500] : memref<64x4x128xf32, #tpu.memory_space<vmem>> -> memref<1x4x128xf32, #tpu.memory_space<vmem>>
    %dma_start3A_502 = tpu.memref_squeeze %dma_start3A_501 : memref<1x4x128xf32, #tpu.memory_space<vmem>> -> memref<4x128xf32, #tpu.memory_space<vmem>>
    %dma_start3A_503 = arith.constant 0 : i32
    %dma_start3A_504 = tpu.memref_slice %arg2[%dma_start3A_490, %mul3A_489, %dma_start3A_503] : memref<64x128x128xf32, #tpu.memory_space<hbm>> -> memref<1x4x128xf32, #tpu.memory_space<hbm>>
    %dma_start3A_505 = tpu.memref_squeeze %dma_start3A_504 : memref<1x4x128xf32, #tpu.memory_space<hbm>> -> memref<4x128xf32, #tpu.memory_space<hbm>>
    tpu.enqueue_dma source(%dma_start3A_505 : memref<4x128xf32, #tpu.memory_space<hbm>>) target(%dma_start3A_502 : memref<4x128xf32, #tpu.memory_space<vmem>>) target_semaphore(%arg17 : memref<!tpu.dma_semaphore, #tpu.memory_space<semaphore_mem>>)
    %mul3A_506 = arith.constant 4 : i32
    %mul3A_507 = arith.muli %mul3A_506, %add3A : i32
    %dma_start3A_508 = arith.constant 28 : i32
    %dma_start3A_509 = arith.constant 28 : i32
    %dma_start3A_510 = arith.constant 0 : i32
    %dma_start3A_511 = arith.constant 0 : i32
    %dma_start3A_512 = tpu.memref_slice %arg7[%dma_start3A_509, %dma_start3A_510, %dma_start3A_511] : memref<64x4x128xf32, #tpu.memory_space<vmem>> -> memref<1x4x128xf32, #tpu.memory_space<vmem>>
    %dma_start3A_513 = tpu.memref_squeeze %dma_start3A_512 : memref<1x4x128xf32, #tpu.memory_space<vmem>> -> memref<4x128xf32, #tpu.memory_space<vmem>>
    %dma_start3A_514 = arith.constant 0 : i32
    %dma_start3A_515 = tpu.memref_slice %arg2[%dma_start3A_508, %mul3A_507, %dma_start3A_514] : memref<64x128x128xf32, #tpu.memory_space<hbm>> -> memref<1x4x128xf32, #tpu.memory_space<hbm>>
    %dma_start3A_516 = tpu.memref_squeeze %dma_start3A_515 : memref<1x4x128xf32, #tpu.memory_space<hbm>> -> memref<4x128xf32, #tpu.memory_space<hbm>>
    %dma_start3A_517 = arith.constant 0 : i32
    %dma_start3A_518 = arith.constant 0 : i32
    %dma_start3A_519 = tpu.memref_slice %arg7[%dma_start3A_509, %dma_start3A_517, %dma_start3A_518] : memref<64x4x128xf32, #tpu.memory_space<vmem>> -> memref<1x4x128xf32, #tpu.memory_space<vmem>>
    %dma_start3A_520 = tpu.memref_squeeze %dma_start3A_519 : memref<1x4x128xf32, #tpu.memory_space<vmem>> -> memref<4x128xf32, #tpu.memory_space<vmem>>
    %dma_start3A_521 = arith.constant 0 : i32
    %dma_start3A_522 = tpu.memref_slice %arg2[%dma_start3A_508, %mul3A_507, %dma_start3A_521] : memref<64x128x128xf32, #tpu.memory_space<hbm>> -> memref<1x4x128xf32, #tpu.memory_space<hbm>>
    %dma_start3A_523 = tpu.memref_squeeze %dma_start3A_522 : memref<1x4x128xf32, #tpu.memory_space<hbm>> -> memref<4x128xf32, #tpu.memory_space<hbm>>
    tpu.enqueue_dma source(%dma_start3A_523 : memref<4x128xf32, #tpu.memory_space<hbm>>) target(%dma_start3A_520 : memref<4x128xf32, #tpu.memory_space<vmem>>) target_semaphore(%arg17 : memref<!tpu.dma_semaphore, #tpu.memory_space<semaphore_mem>>)
    %mul3A_524 = arith.constant 4 : i32
    %mul3A_525 = arith.muli %mul3A_524, %add3A : i32
    %dma_start3A_526 = arith.constant 29 : i32
    %dma_start3A_527 = arith.constant 29 : i32
    %dma_start3A_528 = arith.constant 0 : i32
    %dma_start3A_529 = arith.constant 0 : i32
    %dma_start3A_530 = tpu.memref_slice %arg7[%dma_start3A_527, %dma_start3A_528, %dma_start3A_529] : memref<64x4x128xf32, #tpu.memory_space<vmem>> -> memref<1x4x128xf32, #tpu.memory_space<vmem>>
    %dma_start3A_531 = tpu.memref_squeeze %dma_start3A_530 : memref<1x4x128xf32, #tpu.memory_space<vmem>> -> memref<4x128xf32, #tpu.memory_space<vmem>>
    %dma_start3A_532 = arith.constant 0 : i32
    %dma_start3A_533 = tpu.memref_slice %arg2[%dma_start3A_526, %mul3A_525, %dma_start3A_532] : memref<64x128x128xf32, #tpu.memory_space<hbm>> -> memref<1x4x128xf32, #tpu.memory_space<hbm>>
    %dma_start3A_534 = tpu.memref_squeeze %dma_start3A_533 : memref<1x4x128xf32, #tpu.memory_space<hbm>> -> memref<4x128xf32, #tpu.memory_space<hbm>>
    %dma_start3A_535 = arith.constant 0 : i32
    %dma_start3A_536 = arith.constant 0 : i32
    %dma_start3A_537 = tpu.memref_slice %arg7[%dma_start3A_527, %dma_start3A_535, %dma_start3A_536] : memref<64x4x128xf32, #tpu.memory_space<vmem>> -> memref<1x4x128xf32, #tpu.memory_space<vmem>>
    %dma_start3A_538 = tpu.memref_squeeze %dma_start3A_537 : memref<1x4x128xf32, #tpu.memory_space<vmem>> -> memref<4x128xf32, #tpu.memory_space<vmem>>
    %dma_start3A_539 = arith.constant 0 : i32
    %dma_start3A_540 = tpu.memref_slice %arg2[%dma_start3A_526, %mul3A_525, %dma_start3A_539] : memref<64x128x128xf32, #tpu.memory_space<hbm>> -> memref<1x4x128xf32, #tpu.memory_space<hbm>>
    %dma_start3A_541 = tpu.memref_squeeze %dma_start3A_540 : memref<1x4x128xf32, #tpu.memory_space<hbm>> -> memref<4x128xf32, #tpu.memory_space<hbm>>
    tpu.enqueue_dma source(%dma_start3A_541 : memref<4x128xf32, #tpu.memory_space<hbm>>) target(%dma_start3A_538 : memref<4x128xf32, #tpu.memory_space<vmem>>) target_semaphore(%arg17 : memref<!tpu.dma_semaphore, #tpu.memory_space<semaphore_mem>>)
    %mul3A_542 = arith.constant 4 : i32
    %mul3A_543 = arith.muli %mul3A_542, %add3A : i32
    %dma_start3A_544 = arith.constant 30 : i32
    %dma_start3A_545 = arith.constant 30 : i32
    %dma_start3A_546 = arith.constant 0 : i32
    %dma_start3A_547 = arith.constant 0 : i32
    %dma_start3A_548 = tpu.memref_slice %arg7[%dma_start3A_545, %dma_start3A_546, %dma_start3A_547] : memref<64x4x128xf32, #tpu.memory_space<vmem>> -> memref<1x4x128xf32, #tpu.memory_space<vmem>>
    %dma_start3A_549 = tpu.memref_squeeze %dma_start3A_548 : memref<1x4x128xf32, #tpu.memory_space<vmem>> -> memref<4x128xf32, #tpu.memory_space<vmem>>
    %dma_start3A_550 = arith.constant 0 : i32
    %dma_start3A_551 = tpu.memref_slice %arg2[%dma_start3A_544, %mul3A_543, %dma_start3A_550] : memref<64x128x128xf32, #tpu.memory_space<hbm>> -> memref<1x4x128xf32, #tpu.memory_space<hbm>>
    %dma_start3A_552 = tpu.memref_squeeze %dma_start3A_551 : memref<1x4x128xf32, #tpu.memory_space<hbm>> -> memref<4x128xf32, #tpu.memory_space<hbm>>
    %dma_start3A_553 = arith.constant 0 : i32
    %dma_start3A_554 = arith.constant 0 : i32
    %dma_start3A_555 = tpu.memref_slice %arg7[%dma_start3A_545, %dma_start3A_553, %dma_start3A_554] : memref<64x4x128xf32, #tpu.memory_space<vmem>> -> memref<1x4x128xf32, #tpu.memory_space<vmem>>
    %dma_start3A_556 = tpu.memref_squeeze %dma_start3A_555 : memref<1x4x128xf32, #tpu.memory_space<vmem>> -> memref<4x128xf32, #tpu.memory_space<vmem>>
    %dma_start3A_557 = arith.constant 0 : i32
    %dma_start3A_558 = tpu.memref_slice %arg2[%dma_start3A_544, %mul3A_543, %dma_start3A_557] : memref<64x128x128xf32, #tpu.memory_space<hbm>> -> memref<1x4x128xf32, #tpu.memory_space<hbm>>
    %dma_start3A_559 = tpu.memref_squeeze %dma_start3A_558 : memref<1x4x128xf32, #tpu.memory_space<hbm>> -> memref<4x128xf32, #tpu.memory_space<hbm>>
    tpu.enqueue_dma source(%dma_start3A_559 : memref<4x128xf32, #tpu.memory_space<hbm>>) target(%dma_start3A_556 : memref<4x128xf32, #tpu.memory_space<vmem>>) target_semaphore(%arg17 : memref<!tpu.dma_semaphore, #tpu.memory_space<semaphore_mem>>)
    %mul3A_560 = arith.constant 4 : i32
    %mul3A_561 = arith.muli %mul3A_560, %add3A : i32
    %dma_start3A_562 = arith.constant 31 : i32
    %dma_start3A_563 = arith.constant 31 : i32
    %dma_start3A_564 = arith.constant 0 : i32
    %dma_start3A_565 = arith.constant 0 : i32
    %dma_start3A_566 = tpu.memref_slice %arg7[%dma_start3A_563, %dma_start3A_564, %dma_start3A_565] : memref<64x4x128xf32, #tpu.memory_space<vmem>> -> memref<1x4x128xf32, #tpu.memory_space<vmem>>
    %dma_start3A_567 = tpu.memref_squeeze %dma_start3A_566 : memref<1x4x128xf32, #tpu.memory_space<vmem>> -> memref<4x128xf32, #tpu.memory_space<vmem>>
    %dma_start3A_568 = arith.constant 0 : i32
    %dma_start3A_569 = tpu.memref_slice %arg2[%dma_start3A_562, %mul3A_561, %dma_start3A_568] : memref<64x128x128xf32, #tpu.memory_space<hbm>> -> memref<1x4x128xf32, #tpu.memory_space<hbm>>
    %dma_start3A_570 = tpu.memref_squeeze %dma_start3A_569 : memref<1x4x128xf32, #tpu.memory_space<hbm>> -> memref<4x128xf32, #tpu.memory_space<hbm>>
    %dma_start3A_571 = arith.constant 0 : i32
    %dma_start3A_572 = arith.constant 0 : i32
    %dma_start3A_573 = tpu.memref_slice %arg7[%dma_start3A_563, %dma_start3A_571, %dma_start3A_572] : memref<64x4x128xf32, #tpu.memory_space<vmem>> -> memref<1x4x128xf32, #tpu.memory_space<vmem>>
    %dma_start3A_574 = tpu.memref_squeeze %dma_start3A_573 : memref<1x4x128xf32, #tpu.memory_space<vmem>> -> memref<4x128xf32, #tpu.memory_space<vmem>>
    %dma_start3A_575 = arith.constant 0 : i32
    %dma_start3A_576 = tpu.memref_slice %arg2[%dma_start3A_562, %mul3A_561, %dma_start3A_575] : memref<64x128x128xf32, #tpu.memory_space<hbm>> -> memref<1x4x128xf32, #tpu.memory_space<hbm>>
    %dma_start3A_577 = tpu.memref_squeeze %dma_start3A_576 : memref<1x4x128xf32, #tpu.memory_space<hbm>> -> memref<4x128xf32, #tpu.memory_space<hbm>>
    tpu.enqueue_dma source(%dma_start3A_577 : memref<4x128xf32, #tpu.memory_space<hbm>>) target(%dma_start3A_574 : memref<4x128xf32, #tpu.memory_space<vmem>>) target_semaphore(%arg17 : memref<!tpu.dma_semaphore, #tpu.memory_space<semaphore_mem>>)
    %mul3A_578 = arith.constant 4 : i32
    %mul3A_579 = arith.muli %mul3A_578, %add3A : i32
    %dma_start3A_580 = arith.constant 32 : i32
    %dma_start3A_581 = arith.constant 32 : i32
    %dma_start3A_582 = arith.constant 0 : i32
    %dma_start3A_583 = arith.constant 0 : i32
    %dma_start3A_584 = tpu.memref_slice %arg7[%dma_start3A_581, %dma_start3A_582, %dma_start3A_583] : memref<64x4x128xf32, #tpu.memory_space<vmem>> -> memref<1x4x128xf32, #tpu.memory_space<vmem>>
    %dma_start3A_585 = tpu.memref_squeeze %dma_start3A_584 : memref<1x4x128xf32, #tpu.memory_space<vmem>> -> memref<4x128xf32, #tpu.memory_space<vmem>>
    %dma_start3A_586 = arith.constant 0 : i32
    %dma_start3A_587 = tpu.memref_slice %arg2[%dma_start3A_580, %mul3A_579, %dma_start3A_586] : memref<64x128x128xf32, #tpu.memory_space<hbm>> -> memref<1x4x128xf32, #tpu.memory_space<hbm>>
    %dma_start3A_588 = tpu.memref_squeeze %dma_start3A_587 : memref<1x4x128xf32, #tpu.memory_space<hbm>> -> memref<4x128xf32, #tpu.memory_space<hbm>>
    %dma_start3A_589 = arith.constant 0 : i32
    %dma_start3A_590 = arith.constant 0 : i32
    %dma_start3A_591 = tpu.memref_slice %arg7[%dma_start3A_581, %dma_start3A_589, %dma_start3A_590] : memref<64x4x128xf32, #tpu.memory_space<vmem>> -> memref<1x4x128xf32, #tpu.memory_space<vmem>>
    %dma_start3A_592 = tpu.memref_squeeze %dma_start3A_591 : memref<1x4x128xf32, #tpu.memory_space<vmem>> -> memref<4x128xf32, #tpu.memory_space<vmem>>
    %dma_start3A_593 = arith.constant 0 : i32
    %dma_start3A_594 = tpu.memref_slice %arg2[%dma_start3A_580, %mul3A_579, %dma_start3A_593] : memref<64x128x128xf32, #tpu.memory_space<hbm>> -> memref<1x4x128xf32, #tpu.memory_space<hbm>>
    %dma_start3A_595 = tpu.memref_squeeze %dma_start3A_594 : memref<1x4x128xf32, #tpu.memory_space<hbm>> -> memref<4x128xf32, #tpu.memory_space<hbm>>
    tpu.enqueue_dma source(%dma_start3A_595 : memref<4x128xf32, #tpu.memory_space<hbm>>) target(%dma_start3A_592 : memref<4x128xf32, #tpu.memory_space<vmem>>) target_semaphore(%arg17 : memref<!tpu.dma_semaphore, #tpu.memory_space<semaphore_mem>>)
    %mul3A_596 = arith.constant 4 : i32
    %mul3A_597 = arith.muli %mul3A_596, %add3A : i32
    %dma_start3A_598 = arith.constant 33 : i32
    %dma_start3A_599 = arith.constant 33 : i32
    %dma_start3A_600 = arith.constant 0 : i32
    %dma_start3A_601 = arith.constant 0 : i32
    %dma_start3A_602 = tpu.memref_slice %arg7[%dma_start3A_599, %dma_start3A_600, %dma_start3A_601] : memref<64x4x128xf32, #tpu.memory_space<vmem>> -> memref<1x4x128xf32, #tpu.memory_space<vmem>>
    %dma_start3A_603 = tpu.memref_squeeze %dma_start3A_602 : memref<1x4x128xf32, #tpu.memory_space<vmem>> -> memref<4x128xf32, #tpu.memory_space<vmem>>
    %dma_start3A_604 = arith.constant 0 : i32
    %dma_start3A_605 = tpu.memref_slice %arg2[%dma_start3A_598, %mul3A_597, %dma_start3A_604] : memref<64x128x128xf32, #tpu.memory_space<hbm>> -> memref<1x4x128xf32, #tpu.memory_space<hbm>>
    %dma_start3A_606 = tpu.memref_squeeze %dma_start3A_605 : memref<1x4x128xf32, #tpu.memory_space<hbm>> -> memref<4x128xf32, #tpu.memory_space<hbm>>
    %dma_start3A_607 = arith.constant 0 : i32
    %dma_start3A_608 = arith.constant 0 : i32
    %dma_start3A_609 = tpu.memref_slice %arg7[%dma_start3A_599, %dma_start3A_607, %dma_start3A_608] : memref<64x4x128xf32, #tpu.memory_space<vmem>> -> memref<1x4x128xf32, #tpu.memory_space<vmem>>
    %dma_start3A_610 = tpu.memref_squeeze %dma_start3A_609 : memref<1x4x128xf32, #tpu.memory_space<vmem>> -> memref<4x128xf32, #tpu.memory_space<vmem>>
    %dma_start3A_611 = arith.constant 0 : i32
    %dma_start3A_612 = tpu.memref_slice %arg2[%dma_start3A_598, %mul3A_597, %dma_start3A_611] : memref<64x128x128xf32, #tpu.memory_space<hbm>> -> memref<1x4x128xf32, #tpu.memory_space<hbm>>
    %dma_start3A_613 = tpu.memref_squeeze %dma_start3A_612 : memref<1x4x128xf32, #tpu.memory_space<hbm>> -> memref<4x128xf32, #tpu.memory_space<hbm>>
    tpu.enqueue_dma source(%dma_start3A_613 : memref<4x128xf32, #tpu.memory_space<hbm>>) target(%dma_start3A_610 : memref<4x128xf32, #tpu.memory_space<vmem>>) target_semaphore(%arg17 : memref<!tpu.dma_semaphore, #tpu.memory_space<semaphore_mem>>)
    %mul3A_614 = arith.constant 4 : i32
    %mul3A_615 = arith.muli %mul3A_614, %add3A : i32
    %dma_start3A_616 = arith.constant 34 : i32
    %dma_start3A_617 = arith.constant 34 : i32
    %dma_start3A_618 = arith.constant 0 : i32
    %dma_start3A_619 = arith.constant 0 : i32
    %dma_start3A_620 = tpu.memref_slice %arg7[%dma_start3A_617, %dma_start3A_618, %dma_start3A_619] : memref<64x4x128xf32, #tpu.memory_space<vmem>> -> memref<1x4x128xf32, #tpu.memory_space<vmem>>
    %dma_start3A_621 = tpu.memref_squeeze %dma_start3A_620 : memref<1x4x128xf32, #tpu.memory_space<vmem>> -> memref<4x128xf32, #tpu.memory_space<vmem>>
    %dma_start3A_622 = arith.constant 0 : i32
    %dma_start3A_623 = tpu.memref_slice %arg2[%dma_start3A_616, %mul3A_615, %dma_start3A_622] : memref<64x128x128xf32, #tpu.memory_space<hbm>> -> memref<1x4x128xf32, #tpu.memory_space<hbm>>
    %dma_start3A_624 = tpu.memref_squeeze %dma_start3A_623 : memref<1x4x128xf32, #tpu.memory_space<hbm>> -> memref<4x128xf32, #tpu.memory_space<hbm>>
    %dma_start3A_625 = arith.constant 0 : i32
    %dma_start3A_626 = arith.constant 0 : i32
    %dma_start3A_627 = tpu.memref_slice %arg7[%dma_start3A_617, %dma_start3A_625, %dma_start3A_626] : memref<64x4x128xf32, #tpu.memory_space<vmem>> -> memref<1x4x128xf32, #tpu.memory_space<vmem>>
    %dma_start3A_628 = tpu.memref_squeeze %dma_start3A_627 : memref<1x4x128xf32, #tpu.memory_space<vmem>> -> memref<4x128xf32, #tpu.memory_space<vmem>>
    %dma_start3A_629 = arith.constant 0 : i32
    %dma_start3A_630 = tpu.memref_slice %arg2[%dma_start3A_616, %mul3A_615, %dma_start3A_629] : memref<64x128x128xf32, #tpu.memory_space<hbm>> -> memref<1x4x128xf32, #tpu.memory_space<hbm>>
    %dma_start3A_631 = tpu.memref_squeeze %dma_start3A_630 : memref<1x4x128xf32, #tpu.memory_space<hbm>> -> memref<4x128xf32, #tpu.memory_space<hbm>>
    tpu.enqueue_dma source(%dma_start3A_631 : memref<4x128xf32, #tpu.memory_space<hbm>>) target(%dma_start3A_628 : memref<4x128xf32, #tpu.memory_space<vmem>>) target_semaphore(%arg17 : memref<!tpu.dma_semaphore, #tpu.memory_space<semaphore_mem>>)
    %mul3A_632 = arith.constant 4 : i32
    %mul3A_633 = arith.muli %mul3A_632, %add3A : i32
    %dma_start3A_634 = arith.constant 35 : i32
    %dma_start3A_635 = arith.constant 35 : i32
    %dma_start3A_636 = arith.constant 0 : i32
    %dma_start3A_637 = arith.constant 0 : i32
    %dma_start3A_638 = tpu.memref_slice %arg7[%dma_start3A_635, %dma_start3A_636, %dma_start3A_637] : memref<64x4x128xf32, #tpu.memory_space<vmem>> -> memref<1x4x128xf32, #tpu.memory_space<vmem>>
    %dma_start3A_639 = tpu.memref_squeeze %dma_start3A_638 : memref<1x4x128xf32, #tpu.memory_space<vmem>> -> memref<4x128xf32, #tpu.memory_space<vmem>>
    %dma_start3A_640 = arith.constant 0 : i32
    %dma_start3A_641 = tpu.memref_slice %arg2[%dma_start3A_634, %mul3A_633, %dma_start3A_640] : memref<64x128x128xf32, #tpu.memory_space<hbm>> -> memref<1x4x128xf32, #tpu.memory_space<hbm>>
    %dma_start3A_642 = tpu.memref_squeeze %dma_start3A_641 : memref<1x4x128xf32, #tpu.memory_space<hbm>> -> memref<4x128xf32, #tpu.memory_space<hbm>>
    %dma_start3A_643 = arith.constant 0 : i32
    %dma_start3A_644 = arith.constant 0 : i32
    %dma_start3A_645 = tpu.memref_slice %arg7[%dma_start3A_635, %dma_start3A_643, %dma_start3A_644] : memref<64x4x128xf32, #tpu.memory_space<vmem>> -> memref<1x4x128xf32, #tpu.memory_space<vmem>>
    %dma_start3A_646 = tpu.memref_squeeze %dma_start3A_645 : memref<1x4x128xf32, #tpu.memory_space<vmem>> -> memref<4x128xf32, #tpu.memory_space<vmem>>
    %dma_start3A_647 = arith.constant 0 : i32
    %dma_start3A_648 = tpu.memref_slice %arg2[%dma_start3A_634, %mul3A_633, %dma_start3A_647] : memref<64x128x128xf32, #tpu.memory_space<hbm>> -> memref<1x4x128xf32, #tpu.memory_space<hbm>>
    %dma_start3A_649 = tpu.memref_squeeze %dma_start3A_648 : memref<1x4x128xf32, #tpu.memory_space<hbm>> -> memref<4x128xf32, #tpu.memory_space<hbm>>
    tpu.enqueue_dma source(%dma_start3A_649 : memref<4x128xf32, #tpu.memory_space<hbm>>) target(%dma_start3A_646 : memref<4x128xf32, #tpu.memory_space<vmem>>) target_semaphore(%arg17 : memref<!tpu.dma_semaphore, #tpu.memory_space<semaphore_mem>>)
    %mul3A_650 = arith.constant 4 : i32
    %mul3A_651 = arith.muli %mul3A_650, %add3A : i32
    %dma_start3A_652 = arith.constant 36 : i32
    %dma_start3A_653 = arith.constant 36 : i32
    %dma_start3A_654 = arith.constant 0 : i32
    %dma_start3A_655 = arith.constant 0 : i32
    %dma_start3A_656 = tpu.memref_slice %arg7[%dma_start3A_653, %dma_start3A_654, %dma_start3A_655] : memref<64x4x128xf32, #tpu.memory_space<vmem>> -> memref<1x4x128xf32, #tpu.memory_space<vmem>>
    %dma_start3A_657 = tpu.memref_squeeze %dma_start3A_656 : memref<1x4x128xf32, #tpu.memory_space<vmem>> -> memref<4x128xf32, #tpu.memory_space<vmem>>
    %dma_start3A_658 = arith.constant 0 : i32
    %dma_start3A_659 = tpu.memref_slice %arg2[%dma_start3A_652, %mul3A_651, %dma_start3A_658] : memref<64x128x128xf32, #tpu.memory_space<hbm>> -> memref<1x4x128xf32, #tpu.memory_space<hbm>>
    %dma_start3A_660 = tpu.memref_squeeze %dma_start3A_659 : memref<1x4x128xf32, #tpu.memory_space<hbm>> -> memref<4x128xf32, #tpu.memory_space<hbm>>
    %dma_start3A_661 = arith.constant 0 : i32
    %dma_start3A_662 = arith.constant 0 : i32
    %dma_start3A_663 = tpu.memref_slice %arg7[%dma_start3A_653, %dma_start3A_661, %dma_start3A_662] : memref<64x4x128xf32, #tpu.memory_space<vmem>> -> memref<1x4x128xf32, #tpu.memory_space<vmem>>
    %dma_start3A_664 = tpu.memref_squeeze %dma_start3A_663 : memref<1x4x128xf32, #tpu.memory_space<vmem>> -> memref<4x128xf32, #tpu.memory_space<vmem>>
    %dma_start3A_665 = arith.constant 0 : i32
    %dma_start3A_666 = tpu.memref_slice %arg2[%dma_start3A_652, %mul3A_651, %dma_start3A_665] : memref<64x128x128xf32, #tpu.memory_space<hbm>> -> memref<1x4x128xf32, #tpu.memory_space<hbm>>
    %dma_start3A_667 = tpu.memref_squeeze %dma_start3A_666 : memref<1x4x128xf32, #tpu.memory_space<hbm>> -> memref<4x128xf32, #tpu.memory_space<hbm>>
    tpu.enqueue_dma source(%dma_start3A_667 : memref<4x128xf32, #tpu.memory_space<hbm>>) target(%dma_start3A_664 : memref<4x128xf32, #tpu.memory_space<vmem>>) target_semaphore(%arg17 : memref<!tpu.dma_semaphore, #tpu.memory_space<semaphore_mem>>)
    %mul3A_668 = arith.constant 4 : i32
    %mul3A_669 = arith.muli %mul3A_668, %add3A : i32
    %dma_start3A_670 = arith.constant 37 : i32
    %dma_start3A_671 = arith.constant 37 : i32
    %dma_start3A_672 = arith.constant 0 : i32
    %dma_start3A_673 = arith.constant 0 : i32
    %dma_start3A_674 = tpu.memref_slice %arg7[%dma_start3A_671, %dma_start3A_672, %dma_start3A_673] : memref<64x4x128xf32, #tpu.memory_space<vmem>> -> memref<1x4x128xf32, #tpu.memory_space<vmem>>
    %dma_start3A_675 = tpu.memref_squeeze %dma_start3A_674 : memref<1x4x128xf32, #tpu.memory_space<vmem>> -> memref<4x128xf32, #tpu.memory_space<vmem>>
    %dma_start3A_676 = arith.constant 0 : i32
    %dma_start3A_677 = tpu.memref_slice %arg2[%dma_start3A_670, %mul3A_669, %dma_start3A_676] : memref<64x128x128xf32, #tpu.memory_space<hbm>> -> memref<1x4x128xf32, #tpu.memory_space<hbm>>
    %dma_start3A_678 = tpu.memref_squeeze %dma_start3A_677 : memref<1x4x128xf32, #tpu.memory_space<hbm>> -> memref<4x128xf32, #tpu.memory_space<hbm>>
    %dma_start3A_679 = arith.constant 0 : i32
    %dma_start3A_680 = arith.constant 0 : i32
    %dma_start3A_681 = tpu.memref_slice %arg7[%dma_start3A_671, %dma_start3A_679, %dma_start3A_680] : memref<64x4x128xf32, #tpu.memory_space<vmem>> -> memref<1x4x128xf32, #tpu.memory_space<vmem>>
    %dma_start3A_682 = tpu.memref_squeeze %dma_start3A_681 : memref<1x4x128xf32, #tpu.memory_space<vmem>> -> memref<4x128xf32, #tpu.memory_space<vmem>>
    %dma_start3A_683 = arith.constant 0 : i32
    %dma_start3A_684 = tpu.memref_slice %arg2[%dma_start3A_670, %mul3A_669, %dma_start3A_683] : memref<64x128x128xf32, #tpu.memory_space<hbm>> -> memref<1x4x128xf32, #tpu.memory_space<hbm>>
    %dma_start3A_685 = tpu.memref_squeeze %dma_start3A_684 : memref<1x4x128xf32, #tpu.memory_space<hbm>> -> memref<4x128xf32, #tpu.memory_space<hbm>>
    tpu.enqueue_dma source(%dma_start3A_685 : memref<4x128xf32, #tpu.memory_space<hbm>>) target(%dma_start3A_682 : memref<4x128xf32, #tpu.memory_space<vmem>>) target_semaphore(%arg17 : memref<!tpu.dma_semaphore, #tpu.memory_space<semaphore_mem>>)
    %mul3A_686 = arith.constant 4 : i32
    %mul3A_687 = arith.muli %mul3A_686, %add3A : i32
    %dma_start3A_688 = arith.constant 38 : i32
    %dma_start3A_689 = arith.constant 38 : i32
    %dma_start3A_690 = arith.constant 0 : i32
    %dma_start3A_691 = arith.constant 0 : i32
    %dma_start3A_692 = tpu.memref_slice %arg7[%dma_start3A_689, %dma_start3A_690, %dma_start3A_691] : memref<64x4x128xf32, #tpu.memory_space<vmem>> -> memref<1x4x128xf32, #tpu.memory_space<vmem>>
    %dma_start3A_693 = tpu.memref_squeeze %dma_start3A_692 : memref<1x4x128xf32, #tpu.memory_space<vmem>> -> memref<4x128xf32, #tpu.memory_space<vmem>>
    %dma_start3A_694 = arith.constant 0 : i32
    %dma_start3A_695 = tpu.memref_slice %arg2[%dma_start3A_688, %mul3A_687, %dma_start3A_694] : memref<64x128x128xf32, #tpu.memory_space<hbm>> -> memref<1x4x128xf32, #tpu.memory_space<hbm>>
    %dma_start3A_696 = tpu.memref_squeeze %dma_start3A_695 : memref<1x4x128xf32, #tpu.memory_space<hbm>> -> memref<4x128xf32, #tpu.memory_space<hbm>>
    %dma_start3A_697 = arith.constant 0 : i32
    %dma_start3A_698 = arith.constant 0 : i32
    %dma_start3A_699 = tpu.memref_slice %arg7[%dma_start3A_689, %dma_start3A_697, %dma_start3A_698] : memref<64x4x128xf32, #tpu.memory_space<vmem>> -> memref<1x4x128xf32, #tpu.memory_space<vmem>>
    %dma_start3A_700 = tpu.memref_squeeze %dma_start3A_699 : memref<1x4x128xf32, #tpu.memory_space<vmem>> -> memref<4x128xf32, #tpu.memory_space<vmem>>
    %dma_start3A_701 = arith.constant 0 : i32
    %dma_start3A_702 = tpu.memref_slice %arg2[%dma_start3A_688, %mul3A_687, %dma_start3A_701] : memref<64x128x128xf32, #tpu.memory_space<hbm>> -> memref<1x4x128xf32, #tpu.memory_space<hbm>>
    %dma_start3A_703 = tpu.memref_squeeze %dma_start3A_702 : memref<1x4x128xf32, #tpu.memory_space<hbm>> -> memref<4x128xf32, #tpu.memory_space<hbm>>
    tpu.enqueue_dma source(%dma_start3A_703 : memref<4x128xf32, #tpu.memory_space<hbm>>) target(%dma_start3A_700 : memref<4x128xf32, #tpu.memory_space<vmem>>) target_semaphore(%arg17 : memref<!tpu.dma_semaphore, #tpu.memory_space<semaphore_mem>>)
    %mul3A_704 = arith.constant 4 : i32
    %mul3A_705 = arith.muli %mul3A_704, %add3A : i32
    %dma_start3A_706 = arith.constant 39 : i32
    %dma_start3A_707 = arith.constant 39 : i32
    %dma_start3A_708 = arith.constant 0 : i32
    %dma_start3A_709 = arith.constant 0 : i32
    %dma_start3A_710 = tpu.memref_slice %arg7[%dma_start3A_707, %dma_start3A_708, %dma_start3A_709] : memref<64x4x128xf32, #tpu.memory_space<vmem>> -> memref<1x4x128xf32, #tpu.memory_space<vmem>>
    %dma_start3A_711 = tpu.memref_squeeze %dma_start3A_710 : memref<1x4x128xf32, #tpu.memory_space<vmem>> -> memref<4x128xf32, #tpu.memory_space<vmem>>
    %dma_start3A_712 = arith.constant 0 : i32
    %dma_start3A_713 = tpu.memref_slice %arg2[%dma_start3A_706, %mul3A_705, %dma_start3A_712] : memref<64x128x128xf32, #tpu.memory_space<hbm>> -> memref<1x4x128xf32, #tpu.memory_space<hbm>>
    %dma_start3A_714 = tpu.memref_squeeze %dma_start3A_713 : memref<1x4x128xf32, #tpu.memory_space<hbm>> -> memref<4x128xf32, #tpu.memory_space<hbm>>
    %dma_start3A_715 = arith.constant 0 : i32
    %dma_start3A_716 = arith.constant 0 : i32
    %dma_start3A_717 = tpu.memref_slice %arg7[%dma_start3A_707, %dma_start3A_715, %dma_start3A_716] : memref<64x4x128xf32, #tpu.memory_space<vmem>> -> memref<1x4x128xf32, #tpu.memory_space<vmem>>
    %dma_start3A_718 = tpu.memref_squeeze %dma_start3A_717 : memref<1x4x128xf32, #tpu.memory_space<vmem>> -> memref<4x128xf32, #tpu.memory_space<vmem>>
    %dma_start3A_719 = arith.constant 0 : i32
    %dma_start3A_720 = tpu.memref_slice %arg2[%dma_start3A_706, %mul3A_705, %dma_start3A_719] : memref<64x128x128xf32, #tpu.memory_space<hbm>> -> memref<1x4x128xf32, #tpu.memory_space<hbm>>
    %dma_start3A_721 = tpu.memref_squeeze %dma_start3A_720 : memref<1x4x128xf32, #tpu.memory_space<hbm>> -> memref<4x128xf32, #tpu.memory_space<hbm>>
    tpu.enqueue_dma source(%dma_start3A_721 : memref<4x128xf32, #tpu.memory_space<hbm>>) target(%dma_start3A_718 : memref<4x128xf32, #tpu.memory_space<vmem>>) target_semaphore(%arg17 : memref<!tpu.dma_semaphore, #tpu.memory_space<semaphore_mem>>)
    %mul3A_722 = arith.constant 4 : i32
    %mul3A_723 = arith.muli %mul3A_722, %add3A : i32
    %dma_start3A_724 = arith.constant 40 : i32
    %dma_start3A_725 = arith.constant 40 : i32
    %dma_start3A_726 = arith.constant 0 : i32
    %dma_start3A_727 = arith.constant 0 : i32
    %dma_start3A_728 = tpu.memref_slice %arg7[%dma_start3A_725, %dma_start3A_726, %dma_start3A_727] : memref<64x4x128xf32, #tpu.memory_space<vmem>> -> memref<1x4x128xf32, #tpu.memory_space<vmem>>
    %dma_start3A_729 = tpu.memref_squeeze %dma_start3A_728 : memref<1x4x128xf32, #tpu.memory_space<vmem>> -> memref<4x128xf32, #tpu.memory_space<vmem>>
    %dma_start3A_730 = arith.constant 0 : i32
    %dma_start3A_731 = tpu.memref_slice %arg2[%dma_start3A_724, %mul3A_723, %dma_start3A_730] : memref<64x128x128xf32, #tpu.memory_space<hbm>> -> memref<1x4x128xf32, #tpu.memory_space<hbm>>
    %dma_start3A_732 = tpu.memref_squeeze %dma_start3A_731 : memref<1x4x128xf32, #tpu.memory_space<hbm>> -> memref<4x128xf32, #tpu.memory_space<hbm>>
    %dma_start3A_733 = arith.constant 0 : i32
    %dma_start3A_734 = arith.constant 0 : i32
    %dma_start3A_735 = tpu.memref_slice %arg7[%dma_start3A_725, %dma_start3A_733, %dma_start3A_734] : memref<64x4x128xf32, #tpu.memory_space<vmem>> -> memref<1x4x128xf32, #tpu.memory_space<vmem>>
    %dma_start3A_736 = tpu.memref_squeeze %dma_start3A_735 : memref<1x4x128xf32, #tpu.memory_space<vmem>> -> memref<4x128xf32, #tpu.memory_space<vmem>>
    %dma_start3A_737 = arith.constant 0 : i32
    %dma_start3A_738 = tpu.memref_slice %arg2[%dma_start3A_724, %mul3A_723, %dma_start3A_737] : memref<64x128x128xf32, #tpu.memory_space<hbm>> -> memref<1x4x128xf32, #tpu.memory_space<hbm>>
    %dma_start3A_739 = tpu.memref_squeeze %dma_start3A_738 : memref<1x4x128xf32, #tpu.memory_space<hbm>> -> memref<4x128xf32, #tpu.memory_space<hbm>>
    tpu.enqueue_dma source(%dma_start3A_739 : memref<4x128xf32, #tpu.memory_space<hbm>>) target(%dma_start3A_736 : memref<4x128xf32, #tpu.memory_space<vmem>>) target_semaphore(%arg17 : memref<!tpu.dma_semaphore, #tpu.memory_space<semaphore_mem>>)
    %mul3A_740 = arith.constant 4 : i32
    %mul3A_741 = arith.muli %mul3A_740, %add3A : i32
    %dma_start3A_742 = arith.constant 41 : i32
    %dma_start3A_743 = arith.constant 41 : i32
    %dma_start3A_744 = arith.constant 0 : i32
    %dma_start3A_745 = arith.constant 0 : i32
    %dma_start3A_746 = tpu.memref_slice %arg7[%dma_start3A_743, %dma_start3A_744, %dma_start3A_745] : memref<64x4x128xf32, #tpu.memory_space<vmem>> -> memref<1x4x128xf32, #tpu.memory_space<vmem>>
    %dma_start3A_747 = tpu.memref_squeeze %dma_start3A_746 : memref<1x4x128xf32, #tpu.memory_space<vmem>> -> memref<4x128xf32, #tpu.memory_space<vmem>>
    %dma_start3A_748 = arith.constant 0 : i32
    %dma_start3A_749 = tpu.memref_slice %arg2[%dma_start3A_742, %mul3A_741, %dma_start3A_748] : memref<64x128x128xf32, #tpu.memory_space<hbm>> -> memref<1x4x128xf32, #tpu.memory_space<hbm>>
    %dma_start3A_750 = tpu.memref_squeeze %dma_start3A_749 : memref<1x4x128xf32, #tpu.memory_space<hbm>> -> memref<4x128xf32, #tpu.memory_space<hbm>>
    %dma_start3A_751 = arith.constant 0 : i32
    %dma_start3A_752 = arith.constant 0 : i32
    %dma_start3A_753 = tpu.memref_slice %arg7[%dma_start3A_743, %dma_start3A_751, %dma_start3A_752] : memref<64x4x128xf32, #tpu.memory_space<vmem>> -> memref<1x4x128xf32, #tpu.memory_space<vmem>>
    %dma_start3A_754 = tpu.memref_squeeze %dma_start3A_753 : memref<1x4x128xf32, #tpu.memory_space<vmem>> -> memref<4x128xf32, #tpu.memory_space<vmem>>
    %dma_start3A_755 = arith.constant 0 : i32
    %dma_start3A_756 = tpu.memref_slice %arg2[%dma_start3A_742, %mul3A_741, %dma_start3A_755] : memref<64x128x128xf32, #tpu.memory_space<hbm>> -> memref<1x4x128xf32, #tpu.memory_space<hbm>>
    %dma_start3A_757 = tpu.memref_squeeze %dma_start3A_756 : memref<1x4x128xf32, #tpu.memory_space<hbm>> -> memref<4x128xf32, #tpu.memory_space<hbm>>
    tpu.enqueue_dma source(%dma_start3A_757 : memref<4x128xf32, #tpu.memory_space<hbm>>) target(%dma_start3A_754 : memref<4x128xf32, #tpu.memory_space<vmem>>) target_semaphore(%arg17 : memref<!tpu.dma_semaphore, #tpu.memory_space<semaphore_mem>>)
    %mul3A_758 = arith.constant 4 : i32
    %mul3A_759 = arith.muli %mul3A_758, %add3A : i32
    %dma_start3A_760 = arith.constant 42 : i32
    %dma_start3A_761 = arith.constant 42 : i32
    %dma_start3A_762 = arith.constant 0 : i32
    %dma_start3A_763 = arith.constant 0 : i32
    %dma_start3A_764 = tpu.memref_slice %arg7[%dma_start3A_761, %dma_start3A_762, %dma_start3A_763] : memref<64x4x128xf32, #tpu.memory_space<vmem>> -> memref<1x4x128xf32, #tpu.memory_space<vmem>>
    %dma_start3A_765 = tpu.memref_squeeze %dma_start3A_764 : memref<1x4x128xf32, #tpu.memory_space<vmem>> -> memref<4x128xf32, #tpu.memory_space<vmem>>
    %dma_start3A_766 = arith.constant 0 : i32
    %dma_start3A_767 = tpu.memref_slice %arg2[%dma_start3A_760, %mul3A_759, %dma_start3A_766] : memref<64x128x128xf32, #tpu.memory_space<hbm>> -> memref<1x4x128xf32, #tpu.memory_space<hbm>>
    %dma_start3A_768 = tpu.memref_squeeze %dma_start3A_767 : memref<1x4x128xf32, #tpu.memory_space<hbm>> -> memref<4x128xf32, #tpu.memory_space<hbm>>
    %dma_start3A_769 = arith.constant 0 : i32
    %dma_start3A_770 = arith.constant 0 : i32
    %dma_start3A_771 = tpu.memref_slice %arg7[%dma_start3A_761, %dma_start3A_769, %dma_start3A_770] : memref<64x4x128xf32, #tpu.memory_space<vmem>> -> memref<1x4x128xf32, #tpu.memory_space<vmem>>
    %dma_start3A_772 = tpu.memref_squeeze %dma_start3A_771 : memref<1x4x128xf32, #tpu.memory_space<vmem>> -> memref<4x128xf32, #tpu.memory_space<vmem>>
    %dma_start3A_773 = arith.constant 0 : i32
    %dma_start3A_774 = tpu.memref_slice %arg2[%dma_start3A_760, %mul3A_759, %dma_start3A_773] : memref<64x128x128xf32, #tpu.memory_space<hbm>> -> memref<1x4x128xf32, #tpu.memory_space<hbm>>
    %dma_start3A_775 = tpu.memref_squeeze %dma_start3A_774 : memref<1x4x128xf32, #tpu.memory_space<hbm>> -> memref<4x128xf32, #tpu.memory_space<hbm>>
    tpu.enqueue_dma source(%dma_start3A_775 : memref<4x128xf32, #tpu.memory_space<hbm>>) target(%dma_start3A_772 : memref<4x128xf32, #tpu.memory_space<vmem>>) target_semaphore(%arg17 : memref<!tpu.dma_semaphore, #tpu.memory_space<semaphore_mem>>)
    %mul3A_776 = arith.constant 4 : i32
    %mul3A_777 = arith.muli %mul3A_776, %add3A : i32
    %dma_start3A_778 = arith.constant 43 : i32
    %dma_start3A_779 = arith.constant 43 : i32
    %dma_start3A_780 = arith.constant 0 : i32
    %dma_start3A_781 = arith.constant 0 : i32
    %dma_start3A_782 = tpu.memref_slice %arg7[%dma_start3A_779, %dma_start3A_780, %dma_start3A_781] : memref<64x4x128xf32, #tpu.memory_space<vmem>> -> memref<1x4x128xf32, #tpu.memory_space<vmem>>
    %dma_start3A_783 = tpu.memref_squeeze %dma_start3A_782 : memref<1x4x128xf32, #tpu.memory_space<vmem>> -> memref<4x128xf32, #tpu.memory_space<vmem>>
    %dma_start3A_784 = arith.constant 0 : i32
    %dma_start3A_785 = tpu.memref_slice %arg2[%dma_start3A_778, %mul3A_777, %dma_start3A_784] : memref<64x128x128xf32, #tpu.memory_space<hbm>> -> memref<1x4x128xf32, #tpu.memory_space<hbm>>
    %dma_start3A_786 = tpu.memref_squeeze %dma_start3A_785 : memref<1x4x128xf32, #tpu.memory_space<hbm>> -> memref<4x128xf32, #tpu.memory_space<hbm>>
    %dma_start3A_787 = arith.constant 0 : i32
    %dma_start3A_788 = arith.constant 0 : i32
    %dma_start3A_789 = tpu.memref_slice %arg7[%dma_start3A_779, %dma_start3A_787, %dma_start3A_788] : memref<64x4x128xf32, #tpu.memory_space<vmem>> -> memref<1x4x128xf32, #tpu.memory_space<vmem>>
    %dma_start3A_790 = tpu.memref_squeeze %dma_start3A_789 : memref<1x4x128xf32, #tpu.memory_space<vmem>> -> memref<4x128xf32, #tpu.memory_space<vmem>>
    %dma_start3A_791 = arith.constant 0 : i32
    %dma_start3A_792 = tpu.memref_slice %arg2[%dma_start3A_778, %mul3A_777, %dma_start3A_791] : memref<64x128x128xf32, #tpu.memory_space<hbm>> -> memref<1x4x128xf32, #tpu.memory_space<hbm>>
    %dma_start3A_793 = tpu.memref_squeeze %dma_start3A_792 : memref<1x4x128xf32, #tpu.memory_space<hbm>> -> memref<4x128xf32, #tpu.memory_space<hbm>>
    tpu.enqueue_dma source(%dma_start3A_793 : memref<4x128xf32, #tpu.memory_space<hbm>>) target(%dma_start3A_790 : memref<4x128xf32, #tpu.memory_space<vmem>>) target_semaphore(%arg17 : memref<!tpu.dma_semaphore, #tpu.memory_space<semaphore_mem>>)
    %mul3A_794 = arith.constant 4 : i32
    %mul3A_795 = arith.muli %mul3A_794, %add3A : i32
    %dma_start3A_796 = arith.constant 44 : i32
    %dma_start3A_797 = arith.constant 44 : i32
    %dma_start3A_798 = arith.constant 0 : i32
    %dma_start3A_799 = arith.constant 0 : i32
    %dma_start3A_800 = tpu.memref_slice %arg7[%dma_start3A_797, %dma_start3A_798, %dma_start3A_799] : memref<64x4x128xf32, #tpu.memory_space<vmem>> -> memref<1x4x128xf32, #tpu.memory_space<vmem>>
    %dma_start3A_801 = tpu.memref_squeeze %dma_start3A_800 : memref<1x4x128xf32, #tpu.memory_space<vmem>> -> memref<4x128xf32, #tpu.memory_space<vmem>>
    %dma_start3A_802 = arith.constant 0 : i32
    %dma_start3A_803 = tpu.memref_slice %arg2[%dma_start3A_796, %mul3A_795, %dma_start3A_802] : memref<64x128x128xf32, #tpu.memory_space<hbm>> -> memref<1x4x128xf32, #tpu.memory_space<hbm>>
    %dma_start3A_804 = tpu.memref_squeeze %dma_start3A_803 : memref<1x4x128xf32, #tpu.memory_space<hbm>> -> memref<4x128xf32, #tpu.memory_space<hbm>>
    %dma_start3A_805 = arith.constant 0 : i32
    %dma_start3A_806 = arith.constant 0 : i32
    %dma_start3A_807 = tpu.memref_slice %arg7[%dma_start3A_797, %dma_start3A_805, %dma_start3A_806] : memref<64x4x128xf32, #tpu.memory_space<vmem>> -> memref<1x4x128xf32, #tpu.memory_space<vmem>>
    %dma_start3A_808 = tpu.memref_squeeze %dma_start3A_807 : memref<1x4x128xf32, #tpu.memory_space<vmem>> -> memref<4x128xf32, #tpu.memory_space<vmem>>
    %dma_start3A_809 = arith.constant 0 : i32
    %dma_start3A_810 = tpu.memref_slice %arg2[%dma_start3A_796, %mul3A_795, %dma_start3A_809] : memref<64x128x128xf32, #tpu.memory_space<hbm>> -> memref<1x4x128xf32, #tpu.memory_space<hbm>>
    %dma_start3A_811 = tpu.memref_squeeze %dma_start3A_810 : memref<1x4x128xf32, #tpu.memory_space<hbm>> -> memref<4x128xf32, #tpu.memory_space<hbm>>
    tpu.enqueue_dma source(%dma_start3A_811 : memref<4x128xf32, #tpu.memory_space<hbm>>) target(%dma_start3A_808 : memref<4x128xf32, #tpu.memory_space<vmem>>) target_semaphore(%arg17 : memref<!tpu.dma_semaphore, #tpu.memory_space<semaphore_mem>>)
    %mul3A_812 = arith.constant 4 : i32
    %mul3A_813 = arith.muli %mul3A_812, %add3A : i32
    %dma_start3A_814 = arith.constant 45 : i32
    %dma_start3A_815 = arith.constant 45 : i32
    %dma_start3A_816 = arith.constant 0 : i32
    %dma_start3A_817 = arith.constant 0 : i32
    %dma_start3A_818 = tpu.memref_slice %arg7[%dma_start3A_815, %dma_start3A_816, %dma_start3A_817] : memref<64x4x128xf32, #tpu.memory_space<vmem>> -> memref<1x4x128xf32, #tpu.memory_space<vmem>>
    %dma_start3A_819 = tpu.memref_squeeze %dma_start3A_818 : memref<1x4x128xf32, #tpu.memory_space<vmem>> -> memref<4x128xf32, #tpu.memory_space<vmem>>
    %dma_start3A_820 = arith.constant 0 : i32
    %dma_start3A_821 = tpu.memref_slice %arg2[%dma_start3A_814, %mul3A_813, %dma_start3A_820] : memref<64x128x128xf32, #tpu.memory_space<hbm>> -> memref<1x4x128xf32, #tpu.memory_space<hbm>>
    %dma_start3A_822 = tpu.memref_squeeze %dma_start3A_821 : memref<1x4x128xf32, #tpu.memory_space<hbm>> -> memref<4x128xf32, #tpu.memory_space<hbm>>
    %dma_start3A_823 = arith.constant 0 : i32
    %dma_start3A_824 = arith.constant 0 : i32
    %dma_start3A_825 = tpu.memref_slice %arg7[%dma_start3A_815, %dma_start3A_823, %dma_start3A_824] : memref<64x4x128xf32, #tpu.memory_space<vmem>> -> memref<1x4x128xf32, #tpu.memory_space<vmem>>
    %dma_start3A_826 = tpu.memref_squeeze %dma_start3A_825 : memref<1x4x128xf32, #tpu.memory_space<vmem>> -> memref<4x128xf32, #tpu.memory_space<vmem>>
    %dma_start3A_827 = arith.constant 0 : i32
    %dma_start3A_828 = tpu.memref_slice %arg2[%dma_start3A_814, %mul3A_813, %dma_start3A_827] : memref<64x128x128xf32, #tpu.memory_space<hbm>> -> memref<1x4x128xf32, #tpu.memory_space<hbm>>
    %dma_start3A_829 = tpu.memref_squeeze %dma_start3A_828 : memref<1x4x128xf32, #tpu.memory_space<hbm>> -> memref<4x128xf32, #tpu.memory_space<hbm>>
    tpu.enqueue_dma source(%dma_start3A_829 : memref<4x128xf32, #tpu.memory_space<hbm>>) target(%dma_start3A_826 : memref<4x128xf32, #tpu.memory_space<vmem>>) target_semaphore(%arg17 : memref<!tpu.dma_semaphore, #tpu.memory_space<semaphore_mem>>)
    %mul3A_830 = arith.constant 4 : i32
    %mul3A_831 = arith.muli %mul3A_830, %add3A : i32
    %dma_start3A_832 = arith.constant 46 : i32
    %dma_start3A_833 = arith.constant 46 : i32
    %dma_start3A_834 = arith.constant 0 : i32
    %dma_start3A_835 = arith.constant 0 : i32
    %dma_start3A_836 = tpu.memref_slice %arg7[%dma_start3A_833, %dma_start3A_834, %dma_start3A_835] : memref<64x4x128xf32, #tpu.memory_space<vmem>> -> memref<1x4x128xf32, #tpu.memory_space<vmem>>
    %dma_start3A_837 = tpu.memref_squeeze %dma_start3A_836 : memref<1x4x128xf32, #tpu.memory_space<vmem>> -> memref<4x128xf32, #tpu.memory_space<vmem>>
    %dma_start3A_838 = arith.constant 0 : i32
    %dma_start3A_839 = tpu.memref_slice %arg2[%dma_start3A_832, %mul3A_831, %dma_start3A_838] : memref<64x128x128xf32, #tpu.memory_space<hbm>> -> memref<1x4x128xf32, #tpu.memory_space<hbm>>
    %dma_start3A_840 = tpu.memref_squeeze %dma_start3A_839 : memref<1x4x128xf32, #tpu.memory_space<hbm>> -> memref<4x128xf32, #tpu.memory_space<hbm>>
    %dma_start3A_841 = arith.constant 0 : i32
    %dma_start3A_842 = arith.constant 0 : i32
    %dma_start3A_843 = tpu.memref_slice %arg7[%dma_start3A_833, %dma_start3A_841, %dma_start3A_842] : memref<64x4x128xf32, #tpu.memory_space<vmem>> -> memref<1x4x128xf32, #tpu.memory_space<vmem>>
    %dma_start3A_844 = tpu.memref_squeeze %dma_start3A_843 : memref<1x4x128xf32, #tpu.memory_space<vmem>> -> memref<4x128xf32, #tpu.memory_space<vmem>>
    %dma_start3A_845 = arith.constant 0 : i32
    %dma_start3A_846 = tpu.memref_slice %arg2[%dma_start3A_832, %mul3A_831, %dma_start3A_845] : memref<64x128x128xf32, #tpu.memory_space<hbm>> -> memref<1x4x128xf32, #tpu.memory_space<hbm>>
    %dma_start3A_847 = tpu.memref_squeeze %dma_start3A_846 : memref<1x4x128xf32, #tpu.memory_space<hbm>> -> memref<4x128xf32, #tpu.memory_space<hbm>>
    tpu.enqueue_dma source(%dma_start3A_847 : memref<4x128xf32, #tpu.memory_space<hbm>>) target(%dma_start3A_844 : memref<4x128xf32, #tpu.memory_space<vmem>>) target_semaphore(%arg17 : memref<!tpu.dma_semaphore, #tpu.memory_space<semaphore_mem>>)
    %mul3A_848 = arith.constant 4 : i32
    %mul3A_849 = arith.muli %mul3A_848, %add3A : i32
    %dma_start3A_850 = arith.constant 47 : i32
    %dma_start3A_851 = arith.constant 47 : i32
    %dma_start3A_852 = arith.constant 0 : i32
    %dma_start3A_853 = arith.constant 0 : i32
    %dma_start3A_854 = tpu.memref_slice %arg7[%dma_start3A_851, %dma_start3A_852, %dma_start3A_853] : memref<64x4x128xf32, #tpu.memory_space<vmem>> -> memref<1x4x128xf32, #tpu.memory_space<vmem>>
    %dma_start3A_855 = tpu.memref_squeeze %dma_start3A_854 : memref<1x4x128xf32, #tpu.memory_space<vmem>> -> memref<4x128xf32, #tpu.memory_space<vmem>>
    %dma_start3A_856 = arith.constant 0 : i32
    %dma_start3A_857 = tpu.memref_slice %arg2[%dma_start3A_850, %mul3A_849, %dma_start3A_856] : memref<64x128x128xf32, #tpu.memory_space<hbm>> -> memref<1x4x128xf32, #tpu.memory_space<hbm>>
    %dma_start3A_858 = tpu.memref_squeeze %dma_start3A_857 : memref<1x4x128xf32, #tpu.memory_space<hbm>> -> memref<4x128xf32, #tpu.memory_space<hbm>>
    %dma_start3A_859 = arith.constant 0 : i32
    %dma_start3A_860 = arith.constant 0 : i32
    %dma_start3A_861 = tpu.memref_slice %arg7[%dma_start3A_851, %dma_start3A_859, %dma_start3A_860] : memref<64x4x128xf32, #tpu.memory_space<vmem>> -> memref<1x4x128xf32, #tpu.memory_space<vmem>>
    %dma_start3A_862 = tpu.memref_squeeze %dma_start3A_861 : memref<1x4x128xf32, #tpu.memory_space<vmem>> -> memref<4x128xf32, #tpu.memory_space<vmem>>
    %dma_start3A_863 = arith.constant 0 : i32
    %dma_start3A_864 = tpu.memref_slice %arg2[%dma_start3A_850, %mul3A_849, %dma_start3A_863] : memref<64x128x128xf32, #tpu.memory_space<hbm>> -> memref<1x4x128xf32, #tpu.memory_space<hbm>>
    %dma_start3A_865 = tpu.memref_squeeze %dma_start3A_864 : memref<1x4x128xf32, #tpu.memory_space<hbm>> -> memref<4x128xf32, #tpu.memory_space<hbm>>
    tpu.enqueue_dma source(%dma_start3A_865 : memref<4x128xf32, #tpu.memory_space<hbm>>) target(%dma_start3A_862 : memref<4x128xf32, #tpu.memory_space<vmem>>) target_semaphore(%arg17 : memref<!tpu.dma_semaphore, #tpu.memory_space<semaphore_mem>>)
    %mul3A_866 = arith.constant 4 : i32
    %mul3A_867 = arith.muli %mul3A_866, %add3A : i32
    %dma_start3A_868 = arith.constant 48 : i32
    %dma_start3A_869 = arith.constant 48 : i32
    %dma_start3A_870 = arith.constant 0 : i32
    %dma_start3A_871 = arith.constant 0 : i32
    %dma_start3A_872 = tpu.memref_slice %arg7[%dma_start3A_869, %dma_start3A_870, %dma_start3A_871] : memref<64x4x128xf32, #tpu.memory_space<vmem>> -> memref<1x4x128xf32, #tpu.memory_space<vmem>>
    %dma_start3A_873 = tpu.memref_squeeze %dma_start3A_872 : memref<1x4x128xf32, #tpu.memory_space<vmem>> -> memref<4x128xf32, #tpu.memory_space<vmem>>
    %dma_start3A_874 = arith.constant 0 : i32
    %dma_start3A_875 = tpu.memref_slice %arg2[%dma_start3A_868, %mul3A_867, %dma_start3A_874] : memref<64x128x128xf32, #tpu.memory_space<hbm>> -> memref<1x4x128xf32, #tpu.memory_space<hbm>>
    %dma_start3A_876 = tpu.memref_squeeze %dma_start3A_875 : memref<1x4x128xf32, #tpu.memory_space<hbm>> -> memref<4x128xf32, #tpu.memory_space<hbm>>
    %dma_start3A_877 = arith.constant 0 : i32
    %dma_start3A_878 = arith.constant 0 : i32
    %dma_start3A_879 = tpu.memref_slice %arg7[%dma_start3A_869, %dma_start3A_877, %dma_start3A_878] : memref<64x4x128xf32, #tpu.memory_space<vmem>> -> memref<1x4x128xf32, #tpu.memory_space<vmem>>
    %dma_start3A_880 = tpu.memref_squeeze %dma_start3A_879 : memref<1x4x128xf32, #tpu.memory_space<vmem>> -> memref<4x128xf32, #tpu.memory_space<vmem>>
    %dma_start3A_881 = arith.constant 0 : i32
    %dma_start3A_882 = tpu.memref_slice %arg2[%dma_start3A_868, %mul3A_867, %dma_start3A_881] : memref<64x128x128xf32, #tpu.memory_space<hbm>> -> memref<1x4x128xf32, #tpu.memory_space<hbm>>
    %dma_start3A_883 = tpu.memref_squeeze %dma_start3A_882 : memref<1x4x128xf32, #tpu.memory_space<hbm>> -> memref<4x128xf32, #tpu.memory_space<hbm>>
    tpu.enqueue_dma source(%dma_start3A_883 : memref<4x128xf32, #tpu.memory_space<hbm>>) target(%dma_start3A_880 : memref<4x128xf32, #tpu.memory_space<vmem>>) target_semaphore(%arg17 : memref<!tpu.dma_semaphore, #tpu.memory_space<semaphore_mem>>)
    %mul3A_884 = arith.constant 4 : i32
    %mul3A_885 = arith.muli %mul3A_884, %add3A : i32
    %dma_start3A_886 = arith.constant 49 : i32
    %dma_start3A_887 = arith.constant 49 : i32
    %dma_start3A_888 = arith.constant 0 : i32
    %dma_start3A_889 = arith.constant 0 : i32
    %dma_start3A_890 = tpu.memref_slice %arg7[%dma_start3A_887, %dma_start3A_888, %dma_start3A_889] : memref<64x4x128xf32, #tpu.memory_space<vmem>> -> memref<1x4x128xf32, #tpu.memory_space<vmem>>
    %dma_start3A_891 = tpu.memref_squeeze %dma_start3A_890 : memref<1x4x128xf32, #tpu.memory_space<vmem>> -> memref<4x128xf32, #tpu.memory_space<vmem>>
    %dma_start3A_892 = arith.constant 0 : i32
    %dma_start3A_893 = tpu.memref_slice %arg2[%dma_start3A_886, %mul3A_885, %dma_start3A_892] : memref<64x128x128xf32, #tpu.memory_space<hbm>> -> memref<1x4x128xf32, #tpu.memory_space<hbm>>
    %dma_start3A_894 = tpu.memref_squeeze %dma_start3A_893 : memref<1x4x128xf32, #tpu.memory_space<hbm>> -> memref<4x128xf32, #tpu.memory_space<hbm>>
    %dma_start3A_895 = arith.constant 0 : i32
    %dma_start3A_896 = arith.constant 0 : i32
    %dma_start3A_897 = tpu.memref_slice %arg7[%dma_start3A_887, %dma_start3A_895, %dma_start3A_896] : memref<64x4x128xf32, #tpu.memory_space<vmem>> -> memref<1x4x128xf32, #tpu.memory_space<vmem>>
    %dma_start3A_898 = tpu.memref_squeeze %dma_start3A_897 : memref<1x4x128xf32, #tpu.memory_space<vmem>> -> memref<4x128xf32, #tpu.memory_space<vmem>>
    %dma_start3A_899 = arith.constant 0 : i32
    %dma_start3A_900 = tpu.memref_slice %arg2[%dma_start3A_886, %mul3A_885, %dma_start3A_899] : memref<64x128x128xf32, #tpu.memory_space<hbm>> -> memref<1x4x128xf32, #tpu.memory_space<hbm>>
    %dma_start3A_901 = tpu.memref_squeeze %dma_start3A_900 : memref<1x4x128xf32, #tpu.memory_space<hbm>> -> memref<4x128xf32, #tpu.memory_space<hbm>>
    tpu.enqueue_dma source(%dma_start3A_901 : memref<4x128xf32, #tpu.memory_space<hbm>>) target(%dma_start3A_898 : memref<4x128xf32, #tpu.memory_space<vmem>>) target_semaphore(%arg17 : memref<!tpu.dma_semaphore, #tpu.memory_space<semaphore_mem>>)
    %mul3A_902 = arith.constant 4 : i32
    %mul3A_903 = arith.muli %mul3A_902, %add3A : i32
    %dma_start3A_904 = arith.constant 50 : i32
    %dma_start3A_905 = arith.constant 50 : i32
    %dma_start3A_906 = arith.constant 0 : i32
    %dma_start3A_907 = arith.constant 0 : i32
    %dma_start3A_908 = tpu.memref_slice %arg7[%dma_start3A_905, %dma_start3A_906, %dma_start3A_907] : memref<64x4x128xf32, #tpu.memory_space<vmem>> -> memref<1x4x128xf32, #tpu.memory_space<vmem>>
    %dma_start3A_909 = tpu.memref_squeeze %dma_start3A_908 : memref<1x4x128xf32, #tpu.memory_space<vmem>> -> memref<4x128xf32, #tpu.memory_space<vmem>>
    %dma_start3A_910 = arith.constant 0 : i32
    %dma_start3A_911 = tpu.memref_slice %arg2[%dma_start3A_904, %mul3A_903, %dma_start3A_910] : memref<64x128x128xf32, #tpu.memory_space<hbm>> -> memref<1x4x128xf32, #tpu.memory_space<hbm>>
    %dma_start3A_912 = tpu.memref_squeeze %dma_start3A_911 : memref<1x4x128xf32, #tpu.memory_space<hbm>> -> memref<4x128xf32, #tpu.memory_space<hbm>>
    %dma_start3A_913 = arith.constant 0 : i32
    %dma_start3A_914 = arith.constant 0 : i32
    %dma_start3A_915 = tpu.memref_slice %arg7[%dma_start3A_905, %dma_start3A_913, %dma_start3A_914] : memref<64x4x128xf32, #tpu.memory_space<vmem>> -> memref<1x4x128xf32, #tpu.memory_space<vmem>>
    %dma_start3A_916 = tpu.memref_squeeze %dma_start3A_915 : memref<1x4x128xf32, #tpu.memory_space<vmem>> -> memref<4x128xf32, #tpu.memory_space<vmem>>
    %dma_start3A_917 = arith.constant 0 : i32
    %dma_start3A_918 = tpu.memref_slice %arg2[%dma_start3A_904, %mul3A_903, %dma_start3A_917] : memref<64x128x128xf32, #tpu.memory_space<hbm>> -> memref<1x4x128xf32, #tpu.memory_space<hbm>>
    %dma_start3A_919 = tpu.memref_squeeze %dma_start3A_918 : memref<1x4x128xf32, #tpu.memory_space<hbm>> -> memref<4x128xf32, #tpu.memory_space<hbm>>
    tpu.enqueue_dma source(%dma_start3A_919 : memref<4x128xf32, #tpu.memory_space<hbm>>) target(%dma_start3A_916 : memref<4x128xf32, #tpu.memory_space<vmem>>) target_semaphore(%arg17 : memref<!tpu.dma_semaphore, #tpu.memory_space<semaphore_mem>>)
    %mul3A_920 = arith.constant 4 : i32
    %mul3A_921 = arith.muli %mul3A_920, %add3A : i32
    %dma_start3A_922 = arith.constant 51 : i32
    %dma_start3A_923 = arith.constant 51 : i32
    %dma_start3A_924 = arith.constant 0 : i32
    %dma_start3A_925 = arith.constant 0 : i32
    %dma_start3A_926 = tpu.memref_slice %arg7[%dma_start3A_923, %dma_start3A_924, %dma_start3A_925] : memref<64x4x128xf32, #tpu.memory_space<vmem>> -> memref<1x4x128xf32, #tpu.memory_space<vmem>>
    %dma_start3A_927 = tpu.memref_squeeze %dma_start3A_926 : memref<1x4x128xf32, #tpu.memory_space<vmem>> -> memref<4x128xf32, #tpu.memory_space<vmem>>
    %dma_start3A_928 = arith.constant 0 : i32
    %dma_start3A_929 = tpu.memref_slice %arg2[%dma_start3A_922, %mul3A_921, %dma_start3A_928] : memref<64x128x128xf32, #tpu.memory_space<hbm>> -> memref<1x4x128xf32, #tpu.memory_space<hbm>>
    %dma_start3A_930 = tpu.memref_squeeze %dma_start3A_929 : memref<1x4x128xf32, #tpu.memory_space<hbm>> -> memref<4x128xf32, #tpu.memory_space<hbm>>
    %dma_start3A_931 = arith.constant 0 : i32
    %dma_start3A_932 = arith.constant 0 : i32
    %dma_start3A_933 = tpu.memref_slice %arg7[%dma_start3A_923, %dma_start3A_931, %dma_start3A_932] : memref<64x4x128xf32, #tpu.memory_space<vmem>> -> memref<1x4x128xf32, #tpu.memory_space<vmem>>
    %dma_start3A_934 = tpu.memref_squeeze %dma_start3A_933 : memref<1x4x128xf32, #tpu.memory_space<vmem>> -> memref<4x128xf32, #tpu.memory_space<vmem>>
    %dma_start3A_935 = arith.constant 0 : i32
    %dma_start3A_936 = tpu.memref_slice %arg2[%dma_start3A_922, %mul3A_921, %dma_start3A_935] : memref<64x128x128xf32, #tpu.memory_space<hbm>> -> memref<1x4x128xf32, #tpu.memory_space<hbm>>
    %dma_start3A_937 = tpu.memref_squeeze %dma_start3A_936 : memref<1x4x128xf32, #tpu.memory_space<hbm>> -> memref<4x128xf32, #tpu.memory_space<hbm>>
    tpu.enqueue_dma source(%dma_start3A_937 : memref<4x128xf32, #tpu.memory_space<hbm>>) target(%dma_start3A_934 : memref<4x128xf32, #tpu.memory_space<vmem>>) target_semaphore(%arg17 : memref<!tpu.dma_semaphore, #tpu.memory_space<semaphore_mem>>)
    %mul3A_938 = arith.constant 4 : i32
    %mul3A_939 = arith.muli %mul3A_938, %add3A : i32
    %dma_start3A_940 = arith.constant 52 : i32
    %dma_start3A_941 = arith.constant 52 : i32
    %dma_start3A_942 = arith.constant 0 : i32
    %dma_start3A_943 = arith.constant 0 : i32
    %dma_start3A_944 = tpu.memref_slice %arg7[%dma_start3A_941, %dma_start3A_942, %dma_start3A_943] : memref<64x4x128xf32, #tpu.memory_space<vmem>> -> memref<1x4x128xf32, #tpu.memory_space<vmem>>
    %dma_start3A_945 = tpu.memref_squeeze %dma_start3A_944 : memref<1x4x128xf32, #tpu.memory_space<vmem>> -> memref<4x128xf32, #tpu.memory_space<vmem>>
    %dma_start3A_946 = arith.constant 0 : i32
    %dma_start3A_947 = tpu.memref_slice %arg2[%dma_start3A_940, %mul3A_939, %dma_start3A_946] : memref<64x128x128xf32, #tpu.memory_space<hbm>> -> memref<1x4x128xf32, #tpu.memory_space<hbm>>
    %dma_start3A_948 = tpu.memref_squeeze %dma_start3A_947 : memref<1x4x128xf32, #tpu.memory_space<hbm>> -> memref<4x128xf32, #tpu.memory_space<hbm>>
    %dma_start3A_949 = arith.constant 0 : i32
    %dma_start3A_950 = arith.constant 0 : i32
    %dma_start3A_951 = tpu.memref_slice %arg7[%dma_start3A_941, %dma_start3A_949, %dma_start3A_950] : memref<64x4x128xf32, #tpu.memory_space<vmem>> -> memref<1x4x128xf32, #tpu.memory_space<vmem>>
    %dma_start3A_952 = tpu.memref_squeeze %dma_start3A_951 : memref<1x4x128xf32, #tpu.memory_space<vmem>> -> memref<4x128xf32, #tpu.memory_space<vmem>>
    %dma_start3A_953 = arith.constant 0 : i32
    %dma_start3A_954 = tpu.memref_slice %arg2[%dma_start3A_940, %mul3A_939, %dma_start3A_953] : memref<64x128x128xf32, #tpu.memory_space<hbm>> -> memref<1x4x128xf32, #tpu.memory_space<hbm>>
    %dma_start3A_955 = tpu.memref_squeeze %dma_start3A_954 : memref<1x4x128xf32, #tpu.memory_space<hbm>> -> memref<4x128xf32, #tpu.memory_space<hbm>>
    tpu.enqueue_dma source(%dma_start3A_955 : memref<4x128xf32, #tpu.memory_space<hbm>>) target(%dma_start3A_952 : memref<4x128xf32, #tpu.memory_space<vmem>>) target_semaphore(%arg17 : memref<!tpu.dma_semaphore, #tpu.memory_space<semaphore_mem>>)
    %mul3A_956 = arith.constant 4 : i32
    %mul3A_957 = arith.muli %mul3A_956, %add3A : i32
    %dma_start3A_958 = arith.constant 53 : i32
    %dma_start3A_959 = arith.constant 53 : i32
    %dma_start3A_960 = arith.constant 0 : i32
    %dma_start3A_961 = arith.constant 0 : i32
    %dma_start3A_962 = tpu.memref_slice %arg7[%dma_start3A_959, %dma_start3A_960, %dma_start3A_961] : memref<64x4x128xf32, #tpu.memory_space<vmem>> -> memref<1x4x128xf32, #tpu.memory_space<vmem>>
    %dma_start3A_963 = tpu.memref_squeeze %dma_start3A_962 : memref<1x4x128xf32, #tpu.memory_space<vmem>> -> memref<4x128xf32, #tpu.memory_space<vmem>>
    %dma_start3A_964 = arith.constant 0 : i32
    %dma_start3A_965 = tpu.memref_slice %arg2[%dma_start3A_958, %mul3A_957, %dma_start3A_964] : memref<64x128x128xf32, #tpu.memory_space<hbm>> -> memref<1x4x128xf32, #tpu.memory_space<hbm>>
    %dma_start3A_966 = tpu.memref_squeeze %dma_start3A_965 : memref<1x4x128xf32, #tpu.memory_space<hbm>> -> memref<4x128xf32, #tpu.memory_space<hbm>>
    %dma_start3A_967 = arith.constant 0 : i32
    %dma_start3A_968 = arith.constant 0 : i32
    %dma_start3A_969 = tpu.memref_slice %arg7[%dma_start3A_959, %dma_start3A_967, %dma_start3A_968] : memref<64x4x128xf32, #tpu.memory_space<vmem>> -> memref<1x4x128xf32, #tpu.memory_space<vmem>>
    %dma_start3A_970 = tpu.memref_squeeze %dma_start3A_969 : memref<1x4x128xf32, #tpu.memory_space<vmem>> -> memref<4x128xf32, #tpu.memory_space<vmem>>
    %dma_start3A_971 = arith.constant 0 : i32
    %dma_start3A_972 = tpu.memref_slice %arg2[%dma_start3A_958, %mul3A_957, %dma_start3A_971] : memref<64x128x128xf32, #tpu.memory_space<hbm>> -> memref<1x4x128xf32, #tpu.memory_space<hbm>>
    %dma_start3A_973 = tpu.memref_squeeze %dma_start3A_972 : memref<1x4x128xf32, #tpu.memory_space<hbm>> -> memref<4x128xf32, #tpu.memory_space<hbm>>
    tpu.enqueue_dma source(%dma_start3A_973 : memref<4x128xf32, #tpu.memory_space<hbm>>) target(%dma_start3A_970 : memref<4x128xf32, #tpu.memory_space<vmem>>) target_semaphore(%arg17 : memref<!tpu.dma_semaphore, #tpu.memory_space<semaphore_mem>>)
    %mul3A_974 = arith.constant 4 : i32
    %mul3A_975 = arith.muli %mul3A_974, %add3A : i32
    %dma_start3A_976 = arith.constant 54 : i32
    %dma_start3A_977 = arith.constant 54 : i32
    %dma_start3A_978 = arith.constant 0 : i32
    %dma_start3A_979 = arith.constant 0 : i32
    %dma_start3A_980 = tpu.memref_slice %arg7[%dma_start3A_977, %dma_start3A_978, %dma_start3A_979] : memref<64x4x128xf32, #tpu.memory_space<vmem>> -> memref<1x4x128xf32, #tpu.memory_space<vmem>>
    %dma_start3A_981 = tpu.memref_squeeze %dma_start3A_980 : memref<1x4x128xf32, #tpu.memory_space<vmem>> -> memref<4x128xf32, #tpu.memory_space<vmem>>
    %dma_start3A_982 = arith.constant 0 : i32
    %dma_start3A_983 = tpu.memref_slice %arg2[%dma_start3A_976, %mul3A_975, %dma_start3A_982] : memref<64x128x128xf32, #tpu.memory_space<hbm>> -> memref<1x4x128xf32, #tpu.memory_space<hbm>>
    %dma_start3A_984 = tpu.memref_squeeze %dma_start3A_983 : memref<1x4x128xf32, #tpu.memory_space<hbm>> -> memref<4x128xf32, #tpu.memory_space<hbm>>
    %dma_start3A_985 = arith.constant 0 : i32
    %dma_start3A_986 = arith.constant 0 : i32
    %dma_start3A_987 = tpu.memref_slice %arg7[%dma_start3A_977, %dma_start3A_985, %dma_start3A_986] : memref<64x4x128xf32, #tpu.memory_space<vmem>> -> memref<1x4x128xf32, #tpu.memory_space<vmem>>
    %dma_start3A_988 = tpu.memref_squeeze %dma_start3A_987 : memref<1x4x128xf32, #tpu.memory_space<vmem>> -> memref<4x128xf32, #tpu.memory_space<vmem>>
    %dma_start3A_989 = arith.constant 0 : i32
    %dma_start3A_990 = tpu.memref_slice %arg2[%dma_start3A_976, %mul3A_975, %dma_start3A_989] : memref<64x128x128xf32, #tpu.memory_space<hbm>> -> memref<1x4x128xf32, #tpu.memory_space<hbm>>
    %dma_start3A_991 = tpu.memref_squeeze %dma_start3A_990 : memref<1x4x128xf32, #tpu.memory_space<hbm>> -> memref<4x128xf32, #tpu.memory_space<hbm>>
    tpu.enqueue_dma source(%dma_start3A_991 : memref<4x128xf32, #tpu.memory_space<hbm>>) target(%dma_start3A_988 : memref<4x128xf32, #tpu.memory_space<vmem>>) target_semaphore(%arg17 : memref<!tpu.dma_semaphore, #tpu.memory_space<semaphore_mem>>)
    %mul3A_992 = arith.constant 4 : i32
    %mul3A_993 = arith.muli %mul3A_992, %add3A : i32
    %dma_start3A_994 = arith.constant 55 : i32
    %dma_start3A_995 = arith.constant 55 : i32
    %dma_start3A_996 = arith.constant 0 : i32
    %dma_start3A_997 = arith.constant 0 : i32
    %dma_start3A_998 = tpu.memref_slice %arg7[%dma_start3A_995, %dma_start3A_996, %dma_start3A_997] : memref<64x4x128xf32, #tpu.memory_space<vmem>> -> memref<1x4x128xf32, #tpu.memory_space<vmem>>
    %dma_start3A_999 = tpu.memref_squeeze %dma_start3A_998 : memref<1x4x128xf32, #tpu.memory_space<vmem>> -> memref<4x128xf32, #tpu.memory_space<vmem>>
    %dma_start3A_1000 = arith.constant 0 : i32
    %dma_start3A_1001 = tpu.memref_slice %arg2[%dma_start3A_994, %mul3A_993, %dma_start3A_1000] : memref<64x128x128xf32, #tpu.memory_space<hbm>> -> memref<1x4x128xf32, #tpu.memory_space<hbm>>
    %dma_start3A_1002 = tpu.memref_squeeze %dma_start3A_1001 : memref<1x4x128xf32, #tpu.memory_space<hbm>> -> memref<4x128xf32, #tpu.memory_space<hbm>>
    %dma_start3A_1003 = arith.constant 0 : i32
    %dma_start3A_1004 = arith.constant 0 : i32
    %dma_start3A_1005 = tpu.memref_slice %arg7[%dma_start3A_995, %dma_start3A_1003, %dma_start3A_1004] : memref<64x4x128xf32, #tpu.memory_space<vmem>> -> memref<1x4x128xf32, #tpu.memory_space<vmem>>
    %dma_start3A_1006 = tpu.memref_squeeze %dma_start3A_1005 : memref<1x4x128xf32, #tpu.memory_space<vmem>> -> memref<4x128xf32, #tpu.memory_space<vmem>>
    %dma_start3A_1007 = arith.constant 0 : i32
    %dma_start3A_1008 = tpu.memref_slice %arg2[%dma_start3A_994, %mul3A_993, %dma_start3A_1007] : memref<64x128x128xf32, #tpu.memory_space<hbm>> -> memref<1x4x128xf32, #tpu.memory_space<hbm>>
    %dma_start3A_1009 = tpu.memref_squeeze %dma_start3A_1008 : memref<1x4x128xf32, #tpu.memory_space<hbm>> -> memref<4x128xf32, #tpu.memory_space<hbm>>
    tpu.enqueue_dma source(%dma_start3A_1009 : memref<4x128xf32, #tpu.memory_space<hbm>>) target(%dma_start3A_1006 : memref<4x128xf32, #tpu.memory_space<vmem>>) target_semaphore(%arg17 : memref<!tpu.dma_semaphore, #tpu.memory_space<semaphore_mem>>)
    %mul3A_1010 = arith.constant 4 : i32
    %mul3A_1011 = arith.muli %mul3A_1010, %add3A : i32
    %dma_start3A_1012 = arith.constant 56 : i32
    %dma_start3A_1013 = arith.constant 56 : i32
    %dma_start3A_1014 = arith.constant 0 : i32
    %dma_start3A_1015 = arith.constant 0 : i32
    %dma_start3A_1016 = tpu.memref_slice %arg7[%dma_start3A_1013, %dma_start3A_1014, %dma_start3A_1015] : memref<64x4x128xf32, #tpu.memory_space<vmem>> -> memref<1x4x128xf32, #tpu.memory_space<vmem>>
    %dma_start3A_1017 = tpu.memref_squeeze %dma_start3A_1016 : memref<1x4x128xf32, #tpu.memory_space<vmem>> -> memref<4x128xf32, #tpu.memory_space<vmem>>
    %dma_start3A_1018 = arith.constant 0 : i32
    %dma_start3A_1019 = tpu.memref_slice %arg2[%dma_start3A_1012, %mul3A_1011, %dma_start3A_1018] : memref<64x128x128xf32, #tpu.memory_space<hbm>> -> memref<1x4x128xf32, #tpu.memory_space<hbm>>
    %dma_start3A_1020 = tpu.memref_squeeze %dma_start3A_1019 : memref<1x4x128xf32, #tpu.memory_space<hbm>> -> memref<4x128xf32, #tpu.memory_space<hbm>>
    %dma_start3A_1021 = arith.constant 0 : i32
    %dma_start3A_1022 = arith.constant 0 : i32
    %dma_start3A_1023 = tpu.memref_slice %arg7[%dma_start3A_1013, %dma_start3A_1021, %dma_start3A_1022] : memref<64x4x128xf32, #tpu.memory_space<vmem>> -> memref<1x4x128xf32, #tpu.memory_space<vmem>>
    %dma_start3A_1024 = tpu.memref_squeeze %dma_start3A_1023 : memref<1x4x128xf32, #tpu.memory_space<vmem>> -> memref<4x128xf32, #tpu.memory_space<vmem>>
    %dma_start3A_1025 = arith.constant 0 : i32
    %dma_start3A_1026 = tpu.memref_slice %arg2[%dma_start3A_1012, %mul3A_1011, %dma_start3A_1025] : memref<64x128x128xf32, #tpu.memory_space<hbm>> -> memref<1x4x128xf32, #tpu.memory_space<hbm>>
    %dma_start3A_1027 = tpu.memref_squeeze %dma_start3A_1026 : memref<1x4x128xf32, #tpu.memory_space<hbm>> -> memref<4x128xf32, #tpu.memory_space<hbm>>
    tpu.enqueue_dma source(%dma_start3A_1027 : memref<4x128xf32, #tpu.memory_space<hbm>>) target(%dma_start3A_1024 : memref<4x128xf32, #tpu.memory_space<vmem>>) target_semaphore(%arg17 : memref<!tpu.dma_semaphore, #tpu.memory_space<semaphore_mem>>)
    %mul3A_1028 = arith.constant 4 : i32
    %mul3A_1029 = arith.muli %mul3A_1028, %add3A : i32
    %dma_start3A_1030 = arith.constant 57 : i32
    %dma_start3A_1031 = arith.constant 57 : i32
    %dma_start3A_1032 = arith.constant 0 : i32
    %dma_start3A_1033 = arith.constant 0 : i32
    %dma_start3A_1034 = tpu.memref_slice %arg7[%dma_start3A_1031, %dma_start3A_1032, %dma_start3A_1033] : memref<64x4x128xf32, #tpu.memory_space<vmem>> -> memref<1x4x128xf32, #tpu.memory_space<vmem>>
    %dma_start3A_1035 = tpu.memref_squeeze %dma_start3A_1034 : memref<1x4x128xf32, #tpu.memory_space<vmem>> -> memref<4x128xf32, #tpu.memory_space<vmem>>
    %dma_start3A_1036 = arith.constant 0 : i32
    %dma_start3A_1037 = tpu.memref_slice %arg2[%dma_start3A_1030, %mul3A_1029, %dma_start3A_1036] : memref<64x128x128xf32, #tpu.memory_space<hbm>> -> memref<1x4x128xf32, #tpu.memory_space<hbm>>
    %dma_start3A_1038 = tpu.memref_squeeze %dma_start3A_1037 : memref<1x4x128xf32, #tpu.memory_space<hbm>> -> memref<4x128xf32, #tpu.memory_space<hbm>>
    %dma_start3A_1039 = arith.constant 0 : i32
    %dma_start3A_1040 = arith.constant 0 : i32
    %dma_start3A_1041 = tpu.memref_slice %arg7[%dma_start3A_1031, %dma_start3A_1039, %dma_start3A_1040] : memref<64x4x128xf32, #tpu.memory_space<vmem>> -> memref<1x4x128xf32, #tpu.memory_space<vmem>>
    %dma_start3A_1042 = tpu.memref_squeeze %dma_start3A_1041 : memref<1x4x128xf32, #tpu.memory_space<vmem>> -> memref<4x128xf32, #tpu.memory_space<vmem>>
    %dma_start3A_1043 = arith.constant 0 : i32
    %dma_start3A_1044 = tpu.memref_slice %arg2[%dma_start3A_1030, %mul3A_1029, %dma_start3A_1043] : memref<64x128x128xf32, #tpu.memory_space<hbm>> -> memref<1x4x128xf32, #tpu.memory_space<hbm>>
    %dma_start3A_1045 = tpu.memref_squeeze %dma_start3A_1044 : memref<1x4x128xf32, #tpu.memory_space<hbm>> -> memref<4x128xf32, #tpu.memory_space<hbm>>
    tpu.enqueue_dma source(%dma_start3A_1045 : memref<4x128xf32, #tpu.memory_space<hbm>>) target(%dma_start3A_1042 : memref<4x128xf32, #tpu.memory_space<vmem>>) target_semaphore(%arg17 : memref<!tpu.dma_semaphore, #tpu.memory_space<semaphore_mem>>)
    %mul3A_1046 = arith.constant 4 : i32
    %mul3A_1047 = arith.muli %mul3A_1046, %add3A : i32
    %dma_start3A_1048 = arith.constant 58 : i32
    %dma_start3A_1049 = arith.constant 58 : i32
    %dma_start3A_1050 = arith.constant 0 : i32
    %dma_start3A_1051 = arith.constant 0 : i32
    %dma_start3A_1052 = tpu.memref_slice %arg7[%dma_start3A_1049, %dma_start3A_1050, %dma_start3A_1051] : memref<64x4x128xf32, #tpu.memory_space<vmem>> -> memref<1x4x128xf32, #tpu.memory_space<vmem>>
    %dma_start3A_1053 = tpu.memref_squeeze %dma_start3A_1052 : memref<1x4x128xf32, #tpu.memory_space<vmem>> -> memref<4x128xf32, #tpu.memory_space<vmem>>
    %dma_start3A_1054 = arith.constant 0 : i32
    %dma_start3A_1055 = tpu.memref_slice %arg2[%dma_start3A_1048, %mul3A_1047, %dma_start3A_1054] : memref<64x128x128xf32, #tpu.memory_space<hbm>> -> memref<1x4x128xf32, #tpu.memory_space<hbm>>
    %dma_start3A_1056 = tpu.memref_squeeze %dma_start3A_1055 : memref<1x4x128xf32, #tpu.memory_space<hbm>> -> memref<4x128xf32, #tpu.memory_space<hbm>>
    %dma_start3A_1057 = arith.constant 0 : i32
    %dma_start3A_1058 = arith.constant 0 : i32
    %dma_start3A_1059 = tpu.memref_slice %arg7[%dma_start3A_1049, %dma_start3A_1057, %dma_start3A_1058] : memref<64x4x128xf32, #tpu.memory_space<vmem>> -> memref<1x4x128xf32, #tpu.memory_space<vmem>>
    %dma_start3A_1060 = tpu.memref_squeeze %dma_start3A_1059 : memref<1x4x128xf32, #tpu.memory_space<vmem>> -> memref<4x128xf32, #tpu.memory_space<vmem>>
    %dma_start3A_1061 = arith.constant 0 : i32
    %dma_start3A_1062 = tpu.memref_slice %arg2[%dma_start3A_1048, %mul3A_1047, %dma_start3A_1061] : memref<64x128x128xf32, #tpu.memory_space<hbm>> -> memref<1x4x128xf32, #tpu.memory_space<hbm>>
    %dma_start3A_1063 = tpu.memref_squeeze %dma_start3A_1062 : memref<1x4x128xf32, #tpu.memory_space<hbm>> -> memref<4x128xf32, #tpu.memory_space<hbm>>
    tpu.enqueue_dma source(%dma_start3A_1063 : memref<4x128xf32, #tpu.memory_space<hbm>>) target(%dma_start3A_1060 : memref<4x128xf32, #tpu.memory_space<vmem>>) target_semaphore(%arg17 : memref<!tpu.dma_semaphore, #tpu.memory_space<semaphore_mem>>)
    %mul3A_1064 = arith.constant 4 : i32
    %mul3A_1065 = arith.muli %mul3A_1064, %add3A : i32
    %dma_start3A_1066 = arith.constant 59 : i32
    %dma_start3A_1067 = arith.constant 59 : i32
    %dma_start3A_1068 = arith.constant 0 : i32
    %dma_start3A_1069 = arith.constant 0 : i32
    %dma_start3A_1070 = tpu.memref_slice %arg7[%dma_start3A_1067, %dma_start3A_1068, %dma_start3A_1069] : memref<64x4x128xf32, #tpu.memory_space<vmem>> -> memref<1x4x128xf32, #tpu.memory_space<vmem>>
    %dma_start3A_1071 = tpu.memref_squeeze %dma_start3A_1070 : memref<1x4x128xf32, #tpu.memory_space<vmem>> -> memref<4x128xf32, #tpu.memory_space<vmem>>
    %dma_start3A_1072 = arith.constant 0 : i32
    %dma_start3A_1073 = tpu.memref_slice %arg2[%dma_start3A_1066, %mul3A_1065, %dma_start3A_1072] : memref<64x128x128xf32, #tpu.memory_space<hbm>> -> memref<1x4x128xf32, #tpu.memory_space<hbm>>
    %dma_start3A_1074 = tpu.memref_squeeze %dma_start3A_1073 : memref<1x4x128xf32, #tpu.memory_space<hbm>> -> memref<4x128xf32, #tpu.memory_space<hbm>>
    %dma_start3A_1075 = arith.constant 0 : i32
    %dma_start3A_1076 = arith.constant 0 : i32
    %dma_start3A_1077 = tpu.memref_slice %arg7[%dma_start3A_1067, %dma_start3A_1075, %dma_start3A_1076] : memref<64x4x128xf32, #tpu.memory_space<vmem>> -> memref<1x4x128xf32, #tpu.memory_space<vmem>>
    %dma_start3A_1078 = tpu.memref_squeeze %dma_start3A_1077 : memref<1x4x128xf32, #tpu.memory_space<vmem>> -> memref<4x128xf32, #tpu.memory_space<vmem>>
    %dma_start3A_1079 = arith.constant 0 : i32
    %dma_start3A_1080 = tpu.memref_slice %arg2[%dma_start3A_1066, %mul3A_1065, %dma_start3A_1079] : memref<64x128x128xf32, #tpu.memory_space<hbm>> -> memref<1x4x128xf32, #tpu.memory_space<hbm>>
    %dma_start3A_1081 = tpu.memref_squeeze %dma_start3A_1080 : memref<1x4x128xf32, #tpu.memory_space<hbm>> -> memref<4x128xf32, #tpu.memory_space<hbm>>
    tpu.enqueue_dma source(%dma_start3A_1081 : memref<4x128xf32, #tpu.memory_space<hbm>>) target(%dma_start3A_1078 : memref<4x128xf32, #tpu.memory_space<vmem>>) target_semaphore(%arg17 : memref<!tpu.dma_semaphore, #tpu.memory_space<semaphore_mem>>)
    %mul3A_1082 = arith.constant 4 : i32
    %mul3A_1083 = arith.muli %mul3A_1082, %add3A : i32
    %dma_start3A_1084 = arith.constant 60 : i32
    %dma_start3A_1085 = arith.constant 60 : i32
    %dma_start3A_1086 = arith.constant 0 : i32
    %dma_start3A_1087 = arith.constant 0 : i32
    %dma_start3A_1088 = tpu.memref_slice %arg7[%dma_start3A_1085, %dma_start3A_1086, %dma_start3A_1087] : memref<64x4x128xf32, #tpu.memory_space<vmem>> -> memref<1x4x128xf32, #tpu.memory_space<vmem>>
    %dma_start3A_1089 = tpu.memref_squeeze %dma_start3A_1088 : memref<1x4x128xf32, #tpu.memory_space<vmem>> -> memref<4x128xf32, #tpu.memory_space<vmem>>
    %dma_start3A_1090 = arith.constant 0 : i32
    %dma_start3A_1091 = tpu.memref_slice %arg2[%dma_start3A_1084, %mul3A_1083, %dma_start3A_1090] : memref<64x128x128xf32, #tpu.memory_space<hbm>> -> memref<1x4x128xf32, #tpu.memory_space<hbm>>
    %dma_start3A_1092 = tpu.memref_squeeze %dma_start3A_1091 : memref<1x4x128xf32, #tpu.memory_space<hbm>> -> memref<4x128xf32, #tpu.memory_space<hbm>>
    %dma_start3A_1093 = arith.constant 0 : i32
    %dma_start3A_1094 = arith.constant 0 : i32
    %dma_start3A_1095 = tpu.memref_slice %arg7[%dma_start3A_1085, %dma_start3A_1093, %dma_start3A_1094] : memref<64x4x128xf32, #tpu.memory_space<vmem>> -> memref<1x4x128xf32, #tpu.memory_space<vmem>>
    %dma_start3A_1096 = tpu.memref_squeeze %dma_start3A_1095 : memref<1x4x128xf32, #tpu.memory_space<vmem>> -> memref<4x128xf32, #tpu.memory_space<vmem>>
    %dma_start3A_1097 = arith.constant 0 : i32
    %dma_start3A_1098 = tpu.memref_slice %arg2[%dma_start3A_1084, %mul3A_1083, %dma_start3A_1097] : memref<64x128x128xf32, #tpu.memory_space<hbm>> -> memref<1x4x128xf32, #tpu.memory_space<hbm>>
    %dma_start3A_1099 = tpu.memref_squeeze %dma_start3A_1098 : memref<1x4x128xf32, #tpu.memory_space<hbm>> -> memref<4x128xf32, #tpu.memory_space<hbm>>
    tpu.enqueue_dma source(%dma_start3A_1099 : memref<4x128xf32, #tpu.memory_space<hbm>>) target(%dma_start3A_1096 : memref<4x128xf32, #tpu.memory_space<vmem>>) target_semaphore(%arg17 : memref<!tpu.dma_semaphore, #tpu.memory_space<semaphore_mem>>)
    %mul3A_1100 = arith.constant 4 : i32
    %mul3A_1101 = arith.muli %mul3A_1100, %add3A : i32
    %dma_start3A_1102 = arith.constant 61 : i32
    %dma_start3A_1103 = arith.constant 61 : i32
    %dma_start3A_1104 = arith.constant 0 : i32
    %dma_start3A_1105 = arith.constant 0 : i32
    %dma_start3A_1106 = tpu.memref_slice %arg7[%dma_start3A_1103, %dma_start3A_1104, %dma_start3A_1105] : memref<64x4x128xf32, #tpu.memory_space<vmem>> -> memref<1x4x128xf32, #tpu.memory_space<vmem>>
    %dma_start3A_1107 = tpu.memref_squeeze %dma_start3A_1106 : memref<1x4x128xf32, #tpu.memory_space<vmem>> -> memref<4x128xf32, #tpu.memory_space<vmem>>
    %dma_start3A_1108 = arith.constant 0 : i32
    %dma_start3A_1109 = tpu.memref_slice %arg2[%dma_start3A_1102, %mul3A_1101, %dma_start3A_1108] : memref<64x128x128xf32, #tpu.memory_space<hbm>> -> memref<1x4x128xf32, #tpu.memory_space<hbm>>
    %dma_start3A_1110 = tpu.memref_squeeze %dma_start3A_1109 : memref<1x4x128xf32, #tpu.memory_space<hbm>> -> memref<4x128xf32, #tpu.memory_space<hbm>>
    %dma_start3A_1111 = arith.constant 0 : i32
    %dma_start3A_1112 = arith.constant 0 : i32
    %dma_start3A_1113 = tpu.memref_slice %arg7[%dma_start3A_1103, %dma_start3A_1111, %dma_start3A_1112] : memref<64x4x128xf32, #tpu.memory_space<vmem>> -> memref<1x4x128xf32, #tpu.memory_space<vmem>>
    %dma_start3A_1114 = tpu.memref_squeeze %dma_start3A_1113 : memref<1x4x128xf32, #tpu.memory_space<vmem>> -> memref<4x128xf32, #tpu.memory_space<vmem>>
    %dma_start3A_1115 = arith.constant 0 : i32
    %dma_start3A_1116 = tpu.memref_slice %arg2[%dma_start3A_1102, %mul3A_1101, %dma_start3A_1115] : memref<64x128x128xf32, #tpu.memory_space<hbm>> -> memref<1x4x128xf32, #tpu.memory_space<hbm>>
    %dma_start3A_1117 = tpu.memref_squeeze %dma_start3A_1116 : memref<1x4x128xf32, #tpu.memory_space<hbm>> -> memref<4x128xf32, #tpu.memory_space<hbm>>
    tpu.enqueue_dma source(%dma_start3A_1117 : memref<4x128xf32, #tpu.memory_space<hbm>>) target(%dma_start3A_1114 : memref<4x128xf32, #tpu.memory_space<vmem>>) target_semaphore(%arg17 : memref<!tpu.dma_semaphore, #tpu.memory_space<semaphore_mem>>)
    %mul3A_1118 = arith.constant 4 : i32
    %mul3A_1119 = arith.muli %mul3A_1118, %add3A : i32
    %dma_start3A_1120 = arith.constant 62 : i32
    %dma_start3A_1121 = arith.constant 62 : i32
    %dma_start3A_1122 = arith.constant 0 : i32
    %dma_start3A_1123 = arith.constant 0 : i32
    %dma_start3A_1124 = tpu.memref_slice %arg7[%dma_start3A_1121, %dma_start3A_1122, %dma_start3A_1123] : memref<64x4x128xf32, #tpu.memory_space<vmem>> -> memref<1x4x128xf32, #tpu.memory_space<vmem>>
    %dma_start3A_1125 = tpu.memref_squeeze %dma_start3A_1124 : memref<1x4x128xf32, #tpu.memory_space<vmem>> -> memref<4x128xf32, #tpu.memory_space<vmem>>
    %dma_start3A_1126 = arith.constant 0 : i32
    %dma_start3A_1127 = tpu.memref_slice %arg2[%dma_start3A_1120, %mul3A_1119, %dma_start3A_1126] : memref<64x128x128xf32, #tpu.memory_space<hbm>> -> memref<1x4x128xf32, #tpu.memory_space<hbm>>
    %dma_start3A_1128 = tpu.memref_squeeze %dma_start3A_1127 : memref<1x4x128xf32, #tpu.memory_space<hbm>> -> memref<4x128xf32, #tpu.memory_space<hbm>>
    %dma_start3A_1129 = arith.constant 0 : i32
    %dma_start3A_1130 = arith.constant 0 : i32
    %dma_start3A_1131 = tpu.memref_slice %arg7[%dma_start3A_1121, %dma_start3A_1129, %dma_start3A_1130] : memref<64x4x128xf32, #tpu.memory_space<vmem>> -> memref<1x4x128xf32, #tpu.memory_space<vmem>>
    %dma_start3A_1132 = tpu.memref_squeeze %dma_start3A_1131 : memref<1x4x128xf32, #tpu.memory_space<vmem>> -> memref<4x128xf32, #tpu.memory_space<vmem>>
    %dma_start3A_1133 = arith.constant 0 : i32
    %dma_start3A_1134 = tpu.memref_slice %arg2[%dma_start3A_1120, %mul3A_1119, %dma_start3A_1133] : memref<64x128x128xf32, #tpu.memory_space<hbm>> -> memref<1x4x128xf32, #tpu.memory_space<hbm>>
    %dma_start3A_1135 = tpu.memref_squeeze %dma_start3A_1134 : memref<1x4x128xf32, #tpu.memory_space<hbm>> -> memref<4x128xf32, #tpu.memory_space<hbm>>
    tpu.enqueue_dma source(%dma_start3A_1135 : memref<4x128xf32, #tpu.memory_space<hbm>>) target(%dma_start3A_1132 : memref<4x128xf32, #tpu.memory_space<vmem>>) target_semaphore(%arg17 : memref<!tpu.dma_semaphore, #tpu.memory_space<semaphore_mem>>)
    %mul3A_1136 = arith.constant 4 : i32
    %mul3A_1137 = arith.muli %mul3A_1136, %add3A : i32
    %dma_start3A_1138 = arith.constant 63 : i32
    %dma_start3A_1139 = arith.constant 63 : i32
    %dma_start3A_1140 = arith.constant 0 : i32
    %dma_start3A_1141 = arith.constant 0 : i32
    %dma_start3A_1142 = tpu.memref_slice %arg7[%dma_start3A_1139, %dma_start3A_1140, %dma_start3A_1141] : memref<64x4x128xf32, #tpu.memory_space<vmem>> -> memref<1x4x128xf32, #tpu.memory_space<vmem>>
    %dma_start3A_1143 = tpu.memref_squeeze %dma_start3A_1142 : memref<1x4x128xf32, #tpu.memory_space<vmem>> -> memref<4x128xf32, #tpu.memory_space<vmem>>
    %dma_start3A_1144 = arith.constant 0 : i32
    %dma_start3A_1145 = tpu.memref_slice %arg2[%dma_start3A_1138, %mul3A_1137, %dma_start3A_1144] : memref<64x128x128xf32, #tpu.memory_space<hbm>> -> memref<1x4x128xf32, #tpu.memory_space<hbm>>
    %dma_start3A_1146 = tpu.memref_squeeze %dma_start3A_1145 : memref<1x4x128xf32, #tpu.memory_space<hbm>> -> memref<4x128xf32, #tpu.memory_space<hbm>>
    %dma_start3A_1147 = arith.constant 0 : i32
    %dma_start3A_1148 = arith.constant 0 : i32
    %dma_start3A_1149 = tpu.memref_slice %arg7[%dma_start3A_1139, %dma_start3A_1147, %dma_start3A_1148] : memref<64x4x128xf32, #tpu.memory_space<vmem>> -> memref<1x4x128xf32, #tpu.memory_space<vmem>>
    %dma_start3A_1150 = tpu.memref_squeeze %dma_start3A_1149 : memref<1x4x128xf32, #tpu.memory_space<vmem>> -> memref<4x128xf32, #tpu.memory_space<vmem>>
    %dma_start3A_1151 = arith.constant 0 : i32
    %dma_start3A_1152 = tpu.memref_slice %arg2[%dma_start3A_1138, %mul3A_1137, %dma_start3A_1151] : memref<64x128x128xf32, #tpu.memory_space<hbm>> -> memref<1x4x128xf32, #tpu.memory_space<hbm>>
    %dma_start3A_1153 = tpu.memref_squeeze %dma_start3A_1152 : memref<1x4x128xf32, #tpu.memory_space<hbm>> -> memref<4x128xf32, #tpu.memory_space<hbm>>
    tpu.enqueue_dma source(%dma_start3A_1153 : memref<4x128xf32, #tpu.memory_space<hbm>>) target(%dma_start3A_1150 : memref<4x128xf32, #tpu.memory_space<vmem>>) target_semaphore(%arg17 : memref<!tpu.dma_semaphore, #tpu.memory_space<semaphore_mem>>)
    %dma_wait3A = arith.constant 0 : i32
    %dma_wait3A_1154 = arith.constant 0 : i32
    %dma_wait3A_1155 = arith.constant 0 : i32
    %dma_wait3A_1156 = arith.constant 0 : i32
    %dma_wait3A_1157 = tpu.memref_slice %arg7[%dma_wait3A_1154, %dma_wait3A_1155, %dma_wait3A_1156] : memref<64x4x128xf32, #tpu.memory_space<vmem>> -> memref<1x4x128xf32, #tpu.memory_space<vmem>>
    %dma_wait3A_1158 = tpu.memref_squeeze %dma_wait3A_1157 : memref<1x4x128xf32, #tpu.memory_space<vmem>> -> memref<4x128xf32, #tpu.memory_space<vmem>>
    %dma_wait3A_1159 = arith.constant 0 : i32
    %dma_wait3A_1160 = tpu.memref_slice %arg2[%dma_wait3A, %mul3A_4, %dma_wait3A_1159] : memref<64x128x128xf32, #tpu.memory_space<hbm>> -> memref<1x4x128xf32, #tpu.memory_space<hbm>>
    %dma_wait3A_1161 = tpu.memref_squeeze %dma_wait3A_1160 : memref<1x4x128xf32, #tpu.memory_space<hbm>> -> memref<4x128xf32, #tpu.memory_space<hbm>>
    %dma_wait3A_1162 = arith.constant 0 : i32
    %dma_wait3A_1163 = arith.constant 0 : i32
    %dma_wait3A_1164 = tpu.memref_slice %arg7[%dma_wait3A_1154, %dma_wait3A_1162, %dma_wait3A_1163] : memref<64x4x128xf32, #tpu.memory_space<vmem>> -> memref<1x4x128xf32, #tpu.memory_space<vmem>>
    %dma_wait3A_1165 = tpu.memref_squeeze %dma_wait3A_1164 : memref<1x4x128xf32, #tpu.memory_space<vmem>> -> memref<4x128xf32, #tpu.memory_space<vmem>>
    %dma_wait3A_1166 = arith.constant 0 : i32
    %dma_wait3A_1167 = tpu.memref_slice %arg2[%dma_wait3A, %mul3A_4, %dma_wait3A_1166] : memref<64x128x128xf32, #tpu.memory_space<hbm>> -> memref<1x4x128xf32, #tpu.memory_space<hbm>>
    %dma_wait3A_1168 = tpu.memref_squeeze %dma_wait3A_1167 : memref<1x4x128xf32, #tpu.memory_space<hbm>> -> memref<4x128xf32, #tpu.memory_space<hbm>>
    tpu.wait_dma2 semaphore(%arg17 : memref<!tpu.dma_semaphore, #tpu.memory_space<semaphore_mem>>) src(%dma_wait3A_1168 : memref<4x128xf32, #tpu.memory_space<hbm>>) dst(%dma_wait3A_1165 : memref<4x128xf32, #tpu.memory_space<vmem>>)
    %dma_wait3A_1169 = arith.constant 1 : i32
    %dma_wait3A_1170 = arith.constant 1 : i32
    %dma_wait3A_1171 = arith.constant 0 : i32
    %dma_wait3A_1172 = arith.constant 0 : i32
    %dma_wait3A_1173 = tpu.memref_slice %arg7[%dma_wait3A_1170, %dma_wait3A_1171, %dma_wait3A_1172] : memref<64x4x128xf32, #tpu.memory_space<vmem>> -> memref<1x4x128xf32, #tpu.memory_space<vmem>>
    %dma_wait3A_1174 = tpu.memref_squeeze %dma_wait3A_1173 : memref<1x4x128xf32, #tpu.memory_space<vmem>> -> memref<4x128xf32, #tpu.memory_space<vmem>>
    %dma_wait3A_1175 = arith.constant 0 : i32
    %dma_wait3A_1176 = tpu.memref_slice %arg2[%dma_wait3A_1169, %mul3A_21, %dma_wait3A_1175] : memref<64x128x128xf32, #tpu.memory_space<hbm>> -> memref<1x4x128xf32, #tpu.memory_space<hbm>>
    %dma_wait3A_1177 = tpu.memref_squeeze %dma_wait3A_1176 : memref<1x4x128xf32, #tpu.memory_space<hbm>> -> memref<4x128xf32, #tpu.memory_space<hbm>>
    %dma_wait3A_1178 = arith.constant 0 : i32
    %dma_wait3A_1179 = arith.constant 0 : i32
    %dma_wait3A_1180 = tpu.memref_slice %arg7[%dma_wait3A_1170, %dma_wait3A_1178, %dma_wait3A_1179] : memref<64x4x128xf32, #tpu.memory_space<vmem>> -> memref<1x4x128xf32, #tpu.memory_space<vmem>>
    %dma_wait3A_1181 = tpu.memref_squeeze %dma_wait3A_1180 : memref<1x4x128xf32, #tpu.memory_space<vmem>> -> memref<4x128xf32, #tpu.memory_space<vmem>>
    %dma_wait3A_1182 = arith.constant 0 : i32
    %dma_wait3A_1183 = tpu.memref_slice %arg2[%dma_wait3A_1169, %mul3A_21, %dma_wait3A_1182] : memref<64x128x128xf32, #tpu.memory_space<hbm>> -> memref<1x4x128xf32, #tpu.memory_space<hbm>>
    %dma_wait3A_1184 = tpu.memref_squeeze %dma_wait3A_1183 : memref<1x4x128xf32, #tpu.memory_space<hbm>> -> memref<4x128xf32, #tpu.memory_space<hbm>>
    tpu.wait_dma2 semaphore(%arg17 : memref<!tpu.dma_semaphore, #tpu.memory_space<semaphore_mem>>) src(%dma_wait3A_1184 : memref<4x128xf32, #tpu.memory_space<hbm>>) dst(%dma_wait3A_1181 : memref<4x128xf32, #tpu.memory_space<vmem>>)
    %dma_wait3A_1185 = arith.constant 2 : i32
    %dma_wait3A_1186 = arith.constant 2 : i32
    %dma_wait3A_1187 = arith.constant 0 : i32
    %dma_wait3A_1188 = arith.constant 0 : i32
    %dma_wait3A_1189 = tpu.memref_slice %arg7[%dma_wait3A_1186, %dma_wait3A_1187, %dma_wait3A_1188] : memref<64x4x128xf32, #tpu.memory_space<vmem>> -> memref<1x4x128xf32, #tpu.memory_space<vmem>>
    %dma_wait3A_1190 = tpu.memref_squeeze %dma_wait3A_1189 : memref<1x4x128xf32, #tpu.memory_space<vmem>> -> memref<4x128xf32, #tpu.memory_space<vmem>>
    %dma_wait3A_1191 = arith.constant 0 : i32
    %dma_wait3A_1192 = tpu.memref_slice %arg2[%dma_wait3A_1185, %mul3A_39, %dma_wait3A_1191] : memref<64x128x128xf32, #tpu.memory_space<hbm>> -> memref<1x4x128xf32, #tpu.memory_space<hbm>>
    %dma_wait3A_1193 = tpu.memref_squeeze %dma_wait3A_1192 : memref<1x4x128xf32, #tpu.memory_space<hbm>> -> memref<4x128xf32, #tpu.memory_space<hbm>>
    %dma_wait3A_1194 = arith.constant 0 : i32
    %dma_wait3A_1195 = arith.constant 0 : i32
    %dma_wait3A_1196 = tpu.memref_slice %arg7[%dma_wait3A_1186, %dma_wait3A_1194, %dma_wait3A_1195] : memref<64x4x128xf32, #tpu.memory_space<vmem>> -> memref<1x4x128xf32, #tpu.memory_space<vmem>>
    %dma_wait3A_1197 = tpu.memref_squeeze %dma_wait3A_1196 : memref<1x4x128xf32, #tpu.memory_space<vmem>> -> memref<4x128xf32, #tpu.memory_space<vmem>>
    %dma_wait3A_1198 = arith.constant 0 : i32
    %dma_wait3A_1199 = tpu.memref_slice %arg2[%dma_wait3A_1185, %mul3A_39, %dma_wait3A_1198] : memref<64x128x128xf32, #tpu.memory_space<hbm>> -> memref<1x4x128xf32, #tpu.memory_space<hbm>>
    %dma_wait3A_1200 = tpu.memref_squeeze %dma_wait3A_1199 : memref<1x4x128xf32, #tpu.memory_space<hbm>> -> memref<4x128xf32, #tpu.memory_space<hbm>>
    tpu.wait_dma2 semaphore(%arg17 : memref<!tpu.dma_semaphore, #tpu.memory_space<semaphore_mem>>) src(%dma_wait3A_1200 : memref<4x128xf32, #tpu.memory_space<hbm>>) dst(%dma_wait3A_1197 : memref<4x128xf32, #tpu.memory_space<vmem>>)
    %dma_wait3A_1201 = arith.constant 3 : i32
    %dma_wait3A_1202 = arith.constant 3 : i32
    %dma_wait3A_1203 = arith.constant 0 : i32
    %dma_wait3A_1204 = arith.constant 0 : i32
    %dma_wait3A_1205 = tpu.memref_slice %arg7[%dma_wait3A_1202, %dma_wait3A_1203, %dma_wait3A_1204] : memref<64x4x128xf32, #tpu.memory_space<vmem>> -> memref<1x4x128xf32, #tpu.memory_space<vmem>>
    %dma_wait3A_1206 = tpu.memref_squeeze %dma_wait3A_1205 : memref<1x4x128xf32, #tpu.memory_space<vmem>> -> memref<4x128xf32, #tpu.memory_space<vmem>>
    %dma_wait3A_1207 = arith.constant 0 : i32
    %dma_wait3A_1208 = tpu.memref_slice %arg2[%dma_wait3A_1201, %mul3A_57, %dma_wait3A_1207] : memref<64x128x128xf32, #tpu.memory_space<hbm>> -> memref<1x4x128xf32, #tpu.memory_space<hbm>>
    %dma_wait3A_1209 = tpu.memref_squeeze %dma_wait3A_1208 : memref<1x4x128xf32, #tpu.memory_space<hbm>> -> memref<4x128xf32, #tpu.memory_space<hbm>>
    %dma_wait3A_1210 = arith.constant 0 : i32
    %dma_wait3A_1211 = arith.constant 0 : i32
    %dma_wait3A_1212 = tpu.memref_slice %arg7[%dma_wait3A_1202, %dma_wait3A_1210, %dma_wait3A_1211] : memref<64x4x128xf32, #tpu.memory_space<vmem>> -> memref<1x4x128xf32, #tpu.memory_space<vmem>>
    %dma_wait3A_1213 = tpu.memref_squeeze %dma_wait3A_1212 : memref<1x4x128xf32, #tpu.memory_space<vmem>> -> memref<4x128xf32, #tpu.memory_space<vmem>>
    %dma_wait3A_1214 = arith.constant 0 : i32
    %dma_wait3A_1215 = tpu.memref_slice %arg2[%dma_wait3A_1201, %mul3A_57, %dma_wait3A_1214] : memref<64x128x128xf32, #tpu.memory_space<hbm>> -> memref<1x4x128xf32, #tpu.memory_space<hbm>>
    %dma_wait3A_1216 = tpu.memref_squeeze %dma_wait3A_1215 : memref<1x4x128xf32, #tpu.memory_space<hbm>> -> memref<4x128xf32, #tpu.memory_space<hbm>>
    tpu.wait_dma2 semaphore(%arg17 : memref<!tpu.dma_semaphore, #tpu.memory_space<semaphore_mem>>) src(%dma_wait3A_1216 : memref<4x128xf32, #tpu.memory_space<hbm>>) dst(%dma_wait3A_1213 : memref<4x128xf32, #tpu.memory_space<vmem>>)
    %dma_wait3A_1217 = arith.constant 4 : i32
    %dma_wait3A_1218 = arith.constant 4 : i32
    %dma_wait3A_1219 = arith.constant 0 : i32
    %dma_wait3A_1220 = arith.constant 0 : i32
    %dma_wait3A_1221 = tpu.memref_slice %arg7[%dma_wait3A_1218, %dma_wait3A_1219, %dma_wait3A_1220] : memref<64x4x128xf32, #tpu.memory_space<vmem>> -> memref<1x4x128xf32, #tpu.memory_space<vmem>>
    %dma_wait3A_1222 = tpu.memref_squeeze %dma_wait3A_1221 : memref<1x4x128xf32, #tpu.memory_space<vmem>> -> memref<4x128xf32, #tpu.memory_space<vmem>>
    %dma_wait3A_1223 = arith.constant 0 : i32
    %dma_wait3A_1224 = tpu.memref_slice %arg2[%dma_wait3A_1217, %mul3A_75, %dma_wait3A_1223] : memref<64x128x128xf32, #tpu.memory_space<hbm>> -> memref<1x4x128xf32, #tpu.memory_space<hbm>>
    %dma_wait3A_1225 = tpu.memref_squeeze %dma_wait3A_1224 : memref<1x4x128xf32, #tpu.memory_space<hbm>> -> memref<4x128xf32, #tpu.memory_space<hbm>>
    %dma_wait3A_1226 = arith.constant 0 : i32
    %dma_wait3A_1227 = arith.constant 0 : i32
    %dma_wait3A_1228 = tpu.memref_slice %arg7[%dma_wait3A_1218, %dma_wait3A_1226, %dma_wait3A_1227] : memref<64x4x128xf32, #tpu.memory_space<vmem>> -> memref<1x4x128xf32, #tpu.memory_space<vmem>>
    %dma_wait3A_1229 = tpu.memref_squeeze %dma_wait3A_1228 : memref<1x4x128xf32, #tpu.memory_space<vmem>> -> memref<4x128xf32, #tpu.memory_space<vmem>>
    %dma_wait3A_1230 = arith.constant 0 : i32
    %dma_wait3A_1231 = tpu.memref_slice %arg2[%dma_wait3A_1217, %mul3A_75, %dma_wait3A_1230] : memref<64x128x128xf32, #tpu.memory_space<hbm>> -> memref<1x4x128xf32, #tpu.memory_space<hbm>>
    %dma_wait3A_1232 = tpu.memref_squeeze %dma_wait3A_1231 : memref<1x4x128xf32, #tpu.memory_space<hbm>> -> memref<4x128xf32, #tpu.memory_space<hbm>>
    tpu.wait_dma2 semaphore(%arg17 : memref<!tpu.dma_semaphore, #tpu.memory_space<semaphore_mem>>) src(%dma_wait3A_1232 : memref<4x128xf32, #tpu.memory_space<hbm>>) dst(%dma_wait3A_1229 : memref<4x128xf32, #tpu.memory_space<vmem>>)
    %dma_wait3A_1233 = arith.constant 5 : i32
    %dma_wait3A_1234 = arith.constant 5 : i32
    %dma_wait3A_1235 = arith.constant 0 : i32
    %dma_wait3A_1236 = arith.constant 0 : i32
    %dma_wait3A_1237 = tpu.memref_slice %arg7[%dma_wait3A_1234, %dma_wait3A_1235, %dma_wait3A_1236] : memref<64x4x128xf32, #tpu.memory_space<vmem>> -> memref<1x4x128xf32, #tpu.memory_space<vmem>>
    %dma_wait3A_1238 = tpu.memref_squeeze %dma_wait3A_1237 : memref<1x4x128xf32, #tpu.memory_space<vmem>> -> memref<4x128xf32, #tpu.memory_space<vmem>>
    %dma_wait3A_1239 = arith.constant 0 : i32
    %dma_wait3A_1240 = tpu.memref_slice %arg2[%dma_wait3A_1233, %mul3A_93, %dma_wait3A_1239] : memref<64x128x128xf32, #tpu.memory_space<hbm>> -> memref<1x4x128xf32, #tpu.memory_space<hbm>>
    %dma_wait3A_1241 = tpu.memref_squeeze %dma_wait3A_1240 : memref<1x4x128xf32, #tpu.memory_space<hbm>> -> memref<4x128xf32, #tpu.memory_space<hbm>>
    %dma_wait3A_1242 = arith.constant 0 : i32
    %dma_wait3A_1243 = arith.constant 0 : i32
    %dma_wait3A_1244 = tpu.memref_slice %arg7[%dma_wait3A_1234, %dma_wait3A_1242, %dma_wait3A_1243] : memref<64x4x128xf32, #tpu.memory_space<vmem>> -> memref<1x4x128xf32, #tpu.memory_space<vmem>>
    %dma_wait3A_1245 = tpu.memref_squeeze %dma_wait3A_1244 : memref<1x4x128xf32, #tpu.memory_space<vmem>> -> memref<4x128xf32, #tpu.memory_space<vmem>>
    %dma_wait3A_1246 = arith.constant 0 : i32
    %dma_wait3A_1247 = tpu.memref_slice %arg2[%dma_wait3A_1233, %mul3A_93, %dma_wait3A_1246] : memref<64x128x128xf32, #tpu.memory_space<hbm>> -> memref<1x4x128xf32, #tpu.memory_space<hbm>>
    %dma_wait3A_1248 = tpu.memref_squeeze %dma_wait3A_1247 : memref<1x4x128xf32, #tpu.memory_space<hbm>> -> memref<4x128xf32, #tpu.memory_space<hbm>>
    tpu.wait_dma2 semaphore(%arg17 : memref<!tpu.dma_semaphore, #tpu.memory_space<semaphore_mem>>) src(%dma_wait3A_1248 : memref<4x128xf32, #tpu.memory_space<hbm>>) dst(%dma_wait3A_1245 : memref<4x128xf32, #tpu.memory_space<vmem>>)
    %dma_wait3A_1249 = arith.constant 6 : i32
    %dma_wait3A_1250 = arith.constant 6 : i32
    %dma_wait3A_1251 = arith.constant 0 : i32
    %dma_wait3A_1252 = arith.constant 0 : i32
    %dma_wait3A_1253 = tpu.memref_slice %arg7[%dma_wait3A_1250, %dma_wait3A_1251, %dma_wait3A_1252] : memref<64x4x128xf32, #tpu.memory_space<vmem>> -> memref<1x4x128xf32, #tpu.memory_space<vmem>>
    %dma_wait3A_1254 = tpu.memref_squeeze %dma_wait3A_1253 : memref<1x4x128xf32, #tpu.memory_space<vmem>> -> memref<4x128xf32, #tpu.memory_space<vmem>>
    %dma_wait3A_1255 = arith.constant 0 : i32
    %dma_wait3A_1256 = tpu.memref_slice %arg2[%dma_wait3A_1249, %mul3A_111, %dma_wait3A_1255] : memref<64x128x128xf32, #tpu.memory_space<hbm>> -> memref<1x4x128xf32, #tpu.memory_space<hbm>>
    %dma_wait3A_1257 = tpu.memref_squeeze %dma_wait3A_1256 : memref<1x4x128xf32, #tpu.memory_space<hbm>> -> memref<4x128xf32, #tpu.memory_space<hbm>>
    %dma_wait3A_1258 = arith.constant 0 : i32
    %dma_wait3A_1259 = arith.constant 0 : i32
    %dma_wait3A_1260 = tpu.memref_slice %arg7[%dma_wait3A_1250, %dma_wait3A_1258, %dma_wait3A_1259] : memref<64x4x128xf32, #tpu.memory_space<vmem>> -> memref<1x4x128xf32, #tpu.memory_space<vmem>>
    %dma_wait3A_1261 = tpu.memref_squeeze %dma_wait3A_1260 : memref<1x4x128xf32, #tpu.memory_space<vmem>> -> memref<4x128xf32, #tpu.memory_space<vmem>>
    %dma_wait3A_1262 = arith.constant 0 : i32
    %dma_wait3A_1263 = tpu.memref_slice %arg2[%dma_wait3A_1249, %mul3A_111, %dma_wait3A_1262] : memref<64x128x128xf32, #tpu.memory_space<hbm>> -> memref<1x4x128xf32, #tpu.memory_space<hbm>>
    %dma_wait3A_1264 = tpu.memref_squeeze %dma_wait3A_1263 : memref<1x4x128xf32, #tpu.memory_space<hbm>> -> memref<4x128xf32, #tpu.memory_space<hbm>>
    tpu.wait_dma2 semaphore(%arg17 : memref<!tpu.dma_semaphore, #tpu.memory_space<semaphore_mem>>) src(%dma_wait3A_1264 : memref<4x128xf32, #tpu.memory_space<hbm>>) dst(%dma_wait3A_1261 : memref<4x128xf32, #tpu.memory_space<vmem>>)
    %dma_wait3A_1265 = arith.constant 7 : i32
    %dma_wait3A_1266 = arith.constant 7 : i32
    %dma_wait3A_1267 = arith.constant 0 : i32
    %dma_wait3A_1268 = arith.constant 0 : i32
    %dma_wait3A_1269 = tpu.memref_slice %arg7[%dma_wait3A_1266, %dma_wait3A_1267, %dma_wait3A_1268] : memref<64x4x128xf32, #tpu.memory_space<vmem>> -> memref<1x4x128xf32, #tpu.memory_space<vmem>>
    %dma_wait3A_1270 = tpu.memref_squeeze %dma_wait3A_1269 : memref<1x4x128xf32, #tpu.memory_space<vmem>> -> memref<4x128xf32, #tpu.memory_space<vmem>>
    %dma_wait3A_1271 = arith.constant 0 : i32
    %dma_wait3A_1272 = tpu.memref_slice %arg2[%dma_wait3A_1265, %mul3A_129, %dma_wait3A_1271] : memref<64x128x128xf32, #tpu.memory_space<hbm>> -> memref<1x4x128xf32, #tpu.memory_space<hbm>>
    %dma_wait3A_1273 = tpu.memref_squeeze %dma_wait3A_1272 : memref<1x4x128xf32, #tpu.memory_space<hbm>> -> memref<4x128xf32, #tpu.memory_space<hbm>>
    %dma_wait3A_1274 = arith.constant 0 : i32
    %dma_wait3A_1275 = arith.constant 0 : i32
    %dma_wait3A_1276 = tpu.memref_slice %arg7[%dma_wait3A_1266, %dma_wait3A_1274, %dma_wait3A_1275] : memref<64x4x128xf32, #tpu.memory_space<vmem>> -> memref<1x4x128xf32, #tpu.memory_space<vmem>>
    %dma_wait3A_1277 = tpu.memref_squeeze %dma_wait3A_1276 : memref<1x4x128xf32, #tpu.memory_space<vmem>> -> memref<4x128xf32, #tpu.memory_space<vmem>>
    %dma_wait3A_1278 = arith.constant 0 : i32
    %dma_wait3A_1279 = tpu.memref_slice %arg2[%dma_wait3A_1265, %mul3A_129, %dma_wait3A_1278] : memref<64x128x128xf32, #tpu.memory_space<hbm>> -> memref<1x4x128xf32, #tpu.memory_space<hbm>>
    %dma_wait3A_1280 = tpu.memref_squeeze %dma_wait3A_1279 : memref<1x4x128xf32, #tpu.memory_space<hbm>> -> memref<4x128xf32, #tpu.memory_space<hbm>>
    tpu.wait_dma2 semaphore(%arg17 : memref<!tpu.dma_semaphore, #tpu.memory_space<semaphore_mem>>) src(%dma_wait3A_1280 : memref<4x128xf32, #tpu.memory_space<hbm>>) dst(%dma_wait3A_1277 : memref<4x128xf32, #tpu.memory_space<vmem>>)
    %dma_wait3A_1281 = arith.constant 8 : i32
    %dma_wait3A_1282 = arith.constant 8 : i32
    %dma_wait3A_1283 = arith.constant 0 : i32
    %dma_wait3A_1284 = arith.constant 0 : i32
    %dma_wait3A_1285 = tpu.memref_slice %arg7[%dma_wait3A_1282, %dma_wait3A_1283, %dma_wait3A_1284] : memref<64x4x128xf32, #tpu.memory_space<vmem>> -> memref<1x4x128xf32, #tpu.memory_space<vmem>>
    %dma_wait3A_1286 = tpu.memref_squeeze %dma_wait3A_1285 : memref<1x4x128xf32, #tpu.memory_space<vmem>> -> memref<4x128xf32, #tpu.memory_space<vmem>>
    %dma_wait3A_1287 = arith.constant 0 : i32
    %dma_wait3A_1288 = tpu.memref_slice %arg2[%dma_wait3A_1281, %mul3A_147, %dma_wait3A_1287] : memref<64x128x128xf32, #tpu.memory_space<hbm>> -> memref<1x4x128xf32, #tpu.memory_space<hbm>>
    %dma_wait3A_1289 = tpu.memref_squeeze %dma_wait3A_1288 : memref<1x4x128xf32, #tpu.memory_space<hbm>> -> memref<4x128xf32, #tpu.memory_space<hbm>>
    %dma_wait3A_1290 = arith.constant 0 : i32
    %dma_wait3A_1291 = arith.constant 0 : i32
    %dma_wait3A_1292 = tpu.memref_slice %arg7[%dma_wait3A_1282, %dma_wait3A_1290, %dma_wait3A_1291] : memref<64x4x128xf32, #tpu.memory_space<vmem>> -> memref<1x4x128xf32, #tpu.memory_space<vmem>>
    %dma_wait3A_1293 = tpu.memref_squeeze %dma_wait3A_1292 : memref<1x4x128xf32, #tpu.memory_space<vmem>> -> memref<4x128xf32, #tpu.memory_space<vmem>>
    %dma_wait3A_1294 = arith.constant 0 : i32
    %dma_wait3A_1295 = tpu.memref_slice %arg2[%dma_wait3A_1281, %mul3A_147, %dma_wait3A_1294] : memref<64x128x128xf32, #tpu.memory_space<hbm>> -> memref<1x4x128xf32, #tpu.memory_space<hbm>>
    %dma_wait3A_1296 = tpu.memref_squeeze %dma_wait3A_1295 : memref<1x4x128xf32, #tpu.memory_space<hbm>> -> memref<4x128xf32, #tpu.memory_space<hbm>>
    tpu.wait_dma2 semaphore(%arg17 : memref<!tpu.dma_semaphore, #tpu.memory_space<semaphore_mem>>) src(%dma_wait3A_1296 : memref<4x128xf32, #tpu.memory_space<hbm>>) dst(%dma_wait3A_1293 : memref<4x128xf32, #tpu.memory_space<vmem>>)
    %dma_wait3A_1297 = arith.constant 9 : i32
    %dma_wait3A_1298 = arith.constant 9 : i32
    %dma_wait3A_1299 = arith.constant 0 : i32
    %dma_wait3A_1300 = arith.constant 0 : i32
    %dma_wait3A_1301 = tpu.memref_slice %arg7[%dma_wait3A_1298, %dma_wait3A_1299, %dma_wait3A_1300] : memref<64x4x128xf32, #tpu.memory_space<vmem>> -> memref<1x4x128xf32, #tpu.memory_space<vmem>>
    %dma_wait3A_1302 = tpu.memref_squeeze %dma_wait3A_1301 : memref<1x4x128xf32, #tpu.memory_space<vmem>> -> memref<4x128xf32, #tpu.memory_space<vmem>>
    %dma_wait3A_1303 = arith.constant 0 : i32
    %dma_wait3A_1304 = tpu.memref_slice %arg2[%dma_wait3A_1297, %mul3A_165, %dma_wait3A_1303] : memref<64x128x128xf32, #tpu.memory_space<hbm>> -> memref<1x4x128xf32, #tpu.memory_space<hbm>>
    %dma_wait3A_1305 = tpu.memref_squeeze %dma_wait3A_1304 : memref<1x4x128xf32, #tpu.memory_space<hbm>> -> memref<4x128xf32, #tpu.memory_space<hbm>>
    %dma_wait3A_1306 = arith.constant 0 : i32
    %dma_wait3A_1307 = arith.constant 0 : i32
    %dma_wait3A_1308 = tpu.memref_slice %arg7[%dma_wait3A_1298, %dma_wait3A_1306, %dma_wait3A_1307] : memref<64x4x128xf32, #tpu.memory_space<vmem>> -> memref<1x4x128xf32, #tpu.memory_space<vmem>>
    %dma_wait3A_1309 = tpu.memref_squeeze %dma_wait3A_1308 : memref<1x4x128xf32, #tpu.memory_space<vmem>> -> memref<4x128xf32, #tpu.memory_space<vmem>>
    %dma_wait3A_1310 = arith.constant 0 : i32
    %dma_wait3A_1311 = tpu.memref_slice %arg2[%dma_wait3A_1297, %mul3A_165, %dma_wait3A_1310] : memref<64x128x128xf32, #tpu.memory_space<hbm>> -> memref<1x4x128xf32, #tpu.memory_space<hbm>>
    %dma_wait3A_1312 = tpu.memref_squeeze %dma_wait3A_1311 : memref<1x4x128xf32, #tpu.memory_space<hbm>> -> memref<4x128xf32, #tpu.memory_space<hbm>>
    tpu.wait_dma2 semaphore(%arg17 : memref<!tpu.dma_semaphore, #tpu.memory_space<semaphore_mem>>) src(%dma_wait3A_1312 : memref<4x128xf32, #tpu.memory_space<hbm>>) dst(%dma_wait3A_1309 : memref<4x128xf32, #tpu.memory_space<vmem>>)
    %dma_wait3A_1313 = arith.constant 10 : i32
    %dma_wait3A_1314 = arith.constant 10 : i32
    %dma_wait3A_1315 = arith.constant 0 : i32
    %dma_wait3A_1316 = arith.constant 0 : i32
    %dma_wait3A_1317 = tpu.memref_slice %arg7[%dma_wait3A_1314, %dma_wait3A_1315, %dma_wait3A_1316] : memref<64x4x128xf32, #tpu.memory_space<vmem>> -> memref<1x4x128xf32, #tpu.memory_space<vmem>>
    %dma_wait3A_1318 = tpu.memref_squeeze %dma_wait3A_1317 : memref<1x4x128xf32, #tpu.memory_space<vmem>> -> memref<4x128xf32, #tpu.memory_space<vmem>>
    %dma_wait3A_1319 = arith.constant 0 : i32
    %dma_wait3A_1320 = tpu.memref_slice %arg2[%dma_wait3A_1313, %mul3A_183, %dma_wait3A_1319] : memref<64x128x128xf32, #tpu.memory_space<hbm>> -> memref<1x4x128xf32, #tpu.memory_space<hbm>>
    %dma_wait3A_1321 = tpu.memref_squeeze %dma_wait3A_1320 : memref<1x4x128xf32, #tpu.memory_space<hbm>> -> memref<4x128xf32, #tpu.memory_space<hbm>>
    %dma_wait3A_1322 = arith.constant 0 : i32
    %dma_wait3A_1323 = arith.constant 0 : i32
    %dma_wait3A_1324 = tpu.memref_slice %arg7[%dma_wait3A_1314, %dma_wait3A_1322, %dma_wait3A_1323] : memref<64x4x128xf32, #tpu.memory_space<vmem>> -> memref<1x4x128xf32, #tpu.memory_space<vmem>>
    %dma_wait3A_1325 = tpu.memref_squeeze %dma_wait3A_1324 : memref<1x4x128xf32, #tpu.memory_space<vmem>> -> memref<4x128xf32, #tpu.memory_space<vmem>>
    %dma_wait3A_1326 = arith.constant 0 : i32
    %dma_wait3A_1327 = tpu.memref_slice %arg2[%dma_wait3A_1313, %mul3A_183, %dma_wait3A_1326] : memref<64x128x128xf32, #tpu.memory_space<hbm>> -> memref<1x4x128xf32, #tpu.memory_space<hbm>>
    %dma_wait3A_1328 = tpu.memref_squeeze %dma_wait3A_1327 : memref<1x4x128xf32, #tpu.memory_space<hbm>> -> memref<4x128xf32, #tpu.memory_space<hbm>>
    tpu.wait_dma2 semaphore(%arg17 : memref<!tpu.dma_semaphore, #tpu.memory_space<semaphore_mem>>) src(%dma_wait3A_1328 : memref<4x128xf32, #tpu.memory_space<hbm>>) dst(%dma_wait3A_1325 : memref<4x128xf32, #tpu.memory_space<vmem>>)
    %dma_wait3A_1329 = arith.constant 11 : i32
    %dma_wait3A_1330 = arith.constant 11 : i32
    %dma_wait3A_1331 = arith.constant 0 : i32
    %dma_wait3A_1332 = arith.constant 0 : i32
    %dma_wait3A_1333 = tpu.memref_slice %arg7[%dma_wait3A_1330, %dma_wait3A_1331, %dma_wait3A_1332] : memref<64x4x128xf32, #tpu.memory_space<vmem>> -> memref<1x4x128xf32, #tpu.memory_space<vmem>>
    %dma_wait3A_1334 = tpu.memref_squeeze %dma_wait3A_1333 : memref<1x4x128xf32, #tpu.memory_space<vmem>> -> memref<4x128xf32, #tpu.memory_space<vmem>>
    %dma_wait3A_1335 = arith.constant 0 : i32
    %dma_wait3A_1336 = tpu.memref_slice %arg2[%dma_wait3A_1329, %mul3A_201, %dma_wait3A_1335] : memref<64x128x128xf32, #tpu.memory_space<hbm>> -> memref<1x4x128xf32, #tpu.memory_space<hbm>>
    %dma_wait3A_1337 = tpu.memref_squeeze %dma_wait3A_1336 : memref<1x4x128xf32, #tpu.memory_space<hbm>> -> memref<4x128xf32, #tpu.memory_space<hbm>>
    %dma_wait3A_1338 = arith.constant 0 : i32
    %dma_wait3A_1339 = arith.constant 0 : i32
    %dma_wait3A_1340 = tpu.memref_slice %arg7[%dma_wait3A_1330, %dma_wait3A_1338, %dma_wait3A_1339] : memref<64x4x128xf32, #tpu.memory_space<vmem>> -> memref<1x4x128xf32, #tpu.memory_space<vmem>>
    %dma_wait3A_1341 = tpu.memref_squeeze %dma_wait3A_1340 : memref<1x4x128xf32, #tpu.memory_space<vmem>> -> memref<4x128xf32, #tpu.memory_space<vmem>>
    %dma_wait3A_1342 = arith.constant 0 : i32
    %dma_wait3A_1343 = tpu.memref_slice %arg2[%dma_wait3A_1329, %mul3A_201, %dma_wait3A_1342] : memref<64x128x128xf32, #tpu.memory_space<hbm>> -> memref<1x4x128xf32, #tpu.memory_space<hbm>>
    %dma_wait3A_1344 = tpu.memref_squeeze %dma_wait3A_1343 : memref<1x4x128xf32, #tpu.memory_space<hbm>> -> memref<4x128xf32, #tpu.memory_space<hbm>>
    tpu.wait_dma2 semaphore(%arg17 : memref<!tpu.dma_semaphore, #tpu.memory_space<semaphore_mem>>) src(%dma_wait3A_1344 : memref<4x128xf32, #tpu.memory_space<hbm>>) dst(%dma_wait3A_1341 : memref<4x128xf32, #tpu.memory_space<vmem>>)
    %dma_wait3A_1345 = arith.constant 12 : i32
    %dma_wait3A_1346 = arith.constant 12 : i32
    %dma_wait3A_1347 = arith.constant 0 : i32
    %dma_wait3A_1348 = arith.constant 0 : i32
    %dma_wait3A_1349 = tpu.memref_slice %arg7[%dma_wait3A_1346, %dma_wait3A_1347, %dma_wait3A_1348] : memref<64x4x128xf32, #tpu.memory_space<vmem>> -> memref<1x4x128xf32, #tpu.memory_space<vmem>>
    %dma_wait3A_1350 = tpu.memref_squeeze %dma_wait3A_1349 : memref<1x4x128xf32, #tpu.memory_space<vmem>> -> memref<4x128xf32, #tpu.memory_space<vmem>>
    %dma_wait3A_1351 = arith.constant 0 : i32
    %dma_wait3A_1352 = tpu.memref_slice %arg2[%dma_wait3A_1345, %mul3A_219, %dma_wait3A_1351] : memref<64x128x128xf32, #tpu.memory_space<hbm>> -> memref<1x4x128xf32, #tpu.memory_space<hbm>>
    %dma_wait3A_1353 = tpu.memref_squeeze %dma_wait3A_1352 : memref<1x4x128xf32, #tpu.memory_space<hbm>> -> memref<4x128xf32, #tpu.memory_space<hbm>>
    %dma_wait3A_1354 = arith.constant 0 : i32
    %dma_wait3A_1355 = arith.constant 0 : i32
    %dma_wait3A_1356 = tpu.memref_slice %arg7[%dma_wait3A_1346, %dma_wait3A_1354, %dma_wait3A_1355] : memref<64x4x128xf32, #tpu.memory_space<vmem>> -> memref<1x4x128xf32, #tpu.memory_space<vmem>>
    %dma_wait3A_1357 = tpu.memref_squeeze %dma_wait3A_1356 : memref<1x4x128xf32, #tpu.memory_space<vmem>> -> memref<4x128xf32, #tpu.memory_space<vmem>>
    %dma_wait3A_1358 = arith.constant 0 : i32
    %dma_wait3A_1359 = tpu.memref_slice %arg2[%dma_wait3A_1345, %mul3A_219, %dma_wait3A_1358] : memref<64x128x128xf32, #tpu.memory_space<hbm>> -> memref<1x4x128xf32, #tpu.memory_space<hbm>>
    %dma_wait3A_1360 = tpu.memref_squeeze %dma_wait3A_1359 : memref<1x4x128xf32, #tpu.memory_space<hbm>> -> memref<4x128xf32, #tpu.memory_space<hbm>>
    tpu.wait_dma2 semaphore(%arg17 : memref<!tpu.dma_semaphore, #tpu.memory_space<semaphore_mem>>) src(%dma_wait3A_1360 : memref<4x128xf32, #tpu.memory_space<hbm>>) dst(%dma_wait3A_1357 : memref<4x128xf32, #tpu.memory_space<vmem>>)
    %dma_wait3A_1361 = arith.constant 13 : i32
    %dma_wait3A_1362 = arith.constant 13 : i32
    %dma_wait3A_1363 = arith.constant 0 : i32
    %dma_wait3A_1364 = arith.constant 0 : i32
    %dma_wait3A_1365 = tpu.memref_slice %arg7[%dma_wait3A_1362, %dma_wait3A_1363, %dma_wait3A_1364] : memref<64x4x128xf32, #tpu.memory_space<vmem>> -> memref<1x4x128xf32, #tpu.memory_space<vmem>>
    %dma_wait3A_1366 = tpu.memref_squeeze %dma_wait3A_1365 : memref<1x4x128xf32, #tpu.memory_space<vmem>> -> memref<4x128xf32, #tpu.memory_space<vmem>>
    %dma_wait3A_1367 = arith.constant 0 : i32
    %dma_wait3A_1368 = tpu.memref_slice %arg2[%dma_wait3A_1361, %mul3A_237, %dma_wait3A_1367] : memref<64x128x128xf32, #tpu.memory_space<hbm>> -> memref<1x4x128xf32, #tpu.memory_space<hbm>>
    %dma_wait3A_1369 = tpu.memref_squeeze %dma_wait3A_1368 : memref<1x4x128xf32, #tpu.memory_space<hbm>> -> memref<4x128xf32, #tpu.memory_space<hbm>>
    %dma_wait3A_1370 = arith.constant 0 : i32
    %dma_wait3A_1371 = arith.constant 0 : i32
    %dma_wait3A_1372 = tpu.memref_slice %arg7[%dma_wait3A_1362, %dma_wait3A_1370, %dma_wait3A_1371] : memref<64x4x128xf32, #tpu.memory_space<vmem>> -> memref<1x4x128xf32, #tpu.memory_space<vmem>>
    %dma_wait3A_1373 = tpu.memref_squeeze %dma_wait3A_1372 : memref<1x4x128xf32, #tpu.memory_space<vmem>> -> memref<4x128xf32, #tpu.memory_space<vmem>>
    %dma_wait3A_1374 = arith.constant 0 : i32
    %dma_wait3A_1375 = tpu.memref_slice %arg2[%dma_wait3A_1361, %mul3A_237, %dma_wait3A_1374] : memref<64x128x128xf32, #tpu.memory_space<hbm>> -> memref<1x4x128xf32, #tpu.memory_space<hbm>>
    %dma_wait3A_1376 = tpu.memref_squeeze %dma_wait3A_1375 : memref<1x4x128xf32, #tpu.memory_space<hbm>> -> memref<4x128xf32, #tpu.memory_space<hbm>>
    tpu.wait_dma2 semaphore(%arg17 : memref<!tpu.dma_semaphore, #tpu.memory_space<semaphore_mem>>) src(%dma_wait3A_1376 : memref<4x128xf32, #tpu.memory_space<hbm>>) dst(%dma_wait3A_1373 : memref<4x128xf32, #tpu.memory_space<vmem>>)
    %dma_wait3A_1377 = arith.constant 14 : i32
    %dma_wait3A_1378 = arith.constant 14 : i32
    %dma_wait3A_1379 = arith.constant 0 : i32
    %dma_wait3A_1380 = arith.constant 0 : i32
    %dma_wait3A_1381 = tpu.memref_slice %arg7[%dma_wait3A_1378, %dma_wait3A_1379, %dma_wait3A_1380] : memref<64x4x128xf32, #tpu.memory_space<vmem>> -> memref<1x4x128xf32, #tpu.memory_space<vmem>>
    %dma_wait3A_1382 = tpu.memref_squeeze %dma_wait3A_1381 : memref<1x4x128xf32, #tpu.memory_space<vmem>> -> memref<4x128xf32, #tpu.memory_space<vmem>>
    %dma_wait3A_1383 = arith.constant 0 : i32
    %dma_wait3A_1384 = tpu.memref_slice %arg2[%dma_wait3A_1377, %mul3A_255, %dma_wait3A_1383] : memref<64x128x128xf32, #tpu.memory_space<hbm>> -> memref<1x4x128xf32, #tpu.memory_space<hbm>>
    %dma_wait3A_1385 = tpu.memref_squeeze %dma_wait3A_1384 : memref<1x4x128xf32, #tpu.memory_space<hbm>> -> memref<4x128xf32, #tpu.memory_space<hbm>>
    %dma_wait3A_1386 = arith.constant 0 : i32
    %dma_wait3A_1387 = arith.constant 0 : i32
    %dma_wait3A_1388 = tpu.memref_slice %arg7[%dma_wait3A_1378, %dma_wait3A_1386, %dma_wait3A_1387] : memref<64x4x128xf32, #tpu.memory_space<vmem>> -> memref<1x4x128xf32, #tpu.memory_space<vmem>>
    %dma_wait3A_1389 = tpu.memref_squeeze %dma_wait3A_1388 : memref<1x4x128xf32, #tpu.memory_space<vmem>> -> memref<4x128xf32, #tpu.memory_space<vmem>>
    %dma_wait3A_1390 = arith.constant 0 : i32
    %dma_wait3A_1391 = tpu.memref_slice %arg2[%dma_wait3A_1377, %mul3A_255, %dma_wait3A_1390] : memref<64x128x128xf32, #tpu.memory_space<hbm>> -> memref<1x4x128xf32, #tpu.memory_space<hbm>>
    %dma_wait3A_1392 = tpu.memref_squeeze %dma_wait3A_1391 : memref<1x4x128xf32, #tpu.memory_space<hbm>> -> memref<4x128xf32, #tpu.memory_space<hbm>>
    tpu.wait_dma2 semaphore(%arg17 : memref<!tpu.dma_semaphore, #tpu.memory_space<semaphore_mem>>) src(%dma_wait3A_1392 : memref<4x128xf32, #tpu.memory_space<hbm>>) dst(%dma_wait3A_1389 : memref<4x128xf32, #tpu.memory_space<vmem>>)
    %dma_wait3A_1393 = arith.constant 15 : i32
    %dma_wait3A_1394 = arith.constant 15 : i32
    %dma_wait3A_1395 = arith.constant 0 : i32
    %dma_wait3A_1396 = arith.constant 0 : i32
    %dma_wait3A_1397 = tpu.memref_slice %arg7[%dma_wait3A_1394, %dma_wait3A_1395, %dma_wait3A_1396] : memref<64x4x128xf32, #tpu.memory_space<vmem>> -> memref<1x4x128xf32, #tpu.memory_space<vmem>>
    %dma_wait3A_1398 = tpu.memref_squeeze %dma_wait3A_1397 : memref<1x4x128xf32, #tpu.memory_space<vmem>> -> memref<4x128xf32, #tpu.memory_space<vmem>>
    %dma_wait3A_1399 = arith.constant 0 : i32
    %dma_wait3A_1400 = tpu.memref_slice %arg2[%dma_wait3A_1393, %mul3A_273, %dma_wait3A_1399] : memref<64x128x128xf32, #tpu.memory_space<hbm>> -> memref<1x4x128xf32, #tpu.memory_space<hbm>>
    %dma_wait3A_1401 = tpu.memref_squeeze %dma_wait3A_1400 : memref<1x4x128xf32, #tpu.memory_space<hbm>> -> memref<4x128xf32, #tpu.memory_space<hbm>>
    %dma_wait3A_1402 = arith.constant 0 : i32
    %dma_wait3A_1403 = arith.constant 0 : i32
    %dma_wait3A_1404 = tpu.memref_slice %arg7[%dma_wait3A_1394, %dma_wait3A_1402, %dma_wait3A_1403] : memref<64x4x128xf32, #tpu.memory_space<vmem>> -> memref<1x4x128xf32, #tpu.memory_space<vmem>>
    %dma_wait3A_1405 = tpu.memref_squeeze %dma_wait3A_1404 : memref<1x4x128xf32, #tpu.memory_space<vmem>> -> memref<4x128xf32, #tpu.memory_space<vmem>>
    %dma_wait3A_1406 = arith.constant 0 : i32
    %dma_wait3A_1407 = tpu.memref_slice %arg2[%dma_wait3A_1393, %mul3A_273, %dma_wait3A_1406] : memref<64x128x128xf32, #tpu.memory_space<hbm>> -> memref<1x4x128xf32, #tpu.memory_space<hbm>>
    %dma_wait3A_1408 = tpu.memref_squeeze %dma_wait3A_1407 : memref<1x4x128xf32, #tpu.memory_space<hbm>> -> memref<4x128xf32, #tpu.memory_space<hbm>>
    tpu.wait_dma2 semaphore(%arg17 : memref<!tpu.dma_semaphore, #tpu.memory_space<semaphore_mem>>) src(%dma_wait3A_1408 : memref<4x128xf32, #tpu.memory_space<hbm>>) dst(%dma_wait3A_1405 : memref<4x128xf32, #tpu.memory_space<vmem>>)
    %dma_wait3A_1409 = arith.constant 16 : i32
    %dma_wait3A_1410 = arith.constant 16 : i32
    %dma_wait3A_1411 = arith.constant 0 : i32
    %dma_wait3A_1412 = arith.constant 0 : i32
    %dma_wait3A_1413 = tpu.memref_slice %arg7[%dma_wait3A_1410, %dma_wait3A_1411, %dma_wait3A_1412] : memref<64x4x128xf32, #tpu.memory_space<vmem>> -> memref<1x4x128xf32, #tpu.memory_space<vmem>>
    %dma_wait3A_1414 = tpu.memref_squeeze %dma_wait3A_1413 : memref<1x4x128xf32, #tpu.memory_space<vmem>> -> memref<4x128xf32, #tpu.memory_space<vmem>>
    %dma_wait3A_1415 = arith.constant 0 : i32
    %dma_wait3A_1416 = tpu.memref_slice %arg2[%dma_wait3A_1409, %mul3A_291, %dma_wait3A_1415] : memref<64x128x128xf32, #tpu.memory_space<hbm>> -> memref<1x4x128xf32, #tpu.memory_space<hbm>>
    %dma_wait3A_1417 = tpu.memref_squeeze %dma_wait3A_1416 : memref<1x4x128xf32, #tpu.memory_space<hbm>> -> memref<4x128xf32, #tpu.memory_space<hbm>>
    %dma_wait3A_1418 = arith.constant 0 : i32
    %dma_wait3A_1419 = arith.constant 0 : i32
    %dma_wait3A_1420 = tpu.memref_slice %arg7[%dma_wait3A_1410, %dma_wait3A_1418, %dma_wait3A_1419] : memref<64x4x128xf32, #tpu.memory_space<vmem>> -> memref<1x4x128xf32, #tpu.memory_space<vmem>>
    %dma_wait3A_1421 = tpu.memref_squeeze %dma_wait3A_1420 : memref<1x4x128xf32, #tpu.memory_space<vmem>> -> memref<4x128xf32, #tpu.memory_space<vmem>>
    %dma_wait3A_1422 = arith.constant 0 : i32
    %dma_wait3A_1423 = tpu.memref_slice %arg2[%dma_wait3A_1409, %mul3A_291, %dma_wait3A_1422] : memref<64x128x128xf32, #tpu.memory_space<hbm>> -> memref<1x4x128xf32, #tpu.memory_space<hbm>>
    %dma_wait3A_1424 = tpu.memref_squeeze %dma_wait3A_1423 : memref<1x4x128xf32, #tpu.memory_space<hbm>> -> memref<4x128xf32, #tpu.memory_space<hbm>>
    tpu.wait_dma2 semaphore(%arg17 : memref<!tpu.dma_semaphore, #tpu.memory_space<semaphore_mem>>) src(%dma_wait3A_1424 : memref<4x128xf32, #tpu.memory_space<hbm>>) dst(%dma_wait3A_1421 : memref<4x128xf32, #tpu.memory_space<vmem>>)
    %dma_wait3A_1425 = arith.constant 17 : i32
    %dma_wait3A_1426 = arith.constant 17 : i32
    %dma_wait3A_1427 = arith.constant 0 : i32
    %dma_wait3A_1428 = arith.constant 0 : i32
    %dma_wait3A_1429 = tpu.memref_slice %arg7[%dma_wait3A_1426, %dma_wait3A_1427, %dma_wait3A_1428] : memref<64x4x128xf32, #tpu.memory_space<vmem>> -> memref<1x4x128xf32, #tpu.memory_space<vmem>>
    %dma_wait3A_1430 = tpu.memref_squeeze %dma_wait3A_1429 : memref<1x4x128xf32, #tpu.memory_space<vmem>> -> memref<4x128xf32, #tpu.memory_space<vmem>>
    %dma_wait3A_1431 = arith.constant 0 : i32
    %dma_wait3A_1432 = tpu.memref_slice %arg2[%dma_wait3A_1425, %mul3A_309, %dma_wait3A_1431] : memref<64x128x128xf32, #tpu.memory_space<hbm>> -> memref<1x4x128xf32, #tpu.memory_space<hbm>>
    %dma_wait3A_1433 = tpu.memref_squeeze %dma_wait3A_1432 : memref<1x4x128xf32, #tpu.memory_space<hbm>> -> memref<4x128xf32, #tpu.memory_space<hbm>>
    %dma_wait3A_1434 = arith.constant 0 : i32
    %dma_wait3A_1435 = arith.constant 0 : i32
    %dma_wait3A_1436 = tpu.memref_slice %arg7[%dma_wait3A_1426, %dma_wait3A_1434, %dma_wait3A_1435] : memref<64x4x128xf32, #tpu.memory_space<vmem>> -> memref<1x4x128xf32, #tpu.memory_space<vmem>>
    %dma_wait3A_1437 = tpu.memref_squeeze %dma_wait3A_1436 : memref<1x4x128xf32, #tpu.memory_space<vmem>> -> memref<4x128xf32, #tpu.memory_space<vmem>>
    %dma_wait3A_1438 = arith.constant 0 : i32
    %dma_wait3A_1439 = tpu.memref_slice %arg2[%dma_wait3A_1425, %mul3A_309, %dma_wait3A_1438] : memref<64x128x128xf32, #tpu.memory_space<hbm>> -> memref<1x4x128xf32, #tpu.memory_space<hbm>>
    %dma_wait3A_1440 = tpu.memref_squeeze %dma_wait3A_1439 : memref<1x4x128xf32, #tpu.memory_space<hbm>> -> memref<4x128xf32, #tpu.memory_space<hbm>>
    tpu.wait_dma2 semaphore(%arg17 : memref<!tpu.dma_semaphore, #tpu.memory_space<semaphore_mem>>) src(%dma_wait3A_1440 : memref<4x128xf32, #tpu.memory_space<hbm>>) dst(%dma_wait3A_1437 : memref<4x128xf32, #tpu.memory_space<vmem>>)
    %dma_wait3A_1441 = arith.constant 18 : i32
    %dma_wait3A_1442 = arith.constant 18 : i32
    %dma_wait3A_1443 = arith.constant 0 : i32
    %dma_wait3A_1444 = arith.constant 0 : i32
    %dma_wait3A_1445 = tpu.memref_slice %arg7[%dma_wait3A_1442, %dma_wait3A_1443, %dma_wait3A_1444] : memref<64x4x128xf32, #tpu.memory_space<vmem>> -> memref<1x4x128xf32, #tpu.memory_space<vmem>>
    %dma_wait3A_1446 = tpu.memref_squeeze %dma_wait3A_1445 : memref<1x4x128xf32, #tpu.memory_space<vmem>> -> memref<4x128xf32, #tpu.memory_space<vmem>>
    %dma_wait3A_1447 = arith.constant 0 : i32
    %dma_wait3A_1448 = tpu.memref_slice %arg2[%dma_wait3A_1441, %mul3A_327, %dma_wait3A_1447] : memref<64x128x128xf32, #tpu.memory_space<hbm>> -> memref<1x4x128xf32, #tpu.memory_space<hbm>>
    %dma_wait3A_1449 = tpu.memref_squeeze %dma_wait3A_1448 : memref<1x4x128xf32, #tpu.memory_space<hbm>> -> memref<4x128xf32, #tpu.memory_space<hbm>>
    %dma_wait3A_1450 = arith.constant 0 : i32
    %dma_wait3A_1451 = arith.constant 0 : i32
    %dma_wait3A_1452 = tpu.memref_slice %arg7[%dma_wait3A_1442, %dma_wait3A_1450, %dma_wait3A_1451] : memref<64x4x128xf32, #tpu.memory_space<vmem>> -> memref<1x4x128xf32, #tpu.memory_space<vmem>>
    %dma_wait3A_1453 = tpu.memref_squeeze %dma_wait3A_1452 : memref<1x4x128xf32, #tpu.memory_space<vmem>> -> memref<4x128xf32, #tpu.memory_space<vmem>>
    %dma_wait3A_1454 = arith.constant 0 : i32
    %dma_wait3A_1455 = tpu.memref_slice %arg2[%dma_wait3A_1441, %mul3A_327, %dma_wait3A_1454] : memref<64x128x128xf32, #tpu.memory_space<hbm>> -> memref<1x4x128xf32, #tpu.memory_space<hbm>>
    %dma_wait3A_1456 = tpu.memref_squeeze %dma_wait3A_1455 : memref<1x4x128xf32, #tpu.memory_space<hbm>> -> memref<4x128xf32, #tpu.memory_space<hbm>>
    tpu.wait_dma2 semaphore(%arg17 : memref<!tpu.dma_semaphore, #tpu.memory_space<semaphore_mem>>) src(%dma_wait3A_1456 : memref<4x128xf32, #tpu.memory_space<hbm>>) dst(%dma_wait3A_1453 : memref<4x128xf32, #tpu.memory_space<vmem>>)
    %dma_wait3A_1457 = arith.constant 19 : i32
    %dma_wait3A_1458 = arith.constant 19 : i32
    %dma_wait3A_1459 = arith.constant 0 : i32
    %dma_wait3A_1460 = arith.constant 0 : i32
    %dma_wait3A_1461 = tpu.memref_slice %arg7[%dma_wait3A_1458, %dma_wait3A_1459, %dma_wait3A_1460] : memref<64x4x128xf32, #tpu.memory_space<vmem>> -> memref<1x4x128xf32, #tpu.memory_space<vmem>>
    %dma_wait3A_1462 = tpu.memref_squeeze %dma_wait3A_1461 : memref<1x4x128xf32, #tpu.memory_space<vmem>> -> memref<4x128xf32, #tpu.memory_space<vmem>>
    %dma_wait3A_1463 = arith.constant 0 : i32
    %dma_wait3A_1464 = tpu.memref_slice %arg2[%dma_wait3A_1457, %mul3A_345, %dma_wait3A_1463] : memref<64x128x128xf32, #tpu.memory_space<hbm>> -> memref<1x4x128xf32, #tpu.memory_space<hbm>>
    %dma_wait3A_1465 = tpu.memref_squeeze %dma_wait3A_1464 : memref<1x4x128xf32, #tpu.memory_space<hbm>> -> memref<4x128xf32, #tpu.memory_space<hbm>>
    %dma_wait3A_1466 = arith.constant 0 : i32
    %dma_wait3A_1467 = arith.constant 0 : i32
    %dma_wait3A_1468 = tpu.memref_slice %arg7[%dma_wait3A_1458, %dma_wait3A_1466, %dma_wait3A_1467] : memref<64x4x128xf32, #tpu.memory_space<vmem>> -> memref<1x4x128xf32, #tpu.memory_space<vmem>>
    %dma_wait3A_1469 = tpu.memref_squeeze %dma_wait3A_1468 : memref<1x4x128xf32, #tpu.memory_space<vmem>> -> memref<4x128xf32, #tpu.memory_space<vmem>>
    %dma_wait3A_1470 = arith.constant 0 : i32
    %dma_wait3A_1471 = tpu.memref_slice %arg2[%dma_wait3A_1457, %mul3A_345, %dma_wait3A_1470] : memref<64x128x128xf32, #tpu.memory_space<hbm>> -> memref<1x4x128xf32, #tpu.memory_space<hbm>>
    %dma_wait3A_1472 = tpu.memref_squeeze %dma_wait3A_1471 : memref<1x4x128xf32, #tpu.memory_space<hbm>> -> memref<4x128xf32, #tpu.memory_space<hbm>>
    tpu.wait_dma2 semaphore(%arg17 : memref<!tpu.dma_semaphore, #tpu.memory_space<semaphore_mem>>) src(%dma_wait3A_1472 : memref<4x128xf32, #tpu.memory_space<hbm>>) dst(%dma_wait3A_1469 : memref<4x128xf32, #tpu.memory_space<vmem>>)
    %dma_wait3A_1473 = arith.constant 20 : i32
    %dma_wait3A_1474 = arith.constant 20 : i32
    %dma_wait3A_1475 = arith.constant 0 : i32
    %dma_wait3A_1476 = arith.constant 0 : i32
    %dma_wait3A_1477 = tpu.memref_slice %arg7[%dma_wait3A_1474, %dma_wait3A_1475, %dma_wait3A_1476] : memref<64x4x128xf32, #tpu.memory_space<vmem>> -> memref<1x4x128xf32, #tpu.memory_space<vmem>>
    %dma_wait3A_1478 = tpu.memref_squeeze %dma_wait3A_1477 : memref<1x4x128xf32, #tpu.memory_space<vmem>> -> memref<4x128xf32, #tpu.memory_space<vmem>>
    %dma_wait3A_1479 = arith.constant 0 : i32
    %dma_wait3A_1480 = tpu.memref_slice %arg2[%dma_wait3A_1473, %mul3A_363, %dma_wait3A_1479] : memref<64x128x128xf32, #tpu.memory_space<hbm>> -> memref<1x4x128xf32, #tpu.memory_space<hbm>>
    %dma_wait3A_1481 = tpu.memref_squeeze %dma_wait3A_1480 : memref<1x4x128xf32, #tpu.memory_space<hbm>> -> memref<4x128xf32, #tpu.memory_space<hbm>>
    %dma_wait3A_1482 = arith.constant 0 : i32
    %dma_wait3A_1483 = arith.constant 0 : i32
    %dma_wait3A_1484 = tpu.memref_slice %arg7[%dma_wait3A_1474, %dma_wait3A_1482, %dma_wait3A_1483] : memref<64x4x128xf32, #tpu.memory_space<vmem>> -> memref<1x4x128xf32, #tpu.memory_space<vmem>>
    %dma_wait3A_1485 = tpu.memref_squeeze %dma_wait3A_1484 : memref<1x4x128xf32, #tpu.memory_space<vmem>> -> memref<4x128xf32, #tpu.memory_space<vmem>>
    %dma_wait3A_1486 = arith.constant 0 : i32
    %dma_wait3A_1487 = tpu.memref_slice %arg2[%dma_wait3A_1473, %mul3A_363, %dma_wait3A_1486] : memref<64x128x128xf32, #tpu.memory_space<hbm>> -> memref<1x4x128xf32, #tpu.memory_space<hbm>>
    %dma_wait3A_1488 = tpu.memref_squeeze %dma_wait3A_1487 : memref<1x4x128xf32, #tpu.memory_space<hbm>> -> memref<4x128xf32, #tpu.memory_space<hbm>>
    tpu.wait_dma2 semaphore(%arg17 : memref<!tpu.dma_semaphore, #tpu.memory_space<semaphore_mem>>) src(%dma_wait3A_1488 : memref<4x128xf32, #tpu.memory_space<hbm>>) dst(%dma_wait3A_1485 : memref<4x128xf32, #tpu.memory_space<vmem>>)
    %dma_wait3A_1489 = arith.constant 21 : i32
    %dma_wait3A_1490 = arith.constant 21 : i32
    %dma_wait3A_1491 = arith.constant 0 : i32
    %dma_wait3A_1492 = arith.constant 0 : i32
    %dma_wait3A_1493 = tpu.memref_slice %arg7[%dma_wait3A_1490, %dma_wait3A_1491, %dma_wait3A_1492] : memref<64x4x128xf32, #tpu.memory_space<vmem>> -> memref<1x4x128xf32, #tpu.memory_space<vmem>>
    %dma_wait3A_1494 = tpu.memref_squeeze %dma_wait3A_1493 : memref<1x4x128xf32, #tpu.memory_space<vmem>> -> memref<4x128xf32, #tpu.memory_space<vmem>>
    %dma_wait3A_1495 = arith.constant 0 : i32
    %dma_wait3A_1496 = tpu.memref_slice %arg2[%dma_wait3A_1489, %mul3A_381, %dma_wait3A_1495] : memref<64x128x128xf32, #tpu.memory_space<hbm>> -> memref<1x4x128xf32, #tpu.memory_space<hbm>>
    %dma_wait3A_1497 = tpu.memref_squeeze %dma_wait3A_1496 : memref<1x4x128xf32, #tpu.memory_space<hbm>> -> memref<4x128xf32, #tpu.memory_space<hbm>>
    %dma_wait3A_1498 = arith.constant 0 : i32
    %dma_wait3A_1499 = arith.constant 0 : i32
    %dma_wait3A_1500 = tpu.memref_slice %arg7[%dma_wait3A_1490, %dma_wait3A_1498, %dma_wait3A_1499] : memref<64x4x128xf32, #tpu.memory_space<vmem>> -> memref<1x4x128xf32, #tpu.memory_space<vmem>>
    %dma_wait3A_1501 = tpu.memref_squeeze %dma_wait3A_1500 : memref<1x4x128xf32, #tpu.memory_space<vmem>> -> memref<4x128xf32, #tpu.memory_space<vmem>>
    %dma_wait3A_1502 = arith.constant 0 : i32
    %dma_wait3A_1503 = tpu.memref_slice %arg2[%dma_wait3A_1489, %mul3A_381, %dma_wait3A_1502] : memref<64x128x128xf32, #tpu.memory_space<hbm>> -> memref<1x4x128xf32, #tpu.memory_space<hbm>>
    %dma_wait3A_1504 = tpu.memref_squeeze %dma_wait3A_1503 : memref<1x4x128xf32, #tpu.memory_space<hbm>> -> memref<4x128xf32, #tpu.memory_space<hbm>>
    tpu.wait_dma2 semaphore(%arg17 : memref<!tpu.dma_semaphore, #tpu.memory_space<semaphore_mem>>) src(%dma_wait3A_1504 : memref<4x128xf32, #tpu.memory_space<hbm>>) dst(%dma_wait3A_1501 : memref<4x128xf32, #tpu.memory_space<vmem>>)
    %dma_wait3A_1505 = arith.constant 22 : i32
    %dma_wait3A_1506 = arith.constant 22 : i32
    %dma_wait3A_1507 = arith.constant 0 : i32
    %dma_wait3A_1508 = arith.constant 0 : i32
    %dma_wait3A_1509 = tpu.memref_slice %arg7[%dma_wait3A_1506, %dma_wait3A_1507, %dma_wait3A_1508] : memref<64x4x128xf32, #tpu.memory_space<vmem>> -> memref<1x4x128xf32, #tpu.memory_space<vmem>>
    %dma_wait3A_1510 = tpu.memref_squeeze %dma_wait3A_1509 : memref<1x4x128xf32, #tpu.memory_space<vmem>> -> memref<4x128xf32, #tpu.memory_space<vmem>>
    %dma_wait3A_1511 = arith.constant 0 : i32
    %dma_wait3A_1512 = tpu.memref_slice %arg2[%dma_wait3A_1505, %mul3A_399, %dma_wait3A_1511] : memref<64x128x128xf32, #tpu.memory_space<hbm>> -> memref<1x4x128xf32, #tpu.memory_space<hbm>>
    %dma_wait3A_1513 = tpu.memref_squeeze %dma_wait3A_1512 : memref<1x4x128xf32, #tpu.memory_space<hbm>> -> memref<4x128xf32, #tpu.memory_space<hbm>>
    %dma_wait3A_1514 = arith.constant 0 : i32
    %dma_wait3A_1515 = arith.constant 0 : i32
    %dma_wait3A_1516 = tpu.memref_slice %arg7[%dma_wait3A_1506, %dma_wait3A_1514, %dma_wait3A_1515] : memref<64x4x128xf32, #tpu.memory_space<vmem>> -> memref<1x4x128xf32, #tpu.memory_space<vmem>>
    %dma_wait3A_1517 = tpu.memref_squeeze %dma_wait3A_1516 : memref<1x4x128xf32, #tpu.memory_space<vmem>> -> memref<4x128xf32, #tpu.memory_space<vmem>>
    %dma_wait3A_1518 = arith.constant 0 : i32
    %dma_wait3A_1519 = tpu.memref_slice %arg2[%dma_wait3A_1505, %mul3A_399, %dma_wait3A_1518] : memref<64x128x128xf32, #tpu.memory_space<hbm>> -> memref<1x4x128xf32, #tpu.memory_space<hbm>>
    %dma_wait3A_1520 = tpu.memref_squeeze %dma_wait3A_1519 : memref<1x4x128xf32, #tpu.memory_space<hbm>> -> memref<4x128xf32, #tpu.memory_space<hbm>>
    tpu.wait_dma2 semaphore(%arg17 : memref<!tpu.dma_semaphore, #tpu.memory_space<semaphore_mem>>) src(%dma_wait3A_1520 : memref<4x128xf32, #tpu.memory_space<hbm>>) dst(%dma_wait3A_1517 : memref<4x128xf32, #tpu.memory_space<vmem>>)
    %dma_wait3A_1521 = arith.constant 23 : i32
    %dma_wait3A_1522 = arith.constant 23 : i32
    %dma_wait3A_1523 = arith.constant 0 : i32
    %dma_wait3A_1524 = arith.constant 0 : i32
    %dma_wait3A_1525 = tpu.memref_slice %arg7[%dma_wait3A_1522, %dma_wait3A_1523, %dma_wait3A_1524] : memref<64x4x128xf32, #tpu.memory_space<vmem>> -> memref<1x4x128xf32, #tpu.memory_space<vmem>>
    %dma_wait3A_1526 = tpu.memref_squeeze %dma_wait3A_1525 : memref<1x4x128xf32, #tpu.memory_space<vmem>> -> memref<4x128xf32, #tpu.memory_space<vmem>>
    %dma_wait3A_1527 = arith.constant 0 : i32
    %dma_wait3A_1528 = tpu.memref_slice %arg2[%dma_wait3A_1521, %mul3A_417, %dma_wait3A_1527] : memref<64x128x128xf32, #tpu.memory_space<hbm>> -> memref<1x4x128xf32, #tpu.memory_space<hbm>>
    %dma_wait3A_1529 = tpu.memref_squeeze %dma_wait3A_1528 : memref<1x4x128xf32, #tpu.memory_space<hbm>> -> memref<4x128xf32, #tpu.memory_space<hbm>>
    %dma_wait3A_1530 = arith.constant 0 : i32
    %dma_wait3A_1531 = arith.constant 0 : i32
    %dma_wait3A_1532 = tpu.memref_slice %arg7[%dma_wait3A_1522, %dma_wait3A_1530, %dma_wait3A_1531] : memref<64x4x128xf32, #tpu.memory_space<vmem>> -> memref<1x4x128xf32, #tpu.memory_space<vmem>>
    %dma_wait3A_1533 = tpu.memref_squeeze %dma_wait3A_1532 : memref<1x4x128xf32, #tpu.memory_space<vmem>> -> memref<4x128xf32, #tpu.memory_space<vmem>>
    %dma_wait3A_1534 = arith.constant 0 : i32
    %dma_wait3A_1535 = tpu.memref_slice %arg2[%dma_wait3A_1521, %mul3A_417, %dma_wait3A_1534] : memref<64x128x128xf32, #tpu.memory_space<hbm>> -> memref<1x4x128xf32, #tpu.memory_space<hbm>>
    %dma_wait3A_1536 = tpu.memref_squeeze %dma_wait3A_1535 : memref<1x4x128xf32, #tpu.memory_space<hbm>> -> memref<4x128xf32, #tpu.memory_space<hbm>>
    tpu.wait_dma2 semaphore(%arg17 : memref<!tpu.dma_semaphore, #tpu.memory_space<semaphore_mem>>) src(%dma_wait3A_1536 : memref<4x128xf32, #tpu.memory_space<hbm>>) dst(%dma_wait3A_1533 : memref<4x128xf32, #tpu.memory_space<vmem>>)
    %dma_wait3A_1537 = arith.constant 24 : i32
    %dma_wait3A_1538 = arith.constant 24 : i32
    %dma_wait3A_1539 = arith.constant 0 : i32
    %dma_wait3A_1540 = arith.constant 0 : i32
    %dma_wait3A_1541 = tpu.memref_slice %arg7[%dma_wait3A_1538, %dma_wait3A_1539, %dma_wait3A_1540] : memref<64x4x128xf32, #tpu.memory_space<vmem>> -> memref<1x4x128xf32, #tpu.memory_space<vmem>>
    %dma_wait3A_1542 = tpu.memref_squeeze %dma_wait3A_1541 : memref<1x4x128xf32, #tpu.memory_space<vmem>> -> memref<4x128xf32, #tpu.memory_space<vmem>>
    %dma_wait3A_1543 = arith.constant 0 : i32
    %dma_wait3A_1544 = tpu.memref_slice %arg2[%dma_wait3A_1537, %mul3A_435, %dma_wait3A_1543] : memref<64x128x128xf32, #tpu.memory_space<hbm>> -> memref<1x4x128xf32, #tpu.memory_space<hbm>>
    %dma_wait3A_1545 = tpu.memref_squeeze %dma_wait3A_1544 : memref<1x4x128xf32, #tpu.memory_space<hbm>> -> memref<4x128xf32, #tpu.memory_space<hbm>>
    %dma_wait3A_1546 = arith.constant 0 : i32
    %dma_wait3A_1547 = arith.constant 0 : i32
    %dma_wait3A_1548 = tpu.memref_slice %arg7[%dma_wait3A_1538, %dma_wait3A_1546, %dma_wait3A_1547] : memref<64x4x128xf32, #tpu.memory_space<vmem>> -> memref<1x4x128xf32, #tpu.memory_space<vmem>>
    %dma_wait3A_1549 = tpu.memref_squeeze %dma_wait3A_1548 : memref<1x4x128xf32, #tpu.memory_space<vmem>> -> memref<4x128xf32, #tpu.memory_space<vmem>>
    %dma_wait3A_1550 = arith.constant 0 : i32
    %dma_wait3A_1551 = tpu.memref_slice %arg2[%dma_wait3A_1537, %mul3A_435, %dma_wait3A_1550] : memref<64x128x128xf32, #tpu.memory_space<hbm>> -> memref<1x4x128xf32, #tpu.memory_space<hbm>>
    %dma_wait3A_1552 = tpu.memref_squeeze %dma_wait3A_1551 : memref<1x4x128xf32, #tpu.memory_space<hbm>> -> memref<4x128xf32, #tpu.memory_space<hbm>>
    tpu.wait_dma2 semaphore(%arg17 : memref<!tpu.dma_semaphore, #tpu.memory_space<semaphore_mem>>) src(%dma_wait3A_1552 : memref<4x128xf32, #tpu.memory_space<hbm>>) dst(%dma_wait3A_1549 : memref<4x128xf32, #tpu.memory_space<vmem>>)
    %dma_wait3A_1553 = arith.constant 25 : i32
    %dma_wait3A_1554 = arith.constant 25 : i32
    %dma_wait3A_1555 = arith.constant 0 : i32
    %dma_wait3A_1556 = arith.constant 0 : i32
    %dma_wait3A_1557 = tpu.memref_slice %arg7[%dma_wait3A_1554, %dma_wait3A_1555, %dma_wait3A_1556] : memref<64x4x128xf32, #tpu.memory_space<vmem>> -> memref<1x4x128xf32, #tpu.memory_space<vmem>>
    %dma_wait3A_1558 = tpu.memref_squeeze %dma_wait3A_1557 : memref<1x4x128xf32, #tpu.memory_space<vmem>> -> memref<4x128xf32, #tpu.memory_space<vmem>>
    %dma_wait3A_1559 = arith.constant 0 : i32
    %dma_wait3A_1560 = tpu.memref_slice %arg2[%dma_wait3A_1553, %mul3A_453, %dma_wait3A_1559] : memref<64x128x128xf32, #tpu.memory_space<hbm>> -> memref<1x4x128xf32, #tpu.memory_space<hbm>>
    %dma_wait3A_1561 = tpu.memref_squeeze %dma_wait3A_1560 : memref<1x4x128xf32, #tpu.memory_space<hbm>> -> memref<4x128xf32, #tpu.memory_space<hbm>>
    %dma_wait3A_1562 = arith.constant 0 : i32
    %dma_wait3A_1563 = arith.constant 0 : i32
    %dma_wait3A_1564 = tpu.memref_slice %arg7[%dma_wait3A_1554, %dma_wait3A_1562, %dma_wait3A_1563] : memref<64x4x128xf32, #tpu.memory_space<vmem>> -> memref<1x4x128xf32, #tpu.memory_space<vmem>>
    %dma_wait3A_1565 = tpu.memref_squeeze %dma_wait3A_1564 : memref<1x4x128xf32, #tpu.memory_space<vmem>> -> memref<4x128xf32, #tpu.memory_space<vmem>>
    %dma_wait3A_1566 = arith.constant 0 : i32
    %dma_wait3A_1567 = tpu.memref_slice %arg2[%dma_wait3A_1553, %mul3A_453, %dma_wait3A_1566] : memref<64x128x128xf32, #tpu.memory_space<hbm>> -> memref<1x4x128xf32, #tpu.memory_space<hbm>>
    %dma_wait3A_1568 = tpu.memref_squeeze %dma_wait3A_1567 : memref<1x4x128xf32, #tpu.memory_space<hbm>> -> memref<4x128xf32, #tpu.memory_space<hbm>>
    tpu.wait_dma2 semaphore(%arg17 : memref<!tpu.dma_semaphore, #tpu.memory_space<semaphore_mem>>) src(%dma_wait3A_1568 : memref<4x128xf32, #tpu.memory_space<hbm>>) dst(%dma_wait3A_1565 : memref<4x128xf32, #tpu.memory_space<vmem>>)
    %dma_wait3A_1569 = arith.constant 26 : i32
    %dma_wait3A_1570 = arith.constant 26 : i32
    %dma_wait3A_1571 = arith.constant 0 : i32
    %dma_wait3A_1572 = arith.constant 0 : i32
    %dma_wait3A_1573 = tpu.memref_slice %arg7[%dma_wait3A_1570, %dma_wait3A_1571, %dma_wait3A_1572] : memref<64x4x128xf32, #tpu.memory_space<vmem>> -> memref<1x4x128xf32, #tpu.memory_space<vmem>>
    %dma_wait3A_1574 = tpu.memref_squeeze %dma_wait3A_1573 : memref<1x4x128xf32, #tpu.memory_space<vmem>> -> memref<4x128xf32, #tpu.memory_space<vmem>>
    %dma_wait3A_1575 = arith.constant 0 : i32
    %dma_wait3A_1576 = tpu.memref_slice %arg2[%dma_wait3A_1569, %mul3A_471, %dma_wait3A_1575] : memref<64x128x128xf32, #tpu.memory_space<hbm>> -> memref<1x4x128xf32, #tpu.memory_space<hbm>>
    %dma_wait3A_1577 = tpu.memref_squeeze %dma_wait3A_1576 : memref<1x4x128xf32, #tpu.memory_space<hbm>> -> memref<4x128xf32, #tpu.memory_space<hbm>>
    %dma_wait3A_1578 = arith.constant 0 : i32
    %dma_wait3A_1579 = arith.constant 0 : i32
    %dma_wait3A_1580 = tpu.memref_slice %arg7[%dma_wait3A_1570, %dma_wait3A_1578, %dma_wait3A_1579] : memref<64x4x128xf32, #tpu.memory_space<vmem>> -> memref<1x4x128xf32, #tpu.memory_space<vmem>>
    %dma_wait3A_1581 = tpu.memref_squeeze %dma_wait3A_1580 : memref<1x4x128xf32, #tpu.memory_space<vmem>> -> memref<4x128xf32, #tpu.memory_space<vmem>>
    %dma_wait3A_1582 = arith.constant 0 : i32
    %dma_wait3A_1583 = tpu.memref_slice %arg2[%dma_wait3A_1569, %mul3A_471, %dma_wait3A_1582] : memref<64x128x128xf32, #tpu.memory_space<hbm>> -> memref<1x4x128xf32, #tpu.memory_space<hbm>>
    %dma_wait3A_1584 = tpu.memref_squeeze %dma_wait3A_1583 : memref<1x4x128xf32, #tpu.memory_space<hbm>> -> memref<4x128xf32, #tpu.memory_space<hbm>>
    tpu.wait_dma2 semaphore(%arg17 : memref<!tpu.dma_semaphore, #tpu.memory_space<semaphore_mem>>) src(%dma_wait3A_1584 : memref<4x128xf32, #tpu.memory_space<hbm>>) dst(%dma_wait3A_1581 : memref<4x128xf32, #tpu.memory_space<vmem>>)
    %dma_wait3A_1585 = arith.constant 27 : i32
    %dma_wait3A_1586 = arith.constant 27 : i32
    %dma_wait3A_1587 = arith.constant 0 : i32
    %dma_wait3A_1588 = arith.constant 0 : i32
    %dma_wait3A_1589 = tpu.memref_slice %arg7[%dma_wait3A_1586, %dma_wait3A_1587, %dma_wait3A_1588] : memref<64x4x128xf32, #tpu.memory_space<vmem>> -> memref<1x4x128xf32, #tpu.memory_space<vmem>>
    %dma_wait3A_1590 = tpu.memref_squeeze %dma_wait3A_1589 : memref<1x4x128xf32, #tpu.memory_space<vmem>> -> memref<4x128xf32, #tpu.memory_space<vmem>>
    %dma_wait3A_1591 = arith.constant 0 : i32
    %dma_wait3A_1592 = tpu.memref_slice %arg2[%dma_wait3A_1585, %mul3A_489, %dma_wait3A_1591] : memref<64x128x128xf32, #tpu.memory_space<hbm>> -> memref<1x4x128xf32, #tpu.memory_space<hbm>>
    %dma_wait3A_1593 = tpu.memref_squeeze %dma_wait3A_1592 : memref<1x4x128xf32, #tpu.memory_space<hbm>> -> memref<4x128xf32, #tpu.memory_space<hbm>>
    %dma_wait3A_1594 = arith.constant 0 : i32
    %dma_wait3A_1595 = arith.constant 0 : i32
    %dma_wait3A_1596 = tpu.memref_slice %arg7[%dma_wait3A_1586, %dma_wait3A_1594, %dma_wait3A_1595] : memref<64x4x128xf32, #tpu.memory_space<vmem>> -> memref<1x4x128xf32, #tpu.memory_space<vmem>>
    %dma_wait3A_1597 = tpu.memref_squeeze %dma_wait3A_1596 : memref<1x4x128xf32, #tpu.memory_space<vmem>> -> memref<4x128xf32, #tpu.memory_space<vmem>>
    %dma_wait3A_1598 = arith.constant 0 : i32
    %dma_wait3A_1599 = tpu.memref_slice %arg2[%dma_wait3A_1585, %mul3A_489, %dma_wait3A_1598] : memref<64x128x128xf32, #tpu.memory_space<hbm>> -> memref<1x4x128xf32, #tpu.memory_space<hbm>>
    %dma_wait3A_1600 = tpu.memref_squeeze %dma_wait3A_1599 : memref<1x4x128xf32, #tpu.memory_space<hbm>> -> memref<4x128xf32, #tpu.memory_space<hbm>>
    tpu.wait_dma2 semaphore(%arg17 : memref<!tpu.dma_semaphore, #tpu.memory_space<semaphore_mem>>) src(%dma_wait3A_1600 : memref<4x128xf32, #tpu.memory_space<hbm>>) dst(%dma_wait3A_1597 : memref<4x128xf32, #tpu.memory_space<vmem>>)
    %dma_wait3A_1601 = arith.constant 28 : i32
    %dma_wait3A_1602 = arith.constant 28 : i32
    %dma_wait3A_1603 = arith.constant 0 : i32
    %dma_wait3A_1604 = arith.constant 0 : i32
    %dma_wait3A_1605 = tpu.memref_slice %arg7[%dma_wait3A_1602, %dma_wait3A_1603, %dma_wait3A_1604] : memref<64x4x128xf32, #tpu.memory_space<vmem>> -> memref<1x4x128xf32, #tpu.memory_space<vmem>>
    %dma_wait3A_1606 = tpu.memref_squeeze %dma_wait3A_1605 : memref<1x4x128xf32, #tpu.memory_space<vmem>> -> memref<4x128xf32, #tpu.memory_space<vmem>>
    %dma_wait3A_1607 = arith.constant 0 : i32
    %dma_wait3A_1608 = tpu.memref_slice %arg2[%dma_wait3A_1601, %mul3A_507, %dma_wait3A_1607] : memref<64x128x128xf32, #tpu.memory_space<hbm>> -> memref<1x4x128xf32, #tpu.memory_space<hbm>>
    %dma_wait3A_1609 = tpu.memref_squeeze %dma_wait3A_1608 : memref<1x4x128xf32, #tpu.memory_space<hbm>> -> memref<4x128xf32, #tpu.memory_space<hbm>>
    %dma_wait3A_1610 = arith.constant 0 : i32
    %dma_wait3A_1611 = arith.constant 0 : i32
    %dma_wait3A_1612 = tpu.memref_slice %arg7[%dma_wait3A_1602, %dma_wait3A_1610, %dma_wait3A_1611] : memref<64x4x128xf32, #tpu.memory_space<vmem>> -> memref<1x4x128xf32, #tpu.memory_space<vmem>>
    %dma_wait3A_1613 = tpu.memref_squeeze %dma_wait3A_1612 : memref<1x4x128xf32, #tpu.memory_space<vmem>> -> memref<4x128xf32, #tpu.memory_space<vmem>>
    %dma_wait3A_1614 = arith.constant 0 : i32
    %dma_wait3A_1615 = tpu.memref_slice %arg2[%dma_wait3A_1601, %mul3A_507, %dma_wait3A_1614] : memref<64x128x128xf32, #tpu.memory_space<hbm>> -> memref<1x4x128xf32, #tpu.memory_space<hbm>>
    %dma_wait3A_1616 = tpu.memref_squeeze %dma_wait3A_1615 : memref<1x4x128xf32, #tpu.memory_space<hbm>> -> memref<4x128xf32, #tpu.memory_space<hbm>>
    tpu.wait_dma2 semaphore(%arg17 : memref<!tpu.dma_semaphore, #tpu.memory_space<semaphore_mem>>) src(%dma_wait3A_1616 : memref<4x128xf32, #tpu.memory_space<hbm>>) dst(%dma_wait3A_1613 : memref<4x128xf32, #tpu.memory_space<vmem>>)
    %dma_wait3A_1617 = arith.constant 29 : i32
    %dma_wait3A_1618 = arith.constant 29 : i32
    %dma_wait3A_1619 = arith.constant 0 : i32
    %dma_wait3A_1620 = arith.constant 0 : i32
    %dma_wait3A_1621 = tpu.memref_slice %arg7[%dma_wait3A_1618, %dma_wait3A_1619, %dma_wait3A_1620] : memref<64x4x128xf32, #tpu.memory_space<vmem>> -> memref<1x4x128xf32, #tpu.memory_space<vmem>>
    %dma_wait3A_1622 = tpu.memref_squeeze %dma_wait3A_1621 : memref<1x4x128xf32, #tpu.memory_space<vmem>> -> memref<4x128xf32, #tpu.memory_space<vmem>>
    %dma_wait3A_1623 = arith.constant 0 : i32
    %dma_wait3A_1624 = tpu.memref_slice %arg2[%dma_wait3A_1617, %mul3A_525, %dma_wait3A_1623] : memref<64x128x128xf32, #tpu.memory_space<hbm>> -> memref<1x4x128xf32, #tpu.memory_space<hbm>>
    %dma_wait3A_1625 = tpu.memref_squeeze %dma_wait3A_1624 : memref<1x4x128xf32, #tpu.memory_space<hbm>> -> memref<4x128xf32, #tpu.memory_space<hbm>>
    %dma_wait3A_1626 = arith.constant 0 : i32
    %dma_wait3A_1627 = arith.constant 0 : i32
    %dma_wait3A_1628 = tpu.memref_slice %arg7[%dma_wait3A_1618, %dma_wait3A_1626, %dma_wait3A_1627] : memref<64x4x128xf32, #tpu.memory_space<vmem>> -> memref<1x4x128xf32, #tpu.memory_space<vmem>>
    %dma_wait3A_1629 = tpu.memref_squeeze %dma_wait3A_1628 : memref<1x4x128xf32, #tpu.memory_space<vmem>> -> memref<4x128xf32, #tpu.memory_space<vmem>>
    %dma_wait3A_1630 = arith.constant 0 : i32
    %dma_wait3A_1631 = tpu.memref_slice %arg2[%dma_wait3A_1617, %mul3A_525, %dma_wait3A_1630] : memref<64x128x128xf32, #tpu.memory_space<hbm>> -> memref<1x4x128xf32, #tpu.memory_space<hbm>>
    %dma_wait3A_1632 = tpu.memref_squeeze %dma_wait3A_1631 : memref<1x4x128xf32, #tpu.memory_space<hbm>> -> memref<4x128xf32, #tpu.memory_space<hbm>>
    tpu.wait_dma2 semaphore(%arg17 : memref<!tpu.dma_semaphore, #tpu.memory_space<semaphore_mem>>) src(%dma_wait3A_1632 : memref<4x128xf32, #tpu.memory_space<hbm>>) dst(%dma_wait3A_1629 : memref<4x128xf32, #tpu.memory_space<vmem>>)
    %dma_wait3A_1633 = arith.constant 30 : i32
    %dma_wait3A_1634 = arith.constant 30 : i32
    %dma_wait3A_1635 = arith.constant 0 : i32
    %dma_wait3A_1636 = arith.constant 0 : i32
    %dma_wait3A_1637 = tpu.memref_slice %arg7[%dma_wait3A_1634, %dma_wait3A_1635, %dma_wait3A_1636] : memref<64x4x128xf32, #tpu.memory_space<vmem>> -> memref<1x4x128xf32, #tpu.memory_space<vmem>>
    %dma_wait3A_1638 = tpu.memref_squeeze %dma_wait3A_1637 : memref<1x4x128xf32, #tpu.memory_space<vmem>> -> memref<4x128xf32, #tpu.memory_space<vmem>>
    %dma_wait3A_1639 = arith.constant 0 : i32
    %dma_wait3A_1640 = tpu.memref_slice %arg2[%dma_wait3A_1633, %mul3A_543, %dma_wait3A_1639] : memref<64x128x128xf32, #tpu.memory_space<hbm>> -> memref<1x4x128xf32, #tpu.memory_space<hbm>>
    %dma_wait3A_1641 = tpu.memref_squeeze %dma_wait3A_1640 : memref<1x4x128xf32, #tpu.memory_space<hbm>> -> memref<4x128xf32, #tpu.memory_space<hbm>>
    %dma_wait3A_1642 = arith.constant 0 : i32
    %dma_wait3A_1643 = arith.constant 0 : i32
    %dma_wait3A_1644 = tpu.memref_slice %arg7[%dma_wait3A_1634, %dma_wait3A_1642, %dma_wait3A_1643] : memref<64x4x128xf32, #tpu.memory_space<vmem>> -> memref<1x4x128xf32, #tpu.memory_space<vmem>>
    %dma_wait3A_1645 = tpu.memref_squeeze %dma_wait3A_1644 : memref<1x4x128xf32, #tpu.memory_space<vmem>> -> memref<4x128xf32, #tpu.memory_space<vmem>>
    %dma_wait3A_1646 = arith.constant 0 : i32
    %dma_wait3A_1647 = tpu.memref_slice %arg2[%dma_wait3A_1633, %mul3A_543, %dma_wait3A_1646] : memref<64x128x128xf32, #tpu.memory_space<hbm>> -> memref<1x4x128xf32, #tpu.memory_space<hbm>>
    %dma_wait3A_1648 = tpu.memref_squeeze %dma_wait3A_1647 : memref<1x4x128xf32, #tpu.memory_space<hbm>> -> memref<4x128xf32, #tpu.memory_space<hbm>>
    tpu.wait_dma2 semaphore(%arg17 : memref<!tpu.dma_semaphore, #tpu.memory_space<semaphore_mem>>) src(%dma_wait3A_1648 : memref<4x128xf32, #tpu.memory_space<hbm>>) dst(%dma_wait3A_1645 : memref<4x128xf32, #tpu.memory_space<vmem>>)
    %dma_wait3A_1649 = arith.constant 31 : i32
    %dma_wait3A_1650 = arith.constant 31 : i32
    %dma_wait3A_1651 = arith.constant 0 : i32
    %dma_wait3A_1652 = arith.constant 0 : i32
    %dma_wait3A_1653 = tpu.memref_slice %arg7[%dma_wait3A_1650, %dma_wait3A_1651, %dma_wait3A_1652] : memref<64x4x128xf32, #tpu.memory_space<vmem>> -> memref<1x4x128xf32, #tpu.memory_space<vmem>>
    %dma_wait3A_1654 = tpu.memref_squeeze %dma_wait3A_1653 : memref<1x4x128xf32, #tpu.memory_space<vmem>> -> memref<4x128xf32, #tpu.memory_space<vmem>>
    %dma_wait3A_1655 = arith.constant 0 : i32
    %dma_wait3A_1656 = tpu.memref_slice %arg2[%dma_wait3A_1649, %mul3A_561, %dma_wait3A_1655] : memref<64x128x128xf32, #tpu.memory_space<hbm>> -> memref<1x4x128xf32, #tpu.memory_space<hbm>>
    %dma_wait3A_1657 = tpu.memref_squeeze %dma_wait3A_1656 : memref<1x4x128xf32, #tpu.memory_space<hbm>> -> memref<4x128xf32, #tpu.memory_space<hbm>>
    %dma_wait3A_1658 = arith.constant 0 : i32
    %dma_wait3A_1659 = arith.constant 0 : i32
    %dma_wait3A_1660 = tpu.memref_slice %arg7[%dma_wait3A_1650, %dma_wait3A_1658, %dma_wait3A_1659] : memref<64x4x128xf32, #tpu.memory_space<vmem>> -> memref<1x4x128xf32, #tpu.memory_space<vmem>>
    %dma_wait3A_1661 = tpu.memref_squeeze %dma_wait3A_1660 : memref<1x4x128xf32, #tpu.memory_space<vmem>> -> memref<4x128xf32, #tpu.memory_space<vmem>>
    %dma_wait3A_1662 = arith.constant 0 : i32
    %dma_wait3A_1663 = tpu.memref_slice %arg2[%dma_wait3A_1649, %mul3A_561, %dma_wait3A_1662] : memref<64x128x128xf32, #tpu.memory_space<hbm>> -> memref<1x4x128xf32, #tpu.memory_space<hbm>>
    %dma_wait3A_1664 = tpu.memref_squeeze %dma_wait3A_1663 : memref<1x4x128xf32, #tpu.memory_space<hbm>> -> memref<4x128xf32, #tpu.memory_space<hbm>>
    tpu.wait_dma2 semaphore(%arg17 : memref<!tpu.dma_semaphore, #tpu.memory_space<semaphore_mem>>) src(%dma_wait3A_1664 : memref<4x128xf32, #tpu.memory_space<hbm>>) dst(%dma_wait3A_1661 : memref<4x128xf32, #tpu.memory_space<vmem>>)
    %dma_wait3A_1665 = arith.constant 32 : i32
    %dma_wait3A_1666 = arith.constant 32 : i32
    %dma_wait3A_1667 = arith.constant 0 : i32
    %dma_wait3A_1668 = arith.constant 0 : i32
    %dma_wait3A_1669 = tpu.memref_slice %arg7[%dma_wait3A_1666, %dma_wait3A_1667, %dma_wait3A_1668] : memref<64x4x128xf32, #tpu.memory_space<vmem>> -> memref<1x4x128xf32, #tpu.memory_space<vmem>>
    %dma_wait3A_1670 = tpu.memref_squeeze %dma_wait3A_1669 : memref<1x4x128xf32, #tpu.memory_space<vmem>> -> memref<4x128xf32, #tpu.memory_space<vmem>>
    %dma_wait3A_1671 = arith.constant 0 : i32
    %dma_wait3A_1672 = tpu.memref_slice %arg2[%dma_wait3A_1665, %mul3A_579, %dma_wait3A_1671] : memref<64x128x128xf32, #tpu.memory_space<hbm>> -> memref<1x4x128xf32, #tpu.memory_space<hbm>>
    %dma_wait3A_1673 = tpu.memref_squeeze %dma_wait3A_1672 : memref<1x4x128xf32, #tpu.memory_space<hbm>> -> memref<4x128xf32, #tpu.memory_space<hbm>>
    %dma_wait3A_1674 = arith.constant 0 : i32
    %dma_wait3A_1675 = arith.constant 0 : i32
    %dma_wait3A_1676 = tpu.memref_slice %arg7[%dma_wait3A_1666, %dma_wait3A_1674, %dma_wait3A_1675] : memref<64x4x128xf32, #tpu.memory_space<vmem>> -> memref<1x4x128xf32, #tpu.memory_space<vmem>>
    %dma_wait3A_1677 = tpu.memref_squeeze %dma_wait3A_1676 : memref<1x4x128xf32, #tpu.memory_space<vmem>> -> memref<4x128xf32, #tpu.memory_space<vmem>>
    %dma_wait3A_1678 = arith.constant 0 : i32
    %dma_wait3A_1679 = tpu.memref_slice %arg2[%dma_wait3A_1665, %mul3A_579, %dma_wait3A_1678] : memref<64x128x128xf32, #tpu.memory_space<hbm>> -> memref<1x4x128xf32, #tpu.memory_space<hbm>>
    %dma_wait3A_1680 = tpu.memref_squeeze %dma_wait3A_1679 : memref<1x4x128xf32, #tpu.memory_space<hbm>> -> memref<4x128xf32, #tpu.memory_space<hbm>>
    tpu.wait_dma2 semaphore(%arg17 : memref<!tpu.dma_semaphore, #tpu.memory_space<semaphore_mem>>) src(%dma_wait3A_1680 : memref<4x128xf32, #tpu.memory_space<hbm>>) dst(%dma_wait3A_1677 : memref<4x128xf32, #tpu.memory_space<vmem>>)
    %dma_wait3A_1681 = arith.constant 33 : i32
    %dma_wait3A_1682 = arith.constant 33 : i32
    %dma_wait3A_1683 = arith.constant 0 : i32
    %dma_wait3A_1684 = arith.constant 0 : i32
    %dma_wait3A_1685 = tpu.memref_slice %arg7[%dma_wait3A_1682, %dma_wait3A_1683, %dma_wait3A_1684] : memref<64x4x128xf32, #tpu.memory_space<vmem>> -> memref<1x4x128xf32, #tpu.memory_space<vmem>>
    %dma_wait3A_1686 = tpu.memref_squeeze %dma_wait3A_1685 : memref<1x4x128xf32, #tpu.memory_space<vmem>> -> memref<4x128xf32, #tpu.memory_space<vmem>>
    %dma_wait3A_1687 = arith.constant 0 : i32
    %dma_wait3A_1688 = tpu.memref_slice %arg2[%dma_wait3A_1681, %mul3A_597, %dma_wait3A_1687] : memref<64x128x128xf32, #tpu.memory_space<hbm>> -> memref<1x4x128xf32, #tpu.memory_space<hbm>>
    %dma_wait3A_1689 = tpu.memref_squeeze %dma_wait3A_1688 : memref<1x4x128xf32, #tpu.memory_space<hbm>> -> memref<4x128xf32, #tpu.memory_space<hbm>>
    %dma_wait3A_1690 = arith.constant 0 : i32
    %dma_wait3A_1691 = arith.constant 0 : i32
    %dma_wait3A_1692 = tpu.memref_slice %arg7[%dma_wait3A_1682, %dma_wait3A_1690, %dma_wait3A_1691] : memref<64x4x128xf32, #tpu.memory_space<vmem>> -> memref<1x4x128xf32, #tpu.memory_space<vmem>>
    %dma_wait3A_1693 = tpu.memref_squeeze %dma_wait3A_1692 : memref<1x4x128xf32, #tpu.memory_space<vmem>> -> memref<4x128xf32, #tpu.memory_space<vmem>>
    %dma_wait3A_1694 = arith.constant 0 : i32
    %dma_wait3A_1695 = tpu.memref_slice %arg2[%dma_wait3A_1681, %mul3A_597, %dma_wait3A_1694] : memref<64x128x128xf32, #tpu.memory_space<hbm>> -> memref<1x4x128xf32, #tpu.memory_space<hbm>>
    %dma_wait3A_1696 = tpu.memref_squeeze %dma_wait3A_1695 : memref<1x4x128xf32, #tpu.memory_space<hbm>> -> memref<4x128xf32, #tpu.memory_space<hbm>>
    tpu.wait_dma2 semaphore(%arg17 : memref<!tpu.dma_semaphore, #tpu.memory_space<semaphore_mem>>) src(%dma_wait3A_1696 : memref<4x128xf32, #tpu.memory_space<hbm>>) dst(%dma_wait3A_1693 : memref<4x128xf32, #tpu.memory_space<vmem>>)
    %dma_wait3A_1697 = arith.constant 34 : i32
    %dma_wait3A_1698 = arith.constant 34 : i32
    %dma_wait3A_1699 = arith.constant 0 : i32
    %dma_wait3A_1700 = arith.constant 0 : i32
    %dma_wait3A_1701 = tpu.memref_slice %arg7[%dma_wait3A_1698, %dma_wait3A_1699, %dma_wait3A_1700] : memref<64x4x128xf32, #tpu.memory_space<vmem>> -> memref<1x4x128xf32, #tpu.memory_space<vmem>>
    %dma_wait3A_1702 = tpu.memref_squeeze %dma_wait3A_1701 : memref<1x4x128xf32, #tpu.memory_space<vmem>> -> memref<4x128xf32, #tpu.memory_space<vmem>>
    %dma_wait3A_1703 = arith.constant 0 : i32
    %dma_wait3A_1704 = tpu.memref_slice %arg2[%dma_wait3A_1697, %mul3A_615, %dma_wait3A_1703] : memref<64x128x128xf32, #tpu.memory_space<hbm>> -> memref<1x4x128xf32, #tpu.memory_space<hbm>>
    %dma_wait3A_1705 = tpu.memref_squeeze %dma_wait3A_1704 : memref<1x4x128xf32, #tpu.memory_space<hbm>> -> memref<4x128xf32, #tpu.memory_space<hbm>>
    %dma_wait3A_1706 = arith.constant 0 : i32
    %dma_wait3A_1707 = arith.constant 0 : i32
    %dma_wait3A_1708 = tpu.memref_slice %arg7[%dma_wait3A_1698, %dma_wait3A_1706, %dma_wait3A_1707] : memref<64x4x128xf32, #tpu.memory_space<vmem>> -> memref<1x4x128xf32, #tpu.memory_space<vmem>>
    %dma_wait3A_1709 = tpu.memref_squeeze %dma_wait3A_1708 : memref<1x4x128xf32, #tpu.memory_space<vmem>> -> memref<4x128xf32, #tpu.memory_space<vmem>>
    %dma_wait3A_1710 = arith.constant 0 : i32
    %dma_wait3A_1711 = tpu.memref_slice %arg2[%dma_wait3A_1697, %mul3A_615, %dma_wait3A_1710] : memref<64x128x128xf32, #tpu.memory_space<hbm>> -> memref<1x4x128xf32, #tpu.memory_space<hbm>>
    %dma_wait3A_1712 = tpu.memref_squeeze %dma_wait3A_1711 : memref<1x4x128xf32, #tpu.memory_space<hbm>> -> memref<4x128xf32, #tpu.memory_space<hbm>>
    tpu.wait_dma2 semaphore(%arg17 : memref<!tpu.dma_semaphore, #tpu.memory_space<semaphore_mem>>) src(%dma_wait3A_1712 : memref<4x128xf32, #tpu.memory_space<hbm>>) dst(%dma_wait3A_1709 : memref<4x128xf32, #tpu.memory_space<vmem>>)
    %dma_wait3A_1713 = arith.constant 35 : i32
    %dma_wait3A_1714 = arith.constant 35 : i32
    %dma_wait3A_1715 = arith.constant 0 : i32
    %dma_wait3A_1716 = arith.constant 0 : i32
    %dma_wait3A_1717 = tpu.memref_slice %arg7[%dma_wait3A_1714, %dma_wait3A_1715, %dma_wait3A_1716] : memref<64x4x128xf32, #tpu.memory_space<vmem>> -> memref<1x4x128xf32, #tpu.memory_space<vmem>>
    %dma_wait3A_1718 = tpu.memref_squeeze %dma_wait3A_1717 : memref<1x4x128xf32, #tpu.memory_space<vmem>> -> memref<4x128xf32, #tpu.memory_space<vmem>>
    %dma_wait3A_1719 = arith.constant 0 : i32
    %dma_wait3A_1720 = tpu.memref_slice %arg2[%dma_wait3A_1713, %mul3A_633, %dma_wait3A_1719] : memref<64x128x128xf32, #tpu.memory_space<hbm>> -> memref<1x4x128xf32, #tpu.memory_space<hbm>>
    %dma_wait3A_1721 = tpu.memref_squeeze %dma_wait3A_1720 : memref<1x4x128xf32, #tpu.memory_space<hbm>> -> memref<4x128xf32, #tpu.memory_space<hbm>>
    %dma_wait3A_1722 = arith.constant 0 : i32
    %dma_wait3A_1723 = arith.constant 0 : i32
    %dma_wait3A_1724 = tpu.memref_slice %arg7[%dma_wait3A_1714, %dma_wait3A_1722, %dma_wait3A_1723] : memref<64x4x128xf32, #tpu.memory_space<vmem>> -> memref<1x4x128xf32, #tpu.memory_space<vmem>>
    %dma_wait3A_1725 = tpu.memref_squeeze %dma_wait3A_1724 : memref<1x4x128xf32, #tpu.memory_space<vmem>> -> memref<4x128xf32, #tpu.memory_space<vmem>>
    %dma_wait3A_1726 = arith.constant 0 : i32
    %dma_wait3A_1727 = tpu.memref_slice %arg2[%dma_wait3A_1713, %mul3A_633, %dma_wait3A_1726] : memref<64x128x128xf32, #tpu.memory_space<hbm>> -> memref<1x4x128xf32, #tpu.memory_space<hbm>>
    %dma_wait3A_1728 = tpu.memref_squeeze %dma_wait3A_1727 : memref<1x4x128xf32, #tpu.memory_space<hbm>> -> memref<4x128xf32, #tpu.memory_space<hbm>>
    tpu.wait_dma2 semaphore(%arg17 : memref<!tpu.dma_semaphore, #tpu.memory_space<semaphore_mem>>) src(%dma_wait3A_1728 : memref<4x128xf32, #tpu.memory_space<hbm>>) dst(%dma_wait3A_1725 : memref<4x128xf32, #tpu.memory_space<vmem>>)
    %dma_wait3A_1729 = arith.constant 36 : i32
    %dma_wait3A_1730 = arith.constant 36 : i32
    %dma_wait3A_1731 = arith.constant 0 : i32
    %dma_wait3A_1732 = arith.constant 0 : i32
    %dma_wait3A_1733 = tpu.memref_slice %arg7[%dma_wait3A_1730, %dma_wait3A_1731, %dma_wait3A_1732] : memref<64x4x128xf32, #tpu.memory_space<vmem>> -> memref<1x4x128xf32, #tpu.memory_space<vmem>>
    %dma_wait3A_1734 = tpu.memref_squeeze %dma_wait3A_1733 : memref<1x4x128xf32, #tpu.memory_space<vmem>> -> memref<4x128xf32, #tpu.memory_space<vmem>>
    %dma_wait3A_1735 = arith.constant 0 : i32
    %dma_wait3A_1736 = tpu.memref_slice %arg2[%dma_wait3A_1729, %mul3A_651, %dma_wait3A_1735] : memref<64x128x128xf32, #tpu.memory_space<hbm>> -> memref<1x4x128xf32, #tpu.memory_space<hbm>>
    %dma_wait3A_1737 = tpu.memref_squeeze %dma_wait3A_1736 : memref<1x4x128xf32, #tpu.memory_space<hbm>> -> memref<4x128xf32, #tpu.memory_space<hbm>>
    %dma_wait3A_1738 = arith.constant 0 : i32
    %dma_wait3A_1739 = arith.constant 0 : i32
    %dma_wait3A_1740 = tpu.memref_slice %arg7[%dma_wait3A_1730, %dma_wait3A_1738, %dma_wait3A_1739] : memref<64x4x128xf32, #tpu.memory_space<vmem>> -> memref<1x4x128xf32, #tpu.memory_space<vmem>>
    %dma_wait3A_1741 = tpu.memref_squeeze %dma_wait3A_1740 : memref<1x4x128xf32, #tpu.memory_space<vmem>> -> memref<4x128xf32, #tpu.memory_space<vmem>>
    %dma_wait3A_1742 = arith.constant 0 : i32
    %dma_wait3A_1743 = tpu.memref_slice %arg2[%dma_wait3A_1729, %mul3A_651, %dma_wait3A_1742] : memref<64x128x128xf32, #tpu.memory_space<hbm>> -> memref<1x4x128xf32, #tpu.memory_space<hbm>>
    %dma_wait3A_1744 = tpu.memref_squeeze %dma_wait3A_1743 : memref<1x4x128xf32, #tpu.memory_space<hbm>> -> memref<4x128xf32, #tpu.memory_space<hbm>>
    tpu.wait_dma2 semaphore(%arg17 : memref<!tpu.dma_semaphore, #tpu.memory_space<semaphore_mem>>) src(%dma_wait3A_1744 : memref<4x128xf32, #tpu.memory_space<hbm>>) dst(%dma_wait3A_1741 : memref<4x128xf32, #tpu.memory_space<vmem>>)
    %dma_wait3A_1745 = arith.constant 37 : i32
    %dma_wait3A_1746 = arith.constant 37 : i32
    %dma_wait3A_1747 = arith.constant 0 : i32
    %dma_wait3A_1748 = arith.constant 0 : i32
    %dma_wait3A_1749 = tpu.memref_slice %arg7[%dma_wait3A_1746, %dma_wait3A_1747, %dma_wait3A_1748] : memref<64x4x128xf32, #tpu.memory_space<vmem>> -> memref<1x4x128xf32, #tpu.memory_space<vmem>>
    %dma_wait3A_1750 = tpu.memref_squeeze %dma_wait3A_1749 : memref<1x4x128xf32, #tpu.memory_space<vmem>> -> memref<4x128xf32, #tpu.memory_space<vmem>>
    %dma_wait3A_1751 = arith.constant 0 : i32
    %dma_wait3A_1752 = tpu.memref_slice %arg2[%dma_wait3A_1745, %mul3A_669, %dma_wait3A_1751] : memref<64x128x128xf32, #tpu.memory_space<hbm>> -> memref<1x4x128xf32, #tpu.memory_space<hbm>>
    %dma_wait3A_1753 = tpu.memref_squeeze %dma_wait3A_1752 : memref<1x4x128xf32, #tpu.memory_space<hbm>> -> memref<4x128xf32, #tpu.memory_space<hbm>>
    %dma_wait3A_1754 = arith.constant 0 : i32
    %dma_wait3A_1755 = arith.constant 0 : i32
    %dma_wait3A_1756 = tpu.memref_slice %arg7[%dma_wait3A_1746, %dma_wait3A_1754, %dma_wait3A_1755] : memref<64x4x128xf32, #tpu.memory_space<vmem>> -> memref<1x4x128xf32, #tpu.memory_space<vmem>>
    %dma_wait3A_1757 = tpu.memref_squeeze %dma_wait3A_1756 : memref<1x4x128xf32, #tpu.memory_space<vmem>> -> memref<4x128xf32, #tpu.memory_space<vmem>>
    %dma_wait3A_1758 = arith.constant 0 : i32
    %dma_wait3A_1759 = tpu.memref_slice %arg2[%dma_wait3A_1745, %mul3A_669, %dma_wait3A_1758] : memref<64x128x128xf32, #tpu.memory_space<hbm>> -> memref<1x4x128xf32, #tpu.memory_space<hbm>>
    %dma_wait3A_1760 = tpu.memref_squeeze %dma_wait3A_1759 : memref<1x4x128xf32, #tpu.memory_space<hbm>> -> memref<4x128xf32, #tpu.memory_space<hbm>>
    tpu.wait_dma2 semaphore(%arg17 : memref<!tpu.dma_semaphore, #tpu.memory_space<semaphore_mem>>) src(%dma_wait3A_1760 : memref<4x128xf32, #tpu.memory_space<hbm>>) dst(%dma_wait3A_1757 : memref<4x128xf32, #tpu.memory_space<vmem>>)
    %dma_wait3A_1761 = arith.constant 38 : i32
    %dma_wait3A_1762 = arith.constant 38 : i32
    %dma_wait3A_1763 = arith.constant 0 : i32
    %dma_wait3A_1764 = arith.constant 0 : i32
    %dma_wait3A_1765 = tpu.memref_slice %arg7[%dma_wait3A_1762, %dma_wait3A_1763, %dma_wait3A_1764] : memref<64x4x128xf32, #tpu.memory_space<vmem>> -> memref<1x4x128xf32, #tpu.memory_space<vmem>>
    %dma_wait3A_1766 = tpu.memref_squeeze %dma_wait3A_1765 : memref<1x4x128xf32, #tpu.memory_space<vmem>> -> memref<4x128xf32, #tpu.memory_space<vmem>>
    %dma_wait3A_1767 = arith.constant 0 : i32
    %dma_wait3A_1768 = tpu.memref_slice %arg2[%dma_wait3A_1761, %mul3A_687, %dma_wait3A_1767] : memref<64x128x128xf32, #tpu.memory_space<hbm>> -> memref<1x4x128xf32, #tpu.memory_space<hbm>>
    %dma_wait3A_1769 = tpu.memref_squeeze %dma_wait3A_1768 : memref<1x4x128xf32, #tpu.memory_space<hbm>> -> memref<4x128xf32, #tpu.memory_space<hbm>>
    %dma_wait3A_1770 = arith.constant 0 : i32
    %dma_wait3A_1771 = arith.constant 0 : i32
    %dma_wait3A_1772 = tpu.memref_slice %arg7[%dma_wait3A_1762, %dma_wait3A_1770, %dma_wait3A_1771] : memref<64x4x128xf32, #tpu.memory_space<vmem>> -> memref<1x4x128xf32, #tpu.memory_space<vmem>>
    %dma_wait3A_1773 = tpu.memref_squeeze %dma_wait3A_1772 : memref<1x4x128xf32, #tpu.memory_space<vmem>> -> memref<4x128xf32, #tpu.memory_space<vmem>>
    %dma_wait3A_1774 = arith.constant 0 : i32
    %dma_wait3A_1775 = tpu.memref_slice %arg2[%dma_wait3A_1761, %mul3A_687, %dma_wait3A_1774] : memref<64x128x128xf32, #tpu.memory_space<hbm>> -> memref<1x4x128xf32, #tpu.memory_space<hbm>>
    %dma_wait3A_1776 = tpu.memref_squeeze %dma_wait3A_1775 : memref<1x4x128xf32, #tpu.memory_space<hbm>> -> memref<4x128xf32, #tpu.memory_space<hbm>>
    tpu.wait_dma2 semaphore(%arg17 : memref<!tpu.dma_semaphore, #tpu.memory_space<semaphore_mem>>) src(%dma_wait3A_1776 : memref<4x128xf32, #tpu.memory_space<hbm>>) dst(%dma_wait3A_1773 : memref<4x128xf32, #tpu.memory_space<vmem>>)
    %dma_wait3A_1777 = arith.constant 39 : i32
    %dma_wait3A_1778 = arith.constant 39 : i32
    %dma_wait3A_1779 = arith.constant 0 : i32
    %dma_wait3A_1780 = arith.constant 0 : i32
    %dma_wait3A_1781 = tpu.memref_slice %arg7[%dma_wait3A_1778, %dma_wait3A_1779, %dma_wait3A_1780] : memref<64x4x128xf32, #tpu.memory_space<vmem>> -> memref<1x4x128xf32, #tpu.memory_space<vmem>>
    %dma_wait3A_1782 = tpu.memref_squeeze %dma_wait3A_1781 : memref<1x4x128xf32, #tpu.memory_space<vmem>> -> memref<4x128xf32, #tpu.memory_space<vmem>>
    %dma_wait3A_1783 = arith.constant 0 : i32
    %dma_wait3A_1784 = tpu.memref_slice %arg2[%dma_wait3A_1777, %mul3A_705, %dma_wait3A_1783] : memref<64x128x128xf32, #tpu.memory_space<hbm>> -> memref<1x4x128xf32, #tpu.memory_space<hbm>>
    %dma_wait3A_1785 = tpu.memref_squeeze %dma_wait3A_1784 : memref<1x4x128xf32, #tpu.memory_space<hbm>> -> memref<4x128xf32, #tpu.memory_space<hbm>>
    %dma_wait3A_1786 = arith.constant 0 : i32
    %dma_wait3A_1787 = arith.constant 0 : i32
    %dma_wait3A_1788 = tpu.memref_slice %arg7[%dma_wait3A_1778, %dma_wait3A_1786, %dma_wait3A_1787] : memref<64x4x128xf32, #tpu.memory_space<vmem>> -> memref<1x4x128xf32, #tpu.memory_space<vmem>>
    %dma_wait3A_1789 = tpu.memref_squeeze %dma_wait3A_1788 : memref<1x4x128xf32, #tpu.memory_space<vmem>> -> memref<4x128xf32, #tpu.memory_space<vmem>>
    %dma_wait3A_1790 = arith.constant 0 : i32
    %dma_wait3A_1791 = tpu.memref_slice %arg2[%dma_wait3A_1777, %mul3A_705, %dma_wait3A_1790] : memref<64x128x128xf32, #tpu.memory_space<hbm>> -> memref<1x4x128xf32, #tpu.memory_space<hbm>>
    %dma_wait3A_1792 = tpu.memref_squeeze %dma_wait3A_1791 : memref<1x4x128xf32, #tpu.memory_space<hbm>> -> memref<4x128xf32, #tpu.memory_space<hbm>>
    tpu.wait_dma2 semaphore(%arg17 : memref<!tpu.dma_semaphore, #tpu.memory_space<semaphore_mem>>) src(%dma_wait3A_1792 : memref<4x128xf32, #tpu.memory_space<hbm>>) dst(%dma_wait3A_1789 : memref<4x128xf32, #tpu.memory_space<vmem>>)
    %dma_wait3A_1793 = arith.constant 40 : i32
    %dma_wait3A_1794 = arith.constant 40 : i32
    %dma_wait3A_1795 = arith.constant 0 : i32
    %dma_wait3A_1796 = arith.constant 0 : i32
    %dma_wait3A_1797 = tpu.memref_slice %arg7[%dma_wait3A_1794, %dma_wait3A_1795, %dma_wait3A_1796] : memref<64x4x128xf32, #tpu.memory_space<vmem>> -> memref<1x4x128xf32, #tpu.memory_space<vmem>>
    %dma_wait3A_1798 = tpu.memref_squeeze %dma_wait3A_1797 : memref<1x4x128xf32, #tpu.memory_space<vmem>> -> memref<4x128xf32, #tpu.memory_space<vmem>>
    %dma_wait3A_1799 = arith.constant 0 : i32
    %dma_wait3A_1800 = tpu.memref_slice %arg2[%dma_wait3A_1793, %mul3A_723, %dma_wait3A_1799] : memref<64x128x128xf32, #tpu.memory_space<hbm>> -> memref<1x4x128xf32, #tpu.memory_space<hbm>>
    %dma_wait3A_1801 = tpu.memref_squeeze %dma_wait3A_1800 : memref<1x4x128xf32, #tpu.memory_space<hbm>> -> memref<4x128xf32, #tpu.memory_space<hbm>>
    %dma_wait3A_1802 = arith.constant 0 : i32
    %dma_wait3A_1803 = arith.constant 0 : i32
    %dma_wait3A_1804 = tpu.memref_slice %arg7[%dma_wait3A_1794, %dma_wait3A_1802, %dma_wait3A_1803] : memref<64x4x128xf32, #tpu.memory_space<vmem>> -> memref<1x4x128xf32, #tpu.memory_space<vmem>>
    %dma_wait3A_1805 = tpu.memref_squeeze %dma_wait3A_1804 : memref<1x4x128xf32, #tpu.memory_space<vmem>> -> memref<4x128xf32, #tpu.memory_space<vmem>>
    %dma_wait3A_1806 = arith.constant 0 : i32
    %dma_wait3A_1807 = tpu.memref_slice %arg2[%dma_wait3A_1793, %mul3A_723, %dma_wait3A_1806] : memref<64x128x128xf32, #tpu.memory_space<hbm>> -> memref<1x4x128xf32, #tpu.memory_space<hbm>>
    %dma_wait3A_1808 = tpu.memref_squeeze %dma_wait3A_1807 : memref<1x4x128xf32, #tpu.memory_space<hbm>> -> memref<4x128xf32, #tpu.memory_space<hbm>>
    tpu.wait_dma2 semaphore(%arg17 : memref<!tpu.dma_semaphore, #tpu.memory_space<semaphore_mem>>) src(%dma_wait3A_1808 : memref<4x128xf32, #tpu.memory_space<hbm>>) dst(%dma_wait3A_1805 : memref<4x128xf32, #tpu.memory_space<vmem>>)
    %dma_wait3A_1809 = arith.constant 41 : i32
    %dma_wait3A_1810 = arith.constant 41 : i32
    %dma_wait3A_1811 = arith.constant 0 : i32
    %dma_wait3A_1812 = arith.constant 0 : i32
    %dma_wait3A_1813 = tpu.memref_slice %arg7[%dma_wait3A_1810, %dma_wait3A_1811, %dma_wait3A_1812] : memref<64x4x128xf32, #tpu.memory_space<vmem>> -> memref<1x4x128xf32, #tpu.memory_space<vmem>>
    %dma_wait3A_1814 = tpu.memref_squeeze %dma_wait3A_1813 : memref<1x4x128xf32, #tpu.memory_space<vmem>> -> memref<4x128xf32, #tpu.memory_space<vmem>>
    %dma_wait3A_1815 = arith.constant 0 : i32
    %dma_wait3A_1816 = tpu.memref_slice %arg2[%dma_wait3A_1809, %mul3A_741, %dma_wait3A_1815] : memref<64x128x128xf32, #tpu.memory_space<hbm>> -> memref<1x4x128xf32, #tpu.memory_space<hbm>>
    %dma_wait3A_1817 = tpu.memref_squeeze %dma_wait3A_1816 : memref<1x4x128xf32, #tpu.memory_space<hbm>> -> memref<4x128xf32, #tpu.memory_space<hbm>>
    %dma_wait3A_1818 = arith.constant 0 : i32
    %dma_wait3A_1819 = arith.constant 0 : i32
    %dma_wait3A_1820 = tpu.memref_slice %arg7[%dma_wait3A_1810, %dma_wait3A_1818, %dma_wait3A_1819] : memref<64x4x128xf32, #tpu.memory_space<vmem>> -> memref<1x4x128xf32, #tpu.memory_space<vmem>>
    %dma_wait3A_1821 = tpu.memref_squeeze %dma_wait3A_1820 : memref<1x4x128xf32, #tpu.memory_space<vmem>> -> memref<4x128xf32, #tpu.memory_space<vmem>>
    %dma_wait3A_1822 = arith.constant 0 : i32
    %dma_wait3A_1823 = tpu.memref_slice %arg2[%dma_wait3A_1809, %mul3A_741, %dma_wait3A_1822] : memref<64x128x128xf32, #tpu.memory_space<hbm>> -> memref<1x4x128xf32, #tpu.memory_space<hbm>>
    %dma_wait3A_1824 = tpu.memref_squeeze %dma_wait3A_1823 : memref<1x4x128xf32, #tpu.memory_space<hbm>> -> memref<4x128xf32, #tpu.memory_space<hbm>>
    tpu.wait_dma2 semaphore(%arg17 : memref<!tpu.dma_semaphore, #tpu.memory_space<semaphore_mem>>) src(%dma_wait3A_1824 : memref<4x128xf32, #tpu.memory_space<hbm>>) dst(%dma_wait3A_1821 : memref<4x128xf32, #tpu.memory_space<vmem>>)
    %dma_wait3A_1825 = arith.constant 42 : i32
    %dma_wait3A_1826 = arith.constant 42 : i32
    %dma_wait3A_1827 = arith.constant 0 : i32
    %dma_wait3A_1828 = arith.constant 0 : i32
    %dma_wait3A_1829 = tpu.memref_slice %arg7[%dma_wait3A_1826, %dma_wait3A_1827, %dma_wait3A_1828] : memref<64x4x128xf32, #tpu.memory_space<vmem>> -> memref<1x4x128xf32, #tpu.memory_space<vmem>>
    %dma_wait3A_1830 = tpu.memref_squeeze %dma_wait3A_1829 : memref<1x4x128xf32, #tpu.memory_space<vmem>> -> memref<4x128xf32, #tpu.memory_space<vmem>>
    %dma_wait3A_1831 = arith.constant 0 : i32
    %dma_wait3A_1832 = tpu.memref_slice %arg2[%dma_wait3A_1825, %mul3A_759, %dma_wait3A_1831] : memref<64x128x128xf32, #tpu.memory_space<hbm>> -> memref<1x4x128xf32, #tpu.memory_space<hbm>>
    %dma_wait3A_1833 = tpu.memref_squeeze %dma_wait3A_1832 : memref<1x4x128xf32, #tpu.memory_space<hbm>> -> memref<4x128xf32, #tpu.memory_space<hbm>>
    %dma_wait3A_1834 = arith.constant 0 : i32
    %dma_wait3A_1835 = arith.constant 0 : i32
    %dma_wait3A_1836 = tpu.memref_slice %arg7[%dma_wait3A_1826, %dma_wait3A_1834, %dma_wait3A_1835] : memref<64x4x128xf32, #tpu.memory_space<vmem>> -> memref<1x4x128xf32, #tpu.memory_space<vmem>>
    %dma_wait3A_1837 = tpu.memref_squeeze %dma_wait3A_1836 : memref<1x4x128xf32, #tpu.memory_space<vmem>> -> memref<4x128xf32, #tpu.memory_space<vmem>>
    %dma_wait3A_1838 = arith.constant 0 : i32
    %dma_wait3A_1839 = tpu.memref_slice %arg2[%dma_wait3A_1825, %mul3A_759, %dma_wait3A_1838] : memref<64x128x128xf32, #tpu.memory_space<hbm>> -> memref<1x4x128xf32, #tpu.memory_space<hbm>>
    %dma_wait3A_1840 = tpu.memref_squeeze %dma_wait3A_1839 : memref<1x4x128xf32, #tpu.memory_space<hbm>> -> memref<4x128xf32, #tpu.memory_space<hbm>>
    tpu.wait_dma2 semaphore(%arg17 : memref<!tpu.dma_semaphore, #tpu.memory_space<semaphore_mem>>) src(%dma_wait3A_1840 : memref<4x128xf32, #tpu.memory_space<hbm>>) dst(%dma_wait3A_1837 : memref<4x128xf32, #tpu.memory_space<vmem>>)
    %dma_wait3A_1841 = arith.constant 43 : i32
    %dma_wait3A_1842 = arith.constant 43 : i32
    %dma_wait3A_1843 = arith.constant 0 : i32
    %dma_wait3A_1844 = arith.constant 0 : i32
    %dma_wait3A_1845 = tpu.memref_slice %arg7[%dma_wait3A_1842, %dma_wait3A_1843, %dma_wait3A_1844] : memref<64x4x128xf32, #tpu.memory_space<vmem>> -> memref<1x4x128xf32, #tpu.memory_space<vmem>>
    %dma_wait3A_1846 = tpu.memref_squeeze %dma_wait3A_1845 : memref<1x4x128xf32, #tpu.memory_space<vmem>> -> memref<4x128xf32, #tpu.memory_space<vmem>>
    %dma_wait3A_1847 = arith.constant 0 : i32
    %dma_wait3A_1848 = tpu.memref_slice %arg2[%dma_wait3A_1841, %mul3A_777, %dma_wait3A_1847] : memref<64x128x128xf32, #tpu.memory_space<hbm>> -> memref<1x4x128xf32, #tpu.memory_space<hbm>>
    %dma_wait3A_1849 = tpu.memref_squeeze %dma_wait3A_1848 : memref<1x4x128xf32, #tpu.memory_space<hbm>> -> memref<4x128xf32, #tpu.memory_space<hbm>>
    %dma_wait3A_1850 = arith.constant 0 : i32
    %dma_wait3A_1851 = arith.constant 0 : i32
    %dma_wait3A_1852 = tpu.memref_slice %arg7[%dma_wait3A_1842, %dma_wait3A_1850, %dma_wait3A_1851] : memref<64x4x128xf32, #tpu.memory_space<vmem>> -> memref<1x4x128xf32, #tpu.memory_space<vmem>>
    %dma_wait3A_1853 = tpu.memref_squeeze %dma_wait3A_1852 : memref<1x4x128xf32, #tpu.memory_space<vmem>> -> memref<4x128xf32, #tpu.memory_space<vmem>>
    %dma_wait3A_1854 = arith.constant 0 : i32
    %dma_wait3A_1855 = tpu.memref_slice %arg2[%dma_wait3A_1841, %mul3A_777, %dma_wait3A_1854] : memref<64x128x128xf32, #tpu.memory_space<hbm>> -> memref<1x4x128xf32, #tpu.memory_space<hbm>>
    %dma_wait3A_1856 = tpu.memref_squeeze %dma_wait3A_1855 : memref<1x4x128xf32, #tpu.memory_space<hbm>> -> memref<4x128xf32, #tpu.memory_space<hbm>>
    tpu.wait_dma2 semaphore(%arg17 : memref<!tpu.dma_semaphore, #tpu.memory_space<semaphore_mem>>) src(%dma_wait3A_1856 : memref<4x128xf32, #tpu.memory_space<hbm>>) dst(%dma_wait3A_1853 : memref<4x128xf32, #tpu.memory_space<vmem>>)
    %dma_wait3A_1857 = arith.constant 44 : i32
    %dma_wait3A_1858 = arith.constant 44 : i32
    %dma_wait3A_1859 = arith.constant 0 : i32
    %dma_wait3A_1860 = arith.constant 0 : i32
    %dma_wait3A_1861 = tpu.memref_slice %arg7[%dma_wait3A_1858, %dma_wait3A_1859, %dma_wait3A_1860] : memref<64x4x128xf32, #tpu.memory_space<vmem>> -> memref<1x4x128xf32, #tpu.memory_space<vmem>>
    %dma_wait3A_1862 = tpu.memref_squeeze %dma_wait3A_1861 : memref<1x4x128xf32, #tpu.memory_space<vmem>> -> memref<4x128xf32, #tpu.memory_space<vmem>>
    %dma_wait3A_1863 = arith.constant 0 : i32
    %dma_wait3A_1864 = tpu.memref_slice %arg2[%dma_wait3A_1857, %mul3A_795, %dma_wait3A_1863] : memref<64x128x128xf32, #tpu.memory_space<hbm>> -> memref<1x4x128xf32, #tpu.memory_space<hbm>>
    %dma_wait3A_1865 = tpu.memref_squeeze %dma_wait3A_1864 : memref<1x4x128xf32, #tpu.memory_space<hbm>> -> memref<4x128xf32, #tpu.memory_space<hbm>>
    %dma_wait3A_1866 = arith.constant 0 : i32
    %dma_wait3A_1867 = arith.constant 0 : i32
    %dma_wait3A_1868 = tpu.memref_slice %arg7[%dma_wait3A_1858, %dma_wait3A_1866, %dma_wait3A_1867] : memref<64x4x128xf32, #tpu.memory_space<vmem>> -> memref<1x4x128xf32, #tpu.memory_space<vmem>>
    %dma_wait3A_1869 = tpu.memref_squeeze %dma_wait3A_1868 : memref<1x4x128xf32, #tpu.memory_space<vmem>> -> memref<4x128xf32, #tpu.memory_space<vmem>>
    %dma_wait3A_1870 = arith.constant 0 : i32
    %dma_wait3A_1871 = tpu.memref_slice %arg2[%dma_wait3A_1857, %mul3A_795, %dma_wait3A_1870] : memref<64x128x128xf32, #tpu.memory_space<hbm>> -> memref<1x4x128xf32, #tpu.memory_space<hbm>>
    %dma_wait3A_1872 = tpu.memref_squeeze %dma_wait3A_1871 : memref<1x4x128xf32, #tpu.memory_space<hbm>> -> memref<4x128xf32, #tpu.memory_space<hbm>>
    tpu.wait_dma2 semaphore(%arg17 : memref<!tpu.dma_semaphore, #tpu.memory_space<semaphore_mem>>) src(%dma_wait3A_1872 : memref<4x128xf32, #tpu.memory_space<hbm>>) dst(%dma_wait3A_1869 : memref<4x128xf32, #tpu.memory_space<vmem>>)
    %dma_wait3A_1873 = arith.constant 45 : i32
    %dma_wait3A_1874 = arith.constant 45 : i32
    %dma_wait3A_1875 = arith.constant 0 : i32
    %dma_wait3A_1876 = arith.constant 0 : i32
    %dma_wait3A_1877 = tpu.memref_slice %arg7[%dma_wait3A_1874, %dma_wait3A_1875, %dma_wait3A_1876] : memref<64x4x128xf32, #tpu.memory_space<vmem>> -> memref<1x4x128xf32, #tpu.memory_space<vmem>>
    %dma_wait3A_1878 = tpu.memref_squeeze %dma_wait3A_1877 : memref<1x4x128xf32, #tpu.memory_space<vmem>> -> memref<4x128xf32, #tpu.memory_space<vmem>>
    %dma_wait3A_1879 = arith.constant 0 : i32
    %dma_wait3A_1880 = tpu.memref_slice %arg2[%dma_wait3A_1873, %mul3A_813, %dma_wait3A_1879] : memref<64x128x128xf32, #tpu.memory_space<hbm>> -> memref<1x4x128xf32, #tpu.memory_space<hbm>>
    %dma_wait3A_1881 = tpu.memref_squeeze %dma_wait3A_1880 : memref<1x4x128xf32, #tpu.memory_space<hbm>> -> memref<4x128xf32, #tpu.memory_space<hbm>>
    %dma_wait3A_1882 = arith.constant 0 : i32
    %dma_wait3A_1883 = arith.constant 0 : i32
    %dma_wait3A_1884 = tpu.memref_slice %arg7[%dma_wait3A_1874, %dma_wait3A_1882, %dma_wait3A_1883] : memref<64x4x128xf32, #tpu.memory_space<vmem>> -> memref<1x4x128xf32, #tpu.memory_space<vmem>>
    %dma_wait3A_1885 = tpu.memref_squeeze %dma_wait3A_1884 : memref<1x4x128xf32, #tpu.memory_space<vmem>> -> memref<4x128xf32, #tpu.memory_space<vmem>>
    %dma_wait3A_1886 = arith.constant 0 : i32
    %dma_wait3A_1887 = tpu.memref_slice %arg2[%dma_wait3A_1873, %mul3A_813, %dma_wait3A_1886] : memref<64x128x128xf32, #tpu.memory_space<hbm>> -> memref<1x4x128xf32, #tpu.memory_space<hbm>>
    %dma_wait3A_1888 = tpu.memref_squeeze %dma_wait3A_1887 : memref<1x4x128xf32, #tpu.memory_space<hbm>> -> memref<4x128xf32, #tpu.memory_space<hbm>>
    tpu.wait_dma2 semaphore(%arg17 : memref<!tpu.dma_semaphore, #tpu.memory_space<semaphore_mem>>) src(%dma_wait3A_1888 : memref<4x128xf32, #tpu.memory_space<hbm>>) dst(%dma_wait3A_1885 : memref<4x128xf32, #tpu.memory_space<vmem>>)
    %dma_wait3A_1889 = arith.constant 46 : i32
    %dma_wait3A_1890 = arith.constant 46 : i32
    %dma_wait3A_1891 = arith.constant 0 : i32
    %dma_wait3A_1892 = arith.constant 0 : i32
    %dma_wait3A_1893 = tpu.memref_slice %arg7[%dma_wait3A_1890, %dma_wait3A_1891, %dma_wait3A_1892] : memref<64x4x128xf32, #tpu.memory_space<vmem>> -> memref<1x4x128xf32, #tpu.memory_space<vmem>>
    %dma_wait3A_1894 = tpu.memref_squeeze %dma_wait3A_1893 : memref<1x4x128xf32, #tpu.memory_space<vmem>> -> memref<4x128xf32, #tpu.memory_space<vmem>>
    %dma_wait3A_1895 = arith.constant 0 : i32
    %dma_wait3A_1896 = tpu.memref_slice %arg2[%dma_wait3A_1889, %mul3A_831, %dma_wait3A_1895] : memref<64x128x128xf32, #tpu.memory_space<hbm>> -> memref<1x4x128xf32, #tpu.memory_space<hbm>>
    %dma_wait3A_1897 = tpu.memref_squeeze %dma_wait3A_1896 : memref<1x4x128xf32, #tpu.memory_space<hbm>> -> memref<4x128xf32, #tpu.memory_space<hbm>>
    %dma_wait3A_1898 = arith.constant 0 : i32
    %dma_wait3A_1899 = arith.constant 0 : i32
    %dma_wait3A_1900 = tpu.memref_slice %arg7[%dma_wait3A_1890, %dma_wait3A_1898, %dma_wait3A_1899] : memref<64x4x128xf32, #tpu.memory_space<vmem>> -> memref<1x4x128xf32, #tpu.memory_space<vmem>>
    %dma_wait3A_1901 = tpu.memref_squeeze %dma_wait3A_1900 : memref<1x4x128xf32, #tpu.memory_space<vmem>> -> memref<4x128xf32, #tpu.memory_space<vmem>>
    %dma_wait3A_1902 = arith.constant 0 : i32
    %dma_wait3A_1903 = tpu.memref_slice %arg2[%dma_wait3A_1889, %mul3A_831, %dma_wait3A_1902] : memref<64x128x128xf32, #tpu.memory_space<hbm>> -> memref<1x4x128xf32, #tpu.memory_space<hbm>>
    %dma_wait3A_1904 = tpu.memref_squeeze %dma_wait3A_1903 : memref<1x4x128xf32, #tpu.memory_space<hbm>> -> memref<4x128xf32, #tpu.memory_space<hbm>>
    tpu.wait_dma2 semaphore(%arg17 : memref<!tpu.dma_semaphore, #tpu.memory_space<semaphore_mem>>) src(%dma_wait3A_1904 : memref<4x128xf32, #tpu.memory_space<hbm>>) dst(%dma_wait3A_1901 : memref<4x128xf32, #tpu.memory_space<vmem>>)
    %dma_wait3A_1905 = arith.constant 47 : i32
    %dma_wait3A_1906 = arith.constant 47 : i32
    %dma_wait3A_1907 = arith.constant 0 : i32
    %dma_wait3A_1908 = arith.constant 0 : i32
    %dma_wait3A_1909 = tpu.memref_slice %arg7[%dma_wait3A_1906, %dma_wait3A_1907, %dma_wait3A_1908] : memref<64x4x128xf32, #tpu.memory_space<vmem>> -> memref<1x4x128xf32, #tpu.memory_space<vmem>>
    %dma_wait3A_1910 = tpu.memref_squeeze %dma_wait3A_1909 : memref<1x4x128xf32, #tpu.memory_space<vmem>> -> memref<4x128xf32, #tpu.memory_space<vmem>>
    %dma_wait3A_1911 = arith.constant 0 : i32
    %dma_wait3A_1912 = tpu.memref_slice %arg2[%dma_wait3A_1905, %mul3A_849, %dma_wait3A_1911] : memref<64x128x128xf32, #tpu.memory_space<hbm>> -> memref<1x4x128xf32, #tpu.memory_space<hbm>>
    %dma_wait3A_1913 = tpu.memref_squeeze %dma_wait3A_1912 : memref<1x4x128xf32, #tpu.memory_space<hbm>> -> memref<4x128xf32, #tpu.memory_space<hbm>>
    %dma_wait3A_1914 = arith.constant 0 : i32
    %dma_wait3A_1915 = arith.constant 0 : i32
    %dma_wait3A_1916 = tpu.memref_slice %arg7[%dma_wait3A_1906, %dma_wait3A_1914, %dma_wait3A_1915] : memref<64x4x128xf32, #tpu.memory_space<vmem>> -> memref<1x4x128xf32, #tpu.memory_space<vmem>>
    %dma_wait3A_1917 = tpu.memref_squeeze %dma_wait3A_1916 : memref<1x4x128xf32, #tpu.memory_space<vmem>> -> memref<4x128xf32, #tpu.memory_space<vmem>>
    %dma_wait3A_1918 = arith.constant 0 : i32
    %dma_wait3A_1919 = tpu.memref_slice %arg2[%dma_wait3A_1905, %mul3A_849, %dma_wait3A_1918] : memref<64x128x128xf32, #tpu.memory_space<hbm>> -> memref<1x4x128xf32, #tpu.memory_space<hbm>>
    %dma_wait3A_1920 = tpu.memref_squeeze %dma_wait3A_1919 : memref<1x4x128xf32, #tpu.memory_space<hbm>> -> memref<4x128xf32, #tpu.memory_space<hbm>>
    tpu.wait_dma2 semaphore(%arg17 : memref<!tpu.dma_semaphore, #tpu.memory_space<semaphore_mem>>) src(%dma_wait3A_1920 : memref<4x128xf32, #tpu.memory_space<hbm>>) dst(%dma_wait3A_1917 : memref<4x128xf32, #tpu.memory_space<vmem>>)
    %dma_wait3A_1921 = arith.constant 48 : i32
    %dma_wait3A_1922 = arith.constant 48 : i32
    %dma_wait3A_1923 = arith.constant 0 : i32
    %dma_wait3A_1924 = arith.constant 0 : i32
    %dma_wait3A_1925 = tpu.memref_slice %arg7[%dma_wait3A_1922, %dma_wait3A_1923, %dma_wait3A_1924] : memref<64x4x128xf32, #tpu.memory_space<vmem>> -> memref<1x4x128xf32, #tpu.memory_space<vmem>>
    %dma_wait3A_1926 = tpu.memref_squeeze %dma_wait3A_1925 : memref<1x4x128xf32, #tpu.memory_space<vmem>> -> memref<4x128xf32, #tpu.memory_space<vmem>>
    %dma_wait3A_1927 = arith.constant 0 : i32
    %dma_wait3A_1928 = tpu.memref_slice %arg2[%dma_wait3A_1921, %mul3A_867, %dma_wait3A_1927] : memref<64x128x128xf32, #tpu.memory_space<hbm>> -> memref<1x4x128xf32, #tpu.memory_space<hbm>>
    %dma_wait3A_1929 = tpu.memref_squeeze %dma_wait3A_1928 : memref<1x4x128xf32, #tpu.memory_space<hbm>> -> memref<4x128xf32, #tpu.memory_space<hbm>>
    %dma_wait3A_1930 = arith.constant 0 : i32
    %dma_wait3A_1931 = arith.constant 0 : i32
    %dma_wait3A_1932 = tpu.memref_slice %arg7[%dma_wait3A_1922, %dma_wait3A_1930, %dma_wait3A_1931] : memref<64x4x128xf32, #tpu.memory_space<vmem>> -> memref<1x4x128xf32, #tpu.memory_space<vmem>>
    %dma_wait3A_1933 = tpu.memref_squeeze %dma_wait3A_1932 : memref<1x4x128xf32, #tpu.memory_space<vmem>> -> memref<4x128xf32, #tpu.memory_space<vmem>>
    %dma_wait3A_1934 = arith.constant 0 : i32
    %dma_wait3A_1935 = tpu.memref_slice %arg2[%dma_wait3A_1921, %mul3A_867, %dma_wait3A_1934] : memref<64x128x128xf32, #tpu.memory_space<hbm>> -> memref<1x4x128xf32, #tpu.memory_space<hbm>>
    %dma_wait3A_1936 = tpu.memref_squeeze %dma_wait3A_1935 : memref<1x4x128xf32, #tpu.memory_space<hbm>> -> memref<4x128xf32, #tpu.memory_space<hbm>>
    tpu.wait_dma2 semaphore(%arg17 : memref<!tpu.dma_semaphore, #tpu.memory_space<semaphore_mem>>) src(%dma_wait3A_1936 : memref<4x128xf32, #tpu.memory_space<hbm>>) dst(%dma_wait3A_1933 : memref<4x128xf32, #tpu.memory_space<vmem>>)
    %dma_wait3A_1937 = arith.constant 49 : i32
    %dma_wait3A_1938 = arith.constant 49 : i32
    %dma_wait3A_1939 = arith.constant 0 : i32
    %dma_wait3A_1940 = arith.constant 0 : i32
    %dma_wait3A_1941 = tpu.memref_slice %arg7[%dma_wait3A_1938, %dma_wait3A_1939, %dma_wait3A_1940] : memref<64x4x128xf32, #tpu.memory_space<vmem>> -> memref<1x4x128xf32, #tpu.memory_space<vmem>>
    %dma_wait3A_1942 = tpu.memref_squeeze %dma_wait3A_1941 : memref<1x4x128xf32, #tpu.memory_space<vmem>> -> memref<4x128xf32, #tpu.memory_space<vmem>>
    %dma_wait3A_1943 = arith.constant 0 : i32
    %dma_wait3A_1944 = tpu.memref_slice %arg2[%dma_wait3A_1937, %mul3A_885, %dma_wait3A_1943] : memref<64x128x128xf32, #tpu.memory_space<hbm>> -> memref<1x4x128xf32, #tpu.memory_space<hbm>>
    %dma_wait3A_1945 = tpu.memref_squeeze %dma_wait3A_1944 : memref<1x4x128xf32, #tpu.memory_space<hbm>> -> memref<4x128xf32, #tpu.memory_space<hbm>>
    %dma_wait3A_1946 = arith.constant 0 : i32
    %dma_wait3A_1947 = arith.constant 0 : i32
    %dma_wait3A_1948 = tpu.memref_slice %arg7[%dma_wait3A_1938, %dma_wait3A_1946, %dma_wait3A_1947] : memref<64x4x128xf32, #tpu.memory_space<vmem>> -> memref<1x4x128xf32, #tpu.memory_space<vmem>>
    %dma_wait3A_1949 = tpu.memref_squeeze %dma_wait3A_1948 : memref<1x4x128xf32, #tpu.memory_space<vmem>> -> memref<4x128xf32, #tpu.memory_space<vmem>>
    %dma_wait3A_1950 = arith.constant 0 : i32
    %dma_wait3A_1951 = tpu.memref_slice %arg2[%dma_wait3A_1937, %mul3A_885, %dma_wait3A_1950] : memref<64x128x128xf32, #tpu.memory_space<hbm>> -> memref<1x4x128xf32, #tpu.memory_space<hbm>>
    %dma_wait3A_1952 = tpu.memref_squeeze %dma_wait3A_1951 : memref<1x4x128xf32, #tpu.memory_space<hbm>> -> memref<4x128xf32, #tpu.memory_space<hbm>>
    tpu.wait_dma2 semaphore(%arg17 : memref<!tpu.dma_semaphore, #tpu.memory_space<semaphore_mem>>) src(%dma_wait3A_1952 : memref<4x128xf32, #tpu.memory_space<hbm>>) dst(%dma_wait3A_1949 : memref<4x128xf32, #tpu.memory_space<vmem>>)
    %dma_wait3A_1953 = arith.constant 50 : i32
    %dma_wait3A_1954 = arith.constant 50 : i32
    %dma_wait3A_1955 = arith.constant 0 : i32
    %dma_wait3A_1956 = arith.constant 0 : i32
    %dma_wait3A_1957 = tpu.memref_slice %arg7[%dma_wait3A_1954, %dma_wait3A_1955, %dma_wait3A_1956] : memref<64x4x128xf32, #tpu.memory_space<vmem>> -> memref<1x4x128xf32, #tpu.memory_space<vmem>>
    %dma_wait3A_1958 = tpu.memref_squeeze %dma_wait3A_1957 : memref<1x4x128xf32, #tpu.memory_space<vmem>> -> memref<4x128xf32, #tpu.memory_space<vmem>>
    %dma_wait3A_1959 = arith.constant 0 : i32
    %dma_wait3A_1960 = tpu.memref_slice %arg2[%dma_wait3A_1953, %mul3A_903, %dma_wait3A_1959] : memref<64x128x128xf32, #tpu.memory_space<hbm>> -> memref<1x4x128xf32, #tpu.memory_space<hbm>>
    %dma_wait3A_1961 = tpu.memref_squeeze %dma_wait3A_1960 : memref<1x4x128xf32, #tpu.memory_space<hbm>> -> memref<4x128xf32, #tpu.memory_space<hbm>>
    %dma_wait3A_1962 = arith.constant 0 : i32
    %dma_wait3A_1963 = arith.constant 0 : i32
    %dma_wait3A_1964 = tpu.memref_slice %arg7[%dma_wait3A_1954, %dma_wait3A_1962, %dma_wait3A_1963] : memref<64x4x128xf32, #tpu.memory_space<vmem>> -> memref<1x4x128xf32, #tpu.memory_space<vmem>>
    %dma_wait3A_1965 = tpu.memref_squeeze %dma_wait3A_1964 : memref<1x4x128xf32, #tpu.memory_space<vmem>> -> memref<4x128xf32, #tpu.memory_space<vmem>>
    %dma_wait3A_1966 = arith.constant 0 : i32
    %dma_wait3A_1967 = tpu.memref_slice %arg2[%dma_wait3A_1953, %mul3A_903, %dma_wait3A_1966] : memref<64x128x128xf32, #tpu.memory_space<hbm>> -> memref<1x4x128xf32, #tpu.memory_space<hbm>>
    %dma_wait3A_1968 = tpu.memref_squeeze %dma_wait3A_1967 : memref<1x4x128xf32, #tpu.memory_space<hbm>> -> memref<4x128xf32, #tpu.memory_space<hbm>>
    tpu.wait_dma2 semaphore(%arg17 : memref<!tpu.dma_semaphore, #tpu.memory_space<semaphore_mem>>) src(%dma_wait3A_1968 : memref<4x128xf32, #tpu.memory_space<hbm>>) dst(%dma_wait3A_1965 : memref<4x128xf32, #tpu.memory_space<vmem>>)
    %dma_wait3A_1969 = arith.constant 51 : i32
    %dma_wait3A_1970 = arith.constant 51 : i32
    %dma_wait3A_1971 = arith.constant 0 : i32
    %dma_wait3A_1972 = arith.constant 0 : i32
    %dma_wait3A_1973 = tpu.memref_slice %arg7[%dma_wait3A_1970, %dma_wait3A_1971, %dma_wait3A_1972] : memref<64x4x128xf32, #tpu.memory_space<vmem>> -> memref<1x4x128xf32, #tpu.memory_space<vmem>>
    %dma_wait3A_1974 = tpu.memref_squeeze %dma_wait3A_1973 : memref<1x4x128xf32, #tpu.memory_space<vmem>> -> memref<4x128xf32, #tpu.memory_space<vmem>>
    %dma_wait3A_1975 = arith.constant 0 : i32
    %dma_wait3A_1976 = tpu.memref_slice %arg2[%dma_wait3A_1969, %mul3A_921, %dma_wait3A_1975] : memref<64x128x128xf32, #tpu.memory_space<hbm>> -> memref<1x4x128xf32, #tpu.memory_space<hbm>>
    %dma_wait3A_1977 = tpu.memref_squeeze %dma_wait3A_1976 : memref<1x4x128xf32, #tpu.memory_space<hbm>> -> memref<4x128xf32, #tpu.memory_space<hbm>>
    %dma_wait3A_1978 = arith.constant 0 : i32
    %dma_wait3A_1979 = arith.constant 0 : i32
    %dma_wait3A_1980 = tpu.memref_slice %arg7[%dma_wait3A_1970, %dma_wait3A_1978, %dma_wait3A_1979] : memref<64x4x128xf32, #tpu.memory_space<vmem>> -> memref<1x4x128xf32, #tpu.memory_space<vmem>>
    %dma_wait3A_1981 = tpu.memref_squeeze %dma_wait3A_1980 : memref<1x4x128xf32, #tpu.memory_space<vmem>> -> memref<4x128xf32, #tpu.memory_space<vmem>>
    %dma_wait3A_1982 = arith.constant 0 : i32
    %dma_wait3A_1983 = tpu.memref_slice %arg2[%dma_wait3A_1969, %mul3A_921, %dma_wait3A_1982] : memref<64x128x128xf32, #tpu.memory_space<hbm>> -> memref<1x4x128xf32, #tpu.memory_space<hbm>>
    %dma_wait3A_1984 = tpu.memref_squeeze %dma_wait3A_1983 : memref<1x4x128xf32, #tpu.memory_space<hbm>> -> memref<4x128xf32, #tpu.memory_space<hbm>>
    tpu.wait_dma2 semaphore(%arg17 : memref<!tpu.dma_semaphore, #tpu.memory_space<semaphore_mem>>) src(%dma_wait3A_1984 : memref<4x128xf32, #tpu.memory_space<hbm>>) dst(%dma_wait3A_1981 : memref<4x128xf32, #tpu.memory_space<vmem>>)
    %dma_wait3A_1985 = arith.constant 52 : i32
    %dma_wait3A_1986 = arith.constant 52 : i32
    %dma_wait3A_1987 = arith.constant 0 : i32
    %dma_wait3A_1988 = arith.constant 0 : i32
    %dma_wait3A_1989 = tpu.memref_slice %arg7[%dma_wait3A_1986, %dma_wait3A_1987, %dma_wait3A_1988] : memref<64x4x128xf32, #tpu.memory_space<vmem>> -> memref<1x4x128xf32, #tpu.memory_space<vmem>>
    %dma_wait3A_1990 = tpu.memref_squeeze %dma_wait3A_1989 : memref<1x4x128xf32, #tpu.memory_space<vmem>> -> memref<4x128xf32, #tpu.memory_space<vmem>>
    %dma_wait3A_1991 = arith.constant 0 : i32
    %dma_wait3A_1992 = tpu.memref_slice %arg2[%dma_wait3A_1985, %mul3A_939, %dma_wait3A_1991] : memref<64x128x128xf32, #tpu.memory_space<hbm>> -> memref<1x4x128xf32, #tpu.memory_space<hbm>>
    %dma_wait3A_1993 = tpu.memref_squeeze %dma_wait3A_1992 : memref<1x4x128xf32, #tpu.memory_space<hbm>> -> memref<4x128xf32, #tpu.memory_space<hbm>>
    %dma_wait3A_1994 = arith.constant 0 : i32
    %dma_wait3A_1995 = arith.constant 0 : i32
    %dma_wait3A_1996 = tpu.memref_slice %arg7[%dma_wait3A_1986, %dma_wait3A_1994, %dma_wait3A_1995] : memref<64x4x128xf32, #tpu.memory_space<vmem>> -> memref<1x4x128xf32, #tpu.memory_space<vmem>>
    %dma_wait3A_1997 = tpu.memref_squeeze %dma_wait3A_1996 : memref<1x4x128xf32, #tpu.memory_space<vmem>> -> memref<4x128xf32, #tpu.memory_space<vmem>>
    %dma_wait3A_1998 = arith.constant 0 : i32
    %dma_wait3A_1999 = tpu.memref_slice %arg2[%dma_wait3A_1985, %mul3A_939, %dma_wait3A_1998] : memref<64x128x128xf32, #tpu.memory_space<hbm>> -> memref<1x4x128xf32, #tpu.memory_space<hbm>>
    %dma_wait3A_2000 = tpu.memref_squeeze %dma_wait3A_1999 : memref<1x4x128xf32, #tpu.memory_space<hbm>> -> memref<4x128xf32, #tpu.memory_space<hbm>>
    tpu.wait_dma2 semaphore(%arg17 : memref<!tpu.dma_semaphore, #tpu.memory_space<semaphore_mem>>) src(%dma_wait3A_2000 : memref<4x128xf32, #tpu.memory_space<hbm>>) dst(%dma_wait3A_1997 : memref<4x128xf32, #tpu.memory_space<vmem>>)
    %dma_wait3A_2001 = arith.constant 53 : i32
    %dma_wait3A_2002 = arith.constant 53 : i32
    %dma_wait3A_2003 = arith.constant 0 : i32
    %dma_wait3A_2004 = arith.constant 0 : i32
    %dma_wait3A_2005 = tpu.memref_slice %arg7[%dma_wait3A_2002, %dma_wait3A_2003, %dma_wait3A_2004] : memref<64x4x128xf32, #tpu.memory_space<vmem>> -> memref<1x4x128xf32, #tpu.memory_space<vmem>>
    %dma_wait3A_2006 = tpu.memref_squeeze %dma_wait3A_2005 : memref<1x4x128xf32, #tpu.memory_space<vmem>> -> memref<4x128xf32, #tpu.memory_space<vmem>>
    %dma_wait3A_2007 = arith.constant 0 : i32
    %dma_wait3A_2008 = tpu.memref_slice %arg2[%dma_wait3A_2001, %mul3A_957, %dma_wait3A_2007] : memref<64x128x128xf32, #tpu.memory_space<hbm>> -> memref<1x4x128xf32, #tpu.memory_space<hbm>>
    %dma_wait3A_2009 = tpu.memref_squeeze %dma_wait3A_2008 : memref<1x4x128xf32, #tpu.memory_space<hbm>> -> memref<4x128xf32, #tpu.memory_space<hbm>>
    %dma_wait3A_2010 = arith.constant 0 : i32
    %dma_wait3A_2011 = arith.constant 0 : i32
    %dma_wait3A_2012 = tpu.memref_slice %arg7[%dma_wait3A_2002, %dma_wait3A_2010, %dma_wait3A_2011] : memref<64x4x128xf32, #tpu.memory_space<vmem>> -> memref<1x4x128xf32, #tpu.memory_space<vmem>>
    %dma_wait3A_2013 = tpu.memref_squeeze %dma_wait3A_2012 : memref<1x4x128xf32, #tpu.memory_space<vmem>> -> memref<4x128xf32, #tpu.memory_space<vmem>>
    %dma_wait3A_2014 = arith.constant 0 : i32
    %dma_wait3A_2015 = tpu.memref_slice %arg2[%dma_wait3A_2001, %mul3A_957, %dma_wait3A_2014] : memref<64x128x128xf32, #tpu.memory_space<hbm>> -> memref<1x4x128xf32, #tpu.memory_space<hbm>>
    %dma_wait3A_2016 = tpu.memref_squeeze %dma_wait3A_2015 : memref<1x4x128xf32, #tpu.memory_space<hbm>> -> memref<4x128xf32, #tpu.memory_space<hbm>>
    tpu.wait_dma2 semaphore(%arg17 : memref<!tpu.dma_semaphore, #tpu.memory_space<semaphore_mem>>) src(%dma_wait3A_2016 : memref<4x128xf32, #tpu.memory_space<hbm>>) dst(%dma_wait3A_2013 : memref<4x128xf32, #tpu.memory_space<vmem>>)
    %dma_wait3A_2017 = arith.constant 54 : i32
    %dma_wait3A_2018 = arith.constant 54 : i32
    %dma_wait3A_2019 = arith.constant 0 : i32
    %dma_wait3A_2020 = arith.constant 0 : i32
    %dma_wait3A_2021 = tpu.memref_slice %arg7[%dma_wait3A_2018, %dma_wait3A_2019, %dma_wait3A_2020] : memref<64x4x128xf32, #tpu.memory_space<vmem>> -> memref<1x4x128xf32, #tpu.memory_space<vmem>>
    %dma_wait3A_2022 = tpu.memref_squeeze %dma_wait3A_2021 : memref<1x4x128xf32, #tpu.memory_space<vmem>> -> memref<4x128xf32, #tpu.memory_space<vmem>>
    %dma_wait3A_2023 = arith.constant 0 : i32
    %dma_wait3A_2024 = tpu.memref_slice %arg2[%dma_wait3A_2017, %mul3A_975, %dma_wait3A_2023] : memref<64x128x128xf32, #tpu.memory_space<hbm>> -> memref<1x4x128xf32, #tpu.memory_space<hbm>>
    %dma_wait3A_2025 = tpu.memref_squeeze %dma_wait3A_2024 : memref<1x4x128xf32, #tpu.memory_space<hbm>> -> memref<4x128xf32, #tpu.memory_space<hbm>>
    %dma_wait3A_2026 = arith.constant 0 : i32
    %dma_wait3A_2027 = arith.constant 0 : i32
    %dma_wait3A_2028 = tpu.memref_slice %arg7[%dma_wait3A_2018, %dma_wait3A_2026, %dma_wait3A_2027] : memref<64x4x128xf32, #tpu.memory_space<vmem>> -> memref<1x4x128xf32, #tpu.memory_space<vmem>>
    %dma_wait3A_2029 = tpu.memref_squeeze %dma_wait3A_2028 : memref<1x4x128xf32, #tpu.memory_space<vmem>> -> memref<4x128xf32, #tpu.memory_space<vmem>>
    %dma_wait3A_2030 = arith.constant 0 : i32
    %dma_wait3A_2031 = tpu.memref_slice %arg2[%dma_wait3A_2017, %mul3A_975, %dma_wait3A_2030] : memref<64x128x128xf32, #tpu.memory_space<hbm>> -> memref<1x4x128xf32, #tpu.memory_space<hbm>>
    %dma_wait3A_2032 = tpu.memref_squeeze %dma_wait3A_2031 : memref<1x4x128xf32, #tpu.memory_space<hbm>> -> memref<4x128xf32, #tpu.memory_space<hbm>>
    tpu.wait_dma2 semaphore(%arg17 : memref<!tpu.dma_semaphore, #tpu.memory_space<semaphore_mem>>) src(%dma_wait3A_2032 : memref<4x128xf32, #tpu.memory_space<hbm>>) dst(%dma_wait3A_2029 : memref<4x128xf32, #tpu.memory_space<vmem>>)
    %dma_wait3A_2033 = arith.constant 55 : i32
    %dma_wait3A_2034 = arith.constant 55 : i32
    %dma_wait3A_2035 = arith.constant 0 : i32
    %dma_wait3A_2036 = arith.constant 0 : i32
    %dma_wait3A_2037 = tpu.memref_slice %arg7[%dma_wait3A_2034, %dma_wait3A_2035, %dma_wait3A_2036] : memref<64x4x128xf32, #tpu.memory_space<vmem>> -> memref<1x4x128xf32, #tpu.memory_space<vmem>>
    %dma_wait3A_2038 = tpu.memref_squeeze %dma_wait3A_2037 : memref<1x4x128xf32, #tpu.memory_space<vmem>> -> memref<4x128xf32, #tpu.memory_space<vmem>>
    %dma_wait3A_2039 = arith.constant 0 : i32
    %dma_wait3A_2040 = tpu.memref_slice %arg2[%dma_wait3A_2033, %mul3A_993, %dma_wait3A_2039] : memref<64x128x128xf32, #tpu.memory_space<hbm>> -> memref<1x4x128xf32, #tpu.memory_space<hbm>>
    %dma_wait3A_2041 = tpu.memref_squeeze %dma_wait3A_2040 : memref<1x4x128xf32, #tpu.memory_space<hbm>> -> memref<4x128xf32, #tpu.memory_space<hbm>>
    %dma_wait3A_2042 = arith.constant 0 : i32
    %dma_wait3A_2043 = arith.constant 0 : i32
    %dma_wait3A_2044 = tpu.memref_slice %arg7[%dma_wait3A_2034, %dma_wait3A_2042, %dma_wait3A_2043] : memref<64x4x128xf32, #tpu.memory_space<vmem>> -> memref<1x4x128xf32, #tpu.memory_space<vmem>>
    %dma_wait3A_2045 = tpu.memref_squeeze %dma_wait3A_2044 : memref<1x4x128xf32, #tpu.memory_space<vmem>> -> memref<4x128xf32, #tpu.memory_space<vmem>>
    %dma_wait3A_2046 = arith.constant 0 : i32
    %dma_wait3A_2047 = tpu.memref_slice %arg2[%dma_wait3A_2033, %mul3A_993, %dma_wait3A_2046] : memref<64x128x128xf32, #tpu.memory_space<hbm>> -> memref<1x4x128xf32, #tpu.memory_space<hbm>>
    %dma_wait3A_2048 = tpu.memref_squeeze %dma_wait3A_2047 : memref<1x4x128xf32, #tpu.memory_space<hbm>> -> memref<4x128xf32, #tpu.memory_space<hbm>>
    tpu.wait_dma2 semaphore(%arg17 : memref<!tpu.dma_semaphore, #tpu.memory_space<semaphore_mem>>) src(%dma_wait3A_2048 : memref<4x128xf32, #tpu.memory_space<hbm>>) dst(%dma_wait3A_2045 : memref<4x128xf32, #tpu.memory_space<vmem>>)
    %dma_wait3A_2049 = arith.constant 56 : i32
    %dma_wait3A_2050 = arith.constant 56 : i32
    %dma_wait3A_2051 = arith.constant 0 : i32
    %dma_wait3A_2052 = arith.constant 0 : i32
    %dma_wait3A_2053 = tpu.memref_slice %arg7[%dma_wait3A_2050, %dma_wait3A_2051, %dma_wait3A_2052] : memref<64x4x128xf32, #tpu.memory_space<vmem>> -> memref<1x4x128xf32, #tpu.memory_space<vmem>>
    %dma_wait3A_2054 = tpu.memref_squeeze %dma_wait3A_2053 : memref<1x4x128xf32, #tpu.memory_space<vmem>> -> memref<4x128xf32, #tpu.memory_space<vmem>>
    %dma_wait3A_2055 = arith.constant 0 : i32
    %dma_wait3A_2056 = tpu.memref_slice %arg2[%dma_wait3A_2049, %mul3A_1011, %dma_wait3A_2055] : memref<64x128x128xf32, #tpu.memory_space<hbm>> -> memref<1x4x128xf32, #tpu.memory_space<hbm>>
    %dma_wait3A_2057 = tpu.memref_squeeze %dma_wait3A_2056 : memref<1x4x128xf32, #tpu.memory_space<hbm>> -> memref<4x128xf32, #tpu.memory_space<hbm>>
    %dma_wait3A_2058 = arith.constant 0 : i32
    %dma_wait3A_2059 = arith.constant 0 : i32
    %dma_wait3A_2060 = tpu.memref_slice %arg7[%dma_wait3A_2050, %dma_wait3A_2058, %dma_wait3A_2059] : memref<64x4x128xf32, #tpu.memory_space<vmem>> -> memref<1x4x128xf32, #tpu.memory_space<vmem>>
    %dma_wait3A_2061 = tpu.memref_squeeze %dma_wait3A_2060 : memref<1x4x128xf32, #tpu.memory_space<vmem>> -> memref<4x128xf32, #tpu.memory_space<vmem>>
    %dma_wait3A_2062 = arith.constant 0 : i32
    %dma_wait3A_2063 = tpu.memref_slice %arg2[%dma_wait3A_2049, %mul3A_1011, %dma_wait3A_2062] : memref<64x128x128xf32, #tpu.memory_space<hbm>> -> memref<1x4x128xf32, #tpu.memory_space<hbm>>
    %dma_wait3A_2064 = tpu.memref_squeeze %dma_wait3A_2063 : memref<1x4x128xf32, #tpu.memory_space<hbm>> -> memref<4x128xf32, #tpu.memory_space<hbm>>
    tpu.wait_dma2 semaphore(%arg17 : memref<!tpu.dma_semaphore, #tpu.memory_space<semaphore_mem>>) src(%dma_wait3A_2064 : memref<4x128xf32, #tpu.memory_space<hbm>>) dst(%dma_wait3A_2061 : memref<4x128xf32, #tpu.memory_space<vmem>>)
    %dma_wait3A_2065 = arith.constant 57 : i32
    %dma_wait3A_2066 = arith.constant 57 : i32
    %dma_wait3A_2067 = arith.constant 0 : i32
    %dma_wait3A_2068 = arith.constant 0 : i32
    %dma_wait3A_2069 = tpu.memref_slice %arg7[%dma_wait3A_2066, %dma_wait3A_2067, %dma_wait3A_2068] : memref<64x4x128xf32, #tpu.memory_space<vmem>> -> memref<1x4x128xf32, #tpu.memory_space<vmem>>
    %dma_wait3A_2070 = tpu.memref_squeeze %dma_wait3A_2069 : memref<1x4x128xf32, #tpu.memory_space<vmem>> -> memref<4x128xf32, #tpu.memory_space<vmem>>
    %dma_wait3A_2071 = arith.constant 0 : i32
    %dma_wait3A_2072 = tpu.memref_slice %arg2[%dma_wait3A_2065, %mul3A_1029, %dma_wait3A_2071] : memref<64x128x128xf32, #tpu.memory_space<hbm>> -> memref<1x4x128xf32, #tpu.memory_space<hbm>>
    %dma_wait3A_2073 = tpu.memref_squeeze %dma_wait3A_2072 : memref<1x4x128xf32, #tpu.memory_space<hbm>> -> memref<4x128xf32, #tpu.memory_space<hbm>>
    %dma_wait3A_2074 = arith.constant 0 : i32
    %dma_wait3A_2075 = arith.constant 0 : i32
    %dma_wait3A_2076 = tpu.memref_slice %arg7[%dma_wait3A_2066, %dma_wait3A_2074, %dma_wait3A_2075] : memref<64x4x128xf32, #tpu.memory_space<vmem>> -> memref<1x4x128xf32, #tpu.memory_space<vmem>>
    %dma_wait3A_2077 = tpu.memref_squeeze %dma_wait3A_2076 : memref<1x4x128xf32, #tpu.memory_space<vmem>> -> memref<4x128xf32, #tpu.memory_space<vmem>>
    %dma_wait3A_2078 = arith.constant 0 : i32
    %dma_wait3A_2079 = tpu.memref_slice %arg2[%dma_wait3A_2065, %mul3A_1029, %dma_wait3A_2078] : memref<64x128x128xf32, #tpu.memory_space<hbm>> -> memref<1x4x128xf32, #tpu.memory_space<hbm>>
    %dma_wait3A_2080 = tpu.memref_squeeze %dma_wait3A_2079 : memref<1x4x128xf32, #tpu.memory_space<hbm>> -> memref<4x128xf32, #tpu.memory_space<hbm>>
    tpu.wait_dma2 semaphore(%arg17 : memref<!tpu.dma_semaphore, #tpu.memory_space<semaphore_mem>>) src(%dma_wait3A_2080 : memref<4x128xf32, #tpu.memory_space<hbm>>) dst(%dma_wait3A_2077 : memref<4x128xf32, #tpu.memory_space<vmem>>)
    %dma_wait3A_2081 = arith.constant 58 : i32
    %dma_wait3A_2082 = arith.constant 58 : i32
    %dma_wait3A_2083 = arith.constant 0 : i32
    %dma_wait3A_2084 = arith.constant 0 : i32
    %dma_wait3A_2085 = tpu.memref_slice %arg7[%dma_wait3A_2082, %dma_wait3A_2083, %dma_wait3A_2084] : memref<64x4x128xf32, #tpu.memory_space<vmem>> -> memref<1x4x128xf32, #tpu.memory_space<vmem>>
    %dma_wait3A_2086 = tpu.memref_squeeze %dma_wait3A_2085 : memref<1x4x128xf32, #tpu.memory_space<vmem>> -> memref<4x128xf32, #tpu.memory_space<vmem>>
    %dma_wait3A_2087 = arith.constant 0 : i32
    %dma_wait3A_2088 = tpu.memref_slice %arg2[%dma_wait3A_2081, %mul3A_1047, %dma_wait3A_2087] : memref<64x128x128xf32, #tpu.memory_space<hbm>> -> memref<1x4x128xf32, #tpu.memory_space<hbm>>
    %dma_wait3A_2089 = tpu.memref_squeeze %dma_wait3A_2088 : memref<1x4x128xf32, #tpu.memory_space<hbm>> -> memref<4x128xf32, #tpu.memory_space<hbm>>
    %dma_wait3A_2090 = arith.constant 0 : i32
    %dma_wait3A_2091 = arith.constant 0 : i32
    %dma_wait3A_2092 = tpu.memref_slice %arg7[%dma_wait3A_2082, %dma_wait3A_2090, %dma_wait3A_2091] : memref<64x4x128xf32, #tpu.memory_space<vmem>> -> memref<1x4x128xf32, #tpu.memory_space<vmem>>
    %dma_wait3A_2093 = tpu.memref_squeeze %dma_wait3A_2092 : memref<1x4x128xf32, #tpu.memory_space<vmem>> -> memref<4x128xf32, #tpu.memory_space<vmem>>
    %dma_wait3A_2094 = arith.constant 0 : i32
    %dma_wait3A_2095 = tpu.memref_slice %arg2[%dma_wait3A_2081, %mul3A_1047, %dma_wait3A_2094] : memref<64x128x128xf32, #tpu.memory_space<hbm>> -> memref<1x4x128xf32, #tpu.memory_space<hbm>>
    %dma_wait3A_2096 = tpu.memref_squeeze %dma_wait3A_2095 : memref<1x4x128xf32, #tpu.memory_space<hbm>> -> memref<4x128xf32, #tpu.memory_space<hbm>>
    tpu.wait_dma2 semaphore(%arg17 : memref<!tpu.dma_semaphore, #tpu.memory_space<semaphore_mem>>) src(%dma_wait3A_2096 : memref<4x128xf32, #tpu.memory_space<hbm>>) dst(%dma_wait3A_2093 : memref<4x128xf32, #tpu.memory_space<vmem>>)
    %dma_wait3A_2097 = arith.constant 59 : i32
    %dma_wait3A_2098 = arith.constant 59 : i32
    %dma_wait3A_2099 = arith.constant 0 : i32
    %dma_wait3A_2100 = arith.constant 0 : i32
    %dma_wait3A_2101 = tpu.memref_slice %arg7[%dma_wait3A_2098, %dma_wait3A_2099, %dma_wait3A_2100] : memref<64x4x128xf32, #tpu.memory_space<vmem>> -> memref<1x4x128xf32, #tpu.memory_space<vmem>>
    %dma_wait3A_2102 = tpu.memref_squeeze %dma_wait3A_2101 : memref<1x4x128xf32, #tpu.memory_space<vmem>> -> memref<4x128xf32, #tpu.memory_space<vmem>>
    %dma_wait3A_2103 = arith.constant 0 : i32
    %dma_wait3A_2104 = tpu.memref_slice %arg2[%dma_wait3A_2097, %mul3A_1065, %dma_wait3A_2103] : memref<64x128x128xf32, #tpu.memory_space<hbm>> -> memref<1x4x128xf32, #tpu.memory_space<hbm>>
    %dma_wait3A_2105 = tpu.memref_squeeze %dma_wait3A_2104 : memref<1x4x128xf32, #tpu.memory_space<hbm>> -> memref<4x128xf32, #tpu.memory_space<hbm>>
    %dma_wait3A_2106 = arith.constant 0 : i32
    %dma_wait3A_2107 = arith.constant 0 : i32
    %dma_wait3A_2108 = tpu.memref_slice %arg7[%dma_wait3A_2098, %dma_wait3A_2106, %dma_wait3A_2107] : memref<64x4x128xf32, #tpu.memory_space<vmem>> -> memref<1x4x128xf32, #tpu.memory_space<vmem>>
    %dma_wait3A_2109 = tpu.memref_squeeze %dma_wait3A_2108 : memref<1x4x128xf32, #tpu.memory_space<vmem>> -> memref<4x128xf32, #tpu.memory_space<vmem>>
    %dma_wait3A_2110 = arith.constant 0 : i32
    %dma_wait3A_2111 = tpu.memref_slice %arg2[%dma_wait3A_2097, %mul3A_1065, %dma_wait3A_2110] : memref<64x128x128xf32, #tpu.memory_space<hbm>> -> memref<1x4x128xf32, #tpu.memory_space<hbm>>
    %dma_wait3A_2112 = tpu.memref_squeeze %dma_wait3A_2111 : memref<1x4x128xf32, #tpu.memory_space<hbm>> -> memref<4x128xf32, #tpu.memory_space<hbm>>
    tpu.wait_dma2 semaphore(%arg17 : memref<!tpu.dma_semaphore, #tpu.memory_space<semaphore_mem>>) src(%dma_wait3A_2112 : memref<4x128xf32, #tpu.memory_space<hbm>>) dst(%dma_wait3A_2109 : memref<4x128xf32, #tpu.memory_space<vmem>>)
    %dma_wait3A_2113 = arith.constant 60 : i32
    %dma_wait3A_2114 = arith.constant 60 : i32
    %dma_wait3A_2115 = arith.constant 0 : i32
    %dma_wait3A_2116 = arith.constant 0 : i32
    %dma_wait3A_2117 = tpu.memref_slice %arg7[%dma_wait3A_2114, %dma_wait3A_2115, %dma_wait3A_2116] : memref<64x4x128xf32, #tpu.memory_space<vmem>> -> memref<1x4x128xf32, #tpu.memory_space<vmem>>
    %dma_wait3A_2118 = tpu.memref_squeeze %dma_wait3A_2117 : memref<1x4x128xf32, #tpu.memory_space<vmem>> -> memref<4x128xf32, #tpu.memory_space<vmem>>
    %dma_wait3A_2119 = arith.constant 0 : i32
    %dma_wait3A_2120 = tpu.memref_slice %arg2[%dma_wait3A_2113, %mul3A_1083, %dma_wait3A_2119] : memref<64x128x128xf32, #tpu.memory_space<hbm>> -> memref<1x4x128xf32, #tpu.memory_space<hbm>>
    %dma_wait3A_2121 = tpu.memref_squeeze %dma_wait3A_2120 : memref<1x4x128xf32, #tpu.memory_space<hbm>> -> memref<4x128xf32, #tpu.memory_space<hbm>>
    %dma_wait3A_2122 = arith.constant 0 : i32
    %dma_wait3A_2123 = arith.constant 0 : i32
    %dma_wait3A_2124 = tpu.memref_slice %arg7[%dma_wait3A_2114, %dma_wait3A_2122, %dma_wait3A_2123] : memref<64x4x128xf32, #tpu.memory_space<vmem>> -> memref<1x4x128xf32, #tpu.memory_space<vmem>>
    %dma_wait3A_2125 = tpu.memref_squeeze %dma_wait3A_2124 : memref<1x4x128xf32, #tpu.memory_space<vmem>> -> memref<4x128xf32, #tpu.memory_space<vmem>>
    %dma_wait3A_2126 = arith.constant 0 : i32
    %dma_wait3A_2127 = tpu.memref_slice %arg2[%dma_wait3A_2113, %mul3A_1083, %dma_wait3A_2126] : memref<64x128x128xf32, #tpu.memory_space<hbm>> -> memref<1x4x128xf32, #tpu.memory_space<hbm>>
    %dma_wait3A_2128 = tpu.memref_squeeze %dma_wait3A_2127 : memref<1x4x128xf32, #tpu.memory_space<hbm>> -> memref<4x128xf32, #tpu.memory_space<hbm>>
    tpu.wait_dma2 semaphore(%arg17 : memref<!tpu.dma_semaphore, #tpu.memory_space<semaphore_mem>>) src(%dma_wait3A_2128 : memref<4x128xf32, #tpu.memory_space<hbm>>) dst(%dma_wait3A_2125 : memref<4x128xf32, #tpu.memory_space<vmem>>)
    %dma_wait3A_2129 = arith.constant 61 : i32
    %dma_wait3A_2130 = arith.constant 61 : i32
    %dma_wait3A_2131 = arith.constant 0 : i32
    %dma_wait3A_2132 = arith.constant 0 : i32
    %dma_wait3A_2133 = tpu.memref_slice %arg7[%dma_wait3A_2130, %dma_wait3A_2131, %dma_wait3A_2132] : memref<64x4x128xf32, #tpu.memory_space<vmem>> -> memref<1x4x128xf32, #tpu.memory_space<vmem>>
    %dma_wait3A_2134 = tpu.memref_squeeze %dma_wait3A_2133 : memref<1x4x128xf32, #tpu.memory_space<vmem>> -> memref<4x128xf32, #tpu.memory_space<vmem>>
    %dma_wait3A_2135 = arith.constant 0 : i32
    %dma_wait3A_2136 = tpu.memref_slice %arg2[%dma_wait3A_2129, %mul3A_1101, %dma_wait3A_2135] : memref<64x128x128xf32, #tpu.memory_space<hbm>> -> memref<1x4x128xf32, #tpu.memory_space<hbm>>
    %dma_wait3A_2137 = tpu.memref_squeeze %dma_wait3A_2136 : memref<1x4x128xf32, #tpu.memory_space<hbm>> -> memref<4x128xf32, #tpu.memory_space<hbm>>
    %dma_wait3A_2138 = arith.constant 0 : i32
    %dma_wait3A_2139 = arith.constant 0 : i32
    %dma_wait3A_2140 = tpu.memref_slice %arg7[%dma_wait3A_2130, %dma_wait3A_2138, %dma_wait3A_2139] : memref<64x4x128xf32, #tpu.memory_space<vmem>> -> memref<1x4x128xf32, #tpu.memory_space<vmem>>
    %dma_wait3A_2141 = tpu.memref_squeeze %dma_wait3A_2140 : memref<1x4x128xf32, #tpu.memory_space<vmem>> -> memref<4x128xf32, #tpu.memory_space<vmem>>
    %dma_wait3A_2142 = arith.constant 0 : i32
    %dma_wait3A_2143 = tpu.memref_slice %arg2[%dma_wait3A_2129, %mul3A_1101, %dma_wait3A_2142] : memref<64x128x128xf32, #tpu.memory_space<hbm>> -> memref<1x4x128xf32, #tpu.memory_space<hbm>>
    %dma_wait3A_2144 = tpu.memref_squeeze %dma_wait3A_2143 : memref<1x4x128xf32, #tpu.memory_space<hbm>> -> memref<4x128xf32, #tpu.memory_space<hbm>>
    tpu.wait_dma2 semaphore(%arg17 : memref<!tpu.dma_semaphore, #tpu.memory_space<semaphore_mem>>) src(%dma_wait3A_2144 : memref<4x128xf32, #tpu.memory_space<hbm>>) dst(%dma_wait3A_2141 : memref<4x128xf32, #tpu.memory_space<vmem>>)
    %dma_wait3A_2145 = arith.constant 62 : i32
    %dma_wait3A_2146 = arith.constant 62 : i32
    %dma_wait3A_2147 = arith.constant 0 : i32
    %dma_wait3A_2148 = arith.constant 0 : i32
    %dma_wait3A_2149 = tpu.memref_slice %arg7[%dma_wait3A_2146, %dma_wait3A_2147, %dma_wait3A_2148] : memref<64x4x128xf32, #tpu.memory_space<vmem>> -> memref<1x4x128xf32, #tpu.memory_space<vmem>>
    %dma_wait3A_2150 = tpu.memref_squeeze %dma_wait3A_2149 : memref<1x4x128xf32, #tpu.memory_space<vmem>> -> memref<4x128xf32, #tpu.memory_space<vmem>>
    %dma_wait3A_2151 = arith.constant 0 : i32
    %dma_wait3A_2152 = tpu.memref_slice %arg2[%dma_wait3A_2145, %mul3A_1119, %dma_wait3A_2151] : memref<64x128x128xf32, #tpu.memory_space<hbm>> -> memref<1x4x128xf32, #tpu.memory_space<hbm>>
    %dma_wait3A_2153 = tpu.memref_squeeze %dma_wait3A_2152 : memref<1x4x128xf32, #tpu.memory_space<hbm>> -> memref<4x128xf32, #tpu.memory_space<hbm>>
    %dma_wait3A_2154 = arith.constant 0 : i32
    %dma_wait3A_2155 = arith.constant 0 : i32
    %dma_wait3A_2156 = tpu.memref_slice %arg7[%dma_wait3A_2146, %dma_wait3A_2154, %dma_wait3A_2155] : memref<64x4x128xf32, #tpu.memory_space<vmem>> -> memref<1x4x128xf32, #tpu.memory_space<vmem>>
    %dma_wait3A_2157 = tpu.memref_squeeze %dma_wait3A_2156 : memref<1x4x128xf32, #tpu.memory_space<vmem>> -> memref<4x128xf32, #tpu.memory_space<vmem>>
    %dma_wait3A_2158 = arith.constant 0 : i32
    %dma_wait3A_2159 = tpu.memref_slice %arg2[%dma_wait3A_2145, %mul3A_1119, %dma_wait3A_2158] : memref<64x128x128xf32, #tpu.memory_space<hbm>> -> memref<1x4x128xf32, #tpu.memory_space<hbm>>
    %dma_wait3A_2160 = tpu.memref_squeeze %dma_wait3A_2159 : memref<1x4x128xf32, #tpu.memory_space<hbm>> -> memref<4x128xf32, #tpu.memory_space<hbm>>
    tpu.wait_dma2 semaphore(%arg17 : memref<!tpu.dma_semaphore, #tpu.memory_space<semaphore_mem>>) src(%dma_wait3A_2160 : memref<4x128xf32, #tpu.memory_space<hbm>>) dst(%dma_wait3A_2157 : memref<4x128xf32, #tpu.memory_space<vmem>>)
    %dma_wait3A_2161 = arith.constant 63 : i32
    %dma_wait3A_2162 = arith.constant 63 : i32
    %dma_wait3A_2163 = arith.constant 0 : i32
    %dma_wait3A_2164 = arith.constant 0 : i32
    %dma_wait3A_2165 = tpu.memref_slice %arg7[%dma_wait3A_2162, %dma_wait3A_2163, %dma_wait3A_2164] : memref<64x4x128xf32, #tpu.memory_space<vmem>> -> memref<1x4x128xf32, #tpu.memory_space<vmem>>
    %dma_wait3A_2166 = tpu.memref_squeeze %dma_wait3A_2165 : memref<1x4x128xf32, #tpu.memory_space<vmem>> -> memref<4x128xf32, #tpu.memory_space<vmem>>
    %dma_wait3A_2167 = arith.constant 0 : i32
    %dma_wait3A_2168 = tpu.memref_slice %arg2[%dma_wait3A_2161, %mul3A_1137, %dma_wait3A_2167] : memref<64x128x128xf32, #tpu.memory_space<hbm>> -> memref<1x4x128xf32, #tpu.memory_space<hbm>>
    %dma_wait3A_2169 = tpu.memref_squeeze %dma_wait3A_2168 : memref<1x4x128xf32, #tpu.memory_space<hbm>> -> memref<4x128xf32, #tpu.memory_space<hbm>>
    %dma_wait3A_2170 = arith.constant 0 : i32
    %dma_wait3A_2171 = arith.constant 0 : i32
    %dma_wait3A_2172 = tpu.memref_slice %arg7[%dma_wait3A_2162, %dma_wait3A_2170, %dma_wait3A_2171] : memref<64x4x128xf32, #tpu.memory_space<vmem>> -> memref<1x4x128xf32, #tpu.memory_space<vmem>>
    %dma_wait3A_2173 = tpu.memref_squeeze %dma_wait3A_2172 : memref<1x4x128xf32, #tpu.memory_space<vmem>> -> memref<4x128xf32, #tpu.memory_space<vmem>>
    %dma_wait3A_2174 = arith.constant 0 : i32
    %dma_wait3A_2175 = tpu.memref_slice %arg2[%dma_wait3A_2161, %mul3A_1137, %dma_wait3A_2174] : memref<64x128x128xf32, #tpu.memory_space<hbm>> -> memref<1x4x128xf32, #tpu.memory_space<hbm>>
    %dma_wait3A_2176 = tpu.memref_squeeze %dma_wait3A_2175 : memref<1x4x128xf32, #tpu.memory_space<hbm>> -> memref<4x128xf32, #tpu.memory_space<hbm>>
    tpu.wait_dma2 semaphore(%arg17 : memref<!tpu.dma_semaphore, #tpu.memory_space<semaphore_mem>>) src(%dma_wait3A_2176 : memref<4x128xf32, #tpu.memory_space<hbm>>) dst(%dma_wait3A_2173 : memref<4x128xf32, #tpu.memory_space<vmem>>)
    %broadcast_in_dim3A = arith.constant 0.000000e+00 : f32
    %broadcast_in_dim3A_2177 = vector.broadcast %broadcast_in_dim3A : f32 to vector<16xf32>
    %swap3A = arith.constant 0 : index
    %swap3A_2178 = tpu.vector_load %arg9[%swap3A] {strides = array<i32>} : memref<1024xf32, #tpu.memory_space<vmem>>, vector<16xf32>,
    tpu.vector_store %arg9[%swap3A], %broadcast_in_dim3A_2177 {strides = array<i32>} : memref<1024xf32, #tpu.memory_space<vmem>>, vector<16xf32>,
    %swap3A_2179 = arith.constant 16 : index
    %swap3A_2180 = tpu.vector_load %arg9[%swap3A_2179] {strides = array<i32>} : memref<1024xf32, #tpu.memory_space<vmem>>, vector<16xf32>,
    tpu.vector_store %arg9[%swap3A_2179], %broadcast_in_dim3A_2177 {strides = array<i32>} : memref<1024xf32, #tpu.memory_space<vmem>>, vector<16xf32>,
    %swap3A_2181 = arith.constant 32 : index
    %swap3A_2182 = tpu.vector_load %arg9[%swap3A_2181] {strides = array<i32>} : memref<1024xf32, #tpu.memory_space<vmem>>, vector<16xf32>,
    tpu.vector_store %arg9[%swap3A_2181], %broadcast_in_dim3A_2177 {strides = array<i32>} : memref<1024xf32, #tpu.memory_space<vmem>>, vector<16xf32>,
    %swap3A_2183 = arith.constant 48 : index
    %swap3A_2184 = tpu.vector_load %arg9[%swap3A_2183] {strides = array<i32>} : memref<1024xf32, #tpu.memory_space<vmem>>, vector<16xf32>,
    tpu.vector_store %arg9[%swap3A_2183], %broadcast_in_dim3A_2177 {strides = array<i32>} : memref<1024xf32, #tpu.memory_space<vmem>>, vector<16xf32>,
    %swap3A_2185 = arith.constant 64 : index
    %swap3A_2186 = tpu.vector_load %arg9[%swap3A_2185] {strides = array<i32>} : memref<1024xf32, #tpu.memory_space<vmem>>, vector<16xf32>,
    tpu.vector_store %arg9[%swap3A_2185], %broadcast_in_dim3A_2177 {strides = array<i32>} : memref<1024xf32, #tpu.memory_space<vmem>>, vector<16xf32>,
    %swap3A_2187 = arith.constant 80 : index
    %swap3A_2188 = tpu.vector_load %arg9[%swap3A_2187] {strides = array<i32>} : memref<1024xf32, #tpu.memory_space<vmem>>, vector<16xf32>,
    tpu.vector_store %arg9[%swap3A_2187], %broadcast_in_dim3A_2177 {strides = array<i32>} : memref<1024xf32, #tpu.memory_space<vmem>>, vector<16xf32>,
    %swap3A_2189 = arith.constant 96 : index
    %swap3A_2190 = tpu.vector_load %arg9[%swap3A_2189] {strides = array<i32>} : memref<1024xf32, #tpu.memory_space<vmem>>, vector<16xf32>,
    tpu.vector_store %arg9[%swap3A_2189], %broadcast_in_dim3A_2177 {strides = array<i32>} : memref<1024xf32, #tpu.memory_space<vmem>>, vector<16xf32>,
    %swap3A_2191 = arith.constant 112 : index
    %swap3A_2192 = tpu.vector_load %arg9[%swap3A_2191] {strides = array<i32>} : memref<1024xf32, #tpu.memory_space<vmem>>, vector<16xf32>,
    tpu.vector_store %arg9[%swap3A_2191], %broadcast_in_dim3A_2177 {strides = array<i32>} : memref<1024xf32, #tpu.memory_space<vmem>>, vector<16xf32>,
    %swap3A_2193 = arith.constant 128 : index
    %swap3A_2194 = tpu.vector_load %arg9[%swap3A_2193] {strides = array<i32>} : memref<1024xf32, #tpu.memory_space<vmem>>, vector<16xf32>,
    tpu.vector_store %arg9[%swap3A_2193], %broadcast_in_dim3A_2177 {strides = array<i32>} : memref<1024xf32, #tpu.memory_space<vmem>>, vector<16xf32>,
    %swap3A_2195 = arith.constant 144 : index
    %swap3A_2196 = tpu.vector_load %arg9[%swap3A_2195] {strides = array<i32>} : memref<1024xf32, #tpu.memory_space<vmem>>, vector<16xf32>,
    tpu.vector_store %arg9[%swap3A_2195], %broadcast_in_dim3A_2177 {strides = array<i32>} : memref<1024xf32, #tpu.memory_space<vmem>>, vector<16xf32>,
    %swap3A_2197 = arith.constant 160 : index
    %swap3A_2198 = tpu.vector_load %arg9[%swap3A_2197] {strides = array<i32>} : memref<1024xf32, #tpu.memory_space<vmem>>, vector<16xf32>,
    tpu.vector_store %arg9[%swap3A_2197], %broadcast_in_dim3A_2177 {strides = array<i32>} : memref<1024xf32, #tpu.memory_space<vmem>>, vector<16xf32>,
    %swap3A_2199 = arith.constant 176 : index
    %swap3A_2200 = tpu.vector_load %arg9[%swap3A_2199] {strides = array<i32>} : memref<1024xf32, #tpu.memory_space<vmem>>, vector<16xf32>,
    tpu.vector_store %arg9[%swap3A_2199], %broadcast_in_dim3A_2177 {strides = array<i32>} : memref<1024xf32, #tpu.memory_space<vmem>>, vector<16xf32>,
    %swap3A_2201 = arith.constant 192 : index
    %swap3A_2202 = tpu.vector_load %arg9[%swap3A_2201] {strides = array<i32>} : memref<1024xf32, #tpu.memory_space<vmem>>, vector<16xf32>,
    tpu.vector_store %arg9[%swap3A_2201], %broadcast_in_dim3A_2177 {strides = array<i32>} : memref<1024xf32, #tpu.memory_space<vmem>>, vector<16xf32>,
    %swap3A_2203 = arith.constant 208 : index
    %swap3A_2204 = tpu.vector_load %arg9[%swap3A_2203] {strides = array<i32>} : memref<1024xf32, #tpu.memory_space<vmem>>, vector<16xf32>,
    tpu.vector_store %arg9[%swap3A_2203], %broadcast_in_dim3A_2177 {strides = array<i32>} : memref<1024xf32, #tpu.memory_space<vmem>>, vector<16xf32>,
    %swap3A_2205 = arith.constant 224 : index
    %swap3A_2206 = tpu.vector_load %arg9[%swap3A_2205] {strides = array<i32>} : memref<1024xf32, #tpu.memory_space<vmem>>, vector<16xf32>,
    tpu.vector_store %arg9[%swap3A_2205], %broadcast_in_dim3A_2177 {strides = array<i32>} : memref<1024xf32, #tpu.memory_space<vmem>>, vector<16xf32>,
    %swap3A_2207 = arith.constant 240 : index
    %swap3A_2208 = tpu.vector_load %arg9[%swap3A_2207] {strides = array<i32>} : memref<1024xf32, #tpu.memory_space<vmem>>, vector<16xf32>,
    tpu.vector_store %arg9[%swap3A_2207], %broadcast_in_dim3A_2177 {strides = array<i32>} : memref<1024xf32, #tpu.memory_space<vmem>>, vector<16xf32>,
    %swap3A_2209 = arith.constant 256 : index
    %swap3A_2210 = tpu.vector_load %arg9[%swap3A_2209] {strides = array<i32>} : memref<1024xf32, #tpu.memory_space<vmem>>, vector<16xf32>,
    tpu.vector_store %arg9[%swap3A_2209], %broadcast_in_dim3A_2177 {strides = array<i32>} : memref<1024xf32, #tpu.memory_space<vmem>>, vector<16xf32>,
    %swap3A_2211 = arith.constant 272 : index
    %swap3A_2212 = tpu.vector_load %arg9[%swap3A_2211] {strides = array<i32>} : memref<1024xf32, #tpu.memory_space<vmem>>, vector<16xf32>,
    tpu.vector_store %arg9[%swap3A_2211], %broadcast_in_dim3A_2177 {strides = array<i32>} : memref<1024xf32, #tpu.memory_space<vmem>>, vector<16xf32>,
    %swap3A_2213 = arith.constant 288 : index
    %swap3A_2214 = tpu.vector_load %arg9[%swap3A_2213] {strides = array<i32>} : memref<1024xf32, #tpu.memory_space<vmem>>, vector<16xf32>,
    tpu.vector_store %arg9[%swap3A_2213], %broadcast_in_dim3A_2177 {strides = array<i32>} : memref<1024xf32, #tpu.memory_space<vmem>>, vector<16xf32>,
    %swap3A_2215 = arith.constant 304 : index
    %swap3A_2216 = tpu.vector_load %arg9[%swap3A_2215] {strides = array<i32>} : memref<1024xf32, #tpu.memory_space<vmem>>, vector<16xf32>,
    tpu.vector_store %arg9[%swap3A_2215], %broadcast_in_dim3A_2177 {strides = array<i32>} : memref<1024xf32, #tpu.memory_space<vmem>>, vector<16xf32>,
    %swap3A_2217 = arith.constant 320 : index
    %swap3A_2218 = tpu.vector_load %arg9[%swap3A_2217] {strides = array<i32>} : memref<1024xf32, #tpu.memory_space<vmem>>, vector<16xf32>,
    tpu.vector_store %arg9[%swap3A_2217], %broadcast_in_dim3A_2177 {strides = array<i32>} : memref<1024xf32, #tpu.memory_space<vmem>>, vector<16xf32>,
    %swap3A_2219 = arith.constant 336 : index
    %swap3A_2220 = tpu.vector_load %arg9[%swap3A_2219] {strides = array<i32>} : memref<1024xf32, #tpu.memory_space<vmem>>, vector<16xf32>,
    tpu.vector_store %arg9[%swap3A_2219], %broadcast_in_dim3A_2177 {strides = array<i32>} : memref<1024xf32, #tpu.memory_space<vmem>>, vector<16xf32>,
    %swap3A_2221 = arith.constant 352 : index
    %swap3A_2222 = tpu.vector_load %arg9[%swap3A_2221] {strides = array<i32>} : memref<1024xf32, #tpu.memory_space<vmem>>, vector<16xf32>,
    tpu.vector_store %arg9[%swap3A_2221], %broadcast_in_dim3A_2177 {strides = array<i32>} : memref<1024xf32, #tpu.memory_space<vmem>>, vector<16xf32>,
    %swap3A_2223 = arith.constant 368 : index
    %swap3A_2224 = tpu.vector_load %arg9[%swap3A_2223] {strides = array<i32>} : memref<1024xf32, #tpu.memory_space<vmem>>, vector<16xf32>,
    tpu.vector_store %arg9[%swap3A_2223], %broadcast_in_dim3A_2177 {strides = array<i32>} : memref<1024xf32, #tpu.memory_space<vmem>>, vector<16xf32>,
    %swap3A_2225 = arith.constant 384 : index
    %swap3A_2226 = tpu.vector_load %arg9[%swap3A_2225] {strides = array<i32>} : memref<1024xf32, #tpu.memory_space<vmem>>, vector<16xf32>,
    tpu.vector_store %arg9[%swap3A_2225], %broadcast_in_dim3A_2177 {strides = array<i32>} : memref<1024xf32, #tpu.memory_space<vmem>>, vector<16xf32>,
    %swap3A_2227 = arith.constant 400 : index
    %swap3A_2228 = tpu.vector_load %arg9[%swap3A_2227] {strides = array<i32>} : memref<1024xf32, #tpu.memory_space<vmem>>, vector<16xf32>,
    tpu.vector_store %arg9[%swap3A_2227], %broadcast_in_dim3A_2177 {strides = array<i32>} : memref<1024xf32, #tpu.memory_space<vmem>>, vector<16xf32>,
    %swap3A_2229 = arith.constant 416 : index
    %swap3A_2230 = tpu.vector_load %arg9[%swap3A_2229] {strides = array<i32>} : memref<1024xf32, #tpu.memory_space<vmem>>, vector<16xf32>,
    tpu.vector_store %arg9[%swap3A_2229], %broadcast_in_dim3A_2177 {strides = array<i32>} : memref<1024xf32, #tpu.memory_space<vmem>>, vector<16xf32>,
    %swap3A_2231 = arith.constant 432 : index
    %swap3A_2232 = tpu.vector_load %arg9[%swap3A_2231] {strides = array<i32>} : memref<1024xf32, #tpu.memory_space<vmem>>, vector<16xf32>,
    tpu.vector_store %arg9[%swap3A_2231], %broadcast_in_dim3A_2177 {strides = array<i32>} : memref<1024xf32, #tpu.memory_space<vmem>>, vector<16xf32>,
    %swap3A_2233 = arith.constant 448 : index
    %swap3A_2234 = tpu.vector_load %arg9[%swap3A_2233] {strides = array<i32>} : memref<1024xf32, #tpu.memory_space<vmem>>, vector<16xf32>,
    tpu.vector_store %arg9[%swap3A_2233], %broadcast_in_dim3A_2177 {strides = array<i32>} : memref<1024xf32, #tpu.memory_space<vmem>>, vector<16xf32>,
    %swap3A_2235 = arith.constant 464 : index
    %swap3A_2236 = tpu.vector_load %arg9[%swap3A_2235] {strides = array<i32>} : memref<1024xf32, #tpu.memory_space<vmem>>, vector<16xf32>,
    tpu.vector_store %arg9[%swap3A_2235], %broadcast_in_dim3A_2177 {strides = array<i32>} : memref<1024xf32, #tpu.memory_space<vmem>>, vector<16xf32>,
    %swap3A_2237 = arith.constant 480 : index
    %swap3A_2238 = tpu.vector_load %arg9[%swap3A_2237] {strides = array<i32>} : memref<1024xf32, #tpu.memory_space<vmem>>, vector<16xf32>,
    tpu.vector_store %arg9[%swap3A_2237], %broadcast_in_dim3A_2177 {strides = array<i32>} : memref<1024xf32, #tpu.memory_space<vmem>>, vector<16xf32>,
    %swap3A_2239 = arith.constant 496 : index
    %swap3A_2240 = tpu.vector_load %arg9[%swap3A_2239] {strides = array<i32>} : memref<1024xf32, #tpu.memory_space<vmem>>, vector<16xf32>,
    tpu.vector_store %arg9[%swap3A_2239], %broadcast_in_dim3A_2177 {strides = array<i32>} : memref<1024xf32, #tpu.memory_space<vmem>>, vector<16xf32>,
    %swap3A_2241 = arith.constant 512 : index
    %swap3A_2242 = tpu.vector_load %arg9[%swap3A_2241] {strides = array<i32>} : memref<1024xf32, #tpu.memory_space<vmem>>, vector<16xf32>,
    tpu.vector_store %arg9[%swap3A_2241], %broadcast_in_dim3A_2177 {strides = array<i32>} : memref<1024xf32, #tpu.memory_space<vmem>>, vector<16xf32>,
    %swap3A_2243 = arith.constant 528 : index
    %swap3A_2244 = tpu.vector_load %arg9[%swap3A_2243] {strides = array<i32>} : memref<1024xf32, #tpu.memory_space<vmem>>, vector<16xf32>,
    tpu.vector_store %arg9[%swap3A_2243], %broadcast_in_dim3A_2177 {strides = array<i32>} : memref<1024xf32, #tpu.memory_space<vmem>>, vector<16xf32>,
    %swap3A_2245 = arith.constant 544 : index
    %swap3A_2246 = tpu.vector_load %arg9[%swap3A_2245] {strides = array<i32>} : memref<1024xf32, #tpu.memory_space<vmem>>, vector<16xf32>,
    tpu.vector_store %arg9[%swap3A_2245], %broadcast_in_dim3A_2177 {strides = array<i32>} : memref<1024xf32, #tpu.memory_space<vmem>>, vector<16xf32>,
    %swap3A_2247 = arith.constant 560 : index
    %swap3A_2248 = tpu.vector_load %arg9[%swap3A_2247] {strides = array<i32>} : memref<1024xf32, #tpu.memory_space<vmem>>, vector<16xf32>,
    tpu.vector_store %arg9[%swap3A_2247], %broadcast_in_dim3A_2177 {strides = array<i32>} : memref<1024xf32, #tpu.memory_space<vmem>>, vector<16xf32>,
    %swap3A_2249 = arith.constant 576 : index
    %swap3A_2250 = tpu.vector_load %arg9[%swap3A_2249] {strides = array<i32>} : memref<1024xf32, #tpu.memory_space<vmem>>, vector<16xf32>,
    tpu.vector_store %arg9[%swap3A_2249], %broadcast_in_dim3A_2177 {strides = array<i32>} : memref<1024xf32, #tpu.memory_space<vmem>>, vector<16xf32>,
    %swap3A_2251 = arith.constant 592 : index
    %swap3A_2252 = tpu.vector_load %arg9[%swap3A_2251] {strides = array<i32>} : memref<1024xf32, #tpu.memory_space<vmem>>, vector<16xf32>,
    tpu.vector_store %arg9[%swap3A_2251], %broadcast_in_dim3A_2177 {strides = array<i32>} : memref<1024xf32, #tpu.memory_space<vmem>>, vector<16xf32>,
    %swap3A_2253 = arith.constant 608 : index
    %swap3A_2254 = tpu.vector_load %arg9[%swap3A_2253] {strides = array<i32>} : memref<1024xf32, #tpu.memory_space<vmem>>, vector<16xf32>,
    tpu.vector_store %arg9[%swap3A_2253], %broadcast_in_dim3A_2177 {strides = array<i32>} : memref<1024xf32, #tpu.memory_space<vmem>>, vector<16xf32>,
    %swap3A_2255 = arith.constant 624 : index
    %swap3A_2256 = tpu.vector_load %arg9[%swap3A_2255] {strides = array<i32>} : memref<1024xf32, #tpu.memory_space<vmem>>, vector<16xf32>,
    tpu.vector_store %arg9[%swap3A_2255], %broadcast_in_dim3A_2177 {strides = array<i32>} : memref<1024xf32, #tpu.memory_space<vmem>>, vector<16xf32>,
    %swap3A_2257 = arith.constant 640 : index
    %swap3A_2258 = tpu.vector_load %arg9[%swap3A_2257] {strides = array<i32>} : memref<1024xf32, #tpu.memory_space<vmem>>, vector<16xf32>,
    tpu.vector_store %arg9[%swap3A_2257], %broadcast_in_dim3A_2177 {strides = array<i32>} : memref<1024xf32, #tpu.memory_space<vmem>>, vector<16xf32>,
    %swap3A_2259 = arith.constant 656 : index
    %swap3A_2260 = tpu.vector_load %arg9[%swap3A_2259] {strides = array<i32>} : memref<1024xf32, #tpu.memory_space<vmem>>, vector<16xf32>,
    tpu.vector_store %arg9[%swap3A_2259], %broadcast_in_dim3A_2177 {strides = array<i32>} : memref<1024xf32, #tpu.memory_space<vmem>>, vector<16xf32>,
    %swap3A_2261 = arith.constant 672 : index
    %swap3A_2262 = tpu.vector_load %arg9[%swap3A_2261] {strides = array<i32>} : memref<1024xf32, #tpu.memory_space<vmem>>, vector<16xf32>,
    tpu.vector_store %arg9[%swap3A_2261], %broadcast_in_dim3A_2177 {strides = array<i32>} : memref<1024xf32, #tpu.memory_space<vmem>>, vector<16xf32>,
    %swap3A_2263 = arith.constant 688 : index
    %swap3A_2264 = tpu.vector_load %arg9[%swap3A_2263] {strides = array<i32>} : memref<1024xf32, #tpu.memory_space<vmem>>, vector<16xf32>,
    tpu.vector_store %arg9[%swap3A_2263], %broadcast_in_dim3A_2177 {strides = array<i32>} : memref<1024xf32, #tpu.memory_space<vmem>>, vector<16xf32>,
    %swap3A_2265 = arith.constant 704 : index
    %swap3A_2266 = tpu.vector_load %arg9[%swap3A_2265] {strides = array<i32>} : memref<1024xf32, #tpu.memory_space<vmem>>, vector<16xf32>,
    tpu.vector_store %arg9[%swap3A_2265], %broadcast_in_dim3A_2177 {strides = array<i32>} : memref<1024xf32, #tpu.memory_space<vmem>>, vector<16xf32>,
    %swap3A_2267 = arith.constant 720 : index
    %swap3A_2268 = tpu.vector_load %arg9[%swap3A_2267] {strides = array<i32>} : memref<1024xf32, #tpu.memory_space<vmem>>, vector<16xf32>,
    tpu.vector_store %arg9[%swap3A_2267], %broadcast_in_dim3A_2177 {strides = array<i32>} : memref<1024xf32, #tpu.memory_space<vmem>>, vector<16xf32>,
    %swap3A_2269 = arith.constant 736 : index
    %swap3A_2270 = tpu.vector_load %arg9[%swap3A_2269] {strides = array<i32>} : memref<1024xf32, #tpu.memory_space<vmem>>, vector<16xf32>,
    tpu.vector_store %arg9[%swap3A_2269], %broadcast_in_dim3A_2177 {strides = array<i32>} : memref<1024xf32, #tpu.memory_space<vmem>>, vector<16xf32>,
    %swap3A_2271 = arith.constant 752 : index
    %swap3A_2272 = tpu.vector_load %arg9[%swap3A_2271] {strides = array<i32>} : memref<1024xf32, #tpu.memory_space<vmem>>, vector<16xf32>,
    tpu.vector_store %arg9[%swap3A_2271], %broadcast_in_dim3A_2177 {strides = array<i32>} : memref<1024xf32, #tpu.memory_space<vmem>>, vector<16xf32>,
    %swap3A_2273 = arith.constant 768 : index
    %swap3A_2274 = tpu.vector_load %arg9[%swap3A_2273] {strides = array<i32>} : memref<1024xf32, #tpu.memory_space<vmem>>, vector<16xf32>,
    tpu.vector_store %arg9[%swap3A_2273], %broadcast_in_dim3A_2177 {strides = array<i32>} : memref<1024xf32, #tpu.memory_space<vmem>>, vector<16xf32>,
    %swap3A_2275 = arith.constant 784 : index
    %swap3A_2276 = tpu.vector_load %arg9[%swap3A_2275] {strides = array<i32>} : memref<1024xf32, #tpu.memory_space<vmem>>, vector<16xf32>,
    tpu.vector_store %arg9[%swap3A_2275], %broadcast_in_dim3A_2177 {strides = array<i32>} : memref<1024xf32, #tpu.memory_space<vmem>>, vector<16xf32>,
    %swap3A_2277 = arith.constant 800 : index
    %swap3A_2278 = tpu.vector_load %arg9[%swap3A_2277] {strides = array<i32>} : memref<1024xf32, #tpu.memory_space<vmem>>, vector<16xf32>,
    tpu.vector_store %arg9[%swap3A_2277], %broadcast_in_dim3A_2177 {strides = array<i32>} : memref<1024xf32, #tpu.memory_space<vmem>>, vector<16xf32>,
    %swap3A_2279 = arith.constant 816 : index
    %swap3A_2280 = tpu.vector_load %arg9[%swap3A_2279] {strides = array<i32>} : memref<1024xf32, #tpu.memory_space<vmem>>, vector<16xf32>,
    tpu.vector_store %arg9[%swap3A_2279], %broadcast_in_dim3A_2177 {strides = array<i32>} : memref<1024xf32, #tpu.memory_space<vmem>>, vector<16xf32>,
    %swap3A_2281 = arith.constant 832 : index
    %swap3A_2282 = tpu.vector_load %arg9[%swap3A_2281] {strides = array<i32>} : memref<1024xf32, #tpu.memory_space<vmem>>, vector<16xf32>,
    tpu.vector_store %arg9[%swap3A_2281], %broadcast_in_dim3A_2177 {strides = array<i32>} : memref<1024xf32, #tpu.memory_space<vmem>>, vector<16xf32>,
    %swap3A_2283 = arith.constant 848 : index
    %swap3A_2284 = tpu.vector_load %arg9[%swap3A_2283] {strides = array<i32>} : memref<1024xf32, #tpu.memory_space<vmem>>, vector<16xf32>,
    tpu.vector_store %arg9[%swap3A_2283], %broadcast_in_dim3A_2177 {strides = array<i32>} : memref<1024xf32, #tpu.memory_space<vmem>>, vector<16xf32>,
    %swap3A_2285 = arith.constant 864 : index
    %swap3A_2286 = tpu.vector_load %arg9[%swap3A_2285] {strides = array<i32>} : memref<1024xf32, #tpu.memory_space<vmem>>, vector<16xf32>,
    tpu.vector_store %arg9[%swap3A_2285], %broadcast_in_dim3A_2177 {strides = array<i32>} : memref<1024xf32, #tpu.memory_space<vmem>>, vector<16xf32>,
    %swap3A_2287 = arith.constant 880 : index
    %swap3A_2288 = tpu.vector_load %arg9[%swap3A_2287] {strides = array<i32>} : memref<1024xf32, #tpu.memory_space<vmem>>, vector<16xf32>,
    tpu.vector_store %arg9[%swap3A_2287], %broadcast_in_dim3A_2177 {strides = array<i32>} : memref<1024xf32, #tpu.memory_space<vmem>>, vector<16xf32>,
    %swap3A_2289 = arith.constant 896 : index
    %swap3A_2290 = tpu.vector_load %arg9[%swap3A_2289] {strides = array<i32>} : memref<1024xf32, #tpu.memory_space<vmem>>, vector<16xf32>,
    tpu.vector_store %arg9[%swap3A_2289], %broadcast_in_dim3A_2177 {strides = array<i32>} : memref<1024xf32, #tpu.memory_space<vmem>>, vector<16xf32>,
    %swap3A_2291 = arith.constant 912 : index
    %swap3A_2292 = tpu.vector_load %arg9[%swap3A_2291] {strides = array<i32>} : memref<1024xf32, #tpu.memory_space<vmem>>, vector<16xf32>,
    tpu.vector_store %arg9[%swap3A_2291], %broadcast_in_dim3A_2177 {strides = array<i32>} : memref<1024xf32, #tpu.memory_space<vmem>>, vector<16xf32>,
    %swap3A_2293 = arith.constant 928 : index
    %swap3A_2294 = tpu.vector_load %arg9[%swap3A_2293] {strides = array<i32>} : memref<1024xf32, #tpu.memory_space<vmem>>, vector<16xf32>,
    tpu.vector_store %arg9[%swap3A_2293], %broadcast_in_dim3A_2177 {strides = array<i32>} : memref<1024xf32, #tpu.memory_space<vmem>>, vector<16xf32>,
    %swap3A_2295 = arith.constant 944 : index
    %swap3A_2296 = tpu.vector_load %arg9[%swap3A_2295] {strides = array<i32>} : memref<1024xf32, #tpu.memory_space<vmem>>, vector<16xf32>,
    tpu.vector_store %arg9[%swap3A_2295], %broadcast_in_dim3A_2177 {strides = array<i32>} : memref<1024xf32, #tpu.memory_space<vmem>>, vector<16xf32>,
    %swap3A_2297 = arith.constant 960 : index
    %swap3A_2298 = tpu.vector_load %arg9[%swap3A_2297] {strides = array<i32>} : memref<1024xf32, #tpu.memory_space<vmem>>, vector<16xf32>,
    tpu.vector_store %arg9[%swap3A_2297], %broadcast_in_dim3A_2177 {strides = array<i32>} : memref<1024xf32, #tpu.memory_space<vmem>>, vector<16xf32>,
    %swap3A_2299 = arith.constant 976 : index
    %swap3A_2300 = tpu.vector_load %arg9[%swap3A_2299] {strides = array<i32>} : memref<1024xf32, #tpu.memory_space<vmem>>, vector<16xf32>,
    tpu.vector_store %arg9[%swap3A_2299], %broadcast_in_dim3A_2177 {strides = array<i32>} : memref<1024xf32, #tpu.memory_space<vmem>>, vector<16xf32>,
    %swap3A_2301 = arith.constant 992 : index
    %swap3A_2302 = tpu.vector_load %arg9[%swap3A_2301] {strides = array<i32>} : memref<1024xf32, #tpu.memory_space<vmem>>, vector<16xf32>,
    tpu.vector_store %arg9[%swap3A_2301], %broadcast_in_dim3A_2177 {strides = array<i32>} : memref<1024xf32, #tpu.memory_space<vmem>>, vector<16xf32>,
    %swap3A_2303 = arith.constant 1008 : index
    %swap3A_2304 = tpu.vector_load %arg9[%swap3A_2303] {strides = array<i32>} : memref<1024xf32, #tpu.memory_space<vmem>>, vector<16xf32>,
    tpu.vector_store %arg9[%swap3A_2303], %broadcast_in_dim3A_2177 {strides = array<i32>} : memref<1024xf32, #tpu.memory_space<vmem>>, vector<16xf32>,
    %swap3A_2305 = arith.constant 0 : index
    %swap3A_2306 = tpu.vector_load %arg10[%swap3A_2305] {strides = array<i32>} : memref<64xf32, #tpu.memory_space<vmem>>, vector<16xf32>,
    tpu.vector_store %arg10[%swap3A_2305], %broadcast_in_dim3A_2177 {strides = array<i32>} : memref<64xf32, #tpu.memory_space<vmem>>, vector<16xf32>,
    %swap3A_2307 = arith.constant 16 : index
    %swap3A_2308 = tpu.vector_load %arg10[%swap3A_2307] {strides = array<i32>} : memref<64xf32, #tpu.memory_space<vmem>>, vector<16xf32>,
    tpu.vector_store %arg10[%swap3A_2307], %broadcast_in_dim3A_2177 {strides = array<i32>} : memref<64xf32, #tpu.memory_space<vmem>>, vector<16xf32>,
    %swap3A_2309 = arith.constant 32 : index
    %swap3A_2310 = tpu.vector_load %arg10[%swap3A_2309] {strides = array<i32>} : memref<64xf32, #tpu.memory_space<vmem>>, vector<16xf32>,
    tpu.vector_store %arg10[%swap3A_2309], %broadcast_in_dim3A_2177 {strides = array<i32>} : memref<64xf32, #tpu.memory_space<vmem>>, vector<16xf32>,
    %swap3A_2311 = arith.constant 48 : index
    %swap3A_2312 = tpu.vector_load %arg10[%swap3A_2311] {strides = array<i32>} : memref<64xf32, #tpu.memory_space<vmem>>, vector<16xf32>,
    tpu.vector_store %arg10[%swap3A_2311], %broadcast_in_dim3A_2177 {strides = array<i32>} : memref<64xf32, #tpu.memory_space<vmem>>, vector<16xf32>,
    %iota3A = tpu.iota {dimensions = array<i32: 0>} : vector<16xi32>
    %broadcast_in_dim3A_2313 = arith.constant 1.000000e+00 : f32
    %broadcast_in_dim3A_2314 = vector.broadcast %broadcast_in_dim3A_2313 : f32 to vector<16xf32>
    %scan3A = arith.constant 0 : i32
    %scan3A_2315 = arith.constant 0 : i32
    %scan3A_2316 = arith.constant 32 : i32
    %scan3A_2317 = arith.addi %scan3A_2315, %scan3A_2316 : i32
    %scan3A_2318 = arith.constant 1 : i32
    scf.for %scan3A_3052 = %scan3A_2315 to %scan3A_2317 step %scan3A_2318  : i32 {
      %shift_right_arithmetic3A = arith.constant 3 : i32
      %shift_right_arithmetic3A_3053 = arith.shrsi %scan3A_3052, %shift_right_arithmetic3A : i32
      %and3A = arith.constant 7 : i32
      %and3A_3054 = arith.andi %scan3A_3052, %and3A : i32
      %mul3A_3055 = arith.constant 16 : i32
      %mul3A_3056 = arith.muli %and3A_3054, %mul3A_3055 : i32
      %broadcast_in_dim3A_3057 = arith.constant 0xFF800000 : f32
      %broadcast_in_dim3A_3058 = vector.broadcast %broadcast_in_dim3A_3057 : f32 to vector<16xf32>
      %broadcast_in_dim3A_3059 = arith.constant 0 : i32
      %broadcast_in_dim3A_3060 = vector.broadcast %broadcast_in_dim3A_3059 : i32 to vector<16xi32>
      %parallel_loop3A_3061 = arith.constant 0 : i32
      %parallel_loop3A_3062 = arith.constant 64 : i32
      %parallel_loop3A_3063 = arith.constant 1 : i32
      %parallel_loop3A_3064:3 = scf.for %parallel_loop3A_3077 = %parallel_loop3A_3061 to %parallel_loop3A_3062 step %parallel_loop3A_3063 iter_args(%parallel_loop3A_3078 = %broadcast_in_dim3A_2177, %parallel_loop3A_3079 = %broadcast_in_dim3A_3058, %parallel_loop3A_3080 = %broadcast_in_dim3A_3060) -> (vector<16xf32>, vector<16xf32>, vector<16xi32>)  : i32 {
        %parallel_loop3A_3081 = arith.index_cast %parallel_loop3A_3077 : i32 to index
        %parallel_loop3A_3082 = arith.index_cast %shift_right_arithmetic3A_3053 : i32 to index
        %parallel_loop3A_3083 = arith.index_cast %mul3A_3056 : i32 to index
        %parallel_loop3A_3084 = tpu.vector_load %arg7[%parallel_loop3A_3081, %parallel_loop3A_3082, %parallel_loop3A_3083] {strides = array<i32>} : memref<64x4x128xf32, #tpu.memory_space<vmem>>, vector<16xf32>,
        %parallel_loop3A_3085 = math.exp %parallel_loop3A_3084 : vector<16xf32>
        %parallel_loop3A_3086 = arith.constant 64 : i32
        %parallel_loop3A_3087 = arith.muli %scan3A_3052, %parallel_loop3A_3086 : i32
        %parallel_loop3A_3088 = arith.addi %parallel_loop3A_3087, %parallel_loop3A_3077 : i32
        %parallel_loop3A_3089 = arith.constant 16 : i32
        %parallel_loop3A_3090 = arith.muli %parallel_loop3A_3088, %parallel_loop3A_3089 : i32
        %parallel_loop3A_3091 = arith.index_cast %parallel_loop3A_3090 : i32 to index
        %parallel_loop3A_3092 = tpu.vector_load %arg8[%parallel_loop3A_3091] {strides = array<i32>} : memref<32768xf32, #tpu.memory_space<vmem>>, vector<16xf32>,
        tpu.vector_store %arg8[%parallel_loop3A_3091], %parallel_loop3A_3085 {strides = array<i32>} : memref<32768xf32, #tpu.memory_space<vmem>>, vector<16xf32>,
        %parallel_loop3A_3093 = arith.cmpf ogt, %parallel_loop3A_3084, %parallel_loop3A_3079 : vector<16xf32>
        %parallel_loop3A_3094 = vector.broadcast %parallel_loop3A_3077 : i32 to vector<16xi32>
        %parallel_loop3A_3095 = arith.select %parallel_loop3A_3093, %parallel_loop3A_3094, %parallel_loop3A_3080 : vector<16xi1>, vector<16xi32>
        %parallel_loop3A_3096 = arith.maximumf %parallel_loop3A_3079, %parallel_loop3A_3084 : vector<16xf32>
        %parallel_loop3A_3097 = arith.addf %parallel_loop3A_3078, %parallel_loop3A_3085 : vector<16xf32>
        scf.yield %parallel_loop3A_3097, %parallel_loop3A_3096, %parallel_loop3A_3095 : vector<16xf32>, vector<16xf32>, vector<16xi32>
      } {sc.loop_unroll_factor = 8 : i64, sc.parallel_access}
      %mul3A_3065 = arith.constant 16 : i32
      %mul3A_3066 = arith.muli %scan3A_3052, %mul3A_3065 : i32
      %swap3A_3067 = arith.index_cast %mul3A_3066 : i32 to index
      %swap3A_3068 = tpu.vector_load %arg14[%swap3A_3067] {strides = array<i32>} : memref<512xf32, #tpu.memory_space<vmem>>, vector<16xf32>,
      tpu.vector_store %arg14[%swap3A_3067], %parallel_loop3A_3064#0 {strides = array<i32>} : memref<512xf32, #tpu.memory_space<vmem>>, vector<16xf32>,
      %mul3A_3069 = arith.constant 16 : i32
      %mul3A_3070 = arith.muli %scan3A_3052, %mul3A_3069 : i32
      %swap3A_3071 = arith.index_cast %mul3A_3070 : i32 to index
      %swap3A_3072 = tpu.vector_load %arg15[%swap3A_3071] {strides = array<i32>} : memref<512xf32, #tpu.memory_space<vmem>>, vector<16xf32>,
      tpu.vector_store %arg15[%swap3A_3071], %parallel_loop3A_3064#1 {strides = array<i32>} : memref<512xf32, #tpu.memory_space<vmem>>, vector<16xf32>,
      %mul3A_3073 = arith.constant 16 : i32
      %mul3A_3074 = arith.muli %scan3A_3052, %mul3A_3073 : i32
      %swap3A_3075 = arith.index_cast %mul3A_3074 : i32 to index
      %swap3A_3076 = tpu.vector_load %arg11[%swap3A_3075] {strides = array<i32>} : memref<512xi32, #tpu.memory_space<vmem>>, vector<16xi32>,
      tpu.vector_store %arg11[%swap3A_3075], %parallel_loop3A_3064#2 {strides = array<i32>} : memref<512xi32, #tpu.memory_space<vmem>>, vector<16xi32>,
      tpu.vector_store_idx %arg10[%parallel_loop3A_3064#2], %broadcast_in_dim3A_2314 {add = true} : memref<64xf32, #tpu.memory_space<vmem>>[vector<16xi32>], vector<16xf32>,
    }
    %scan3A_2319 = arith.constant 32 : i32
    %parallel_loop3A = arith.constant 0 : i32
    %parallel_loop3A_2320 = arith.constant 32 : i32
    %parallel_loop3A_2321 = arith.constant 1 : i32
    scf.for %parallel_loop3A_3052 = %parallel_loop3A to %parallel_loop3A_2320 step %parallel_loop3A_2321  : i32 {
      %parallel_loop3A_3053 = arith.constant 16 : i32
      %parallel_loop3A_3054 = arith.muli %parallel_loop3A_3052, %parallel_loop3A_3053 : i32
      %parallel_loop3A_3055 = arith.index_cast %parallel_loop3A_3054 : i32 to index
      %parallel_loop3A_3056 = tpu.vector_load %arg14[%parallel_loop3A_3055] {strides = array<i32>} : memref<512xf32, #tpu.memory_space<vmem>>, vector<16xf32>,
      %parallel_loop3A_3057 = arith.constant 1.000000e+00 : f32
      %parallel_loop3A_3058 = vector.broadcast %parallel_loop3A_3057 : f32 to vector<16xf32>
      %parallel_loop3A_3059 = arith.divf %parallel_loop3A_3058, %parallel_loop3A_3056 : vector<16xf32>
      %parallel_loop3A_3060 = arith.constant 16 : i32
      %parallel_loop3A_3061 = arith.muli %parallel_loop3A_3052, %parallel_loop3A_3060 : i32
      %parallel_loop3A_3062 = arith.index_cast %parallel_loop3A_3061 : i32 to index
      %parallel_loop3A_3063 = tpu.vector_load %arg16[%parallel_loop3A_3062] {strides = array<i32>} : memref<512xf32, #tpu.memory_space<vmem>>, vector<16xf32>,
      tpu.vector_store %arg16[%parallel_loop3A_3062], %parallel_loop3A_3059 {strides = array<i32>} : memref<512xf32, #tpu.memory_space<vmem>>, vector<16xf32>,
      %parallel_loop3A_3064 = arith.constant 16 : i32
      %parallel_loop3A_3065 = arith.muli %parallel_loop3A_3052, %parallel_loop3A_3064 : i32
      %parallel_loop3A_3066 = arith.index_cast %parallel_loop3A_3065 : i32 to index
      %parallel_loop3A_3067 = tpu.vector_load %arg15[%parallel_loop3A_3066] {strides = array<i32>} : memref<512xf32, #tpu.memory_space<vmem>>, vector<16xf32>,
      %parallel_loop3A_3068 = math.exp %parallel_loop3A_3067 : vector<16xf32>
      %parallel_loop3A_3069 = arith.mulf %parallel_loop3A_3068, %parallel_loop3A_3059 : vector<16xf32>
      %parallel_loop3A_3070 = arith.constant 16 : i32
      %parallel_loop3A_3071 = arith.muli %parallel_loop3A_3052, %parallel_loop3A_3070 : i32
      %parallel_loop3A_3072 = arith.index_cast %parallel_loop3A_3071 : i32 to index
      %parallel_loop3A_3073 = tpu.vector_load %arg12[%parallel_loop3A_3072] {strides = array<i32>} : memref<512xf32, #tpu.memory_space<vmem>>, vector<16xf32>,
      tpu.vector_store %arg12[%parallel_loop3A_3072], %parallel_loop3A_3069 {strides = array<i32>} : memref<512xf32, #tpu.memory_space<vmem>>, vector<16xf32>,
    } {sc.loop_unroll_factor = 4 : i64, sc.parallel_access}
    %scan3A_2322 = arith.constant 0 : i32
    %scan3A_2323 = arith.constant 0 : i32
    %scan3A_2324 = arith.constant 32 : i32
    %scan3A_2325 = arith.addi %scan3A_2323, %scan3A_2324 : i32
    %scan3A_2326 = arith.constant 1 : i32
    scf.for %scan3A_3052 = %scan3A_2323 to %scan3A_2325 step %scan3A_2326  : i32 {
      %mul3A_3053 = arith.constant 16 : i32
      %mul3A_3054 = arith.muli %scan3A_3052, %mul3A_3053 : i32
      %get3A_3055 = arith.index_cast %mul3A_3054 : i32 to index
      %get3A_3056 = tpu.vector_load %arg16[%get3A_3055] {strides = array<i32>} : memref<512xf32, #tpu.memory_space<vmem>>, vector<16xf32>,
      %parallel_loop3A_3057 = arith.constant 0 : i32
      %parallel_loop3A_3058 = arith.constant 64 : i32
      %parallel_loop3A_3059 = arith.constant 1 : i32
      scf.for %parallel_loop3A_3060 = %parallel_loop3A_3057 to %parallel_loop3A_3058 step %parallel_loop3A_3059  : i32 {
        %parallel_loop3A_3061 = arith.constant 64 : i32
        %parallel_loop3A_3062 = arith.muli %scan3A_3052, %parallel_loop3A_3061 : i32
        %parallel_loop3A_3063 = arith.addi %parallel_loop3A_3062, %parallel_loop3A_3060 : i32
        %parallel_loop3A_3064 = arith.constant 16 : i32
        %parallel_loop3A_3065 = arith.muli %parallel_loop3A_3063, %parallel_loop3A_3064 : i32
        %parallel_loop3A_3066 = arith.index_cast %parallel_loop3A_3065 : i32 to index
        %parallel_loop3A_3067 = tpu.vector_load %arg8[%parallel_loop3A_3066] {strides = array<i32>} : memref<32768xf32, #tpu.memory_space<vmem>>, vector<16xf32>,
        %parallel_loop3A_3068 = arith.mulf %parallel_loop3A_3067, %get3A_3056 : vector<16xf32>
        %parallel_loop3A_3069 = arith.constant 16 : i32
        %parallel_loop3A_3070 = arith.muli %parallel_loop3A_3060, %parallel_loop3A_3069 : i32
        %parallel_loop3A_3071 = arith.index_cast %parallel_loop3A_3070 : i32 to index
        %parallel_loop3A_3072 = tpu.vector_load %arg9[%parallel_loop3A_3071] {strides = array<i32>} : memref<1024xf32, #tpu.memory_space<vmem>>, vector<16xf32>,
        %parallel_loop3A_3073 = arith.addf %parallel_loop3A_3072, %parallel_loop3A_3068 : vector<16xf32>
        %parallel_loop3A_3074 = arith.constant 16 : i32
        %parallel_loop3A_3075 = arith.muli %parallel_loop3A_3060, %parallel_loop3A_3074 : i32
        %parallel_loop3A_3076 = arith.index_cast %parallel_loop3A_3075 : i32 to index
        %parallel_loop3A_3077 = tpu.vector_load %arg9[%parallel_loop3A_3076] {strides = array<i32>} : memref<1024xf32, #tpu.memory_space<vmem>>, vector<16xf32>,
        tpu.vector_store %arg9[%parallel_loop3A_3076], %parallel_loop3A_3073 {strides = array<i32>} : memref<1024xf32, #tpu.memory_space<vmem>>, vector<16xf32>,
      } {sc.loop_unroll_factor = 8 : i64, sc.parallel_access}
    }
    %scan3A_2327 = arith.constant 32 : i32
    %get3A = arith.constant 0 : index
    %get3A_2328 = tpu.vector_load %arg9[%get3A] {strides = array<i32>} : memref<1024xf32, #tpu.memory_space<vmem>>, vector<16xf32>,
    %reduce_sum3A = arith.constant true
    %reduce_sum3A_2329 = vector.broadcast %reduce_sum3A : i1 to vector<16xi1>
    %reduce_sum3A_2330 = tpu.scan <sum>, %get3A_2328 masked %reduce_sum3A_2329 : vector<16xf32>, vector<16xi1> -> vector<16xf32>
    %reduce_sum3A_2331 = vector.extract %reduce_sum3A_2330[15] : f32 from vector<16xf32>
    %eq3A = arith.constant 0 : i32
    %eq3A_2332 = vector.broadcast %eq3A : i32 to vector<16xi32>
    %eq3A_2333 = arith.cmpi eq, %iota3A, %eq3A_2332 : vector<16xi32>
    %broadcast_in_dim3A_2334 = vector.broadcast %reduce_sum3A_2331 : f32 to vector<16xf32>
    %select_n3A = arith.select %eq3A_2333, %broadcast_in_dim3A_2334, %broadcast_in_dim3A_2177 : vector<16xi1>, vector<16xf32>
    %get3A_2335 = arith.constant 16 : index
    %get3A_2336 = tpu.vector_load %arg9[%get3A_2335] {strides = array<i32>} : memref<1024xf32, #tpu.memory_space<vmem>>, vector<16xf32>,
    %reduce_sum3A_2337 = arith.constant true
    %reduce_sum3A_2338 = vector.broadcast %reduce_sum3A_2337 : i1 to vector<16xi1>
    %reduce_sum3A_2339 = tpu.scan <sum>, %get3A_2336 masked %reduce_sum3A_2338 : vector<16xf32>, vector<16xi1> -> vector<16xf32>
    %reduce_sum3A_2340 = vector.extract %reduce_sum3A_2339[15] : f32 from vector<16xf32>
    %eq3A_2341 = arith.constant 1 : i32
    %eq3A_2342 = vector.broadcast %eq3A_2341 : i32 to vector<16xi32>
    %eq3A_2343 = arith.cmpi eq, %iota3A, %eq3A_2342 : vector<16xi32>
    %broadcast_in_dim3A_2344 = vector.broadcast %reduce_sum3A_2340 : f32 to vector<16xf32>
    %select_n3A_2345 = arith.select %eq3A_2343, %broadcast_in_dim3A_2344, %select_n3A : vector<16xi1>, vector<16xf32>
    %get3A_2346 = arith.constant 32 : index
    %get3A_2347 = tpu.vector_load %arg9[%get3A_2346] {strides = array<i32>} : memref<1024xf32, #tpu.memory_space<vmem>>, vector<16xf32>,
    %reduce_sum3A_2348 = arith.constant true
    %reduce_sum3A_2349 = vector.broadcast %reduce_sum3A_2348 : i1 to vector<16xi1>
    %reduce_sum3A_2350 = tpu.scan <sum>, %get3A_2347 masked %reduce_sum3A_2349 : vector<16xf32>, vector<16xi1> -> vector<16xf32>
    %reduce_sum3A_2351 = vector.extract %reduce_sum3A_2350[15] : f32 from vector<16xf32>
    %eq3A_2352 = arith.constant 2 : i32
    %eq3A_2353 = vector.broadcast %eq3A_2352 : i32 to vector<16xi32>
    %eq3A_2354 = arith.cmpi eq, %iota3A, %eq3A_2353 : vector<16xi32>
    %broadcast_in_dim3A_2355 = vector.broadcast %reduce_sum3A_2351 : f32 to vector<16xf32>
    %select_n3A_2356 = arith.select %eq3A_2354, %broadcast_in_dim3A_2355, %select_n3A_2345 : vector<16xi1>, vector<16xf32>
    %get3A_2357 = arith.constant 48 : index
    %get3A_2358 = tpu.vector_load %arg9[%get3A_2357] {strides = array<i32>} : memref<1024xf32, #tpu.memory_space<vmem>>, vector<16xf32>,
    %reduce_sum3A_2359 = arith.constant true
    %reduce_sum3A_2360 = vector.broadcast %reduce_sum3A_2359 : i1 to vector<16xi1>
    %reduce_sum3A_2361 = tpu.scan <sum>, %get3A_2358 masked %reduce_sum3A_2360 : vector<16xf32>, vector<16xi1> -> vector<16xf32>
    %reduce_sum3A_2362 = vector.extract %reduce_sum3A_2361[15] : f32 from vector<16xf32>
    %eq3A_2363 = arith.constant 3 : i32
    %eq3A_2364 = vector.broadcast %eq3A_2363 : i32 to vector<16xi32>
    %eq3A_2365 = arith.cmpi eq, %iota3A, %eq3A_2364 : vector<16xi32>
    %broadcast_in_dim3A_2366 = vector.broadcast %reduce_sum3A_2362 : f32 to vector<16xf32>
    %select_n3A_2367 = arith.select %eq3A_2365, %broadcast_in_dim3A_2366, %select_n3A_2356 : vector<16xi1>, vector<16xf32>
    %get3A_2368 = arith.constant 64 : index
    %get3A_2369 = tpu.vector_load %arg9[%get3A_2368] {strides = array<i32>} : memref<1024xf32, #tpu.memory_space<vmem>>, vector<16xf32>,
    %reduce_sum3A_2370 = arith.constant true
    %reduce_sum3A_2371 = vector.broadcast %reduce_sum3A_2370 : i1 to vector<16xi1>
    %reduce_sum3A_2372 = tpu.scan <sum>, %get3A_2369 masked %reduce_sum3A_2371 : vector<16xf32>, vector<16xi1> -> vector<16xf32>
    %reduce_sum3A_2373 = vector.extract %reduce_sum3A_2372[15] : f32 from vector<16xf32>
    %eq3A_2374 = arith.constant 4 : i32
    %eq3A_2375 = vector.broadcast %eq3A_2374 : i32 to vector<16xi32>
    %eq3A_2376 = arith.cmpi eq, %iota3A, %eq3A_2375 : vector<16xi32>
    %broadcast_in_dim3A_2377 = vector.broadcast %reduce_sum3A_2373 : f32 to vector<16xf32>
    %select_n3A_2378 = arith.select %eq3A_2376, %broadcast_in_dim3A_2377, %select_n3A_2367 : vector<16xi1>, vector<16xf32>
    %get3A_2379 = arith.constant 80 : index
    %get3A_2380 = tpu.vector_load %arg9[%get3A_2379] {strides = array<i32>} : memref<1024xf32, #tpu.memory_space<vmem>>, vector<16xf32>,
    %reduce_sum3A_2381 = arith.constant true
    %reduce_sum3A_2382 = vector.broadcast %reduce_sum3A_2381 : i1 to vector<16xi1>
    %reduce_sum3A_2383 = tpu.scan <sum>, %get3A_2380 masked %reduce_sum3A_2382 : vector<16xf32>, vector<16xi1> -> vector<16xf32>
    %reduce_sum3A_2384 = vector.extract %reduce_sum3A_2383[15] : f32 from vector<16xf32>
    %eq3A_2385 = arith.constant 5 : i32
    %eq3A_2386 = vector.broadcast %eq3A_2385 : i32 to vector<16xi32>
    %eq3A_2387 = arith.cmpi eq, %iota3A, %eq3A_2386 : vector<16xi32>
    %broadcast_in_dim3A_2388 = vector.broadcast %reduce_sum3A_2384 : f32 to vector<16xf32>
    %select_n3A_2389 = arith.select %eq3A_2387, %broadcast_in_dim3A_2388, %select_n3A_2378 : vector<16xi1>, vector<16xf32>
    %get3A_2390 = arith.constant 96 : index
    %get3A_2391 = tpu.vector_load %arg9[%get3A_2390] {strides = array<i32>} : memref<1024xf32, #tpu.memory_space<vmem>>, vector<16xf32>,
    %reduce_sum3A_2392 = arith.constant true
    %reduce_sum3A_2393 = vector.broadcast %reduce_sum3A_2392 : i1 to vector<16xi1>
    %reduce_sum3A_2394 = tpu.scan <sum>, %get3A_2391 masked %reduce_sum3A_2393 : vector<16xf32>, vector<16xi1> -> vector<16xf32>
    %reduce_sum3A_2395 = vector.extract %reduce_sum3A_2394[15] : f32 from vector<16xf32>
    %eq3A_2396 = arith.constant 6 : i32
    %eq3A_2397 = vector.broadcast %eq3A_2396 : i32 to vector<16xi32>
    %eq3A_2398 = arith.cmpi eq, %iota3A, %eq3A_2397 : vector<16xi32>
    %broadcast_in_dim3A_2399 = vector.broadcast %reduce_sum3A_2395 : f32 to vector<16xf32>
    %select_n3A_2400 = arith.select %eq3A_2398, %broadcast_in_dim3A_2399, %select_n3A_2389 : vector<16xi1>, vector<16xf32>
    %get3A_2401 = arith.constant 112 : index
    %get3A_2402 = tpu.vector_load %arg9[%get3A_2401] {strides = array<i32>} : memref<1024xf32, #tpu.memory_space<vmem>>, vector<16xf32>,
    %reduce_sum3A_2403 = arith.constant true
    %reduce_sum3A_2404 = vector.broadcast %reduce_sum3A_2403 : i1 to vector<16xi1>
    %reduce_sum3A_2405 = tpu.scan <sum>, %get3A_2402 masked %reduce_sum3A_2404 : vector<16xf32>, vector<16xi1> -> vector<16xf32>
    %reduce_sum3A_2406 = vector.extract %reduce_sum3A_2405[15] : f32 from vector<16xf32>
    %eq3A_2407 = arith.constant 7 : i32
    %eq3A_2408 = vector.broadcast %eq3A_2407 : i32 to vector<16xi32>
    %eq3A_2409 = arith.cmpi eq, %iota3A, %eq3A_2408 : vector<16xi32>
    %broadcast_in_dim3A_2410 = vector.broadcast %reduce_sum3A_2406 : f32 to vector<16xf32>
    %select_n3A_2411 = arith.select %eq3A_2409, %broadcast_in_dim3A_2410, %select_n3A_2400 : vector<16xi1>, vector<16xf32>
    %get3A_2412 = arith.constant 128 : index
    %get3A_2413 = tpu.vector_load %arg9[%get3A_2412] {strides = array<i32>} : memref<1024xf32, #tpu.memory_space<vmem>>, vector<16xf32>,
    %reduce_sum3A_2414 = arith.constant true
    %reduce_sum3A_2415 = vector.broadcast %reduce_sum3A_2414 : i1 to vector<16xi1>
    %reduce_sum3A_2416 = tpu.scan <sum>, %get3A_2413 masked %reduce_sum3A_2415 : vector<16xf32>, vector<16xi1> -> vector<16xf32>
    %reduce_sum3A_2417 = vector.extract %reduce_sum3A_2416[15] : f32 from vector<16xf32>
    %eq3A_2418 = arith.constant 8 : i32
    %eq3A_2419 = vector.broadcast %eq3A_2418 : i32 to vector<16xi32>
    %eq3A_2420 = arith.cmpi eq, %iota3A, %eq3A_2419 : vector<16xi32>
    %broadcast_in_dim3A_2421 = vector.broadcast %reduce_sum3A_2417 : f32 to vector<16xf32>
    %select_n3A_2422 = arith.select %eq3A_2420, %broadcast_in_dim3A_2421, %select_n3A_2411 : vector<16xi1>, vector<16xf32>
    %get3A_2423 = arith.constant 144 : index
    %get3A_2424 = tpu.vector_load %arg9[%get3A_2423] {strides = array<i32>} : memref<1024xf32, #tpu.memory_space<vmem>>, vector<16xf32>,
    %reduce_sum3A_2425 = arith.constant true
    %reduce_sum3A_2426 = vector.broadcast %reduce_sum3A_2425 : i1 to vector<16xi1>
    %reduce_sum3A_2427 = tpu.scan <sum>, %get3A_2424 masked %reduce_sum3A_2426 : vector<16xf32>, vector<16xi1> -> vector<16xf32>
    %reduce_sum3A_2428 = vector.extract %reduce_sum3A_2427[15] : f32 from vector<16xf32>
    %eq3A_2429 = arith.constant 9 : i32
    %eq3A_2430 = vector.broadcast %eq3A_2429 : i32 to vector<16xi32>
    %eq3A_2431 = arith.cmpi eq, %iota3A, %eq3A_2430 : vector<16xi32>
    %broadcast_in_dim3A_2432 = vector.broadcast %reduce_sum3A_2428 : f32 to vector<16xf32>
    %select_n3A_2433 = arith.select %eq3A_2431, %broadcast_in_dim3A_2432, %select_n3A_2422 : vector<16xi1>, vector<16xf32>
    %get3A_2434 = arith.constant 160 : index
    %get3A_2435 = tpu.vector_load %arg9[%get3A_2434] {strides = array<i32>} : memref<1024xf32, #tpu.memory_space<vmem>>, vector<16xf32>,
    %reduce_sum3A_2436 = arith.constant true
    %reduce_sum3A_2437 = vector.broadcast %reduce_sum3A_2436 : i1 to vector<16xi1>
    %reduce_sum3A_2438 = tpu.scan <sum>, %get3A_2435 masked %reduce_sum3A_2437 : vector<16xf32>, vector<16xi1> -> vector<16xf32>
    %reduce_sum3A_2439 = vector.extract %reduce_sum3A_2438[15] : f32 from vector<16xf32>
    %eq3A_2440 = arith.constant 10 : i32
    %eq3A_2441 = vector.broadcast %eq3A_2440 : i32 to vector<16xi32>
    %eq3A_2442 = arith.cmpi eq, %iota3A, %eq3A_2441 : vector<16xi32>
    %broadcast_in_dim3A_2443 = vector.broadcast %reduce_sum3A_2439 : f32 to vector<16xf32>
    %select_n3A_2444 = arith.select %eq3A_2442, %broadcast_in_dim3A_2443, %select_n3A_2433 : vector<16xi1>, vector<16xf32>
    %get3A_2445 = arith.constant 176 : index
    %get3A_2446 = tpu.vector_load %arg9[%get3A_2445] {strides = array<i32>} : memref<1024xf32, #tpu.memory_space<vmem>>, vector<16xf32>,
    %reduce_sum3A_2447 = arith.constant true
    %reduce_sum3A_2448 = vector.broadcast %reduce_sum3A_2447 : i1 to vector<16xi1>
    %reduce_sum3A_2449 = tpu.scan <sum>, %get3A_2446 masked %reduce_sum3A_2448 : vector<16xf32>, vector<16xi1> -> vector<16xf32>
    %reduce_sum3A_2450 = vector.extract %reduce_sum3A_2449[15] : f32 from vector<16xf32>
    %eq3A_2451 = arith.constant 11 : i32
    %eq3A_2452 = vector.broadcast %eq3A_2451 : i32 to vector<16xi32>
    %eq3A_2453 = arith.cmpi eq, %iota3A, %eq3A_2452 : vector<16xi32>
    %broadcast_in_dim3A_2454 = vector.broadcast %reduce_sum3A_2450 : f32 to vector<16xf32>
    %select_n3A_2455 = arith.select %eq3A_2453, %broadcast_in_dim3A_2454, %select_n3A_2444 : vector<16xi1>, vector<16xf32>
    %get3A_2456 = arith.constant 192 : index
    %get3A_2457 = tpu.vector_load %arg9[%get3A_2456] {strides = array<i32>} : memref<1024xf32, #tpu.memory_space<vmem>>, vector<16xf32>,
    %reduce_sum3A_2458 = arith.constant true
    %reduce_sum3A_2459 = vector.broadcast %reduce_sum3A_2458 : i1 to vector<16xi1>
    %reduce_sum3A_2460 = tpu.scan <sum>, %get3A_2457 masked %reduce_sum3A_2459 : vector<16xf32>, vector<16xi1> -> vector<16xf32>
    %reduce_sum3A_2461 = vector.extract %reduce_sum3A_2460[15] : f32 from vector<16xf32>
    %eq3A_2462 = arith.constant 12 : i32
    %eq3A_2463 = vector.broadcast %eq3A_2462 : i32 to vector<16xi32>
    %eq3A_2464 = arith.cmpi eq, %iota3A, %eq3A_2463 : vector<16xi32>
    %broadcast_in_dim3A_2465 = vector.broadcast %reduce_sum3A_2461 : f32 to vector<16xf32>
    %select_n3A_2466 = arith.select %eq3A_2464, %broadcast_in_dim3A_2465, %select_n3A_2455 : vector<16xi1>, vector<16xf32>
    %get3A_2467 = arith.constant 208 : index
    %get3A_2468 = tpu.vector_load %arg9[%get3A_2467] {strides = array<i32>} : memref<1024xf32, #tpu.memory_space<vmem>>, vector<16xf32>,
    %reduce_sum3A_2469 = arith.constant true
    %reduce_sum3A_2470 = vector.broadcast %reduce_sum3A_2469 : i1 to vector<16xi1>
    %reduce_sum3A_2471 = tpu.scan <sum>, %get3A_2468 masked %reduce_sum3A_2470 : vector<16xf32>, vector<16xi1> -> vector<16xf32>
    %reduce_sum3A_2472 = vector.extract %reduce_sum3A_2471[15] : f32 from vector<16xf32>
    %eq3A_2473 = arith.constant 13 : i32
    %eq3A_2474 = vector.broadcast %eq3A_2473 : i32 to vector<16xi32>
    %eq3A_2475 = arith.cmpi eq, %iota3A, %eq3A_2474 : vector<16xi32>
    %broadcast_in_dim3A_2476 = vector.broadcast %reduce_sum3A_2472 : f32 to vector<16xf32>
    %select_n3A_2477 = arith.select %eq3A_2475, %broadcast_in_dim3A_2476, %select_n3A_2466 : vector<16xi1>, vector<16xf32>
    %get3A_2478 = arith.constant 224 : index
    %get3A_2479 = tpu.vector_load %arg9[%get3A_2478] {strides = array<i32>} : memref<1024xf32, #tpu.memory_space<vmem>>, vector<16xf32>,
    %reduce_sum3A_2480 = arith.constant true
    %reduce_sum3A_2481 = vector.broadcast %reduce_sum3A_2480 : i1 to vector<16xi1>
    %reduce_sum3A_2482 = tpu.scan <sum>, %get3A_2479 masked %reduce_sum3A_2481 : vector<16xf32>, vector<16xi1> -> vector<16xf32>
    %reduce_sum3A_2483 = vector.extract %reduce_sum3A_2482[15] : f32 from vector<16xf32>
    %eq3A_2484 = arith.constant 14 : i32
    %eq3A_2485 = vector.broadcast %eq3A_2484 : i32 to vector<16xi32>
    %eq3A_2486 = arith.cmpi eq, %iota3A, %eq3A_2485 : vector<16xi32>
    %broadcast_in_dim3A_2487 = vector.broadcast %reduce_sum3A_2483 : f32 to vector<16xf32>
    %select_n3A_2488 = arith.select %eq3A_2486, %broadcast_in_dim3A_2487, %select_n3A_2477 : vector<16xi1>, vector<16xf32>
    %get3A_2489 = arith.constant 240 : index
    %get3A_2490 = tpu.vector_load %arg9[%get3A_2489] {strides = array<i32>} : memref<1024xf32, #tpu.memory_space<vmem>>, vector<16xf32>,
    %reduce_sum3A_2491 = arith.constant true
    %reduce_sum3A_2492 = vector.broadcast %reduce_sum3A_2491 : i1 to vector<16xi1>
    %reduce_sum3A_2493 = tpu.scan <sum>, %get3A_2490 masked %reduce_sum3A_2492 : vector<16xf32>, vector<16xi1> -> vector<16xf32>
    %reduce_sum3A_2494 = vector.extract %reduce_sum3A_2493[15] : f32 from vector<16xf32>
    %eq3A_2495 = arith.constant 15 : i32
    %eq3A_2496 = vector.broadcast %eq3A_2495 : i32 to vector<16xi32>
    %eq3A_2497 = arith.cmpi eq, %iota3A, %eq3A_2496 : vector<16xi32>
    %broadcast_in_dim3A_2498 = vector.broadcast %reduce_sum3A_2494 : f32 to vector<16xf32>
    %select_n3A_2499 = arith.select %eq3A_2497, %broadcast_in_dim3A_2498, %select_n3A_2488 : vector<16xi1>, vector<16xf32>
    %swap3A_2500 = arith.constant 0 : index
    %swap3A_2501 = tpu.vector_load %arg13[%swap3A_2500] {strides = array<i32>} : memref<128xf32, #tpu.memory_space<vmem>>, vector<16xf32>,
    tpu.vector_store %arg13[%swap3A_2500], %select_n3A_2499 {strides = array<i32>} : memref<128xf32, #tpu.memory_space<vmem>>, vector<16xf32>,
    %get3A_2502 = arith.constant 256 : index
    %get3A_2503 = tpu.vector_load %arg9[%get3A_2502] {strides = array<i32>} : memref<1024xf32, #tpu.memory_space<vmem>>, vector<16xf32>,
    %reduce_sum3A_2504 = arith.constant true
    %reduce_sum3A_2505 = vector.broadcast %reduce_sum3A_2504 : i1 to vector<16xi1>
    %reduce_sum3A_2506 = tpu.scan <sum>, %get3A_2503 masked %reduce_sum3A_2505 : vector<16xf32>, vector<16xi1> -> vector<16xf32>
    %reduce_sum3A_2507 = vector.extract %reduce_sum3A_2506[15] : f32 from vector<16xf32>
    %eq3A_2508 = arith.constant 0 : i32
    %eq3A_2509 = vector.broadcast %eq3A_2508 : i32 to vector<16xi32>
    %eq3A_2510 = arith.cmpi eq, %iota3A, %eq3A_2509 : vector<16xi32>
    %broadcast_in_dim3A_2511 = vector.broadcast %reduce_sum3A_2507 : f32 to vector<16xf32>
    %select_n3A_2512 = arith.select %eq3A_2510, %broadcast_in_dim3A_2511, %broadcast_in_dim3A_2177 : vector<16xi1>, vector<16xf32>
    %get3A_2513 = arith.constant 272 : index
    %get3A_2514 = tpu.vector_load %arg9[%get3A_2513] {strides = array<i32>} : memref<1024xf32, #tpu.memory_space<vmem>>, vector<16xf32>,
    %reduce_sum3A_2515 = arith.constant true
    %reduce_sum3A_2516 = vector.broadcast %reduce_sum3A_2515 : i1 to vector<16xi1>
    %reduce_sum3A_2517 = tpu.scan <sum>, %get3A_2514 masked %reduce_sum3A_2516 : vector<16xf32>, vector<16xi1> -> vector<16xf32>
    %reduce_sum3A_2518 = vector.extract %reduce_sum3A_2517[15] : f32 from vector<16xf32>
    %eq3A_2519 = arith.constant 1 : i32
    %eq3A_2520 = vector.broadcast %eq3A_2519 : i32 to vector<16xi32>
    %eq3A_2521 = arith.cmpi eq, %iota3A, %eq3A_2520 : vector<16xi32>
    %broadcast_in_dim3A_2522 = vector.broadcast %reduce_sum3A_2518 : f32 to vector<16xf32>
    %select_n3A_2523 = arith.select %eq3A_2521, %broadcast_in_dim3A_2522, %select_n3A_2512 : vector<16xi1>, vector<16xf32>
    %get3A_2524 = arith.constant 288 : index
    %get3A_2525 = tpu.vector_load %arg9[%get3A_2524] {strides = array<i32>} : memref<1024xf32, #tpu.memory_space<vmem>>, vector<16xf32>,
    %reduce_sum3A_2526 = arith.constant true
    %reduce_sum3A_2527 = vector.broadcast %reduce_sum3A_2526 : i1 to vector<16xi1>
    %reduce_sum3A_2528 = tpu.scan <sum>, %get3A_2525 masked %reduce_sum3A_2527 : vector<16xf32>, vector<16xi1> -> vector<16xf32>
    %reduce_sum3A_2529 = vector.extract %reduce_sum3A_2528[15] : f32 from vector<16xf32>
    %eq3A_2530 = arith.constant 2 : i32
    %eq3A_2531 = vector.broadcast %eq3A_2530 : i32 to vector<16xi32>
    %eq3A_2532 = arith.cmpi eq, %iota3A, %eq3A_2531 : vector<16xi32>
    %broadcast_in_dim3A_2533 = vector.broadcast %reduce_sum3A_2529 : f32 to vector<16xf32>
    %select_n3A_2534 = arith.select %eq3A_2532, %broadcast_in_dim3A_2533, %select_n3A_2523 : vector<16xi1>, vector<16xf32>
    %get3A_2535 = arith.constant 304 : index
    %get3A_2536 = tpu.vector_load %arg9[%get3A_2535] {strides = array<i32>} : memref<1024xf32, #tpu.memory_space<vmem>>, vector<16xf32>,
    %reduce_sum3A_2537 = arith.constant true
    %reduce_sum3A_2538 = vector.broadcast %reduce_sum3A_2537 : i1 to vector<16xi1>
    %reduce_sum3A_2539 = tpu.scan <sum>, %get3A_2536 masked %reduce_sum3A_2538 : vector<16xf32>, vector<16xi1> -> vector<16xf32>
    %reduce_sum3A_2540 = vector.extract %reduce_sum3A_2539[15] : f32 from vector<16xf32>
    %eq3A_2541 = arith.constant 3 : i32
    %eq3A_2542 = vector.broadcast %eq3A_2541 : i32 to vector<16xi32>
    %eq3A_2543 = arith.cmpi eq, %iota3A, %eq3A_2542 : vector<16xi32>
    %broadcast_in_dim3A_2544 = vector.broadcast %reduce_sum3A_2540 : f32 to vector<16xf32>
    %select_n3A_2545 = arith.select %eq3A_2543, %broadcast_in_dim3A_2544, %select_n3A_2534 : vector<16xi1>, vector<16xf32>
    %get3A_2546 = arith.constant 320 : index
    %get3A_2547 = tpu.vector_load %arg9[%get3A_2546] {strides = array<i32>} : memref<1024xf32, #tpu.memory_space<vmem>>, vector<16xf32>,
    %reduce_sum3A_2548 = arith.constant true
    %reduce_sum3A_2549 = vector.broadcast %reduce_sum3A_2548 : i1 to vector<16xi1>
    %reduce_sum3A_2550 = tpu.scan <sum>, %get3A_2547 masked %reduce_sum3A_2549 : vector<16xf32>, vector<16xi1> -> vector<16xf32>
    %reduce_sum3A_2551 = vector.extract %reduce_sum3A_2550[15] : f32 from vector<16xf32>
    %eq3A_2552 = arith.constant 4 : i32
    %eq3A_2553 = vector.broadcast %eq3A_2552 : i32 to vector<16xi32>
    %eq3A_2554 = arith.cmpi eq, %iota3A, %eq3A_2553 : vector<16xi32>
    %broadcast_in_dim3A_2555 = vector.broadcast %reduce_sum3A_2551 : f32 to vector<16xf32>
    %select_n3A_2556 = arith.select %eq3A_2554, %broadcast_in_dim3A_2555, %select_n3A_2545 : vector<16xi1>, vector<16xf32>
    %get3A_2557 = arith.constant 336 : index
    %get3A_2558 = tpu.vector_load %arg9[%get3A_2557] {strides = array<i32>} : memref<1024xf32, #tpu.memory_space<vmem>>, vector<16xf32>,
    %reduce_sum3A_2559 = arith.constant true
    %reduce_sum3A_2560 = vector.broadcast %reduce_sum3A_2559 : i1 to vector<16xi1>
    %reduce_sum3A_2561 = tpu.scan <sum>, %get3A_2558 masked %reduce_sum3A_2560 : vector<16xf32>, vector<16xi1> -> vector<16xf32>
    %reduce_sum3A_2562 = vector.extract %reduce_sum3A_2561[15] : f32 from vector<16xf32>
    %eq3A_2563 = arith.constant 5 : i32
    %eq3A_2564 = vector.broadcast %eq3A_2563 : i32 to vector<16xi32>
    %eq3A_2565 = arith.cmpi eq, %iota3A, %eq3A_2564 : vector<16xi32>
    %broadcast_in_dim3A_2566 = vector.broadcast %reduce_sum3A_2562 : f32 to vector<16xf32>
    %select_n3A_2567 = arith.select %eq3A_2565, %broadcast_in_dim3A_2566, %select_n3A_2556 : vector<16xi1>, vector<16xf32>
    %get3A_2568 = arith.constant 352 : index
    %get3A_2569 = tpu.vector_load %arg9[%get3A_2568] {strides = array<i32>} : memref<1024xf32, #tpu.memory_space<vmem>>, vector<16xf32>,
    %reduce_sum3A_2570 = arith.constant true
    %reduce_sum3A_2571 = vector.broadcast %reduce_sum3A_2570 : i1 to vector<16xi1>
    %reduce_sum3A_2572 = tpu.scan <sum>, %get3A_2569 masked %reduce_sum3A_2571 : vector<16xf32>, vector<16xi1> -> vector<16xf32>
    %reduce_sum3A_2573 = vector.extract %reduce_sum3A_2572[15] : f32 from vector<16xf32>
    %eq3A_2574 = arith.constant 6 : i32
    %eq3A_2575 = vector.broadcast %eq3A_2574 : i32 to vector<16xi32>
    %eq3A_2576 = arith.cmpi eq, %iota3A, %eq3A_2575 : vector<16xi32>
    %broadcast_in_dim3A_2577 = vector.broadcast %reduce_sum3A_2573 : f32 to vector<16xf32>
    %select_n3A_2578 = arith.select %eq3A_2576, %broadcast_in_dim3A_2577, %select_n3A_2567 : vector<16xi1>, vector<16xf32>
    %get3A_2579 = arith.constant 368 : index
    %get3A_2580 = tpu.vector_load %arg9[%get3A_2579] {strides = array<i32>} : memref<1024xf32, #tpu.memory_space<vmem>>, vector<16xf32>,
    %reduce_sum3A_2581 = arith.constant true
    %reduce_sum3A_2582 = vector.broadcast %reduce_sum3A_2581 : i1 to vector<16xi1>
    %reduce_sum3A_2583 = tpu.scan <sum>, %get3A_2580 masked %reduce_sum3A_2582 : vector<16xf32>, vector<16xi1> -> vector<16xf32>
    %reduce_sum3A_2584 = vector.extract %reduce_sum3A_2583[15] : f32 from vector<16xf32>
    %eq3A_2585 = arith.constant 7 : i32
    %eq3A_2586 = vector.broadcast %eq3A_2585 : i32 to vector<16xi32>
    %eq3A_2587 = arith.cmpi eq, %iota3A, %eq3A_2586 : vector<16xi32>
    %broadcast_in_dim3A_2588 = vector.broadcast %reduce_sum3A_2584 : f32 to vector<16xf32>
    %select_n3A_2589 = arith.select %eq3A_2587, %broadcast_in_dim3A_2588, %select_n3A_2578 : vector<16xi1>, vector<16xf32>
    %get3A_2590 = arith.constant 384 : index
    %get3A_2591 = tpu.vector_load %arg9[%get3A_2590] {strides = array<i32>} : memref<1024xf32, #tpu.memory_space<vmem>>, vector<16xf32>,
    %reduce_sum3A_2592 = arith.constant true
    %reduce_sum3A_2593 = vector.broadcast %reduce_sum3A_2592 : i1 to vector<16xi1>
    %reduce_sum3A_2594 = tpu.scan <sum>, %get3A_2591 masked %reduce_sum3A_2593 : vector<16xf32>, vector<16xi1> -> vector<16xf32>
    %reduce_sum3A_2595 = vector.extract %reduce_sum3A_2594[15] : f32 from vector<16xf32>
    %eq3A_2596 = arith.constant 8 : i32
    %eq3A_2597 = vector.broadcast %eq3A_2596 : i32 to vector<16xi32>
    %eq3A_2598 = arith.cmpi eq, %iota3A, %eq3A_2597 : vector<16xi32>
    %broadcast_in_dim3A_2599 = vector.broadcast %reduce_sum3A_2595 : f32 to vector<16xf32>
    %select_n3A_2600 = arith.select %eq3A_2598, %broadcast_in_dim3A_2599, %select_n3A_2589 : vector<16xi1>, vector<16xf32>
    %get3A_2601 = arith.constant 400 : index
    %get3A_2602 = tpu.vector_load %arg9[%get3A_2601] {strides = array<i32>} : memref<1024xf32, #tpu.memory_space<vmem>>, vector<16xf32>,
    %reduce_sum3A_2603 = arith.constant true
    %reduce_sum3A_2604 = vector.broadcast %reduce_sum3A_2603 : i1 to vector<16xi1>
    %reduce_sum3A_2605 = tpu.scan <sum>, %get3A_2602 masked %reduce_sum3A_2604 : vector<16xf32>, vector<16xi1> -> vector<16xf32>
    %reduce_sum3A_2606 = vector.extract %reduce_sum3A_2605[15] : f32 from vector<16xf32>
    %eq3A_2607 = arith.constant 9 : i32
    %eq3A_2608 = vector.broadcast %eq3A_2607 : i32 to vector<16xi32>
    %eq3A_2609 = arith.cmpi eq, %iota3A, %eq3A_2608 : vector<16xi32>
    %broadcast_in_dim3A_2610 = vector.broadcast %reduce_sum3A_2606 : f32 to vector<16xf32>
    %select_n3A_2611 = arith.select %eq3A_2609, %broadcast_in_dim3A_2610, %select_n3A_2600 : vector<16xi1>, vector<16xf32>
    %get3A_2612 = arith.constant 416 : index
    %get3A_2613 = tpu.vector_load %arg9[%get3A_2612] {strides = array<i32>} : memref<1024xf32, #tpu.memory_space<vmem>>, vector<16xf32>,
    %reduce_sum3A_2614 = arith.constant true
    %reduce_sum3A_2615 = vector.broadcast %reduce_sum3A_2614 : i1 to vector<16xi1>
    %reduce_sum3A_2616 = tpu.scan <sum>, %get3A_2613 masked %reduce_sum3A_2615 : vector<16xf32>, vector<16xi1> -> vector<16xf32>
    %reduce_sum3A_2617 = vector.extract %reduce_sum3A_2616[15] : f32 from vector<16xf32>
    %eq3A_2618 = arith.constant 10 : i32
    %eq3A_2619 = vector.broadcast %eq3A_2618 : i32 to vector<16xi32>
    %eq3A_2620 = arith.cmpi eq, %iota3A, %eq3A_2619 : vector<16xi32>
    %broadcast_in_dim3A_2621 = vector.broadcast %reduce_sum3A_2617 : f32 to vector<16xf32>
    %select_n3A_2622 = arith.select %eq3A_2620, %broadcast_in_dim3A_2621, %select_n3A_2611 : vector<16xi1>, vector<16xf32>
    %get3A_2623 = arith.constant 432 : index
    %get3A_2624 = tpu.vector_load %arg9[%get3A_2623] {strides = array<i32>} : memref<1024xf32, #tpu.memory_space<vmem>>, vector<16xf32>,
    %reduce_sum3A_2625 = arith.constant true
    %reduce_sum3A_2626 = vector.broadcast %reduce_sum3A_2625 : i1 to vector<16xi1>
    %reduce_sum3A_2627 = tpu.scan <sum>, %get3A_2624 masked %reduce_sum3A_2626 : vector<16xf32>, vector<16xi1> -> vector<16xf32>
    %reduce_sum3A_2628 = vector.extract %reduce_sum3A_2627[15] : f32 from vector<16xf32>
    %eq3A_2629 = arith.constant 11 : i32
    %eq3A_2630 = vector.broadcast %eq3A_2629 : i32 to vector<16xi32>
    %eq3A_2631 = arith.cmpi eq, %iota3A, %eq3A_2630 : vector<16xi32>
    %broadcast_in_dim3A_2632 = vector.broadcast %reduce_sum3A_2628 : f32 to vector<16xf32>
    %select_n3A_2633 = arith.select %eq3A_2631, %broadcast_in_dim3A_2632, %select_n3A_2622 : vector<16xi1>, vector<16xf32>
    %get3A_2634 = arith.constant 448 : index
    %get3A_2635 = tpu.vector_load %arg9[%get3A_2634] {strides = array<i32>} : memref<1024xf32, #tpu.memory_space<vmem>>, vector<16xf32>,
    %reduce_sum3A_2636 = arith.constant true
    %reduce_sum3A_2637 = vector.broadcast %reduce_sum3A_2636 : i1 to vector<16xi1>
    %reduce_sum3A_2638 = tpu.scan <sum>, %get3A_2635 masked %reduce_sum3A_2637 : vector<16xf32>, vector<16xi1> -> vector<16xf32>
    %reduce_sum3A_2639 = vector.extract %reduce_sum3A_2638[15] : f32 from vector<16xf32>
    %eq3A_2640 = arith.constant 12 : i32
    %eq3A_2641 = vector.broadcast %eq3A_2640 : i32 to vector<16xi32>
    %eq3A_2642 = arith.cmpi eq, %iota3A, %eq3A_2641 : vector<16xi32>
    %broadcast_in_dim3A_2643 = vector.broadcast %reduce_sum3A_2639 : f32 to vector<16xf32>
    %select_n3A_2644 = arith.select %eq3A_2642, %broadcast_in_dim3A_2643, %select_n3A_2633 : vector<16xi1>, vector<16xf32>
    %get3A_2645 = arith.constant 464 : index
    %get3A_2646 = tpu.vector_load %arg9[%get3A_2645] {strides = array<i32>} : memref<1024xf32, #tpu.memory_space<vmem>>, vector<16xf32>,
    %reduce_sum3A_2647 = arith.constant true
    %reduce_sum3A_2648 = vector.broadcast %reduce_sum3A_2647 : i1 to vector<16xi1>
    %reduce_sum3A_2649 = tpu.scan <sum>, %get3A_2646 masked %reduce_sum3A_2648 : vector<16xf32>, vector<16xi1> -> vector<16xf32>
    %reduce_sum3A_2650 = vector.extract %reduce_sum3A_2649[15] : f32 from vector<16xf32>
    %eq3A_2651 = arith.constant 13 : i32
    %eq3A_2652 = vector.broadcast %eq3A_2651 : i32 to vector<16xi32>
    %eq3A_2653 = arith.cmpi eq, %iota3A, %eq3A_2652 : vector<16xi32>
    %broadcast_in_dim3A_2654 = vector.broadcast %reduce_sum3A_2650 : f32 to vector<16xf32>
    %select_n3A_2655 = arith.select %eq3A_2653, %broadcast_in_dim3A_2654, %select_n3A_2644 : vector<16xi1>, vector<16xf32>
    %get3A_2656 = arith.constant 480 : index
    %get3A_2657 = tpu.vector_load %arg9[%get3A_2656] {strides = array<i32>} : memref<1024xf32, #tpu.memory_space<vmem>>, vector<16xf32>,
    %reduce_sum3A_2658 = arith.constant true
    %reduce_sum3A_2659 = vector.broadcast %reduce_sum3A_2658 : i1 to vector<16xi1>
    %reduce_sum3A_2660 = tpu.scan <sum>, %get3A_2657 masked %reduce_sum3A_2659 : vector<16xf32>, vector<16xi1> -> vector<16xf32>
    %reduce_sum3A_2661 = vector.extract %reduce_sum3A_2660[15] : f32 from vector<16xf32>
    %eq3A_2662 = arith.constant 14 : i32
    %eq3A_2663 = vector.broadcast %eq3A_2662 : i32 to vector<16xi32>
    %eq3A_2664 = arith.cmpi eq, %iota3A, %eq3A_2663 : vector<16xi32>
    %broadcast_in_dim3A_2665 = vector.broadcast %reduce_sum3A_2661 : f32 to vector<16xf32>
    %select_n3A_2666 = arith.select %eq3A_2664, %broadcast_in_dim3A_2665, %select_n3A_2655 : vector<16xi1>, vector<16xf32>
    %get3A_2667 = arith.constant 496 : index
    %get3A_2668 = tpu.vector_load %arg9[%get3A_2667] {strides = array<i32>} : memref<1024xf32, #tpu.memory_space<vmem>>, vector<16xf32>,
    %reduce_sum3A_2669 = arith.constant true
    %reduce_sum3A_2670 = vector.broadcast %reduce_sum3A_2669 : i1 to vector<16xi1>
    %reduce_sum3A_2671 = tpu.scan <sum>, %get3A_2668 masked %reduce_sum3A_2670 : vector<16xf32>, vector<16xi1> -> vector<16xf32>
    %reduce_sum3A_2672 = vector.extract %reduce_sum3A_2671[15] : f32 from vector<16xf32>
    %eq3A_2673 = arith.constant 15 : i32
    %eq3A_2674 = vector.broadcast %eq3A_2673 : i32 to vector<16xi32>
    %eq3A_2675 = arith.cmpi eq, %iota3A, %eq3A_2674 : vector<16xi32>
    %broadcast_in_dim3A_2676 = vector.broadcast %reduce_sum3A_2672 : f32 to vector<16xf32>
    %select_n3A_2677 = arith.select %eq3A_2675, %broadcast_in_dim3A_2676, %select_n3A_2666 : vector<16xi1>, vector<16xf32>
    %swap3A_2678 = arith.constant 16 : index
    %swap3A_2679 = tpu.vector_load %arg13[%swap3A_2678] {strides = array<i32>} : memref<128xf32, #tpu.memory_space<vmem>>, vector<16xf32>,
    tpu.vector_store %arg13[%swap3A_2678], %select_n3A_2677 {strides = array<i32>} : memref<128xf32, #tpu.memory_space<vmem>>, vector<16xf32>,
    %get3A_2680 = arith.constant 512 : index
    %get3A_2681 = tpu.vector_load %arg9[%get3A_2680] {strides = array<i32>} : memref<1024xf32, #tpu.memory_space<vmem>>, vector<16xf32>,
    %reduce_sum3A_2682 = arith.constant true
    %reduce_sum3A_2683 = vector.broadcast %reduce_sum3A_2682 : i1 to vector<16xi1>
    %reduce_sum3A_2684 = tpu.scan <sum>, %get3A_2681 masked %reduce_sum3A_2683 : vector<16xf32>, vector<16xi1> -> vector<16xf32>
    %reduce_sum3A_2685 = vector.extract %reduce_sum3A_2684[15] : f32 from vector<16xf32>
    %eq3A_2686 = arith.constant 0 : i32
    %eq3A_2687 = vector.broadcast %eq3A_2686 : i32 to vector<16xi32>
    %eq3A_2688 = arith.cmpi eq, %iota3A, %eq3A_2687 : vector<16xi32>
    %broadcast_in_dim3A_2689 = vector.broadcast %reduce_sum3A_2685 : f32 to vector<16xf32>
    %select_n3A_2690 = arith.select %eq3A_2688, %broadcast_in_dim3A_2689, %broadcast_in_dim3A_2177 : vector<16xi1>, vector<16xf32>
    %get3A_2691 = arith.constant 528 : index
    %get3A_2692 = tpu.vector_load %arg9[%get3A_2691] {strides = array<i32>} : memref<1024xf32, #tpu.memory_space<vmem>>, vector<16xf32>,
    %reduce_sum3A_2693 = arith.constant true
    %reduce_sum3A_2694 = vector.broadcast %reduce_sum3A_2693 : i1 to vector<16xi1>
    %reduce_sum3A_2695 = tpu.scan <sum>, %get3A_2692 masked %reduce_sum3A_2694 : vector<16xf32>, vector<16xi1> -> vector<16xf32>
    %reduce_sum3A_2696 = vector.extract %reduce_sum3A_2695[15] : f32 from vector<16xf32>
    %eq3A_2697 = arith.constant 1 : i32
    %eq3A_2698 = vector.broadcast %eq3A_2697 : i32 to vector<16xi32>
    %eq3A_2699 = arith.cmpi eq, %iota3A, %eq3A_2698 : vector<16xi32>
    %broadcast_in_dim3A_2700 = vector.broadcast %reduce_sum3A_2696 : f32 to vector<16xf32>
    %select_n3A_2701 = arith.select %eq3A_2699, %broadcast_in_dim3A_2700, %select_n3A_2690 : vector<16xi1>, vector<16xf32>
    %get3A_2702 = arith.constant 544 : index
    %get3A_2703 = tpu.vector_load %arg9[%get3A_2702] {strides = array<i32>} : memref<1024xf32, #tpu.memory_space<vmem>>, vector<16xf32>,
    %reduce_sum3A_2704 = arith.constant true
    %reduce_sum3A_2705 = vector.broadcast %reduce_sum3A_2704 : i1 to vector<16xi1>
    %reduce_sum3A_2706 = tpu.scan <sum>, %get3A_2703 masked %reduce_sum3A_2705 : vector<16xf32>, vector<16xi1> -> vector<16xf32>
    %reduce_sum3A_2707 = vector.extract %reduce_sum3A_2706[15] : f32 from vector<16xf32>
    %eq3A_2708 = arith.constant 2 : i32
    %eq3A_2709 = vector.broadcast %eq3A_2708 : i32 to vector<16xi32>
    %eq3A_2710 = arith.cmpi eq, %iota3A, %eq3A_2709 : vector<16xi32>
    %broadcast_in_dim3A_2711 = vector.broadcast %reduce_sum3A_2707 : f32 to vector<16xf32>
    %select_n3A_2712 = arith.select %eq3A_2710, %broadcast_in_dim3A_2711, %select_n3A_2701 : vector<16xi1>, vector<16xf32>
    %get3A_2713 = arith.constant 560 : index
    %get3A_2714 = tpu.vector_load %arg9[%get3A_2713] {strides = array<i32>} : memref<1024xf32, #tpu.memory_space<vmem>>, vector<16xf32>,
    %reduce_sum3A_2715 = arith.constant true
    %reduce_sum3A_2716 = vector.broadcast %reduce_sum3A_2715 : i1 to vector<16xi1>
    %reduce_sum3A_2717 = tpu.scan <sum>, %get3A_2714 masked %reduce_sum3A_2716 : vector<16xf32>, vector<16xi1> -> vector<16xf32>
    %reduce_sum3A_2718 = vector.extract %reduce_sum3A_2717[15] : f32 from vector<16xf32>
    %eq3A_2719 = arith.constant 3 : i32
    %eq3A_2720 = vector.broadcast %eq3A_2719 : i32 to vector<16xi32>
    %eq3A_2721 = arith.cmpi eq, %iota3A, %eq3A_2720 : vector<16xi32>
    %broadcast_in_dim3A_2722 = vector.broadcast %reduce_sum3A_2718 : f32 to vector<16xf32>
    %select_n3A_2723 = arith.select %eq3A_2721, %broadcast_in_dim3A_2722, %select_n3A_2712 : vector<16xi1>, vector<16xf32>
    %get3A_2724 = arith.constant 576 : index
    %get3A_2725 = tpu.vector_load %arg9[%get3A_2724] {strides = array<i32>} : memref<1024xf32, #tpu.memory_space<vmem>>, vector<16xf32>,
    %reduce_sum3A_2726 = arith.constant true
    %reduce_sum3A_2727 = vector.broadcast %reduce_sum3A_2726 : i1 to vector<16xi1>
    %reduce_sum3A_2728 = tpu.scan <sum>, %get3A_2725 masked %reduce_sum3A_2727 : vector<16xf32>, vector<16xi1> -> vector<16xf32>
    %reduce_sum3A_2729 = vector.extract %reduce_sum3A_2728[15] : f32 from vector<16xf32>
    %eq3A_2730 = arith.constant 4 : i32
    %eq3A_2731 = vector.broadcast %eq3A_2730 : i32 to vector<16xi32>
    %eq3A_2732 = arith.cmpi eq, %iota3A, %eq3A_2731 : vector<16xi32>
    %broadcast_in_dim3A_2733 = vector.broadcast %reduce_sum3A_2729 : f32 to vector<16xf32>
    %select_n3A_2734 = arith.select %eq3A_2732, %broadcast_in_dim3A_2733, %select_n3A_2723 : vector<16xi1>, vector<16xf32>
    %get3A_2735 = arith.constant 592 : index
    %get3A_2736 = tpu.vector_load %arg9[%get3A_2735] {strides = array<i32>} : memref<1024xf32, #tpu.memory_space<vmem>>, vector<16xf32>,
    %reduce_sum3A_2737 = arith.constant true
    %reduce_sum3A_2738 = vector.broadcast %reduce_sum3A_2737 : i1 to vector<16xi1>
    %reduce_sum3A_2739 = tpu.scan <sum>, %get3A_2736 masked %reduce_sum3A_2738 : vector<16xf32>, vector<16xi1> -> vector<16xf32>
    %reduce_sum3A_2740 = vector.extract %reduce_sum3A_2739[15] : f32 from vector<16xf32>
    %eq3A_2741 = arith.constant 5 : i32
    %eq3A_2742 = vector.broadcast %eq3A_2741 : i32 to vector<16xi32>
    %eq3A_2743 = arith.cmpi eq, %iota3A, %eq3A_2742 : vector<16xi32>
    %broadcast_in_dim3A_2744 = vector.broadcast %reduce_sum3A_2740 : f32 to vector<16xf32>
    %select_n3A_2745 = arith.select %eq3A_2743, %broadcast_in_dim3A_2744, %select_n3A_2734 : vector<16xi1>, vector<16xf32>
    %get3A_2746 = arith.constant 608 : index
    %get3A_2747 = tpu.vector_load %arg9[%get3A_2746] {strides = array<i32>} : memref<1024xf32, #tpu.memory_space<vmem>>, vector<16xf32>,
    %reduce_sum3A_2748 = arith.constant true
    %reduce_sum3A_2749 = vector.broadcast %reduce_sum3A_2748 : i1 to vector<16xi1>
    %reduce_sum3A_2750 = tpu.scan <sum>, %get3A_2747 masked %reduce_sum3A_2749 : vector<16xf32>, vector<16xi1> -> vector<16xf32>
    %reduce_sum3A_2751 = vector.extract %reduce_sum3A_2750[15] : f32 from vector<16xf32>
    %eq3A_2752 = arith.constant 6 : i32
    %eq3A_2753 = vector.broadcast %eq3A_2752 : i32 to vector<16xi32>
    %eq3A_2754 = arith.cmpi eq, %iota3A, %eq3A_2753 : vector<16xi32>
    %broadcast_in_dim3A_2755 = vector.broadcast %reduce_sum3A_2751 : f32 to vector<16xf32>
    %select_n3A_2756 = arith.select %eq3A_2754, %broadcast_in_dim3A_2755, %select_n3A_2745 : vector<16xi1>, vector<16xf32>
    %get3A_2757 = arith.constant 624 : index
    %get3A_2758 = tpu.vector_load %arg9[%get3A_2757] {strides = array<i32>} : memref<1024xf32, #tpu.memory_space<vmem>>, vector<16xf32>,
    %reduce_sum3A_2759 = arith.constant true
    %reduce_sum3A_2760 = vector.broadcast %reduce_sum3A_2759 : i1 to vector<16xi1>
    %reduce_sum3A_2761 = tpu.scan <sum>, %get3A_2758 masked %reduce_sum3A_2760 : vector<16xf32>, vector<16xi1> -> vector<16xf32>
    %reduce_sum3A_2762 = vector.extract %reduce_sum3A_2761[15] : f32 from vector<16xf32>
    %eq3A_2763 = arith.constant 7 : i32
    %eq3A_2764 = vector.broadcast %eq3A_2763 : i32 to vector<16xi32>
    %eq3A_2765 = arith.cmpi eq, %iota3A, %eq3A_2764 : vector<16xi32>
    %broadcast_in_dim3A_2766 = vector.broadcast %reduce_sum3A_2762 : f32 to vector<16xf32>
    %select_n3A_2767 = arith.select %eq3A_2765, %broadcast_in_dim3A_2766, %select_n3A_2756 : vector<16xi1>, vector<16xf32>
    %get3A_2768 = arith.constant 640 : index
    %get3A_2769 = tpu.vector_load %arg9[%get3A_2768] {strides = array<i32>} : memref<1024xf32, #tpu.memory_space<vmem>>, vector<16xf32>,
    %reduce_sum3A_2770 = arith.constant true
    %reduce_sum3A_2771 = vector.broadcast %reduce_sum3A_2770 : i1 to vector<16xi1>
    %reduce_sum3A_2772 = tpu.scan <sum>, %get3A_2769 masked %reduce_sum3A_2771 : vector<16xf32>, vector<16xi1> -> vector<16xf32>
    %reduce_sum3A_2773 = vector.extract %reduce_sum3A_2772[15] : f32 from vector<16xf32>
    %eq3A_2774 = arith.constant 8 : i32
    %eq3A_2775 = vector.broadcast %eq3A_2774 : i32 to vector<16xi32>
    %eq3A_2776 = arith.cmpi eq, %iota3A, %eq3A_2775 : vector<16xi32>
    %broadcast_in_dim3A_2777 = vector.broadcast %reduce_sum3A_2773 : f32 to vector<16xf32>
    %select_n3A_2778 = arith.select %eq3A_2776, %broadcast_in_dim3A_2777, %select_n3A_2767 : vector<16xi1>, vector<16xf32>
    %get3A_2779 = arith.constant 656 : index
    %get3A_2780 = tpu.vector_load %arg9[%get3A_2779] {strides = array<i32>} : memref<1024xf32, #tpu.memory_space<vmem>>, vector<16xf32>,
    %reduce_sum3A_2781 = arith.constant true
    %reduce_sum3A_2782 = vector.broadcast %reduce_sum3A_2781 : i1 to vector<16xi1>
    %reduce_sum3A_2783 = tpu.scan <sum>, %get3A_2780 masked %reduce_sum3A_2782 : vector<16xf32>, vector<16xi1> -> vector<16xf32>
    %reduce_sum3A_2784 = vector.extract %reduce_sum3A_2783[15] : f32 from vector<16xf32>
    %eq3A_2785 = arith.constant 9 : i32
    %eq3A_2786 = vector.broadcast %eq3A_2785 : i32 to vector<16xi32>
    %eq3A_2787 = arith.cmpi eq, %iota3A, %eq3A_2786 : vector<16xi32>
    %broadcast_in_dim3A_2788 = vector.broadcast %reduce_sum3A_2784 : f32 to vector<16xf32>
    %select_n3A_2789 = arith.select %eq3A_2787, %broadcast_in_dim3A_2788, %select_n3A_2778 : vector<16xi1>, vector<16xf32>
    %get3A_2790 = arith.constant 672 : index
    %get3A_2791 = tpu.vector_load %arg9[%get3A_2790] {strides = array<i32>} : memref<1024xf32, #tpu.memory_space<vmem>>, vector<16xf32>,
    %reduce_sum3A_2792 = arith.constant true
    %reduce_sum3A_2793 = vector.broadcast %reduce_sum3A_2792 : i1 to vector<16xi1>
    %reduce_sum3A_2794 = tpu.scan <sum>, %get3A_2791 masked %reduce_sum3A_2793 : vector<16xf32>, vector<16xi1> -> vector<16xf32>
    %reduce_sum3A_2795 = vector.extract %reduce_sum3A_2794[15] : f32 from vector<16xf32>
    %eq3A_2796 = arith.constant 10 : i32
    %eq3A_2797 = vector.broadcast %eq3A_2796 : i32 to vector<16xi32>
    %eq3A_2798 = arith.cmpi eq, %iota3A, %eq3A_2797 : vector<16xi32>
    %broadcast_in_dim3A_2799 = vector.broadcast %reduce_sum3A_2795 : f32 to vector<16xf32>
    %select_n3A_2800 = arith.select %eq3A_2798, %broadcast_in_dim3A_2799, %select_n3A_2789 : vector<16xi1>, vector<16xf32>
    %get3A_2801 = arith.constant 688 : index
    %get3A_2802 = tpu.vector_load %arg9[%get3A_2801] {strides = array<i32>} : memref<1024xf32, #tpu.memory_space<vmem>>, vector<16xf32>,
    %reduce_sum3A_2803 = arith.constant true
    %reduce_sum3A_2804 = vector.broadcast %reduce_sum3A_2803 : i1 to vector<16xi1>
    %reduce_sum3A_2805 = tpu.scan <sum>, %get3A_2802 masked %reduce_sum3A_2804 : vector<16xf32>, vector<16xi1> -> vector<16xf32>
    %reduce_sum3A_2806 = vector.extract %reduce_sum3A_2805[15] : f32 from vector<16xf32>
    %eq3A_2807 = arith.constant 11 : i32
    %eq3A_2808 = vector.broadcast %eq3A_2807 : i32 to vector<16xi32>
    %eq3A_2809 = arith.cmpi eq, %iota3A, %eq3A_2808 : vector<16xi32>
    %broadcast_in_dim3A_2810 = vector.broadcast %reduce_sum3A_2806 : f32 to vector<16xf32>
    %select_n3A_2811 = arith.select %eq3A_2809, %broadcast_in_dim3A_2810, %select_n3A_2800 : vector<16xi1>, vector<16xf32>
    %get3A_2812 = arith.constant 704 : index
    %get3A_2813 = tpu.vector_load %arg9[%get3A_2812] {strides = array<i32>} : memref<1024xf32, #tpu.memory_space<vmem>>, vector<16xf32>,
    %reduce_sum3A_2814 = arith.constant true
    %reduce_sum3A_2815 = vector.broadcast %reduce_sum3A_2814 : i1 to vector<16xi1>
    %reduce_sum3A_2816 = tpu.scan <sum>, %get3A_2813 masked %reduce_sum3A_2815 : vector<16xf32>, vector<16xi1> -> vector<16xf32>
    %reduce_sum3A_2817 = vector.extract %reduce_sum3A_2816[15] : f32 from vector<16xf32>
    %eq3A_2818 = arith.constant 12 : i32
    %eq3A_2819 = vector.broadcast %eq3A_2818 : i32 to vector<16xi32>
    %eq3A_2820 = arith.cmpi eq, %iota3A, %eq3A_2819 : vector<16xi32>
    %broadcast_in_dim3A_2821 = vector.broadcast %reduce_sum3A_2817 : f32 to vector<16xf32>
    %select_n3A_2822 = arith.select %eq3A_2820, %broadcast_in_dim3A_2821, %select_n3A_2811 : vector<16xi1>, vector<16xf32>
    %get3A_2823 = arith.constant 720 : index
    %get3A_2824 = tpu.vector_load %arg9[%get3A_2823] {strides = array<i32>} : memref<1024xf32, #tpu.memory_space<vmem>>, vector<16xf32>,
    %reduce_sum3A_2825 = arith.constant true
    %reduce_sum3A_2826 = vector.broadcast %reduce_sum3A_2825 : i1 to vector<16xi1>
    %reduce_sum3A_2827 = tpu.scan <sum>, %get3A_2824 masked %reduce_sum3A_2826 : vector<16xf32>, vector<16xi1> -> vector<16xf32>
    %reduce_sum3A_2828 = vector.extract %reduce_sum3A_2827[15] : f32 from vector<16xf32>
    %eq3A_2829 = arith.constant 13 : i32
    %eq3A_2830 = vector.broadcast %eq3A_2829 : i32 to vector<16xi32>
    %eq3A_2831 = arith.cmpi eq, %iota3A, %eq3A_2830 : vector<16xi32>
    %broadcast_in_dim3A_2832 = vector.broadcast %reduce_sum3A_2828 : f32 to vector<16xf32>
    %select_n3A_2833 = arith.select %eq3A_2831, %broadcast_in_dim3A_2832, %select_n3A_2822 : vector<16xi1>, vector<16xf32>
    %get3A_2834 = arith.constant 736 : index
    %get3A_2835 = tpu.vector_load %arg9[%get3A_2834] {strides = array<i32>} : memref<1024xf32, #tpu.memory_space<vmem>>, vector<16xf32>,
    %reduce_sum3A_2836 = arith.constant true
    %reduce_sum3A_2837 = vector.broadcast %reduce_sum3A_2836 : i1 to vector<16xi1>
    %reduce_sum3A_2838 = tpu.scan <sum>, %get3A_2835 masked %reduce_sum3A_2837 : vector<16xf32>, vector<16xi1> -> vector<16xf32>
    %reduce_sum3A_2839 = vector.extract %reduce_sum3A_2838[15] : f32 from vector<16xf32>
    %eq3A_2840 = arith.constant 14 : i32
    %eq3A_2841 = vector.broadcast %eq3A_2840 : i32 to vector<16xi32>
    %eq3A_2842 = arith.cmpi eq, %iota3A, %eq3A_2841 : vector<16xi32>
    %broadcast_in_dim3A_2843 = vector.broadcast %reduce_sum3A_2839 : f32 to vector<16xf32>
    %select_n3A_2844 = arith.select %eq3A_2842, %broadcast_in_dim3A_2843, %select_n3A_2833 : vector<16xi1>, vector<16xf32>
    %get3A_2845 = arith.constant 752 : index
    %get3A_2846 = tpu.vector_load %arg9[%get3A_2845] {strides = array<i32>} : memref<1024xf32, #tpu.memory_space<vmem>>, vector<16xf32>,
    %reduce_sum3A_2847 = arith.constant true
    %reduce_sum3A_2848 = vector.broadcast %reduce_sum3A_2847 : i1 to vector<16xi1>
    %reduce_sum3A_2849 = tpu.scan <sum>, %get3A_2846 masked %reduce_sum3A_2848 : vector<16xf32>, vector<16xi1> -> vector<16xf32>
    %reduce_sum3A_2850 = vector.extract %reduce_sum3A_2849[15] : f32 from vector<16xf32>
    %eq3A_2851 = arith.constant 15 : i32
    %eq3A_2852 = vector.broadcast %eq3A_2851 : i32 to vector<16xi32>
    %eq3A_2853 = arith.cmpi eq, %iota3A, %eq3A_2852 : vector<16xi32>
    %broadcast_in_dim3A_2854 = vector.broadcast %reduce_sum3A_2850 : f32 to vector<16xf32>
    %select_n3A_2855 = arith.select %eq3A_2853, %broadcast_in_dim3A_2854, %select_n3A_2844 : vector<16xi1>, vector<16xf32>
    %swap3A_2856 = arith.constant 32 : index
    %swap3A_2857 = tpu.vector_load %arg13[%swap3A_2856] {strides = array<i32>} : memref<128xf32, #tpu.memory_space<vmem>>, vector<16xf32>,
    tpu.vector_store %arg13[%swap3A_2856], %select_n3A_2855 {strides = array<i32>} : memref<128xf32, #tpu.memory_space<vmem>>, vector<16xf32>,
    %get3A_2858 = arith.constant 768 : index
    %get3A_2859 = tpu.vector_load %arg9[%get3A_2858] {strides = array<i32>} : memref<1024xf32, #tpu.memory_space<vmem>>, vector<16xf32>,
    %reduce_sum3A_2860 = arith.constant true
    %reduce_sum3A_2861 = vector.broadcast %reduce_sum3A_2860 : i1 to vector<16xi1>
    %reduce_sum3A_2862 = tpu.scan <sum>, %get3A_2859 masked %reduce_sum3A_2861 : vector<16xf32>, vector<16xi1> -> vector<16xf32>
    %reduce_sum3A_2863 = vector.extract %reduce_sum3A_2862[15] : f32 from vector<16xf32>
    %eq3A_2864 = arith.constant 0 : i32
    %eq3A_2865 = vector.broadcast %eq3A_2864 : i32 to vector<16xi32>
    %eq3A_2866 = arith.cmpi eq, %iota3A, %eq3A_2865 : vector<16xi32>
    %broadcast_in_dim3A_2867 = vector.broadcast %reduce_sum3A_2863 : f32 to vector<16xf32>
    %select_n3A_2868 = arith.select %eq3A_2866, %broadcast_in_dim3A_2867, %broadcast_in_dim3A_2177 : vector<16xi1>, vector<16xf32>
    %get3A_2869 = arith.constant 784 : index
    %get3A_2870 = tpu.vector_load %arg9[%get3A_2869] {strides = array<i32>} : memref<1024xf32, #tpu.memory_space<vmem>>, vector<16xf32>,
    %reduce_sum3A_2871 = arith.constant true
    %reduce_sum3A_2872 = vector.broadcast %reduce_sum3A_2871 : i1 to vector<16xi1>
    %reduce_sum3A_2873 = tpu.scan <sum>, %get3A_2870 masked %reduce_sum3A_2872 : vector<16xf32>, vector<16xi1> -> vector<16xf32>
    %reduce_sum3A_2874 = vector.extract %reduce_sum3A_2873[15] : f32 from vector<16xf32>
    %eq3A_2875 = arith.constant 1 : i32
    %eq3A_2876 = vector.broadcast %eq3A_2875 : i32 to vector<16xi32>
    %eq3A_2877 = arith.cmpi eq, %iota3A, %eq3A_2876 : vector<16xi32>
    %broadcast_in_dim3A_2878 = vector.broadcast %reduce_sum3A_2874 : f32 to vector<16xf32>
    %select_n3A_2879 = arith.select %eq3A_2877, %broadcast_in_dim3A_2878, %select_n3A_2868 : vector<16xi1>, vector<16xf32>
    %get3A_2880 = arith.constant 800 : index
    %get3A_2881 = tpu.vector_load %arg9[%get3A_2880] {strides = array<i32>} : memref<1024xf32, #tpu.memory_space<vmem>>, vector<16xf32>,
    %reduce_sum3A_2882 = arith.constant true
    %reduce_sum3A_2883 = vector.broadcast %reduce_sum3A_2882 : i1 to vector<16xi1>
    %reduce_sum3A_2884 = tpu.scan <sum>, %get3A_2881 masked %reduce_sum3A_2883 : vector<16xf32>, vector<16xi1> -> vector<16xf32>
    %reduce_sum3A_2885 = vector.extract %reduce_sum3A_2884[15] : f32 from vector<16xf32>
    %eq3A_2886 = arith.constant 2 : i32
    %eq3A_2887 = vector.broadcast %eq3A_2886 : i32 to vector<16xi32>
    %eq3A_2888 = arith.cmpi eq, %iota3A, %eq3A_2887 : vector<16xi32>
    %broadcast_in_dim3A_2889 = vector.broadcast %reduce_sum3A_2885 : f32 to vector<16xf32>
    %select_n3A_2890 = arith.select %eq3A_2888, %broadcast_in_dim3A_2889, %select_n3A_2879 : vector<16xi1>, vector<16xf32>
    %get3A_2891 = arith.constant 816 : index
    %get3A_2892 = tpu.vector_load %arg9[%get3A_2891] {strides = array<i32>} : memref<1024xf32, #tpu.memory_space<vmem>>, vector<16xf32>,
    %reduce_sum3A_2893 = arith.constant true
    %reduce_sum3A_2894 = vector.broadcast %reduce_sum3A_2893 : i1 to vector<16xi1>
    %reduce_sum3A_2895 = tpu.scan <sum>, %get3A_2892 masked %reduce_sum3A_2894 : vector<16xf32>, vector<16xi1> -> vector<16xf32>
    %reduce_sum3A_2896 = vector.extract %reduce_sum3A_2895[15] : f32 from vector<16xf32>
    %eq3A_2897 = arith.constant 3 : i32
    %eq3A_2898 = vector.broadcast %eq3A_2897 : i32 to vector<16xi32>
    %eq3A_2899 = arith.cmpi eq, %iota3A, %eq3A_2898 : vector<16xi32>
    %broadcast_in_dim3A_2900 = vector.broadcast %reduce_sum3A_2896 : f32 to vector<16xf32>
    %select_n3A_2901 = arith.select %eq3A_2899, %broadcast_in_dim3A_2900, %select_n3A_2890 : vector<16xi1>, vector<16xf32>
    %get3A_2902 = arith.constant 832 : index
    %get3A_2903 = tpu.vector_load %arg9[%get3A_2902] {strides = array<i32>} : memref<1024xf32, #tpu.memory_space<vmem>>, vector<16xf32>,
    %reduce_sum3A_2904 = arith.constant true
    %reduce_sum3A_2905 = vector.broadcast %reduce_sum3A_2904 : i1 to vector<16xi1>
    %reduce_sum3A_2906 = tpu.scan <sum>, %get3A_2903 masked %reduce_sum3A_2905 : vector<16xf32>, vector<16xi1> -> vector<16xf32>
    %reduce_sum3A_2907 = vector.extract %reduce_sum3A_2906[15] : f32 from vector<16xf32>
    %eq3A_2908 = arith.constant 4 : i32
    %eq3A_2909 = vector.broadcast %eq3A_2908 : i32 to vector<16xi32>
    %eq3A_2910 = arith.cmpi eq, %iota3A, %eq3A_2909 : vector<16xi32>
    %broadcast_in_dim3A_2911 = vector.broadcast %reduce_sum3A_2907 : f32 to vector<16xf32>
    %select_n3A_2912 = arith.select %eq3A_2910, %broadcast_in_dim3A_2911, %select_n3A_2901 : vector<16xi1>, vector<16xf32>
    %get3A_2913 = arith.constant 848 : index
    %get3A_2914 = tpu.vector_load %arg9[%get3A_2913] {strides = array<i32>} : memref<1024xf32, #tpu.memory_space<vmem>>, vector<16xf32>,
    %reduce_sum3A_2915 = arith.constant true
    %reduce_sum3A_2916 = vector.broadcast %reduce_sum3A_2915 : i1 to vector<16xi1>
    %reduce_sum3A_2917 = tpu.scan <sum>, %get3A_2914 masked %reduce_sum3A_2916 : vector<16xf32>, vector<16xi1> -> vector<16xf32>
    %reduce_sum3A_2918 = vector.extract %reduce_sum3A_2917[15] : f32 from vector<16xf32>
    %eq3A_2919 = arith.constant 5 : i32
    %eq3A_2920 = vector.broadcast %eq3A_2919 : i32 to vector<16xi32>
    %eq3A_2921 = arith.cmpi eq, %iota3A, %eq3A_2920 : vector<16xi32>
    %broadcast_in_dim3A_2922 = vector.broadcast %reduce_sum3A_2918 : f32 to vector<16xf32>
    %select_n3A_2923 = arith.select %eq3A_2921, %broadcast_in_dim3A_2922, %select_n3A_2912 : vector<16xi1>, vector<16xf32>
    %get3A_2924 = arith.constant 864 : index
    %get3A_2925 = tpu.vector_load %arg9[%get3A_2924] {strides = array<i32>} : memref<1024xf32, #tpu.memory_space<vmem>>, vector<16xf32>,
    %reduce_sum3A_2926 = arith.constant true
    %reduce_sum3A_2927 = vector.broadcast %reduce_sum3A_2926 : i1 to vector<16xi1>
    %reduce_sum3A_2928 = tpu.scan <sum>, %get3A_2925 masked %reduce_sum3A_2927 : vector<16xf32>, vector<16xi1> -> vector<16xf32>
    %reduce_sum3A_2929 = vector.extract %reduce_sum3A_2928[15] : f32 from vector<16xf32>
    %eq3A_2930 = arith.constant 6 : i32
    %eq3A_2931 = vector.broadcast %eq3A_2930 : i32 to vector<16xi32>
    %eq3A_2932 = arith.cmpi eq, %iota3A, %eq3A_2931 : vector<16xi32>
    %broadcast_in_dim3A_2933 = vector.broadcast %reduce_sum3A_2929 : f32 to vector<16xf32>
    %select_n3A_2934 = arith.select %eq3A_2932, %broadcast_in_dim3A_2933, %select_n3A_2923 : vector<16xi1>, vector<16xf32>
    %get3A_2935 = arith.constant 880 : index
    %get3A_2936 = tpu.vector_load %arg9[%get3A_2935] {strides = array<i32>} : memref<1024xf32, #tpu.memory_space<vmem>>, vector<16xf32>,
    %reduce_sum3A_2937 = arith.constant true
    %reduce_sum3A_2938 = vector.broadcast %reduce_sum3A_2937 : i1 to vector<16xi1>
    %reduce_sum3A_2939 = tpu.scan <sum>, %get3A_2936 masked %reduce_sum3A_2938 : vector<16xf32>, vector<16xi1> -> vector<16xf32>
    %reduce_sum3A_2940 = vector.extract %reduce_sum3A_2939[15] : f32 from vector<16xf32>
    %eq3A_2941 = arith.constant 7 : i32
    %eq3A_2942 = vector.broadcast %eq3A_2941 : i32 to vector<16xi32>
    %eq3A_2943 = arith.cmpi eq, %iota3A, %eq3A_2942 : vector<16xi32>
    %broadcast_in_dim3A_2944 = vector.broadcast %reduce_sum3A_2940 : f32 to vector<16xf32>
    %select_n3A_2945 = arith.select %eq3A_2943, %broadcast_in_dim3A_2944, %select_n3A_2934 : vector<16xi1>, vector<16xf32>
    %get3A_2946 = arith.constant 896 : index
    %get3A_2947 = tpu.vector_load %arg9[%get3A_2946] {strides = array<i32>} : memref<1024xf32, #tpu.memory_space<vmem>>, vector<16xf32>,
    %reduce_sum3A_2948 = arith.constant true
    %reduce_sum3A_2949 = vector.broadcast %reduce_sum3A_2948 : i1 to vector<16xi1>
    %reduce_sum3A_2950 = tpu.scan <sum>, %get3A_2947 masked %reduce_sum3A_2949 : vector<16xf32>, vector<16xi1> -> vector<16xf32>
    %reduce_sum3A_2951 = vector.extract %reduce_sum3A_2950[15] : f32 from vector<16xf32>
    %eq3A_2952 = arith.constant 8 : i32
    %eq3A_2953 = vector.broadcast %eq3A_2952 : i32 to vector<16xi32>
    %eq3A_2954 = arith.cmpi eq, %iota3A, %eq3A_2953 : vector<16xi32>
    %broadcast_in_dim3A_2955 = vector.broadcast %reduce_sum3A_2951 : f32 to vector<16xf32>
    %select_n3A_2956 = arith.select %eq3A_2954, %broadcast_in_dim3A_2955, %select_n3A_2945 : vector<16xi1>, vector<16xf32>
    %get3A_2957 = arith.constant 912 : index
    %get3A_2958 = tpu.vector_load %arg9[%get3A_2957] {strides = array<i32>} : memref<1024xf32, #tpu.memory_space<vmem>>, vector<16xf32>,
    %reduce_sum3A_2959 = arith.constant true
    %reduce_sum3A_2960 = vector.broadcast %reduce_sum3A_2959 : i1 to vector<16xi1>
    %reduce_sum3A_2961 = tpu.scan <sum>, %get3A_2958 masked %reduce_sum3A_2960 : vector<16xf32>, vector<16xi1> -> vector<16xf32>
    %reduce_sum3A_2962 = vector.extract %reduce_sum3A_2961[15] : f32 from vector<16xf32>
    %eq3A_2963 = arith.constant 9 : i32
    %eq3A_2964 = vector.broadcast %eq3A_2963 : i32 to vector<16xi32>
    %eq3A_2965 = arith.cmpi eq, %iota3A, %eq3A_2964 : vector<16xi32>
    %broadcast_in_dim3A_2966 = vector.broadcast %reduce_sum3A_2962 : f32 to vector<16xf32>
    %select_n3A_2967 = arith.select %eq3A_2965, %broadcast_in_dim3A_2966, %select_n3A_2956 : vector<16xi1>, vector<16xf32>
    %get3A_2968 = arith.constant 928 : index
    %get3A_2969 = tpu.vector_load %arg9[%get3A_2968] {strides = array<i32>} : memref<1024xf32, #tpu.memory_space<vmem>>, vector<16xf32>,
    %reduce_sum3A_2970 = arith.constant true
    %reduce_sum3A_2971 = vector.broadcast %reduce_sum3A_2970 : i1 to vector<16xi1>
    %reduce_sum3A_2972 = tpu.scan <sum>, %get3A_2969 masked %reduce_sum3A_2971 : vector<16xf32>, vector<16xi1> -> vector<16xf32>
    %reduce_sum3A_2973 = vector.extract %reduce_sum3A_2972[15] : f32 from vector<16xf32>
    %eq3A_2974 = arith.constant 10 : i32
    %eq3A_2975 = vector.broadcast %eq3A_2974 : i32 to vector<16xi32>
    %eq3A_2976 = arith.cmpi eq, %iota3A, %eq3A_2975 : vector<16xi32>
    %broadcast_in_dim3A_2977 = vector.broadcast %reduce_sum3A_2973 : f32 to vector<16xf32>
    %select_n3A_2978 = arith.select %eq3A_2976, %broadcast_in_dim3A_2977, %select_n3A_2967 : vector<16xi1>, vector<16xf32>
    %get3A_2979 = arith.constant 944 : index
    %get3A_2980 = tpu.vector_load %arg9[%get3A_2979] {strides = array<i32>} : memref<1024xf32, #tpu.memory_space<vmem>>, vector<16xf32>,
    %reduce_sum3A_2981 = arith.constant true
    %reduce_sum3A_2982 = vector.broadcast %reduce_sum3A_2981 : i1 to vector<16xi1>
    %reduce_sum3A_2983 = tpu.scan <sum>, %get3A_2980 masked %reduce_sum3A_2982 : vector<16xf32>, vector<16xi1> -> vector<16xf32>
    %reduce_sum3A_2984 = vector.extract %reduce_sum3A_2983[15] : f32 from vector<16xf32>
    %eq3A_2985 = arith.constant 11 : i32
    %eq3A_2986 = vector.broadcast %eq3A_2985 : i32 to vector<16xi32>
    %eq3A_2987 = arith.cmpi eq, %iota3A, %eq3A_2986 : vector<16xi32>
    %broadcast_in_dim3A_2988 = vector.broadcast %reduce_sum3A_2984 : f32 to vector<16xf32>
    %select_n3A_2989 = arith.select %eq3A_2987, %broadcast_in_dim3A_2988, %select_n3A_2978 : vector<16xi1>, vector<16xf32>
    %get3A_2990 = arith.constant 960 : index
    %get3A_2991 = tpu.vector_load %arg9[%get3A_2990] {strides = array<i32>} : memref<1024xf32, #tpu.memory_space<vmem>>, vector<16xf32>,
    %reduce_sum3A_2992 = arith.constant true
    %reduce_sum3A_2993 = vector.broadcast %reduce_sum3A_2992 : i1 to vector<16xi1>
    %reduce_sum3A_2994 = tpu.scan <sum>, %get3A_2991 masked %reduce_sum3A_2993 : vector<16xf32>, vector<16xi1> -> vector<16xf32>
    %reduce_sum3A_2995 = vector.extract %reduce_sum3A_2994[15] : f32 from vector<16xf32>
    %eq3A_2996 = arith.constant 12 : i32
    %eq3A_2997 = vector.broadcast %eq3A_2996 : i32 to vector<16xi32>
    %eq3A_2998 = arith.cmpi eq, %iota3A, %eq3A_2997 : vector<16xi32>
    %broadcast_in_dim3A_2999 = vector.broadcast %reduce_sum3A_2995 : f32 to vector<16xf32>
    %select_n3A_3000 = arith.select %eq3A_2998, %broadcast_in_dim3A_2999, %select_n3A_2989 : vector<16xi1>, vector<16xf32>
    %get3A_3001 = arith.constant 976 : index
    %get3A_3002 = tpu.vector_load %arg9[%get3A_3001] {strides = array<i32>} : memref<1024xf32, #tpu.memory_space<vmem>>, vector<16xf32>,
    %reduce_sum3A_3003 = arith.constant true
    %reduce_sum3A_3004 = vector.broadcast %reduce_sum3A_3003 : i1 to vector<16xi1>
    %reduce_sum3A_3005 = tpu.scan <sum>, %get3A_3002 masked %reduce_sum3A_3004 : vector<16xf32>, vector<16xi1> -> vector<16xf32>
    %reduce_sum3A_3006 = vector.extract %reduce_sum3A_3005[15] : f32 from vector<16xf32>
    %eq3A_3007 = arith.constant 13 : i32
    %eq3A_3008 = vector.broadcast %eq3A_3007 : i32 to vector<16xi32>
    %eq3A_3009 = arith.cmpi eq, %iota3A, %eq3A_3008 : vector<16xi32>
    %broadcast_in_dim3A_3010 = vector.broadcast %reduce_sum3A_3006 : f32 to vector<16xf32>
    %select_n3A_3011 = arith.select %eq3A_3009, %broadcast_in_dim3A_3010, %select_n3A_3000 : vector<16xi1>, vector<16xf32>
    %get3A_3012 = arith.constant 992 : index
    %get3A_3013 = tpu.vector_load %arg9[%get3A_3012] {strides = array<i32>} : memref<1024xf32, #tpu.memory_space<vmem>>, vector<16xf32>,
    %reduce_sum3A_3014 = arith.constant true
    %reduce_sum3A_3015 = vector.broadcast %reduce_sum3A_3014 : i1 to vector<16xi1>
    %reduce_sum3A_3016 = tpu.scan <sum>, %get3A_3013 masked %reduce_sum3A_3015 : vector<16xf32>, vector<16xi1> -> vector<16xf32>
    %reduce_sum3A_3017 = vector.extract %reduce_sum3A_3016[15] : f32 from vector<16xf32>
    %eq3A_3018 = arith.constant 14 : i32
    %eq3A_3019 = vector.broadcast %eq3A_3018 : i32 to vector<16xi32>
    %eq3A_3020 = arith.cmpi eq, %iota3A, %eq3A_3019 : vector<16xi32>
    %broadcast_in_dim3A_3021 = vector.broadcast %reduce_sum3A_3017 : f32 to vector<16xf32>
    %select_n3A_3022 = arith.select %eq3A_3020, %broadcast_in_dim3A_3021, %select_n3A_3011 : vector<16xi1>, vector<16xf32>
    %get3A_3023 = arith.constant 1008 : index
    %get3A_3024 = tpu.vector_load %arg9[%get3A_3023] {strides = array<i32>} : memref<1024xf32, #tpu.memory_space<vmem>>, vector<16xf32>,
    %reduce_sum3A_3025 = arith.constant true
    %reduce_sum3A_3026 = vector.broadcast %reduce_sum3A_3025 : i1 to vector<16xi1>
    %reduce_sum3A_3027 = tpu.scan <sum>, %get3A_3024 masked %reduce_sum3A_3026 : vector<16xf32>, vector<16xi1> -> vector<16xf32>
    %reduce_sum3A_3028 = vector.extract %reduce_sum3A_3027[15] : f32 from vector<16xf32>
    %eq3A_3029 = arith.constant 15 : i32
    %eq3A_3030 = vector.broadcast %eq3A_3029 : i32 to vector<16xi32>
    %eq3A_3031 = arith.cmpi eq, %iota3A, %eq3A_3030 : vector<16xi32>
    %broadcast_in_dim3A_3032 = vector.broadcast %reduce_sum3A_3028 : f32 to vector<16xf32>
    %select_n3A_3033 = arith.select %eq3A_3031, %broadcast_in_dim3A_3032, %select_n3A_3022 : vector<16xi1>, vector<16xf32>
    %swap3A_3034 = arith.constant 48 : index
    %swap3A_3035 = tpu.vector_load %arg13[%swap3A_3034] {strides = array<i32>} : memref<128xf32, #tpu.memory_space<vmem>>, vector<16xf32>,
    tpu.vector_store %arg13[%swap3A_3034], %select_n3A_3033 {strides = array<i32>} : memref<128xf32, #tpu.memory_space<vmem>>, vector<16xf32>,
    %get3A_3036 = arith.constant 0 : index
    %get3A_3037 = tpu.vector_load %arg10[%get3A_3036] {strides = array<i32>} : memref<64xf32, #tpu.memory_space<vmem>>, vector<16xf32>,
    %swap3A_3038 = arith.constant 64 : index
    %swap3A_3039 = tpu.vector_load %arg13[%swap3A_3038] {strides = array<i32>} : memref<128xf32, #tpu.memory_space<vmem>>, vector<16xf32>,
    tpu.vector_store %arg13[%swap3A_3038], %get3A_3037 {strides = array<i32>} : memref<128xf32, #tpu.memory_space<vmem>>, vector<16xf32>,
    %get3A_3040 = arith.constant 16 : index
    %get3A_3041 = tpu.vector_load %arg10[%get3A_3040] {strides = array<i32>} : memref<64xf32, #tpu.memory_space<vmem>>, vector<16xf32>,
    %swap3A_3042 = arith.constant 80 : index
    %swap3A_3043 = tpu.vector_load %arg13[%swap3A_3042] {strides = array<i32>} : memref<128xf32, #tpu.memory_space<vmem>>, vector<16xf32>,
    tpu.vector_store %arg13[%swap3A_3042], %get3A_3041 {strides = array<i32>} : memref<128xf32, #tpu.memory_space<vmem>>, vector<16xf32>,
    %get3A_3044 = arith.constant 32 : index
    %get3A_3045 = tpu.vector_load %arg10[%get3A_3044] {strides = array<i32>} : memref<64xf32, #tpu.memory_space<vmem>>, vector<16xf32>,
    %swap3A_3046 = arith.constant 96 : index
    %swap3A_3047 = tpu.vector_load %arg13[%swap3A_3046] {strides = array<i32>} : memref<128xf32, #tpu.memory_space<vmem>>, vector<16xf32>,
    tpu.vector_store %arg13[%swap3A_3046], %get3A_3045 {strides = array<i32>} : memref<128xf32, #tpu.memory_space<vmem>>, vector<16xf32>,
    %get3A_3048 = arith.constant 48 : index
    %get3A_3049 = tpu.vector_load %arg10[%get3A_3048] {strides = array<i32>} : memref<64xf32, #tpu.memory_space<vmem>>, vector<16xf32>,
    %swap3A_3050 = arith.constant 112 : index
    %swap3A_3051 = tpu.vector_load %arg13[%swap3A_3050] {strides = array<i32>} : memref<128xf32, #tpu.memory_space<vmem>>, vector<16xf32>,
    tpu.vector_store %arg13[%swap3A_3050], %get3A_3049 {strides = array<i32>} : memref<128xf32, #tpu.memory_space<vmem>>, vector<16xf32>,
    "tpu.region"() ({
      %run_scoped3A = tpu.sem_alloc : memref<!tpu.dma_semaphore, #tpu.memory_space<semaphore_mem>>
      %dma_start3A_3052 = tpu.memref_slice %arg3[%mul3A_2] : memref<16384xi32, #tpu.memory_space<hbm>> -> memref<512xi32, #tpu.memory_space<hbm>>
      %dma_start3A_3053 = tpu.memref_slice %arg3[%mul3A_2] : memref<16384xi32, #tpu.memory_space<hbm>> -> memref<512xi32, #tpu.memory_space<hbm>>
      tpu.enqueue_dma source(%arg11 : memref<512xi32, #tpu.memory_space<vmem>>) target(%dma_start3A_3053 : memref<512xi32, #tpu.memory_space<hbm>>) target_semaphore(%run_scoped3A : memref<!tpu.dma_semaphore, #tpu.memory_space<semaphore_mem>>)
      %dma_wait3A_3054 = tpu.memref_slice %arg3[%mul3A_2] : memref<16384xi32, #tpu.memory_space<hbm>> -> memref<512xi32, #tpu.memory_space<hbm>>
      %dma_wait3A_3055 = tpu.memref_slice %arg3[%mul3A_2] : memref<16384xi32, #tpu.memory_space<hbm>> -> memref<512xi32, #tpu.memory_space<hbm>>
      tpu.wait_dma2 semaphore(%run_scoped3A : memref<!tpu.dma_semaphore, #tpu.memory_space<semaphore_mem>>) src(%arg11 : memref<512xi32, #tpu.memory_space<vmem>>) dst(%dma_wait3A_3055 : memref<512xi32, #tpu.memory_space<hbm>>)
      tpu.yield
    }) : () -> ()
    "tpu.region"() ({
      %run_scoped3A = tpu.sem_alloc : memref<!tpu.dma_semaphore, #tpu.memory_space<semaphore_mem>>
      %dma_start3A_3052 = tpu.memref_slice %arg4[%mul3A_2] : memref<16384xf32, #tpu.memory_space<hbm>> -> memref<512xf32, #tpu.memory_space<hbm>>
      %dma_start3A_3053 = tpu.memref_slice %arg4[%mul3A_2] : memref<16384xf32, #tpu.memory_space<hbm>> -> memref<512xf32, #tpu.memory_space<hbm>>
      tpu.enqueue_dma source(%arg12 : memref<512xf32, #tpu.memory_space<vmem>>) target(%dma_start3A_3053 : memref<512xf32, #tpu.memory_space<hbm>>) target_semaphore(%run_scoped3A : memref<!tpu.dma_semaphore, #tpu.memory_space<semaphore_mem>>)
      %dma_wait3A_3054 = tpu.memref_slice %arg4[%mul3A_2] : memref<16384xf32, #tpu.memory_space<hbm>> -> memref<512xf32, #tpu.memory_space<hbm>>
      %dma_wait3A_3055 = tpu.memref_slice %arg4[%mul3A_2] : memref<16384xf32, #tpu.memory_space<hbm>> -> memref<512xf32, #tpu.memory_space<hbm>>
      tpu.wait_dma2 semaphore(%run_scoped3A : memref<!tpu.dma_semaphore, #tpu.memory_space<semaphore_mem>>) src(%arg12 : memref<512xf32, #tpu.memory_space<vmem>>) dst(%dma_wait3A_3055 : memref<512xf32, #tpu.memory_space<hbm>>)
      tpu.yield
    }) : () -> ()
    "tpu.region"() ({
      %run_scoped3A = tpu.sem_alloc : memref<!tpu.dma_semaphore, #tpu.memory_space<semaphore_mem>>
      %dma_start3A_3052 = tpu.memref_slice %arg5[%mul3A_2] : memref<16384xf32, #tpu.memory_space<hbm>> -> memref<512xf32, #tpu.memory_space<hbm>>
      %dma_start3A_3053 = tpu.memref_slice %arg5[%mul3A_2] : memref<16384xf32, #tpu.memory_space<hbm>> -> memref<512xf32, #tpu.memory_space<hbm>>
      tpu.enqueue_dma source(%arg12 : memref<512xf32, #tpu.memory_space<vmem>>) target(%dma_start3A_3053 : memref<512xf32, #tpu.memory_space<hbm>>) target_semaphore(%run_scoped3A : memref<!tpu.dma_semaphore, #tpu.memory_space<semaphore_mem>>)
      %dma_wait3A_3054 = tpu.memref_slice %arg5[%mul3A_2] : memref<16384xf32, #tpu.memory_space<hbm>> -> memref<512xf32, #tpu.memory_space<hbm>>
      %dma_wait3A_3055 = tpu.memref_slice %arg5[%mul3A_2] : memref<16384xf32, #tpu.memory_space<hbm>> -> memref<512xf32, #tpu.memory_space<hbm>>
      tpu.wait_dma2 semaphore(%run_scoped3A : memref<!tpu.dma_semaphore, #tpu.memory_space<semaphore_mem>>) src(%arg12 : memref<512xf32, #tpu.memory_space<vmem>>) dst(%dma_wait3A_3055 : memref<512xf32, #tpu.memory_space<hbm>>)
      tpu.yield
    }) : () -> ()
    "tpu.region"() ({
      %run_scoped3A = tpu.sem_alloc : memref<!tpu.dma_semaphore, #tpu.memory_space<semaphore_mem>>
      %dma_start3A_3052 = arith.constant 0 : i32
      %dma_start3A_3053 = tpu.memref_slice %arg6[%add3A, %dma_start3A_3052] : memref<32x128xf32, #tpu.memory_space<hbm>> -> memref<1x128xf32, #tpu.memory_space<hbm>>
      %dma_start3A_3054 = tpu.memref_squeeze %dma_start3A_3053 : memref<1x128xf32, #tpu.memory_space<hbm>> -> memref<128xf32, #tpu.memory_space<hbm>>
      %dma_start3A_3055 = arith.constant 0 : i32
      %dma_start3A_3056 = tpu.memref_slice %arg6[%add3A, %dma_start3A_3055] : memref<32x128xf32, #tpu.memory_space<hbm>> -> memref<1x128xf32, #tpu.memory_space<hbm>>
      %dma_start3A_3057 = tpu.memref_squeeze %dma_start3A_3056 : memref<1x128xf32, #tpu.memory_space<hbm>> -> memref<128xf32, #tpu.memory_space<hbm>>
      tpu.enqueue_dma source(%arg13 : memref<128xf32, #tpu.memory_space<vmem>>) target(%dma_start3A_3057 : memref<128xf32, #tpu.memory_space<hbm>>) target_semaphore(%run_scoped3A : memref<!tpu.dma_semaphore, #tpu.memory_space<semaphore_mem>>)
      %dma_wait3A_3058 = arith.constant 0 : i32
      %dma_wait3A_3059 = tpu.memref_slice %arg6[%add3A, %dma_wait3A_3058] : memref<32x128xf32, #tpu.memory_space<hbm>> -> memref<1x128xf32, #tpu.memory_space<hbm>>
      %dma_wait3A_3060 = tpu.memref_squeeze %dma_wait3A_3059 : memref<1x128xf32, #tpu.memory_space<hbm>> -> memref<128xf32, #tpu.memory_space<hbm>>
      %dma_wait3A_3061 = arith.constant 0 : i32
      %dma_wait3A_3062 = tpu.memref_slice %arg6[%add3A, %dma_wait3A_3061] : memref<32x128xf32, #tpu.memory_space<hbm>> -> memref<1x128xf32, #tpu.memory_space<hbm>>
      %dma_wait3A_3063 = tpu.memref_squeeze %dma_wait3A_3062 : memref<1x128xf32, #tpu.memory_space<hbm>> -> memref<128xf32, #tpu.memory_space<hbm>>
      tpu.wait_dma2 semaphore(%run_scoped3A : memref<!tpu.dma_semaphore, #tpu.memory_space<semaphore_mem>>) src(%arg13 : memref<128xf32, #tpu.memory_space<vmem>>) dst(%dma_wait3A_3063 : memref<128xf32, #tpu.memory_space<hbm>>)
      tpu.yield
    }) : () -> ()
    return
  }
}

module attributes {stable_mosaic.version = 14 : i64} {
  func.func @_tc_finish_body(%arg0: memref<32x128xf32, #tpu.memory_space<vmem>>, %arg1: memref<1x1xf32, #tpu.memory_space<smem>>, %arg2: memref<1x1xf32, #tpu.memory_space<smem>>, %arg3: memref<1x1xf32, #tpu.memory_space<smem>>, %arg4: memref<1x1xf32, #tpu.memory_space<smem>>) attributes {dimension_semantics = [], scalar_prefetch = 0 : i64, scratch_operands = 0 : i64, tpu.core_type = #tpu.core_type<tc>} {
    %get3A = arith.constant 0 : index
    %get3A_0 = arith.constant 0 : index
    %get3A_1 = vector.load %arg0[%get3A, %get3A_0] : memref<32x128xf32, #tpu.memory_space<vmem>>, vector<32x128xf32>
    %reduce_sum3A = arith.constant dense<0.000000e+00> : vector<128xf32>
    %reduce_sum3A_2 = vector.multi_reduction <add>, %get3A_1, %reduce_sum3A [0] : vector<32x128xf32> to vector<128xf32>
    %broadcast_in_dim3A = vector.shape_cast %reduce_sum3A_2 : vector<128xf32> to vector<1x128xf32>
    %slice3A = vector.extract_strided_slice %broadcast_in_dim3A {offsets = [0, 0], sizes = [1, 64], strides = [1, 1]} : vector<1x128xf32> to vector<1x64xf32>
    %mul3A = arith.constant 6.10351563E-5 : f32
    %mul3A_3 = vector.broadcast %mul3A : f32 to vector<1x64xf32>
    %mul3A_4 = arith.mulf %slice3A, %mul3A_3 : vector<1x64xf32>
    %slice3A_5 = vector.extract_strided_slice %broadcast_in_dim3A {offsets = [0, 64], sizes = [1, 64], strides = [1, 1]} : vector<1x128xf32> to vector<1x64xf32>
    %mul3A_6 = arith.constant 6.10351563E-5 : f32
    %mul3A_7 = vector.broadcast %mul3A_6 : f32 to vector<1x64xf32>
    %mul3A_8 = arith.mulf %slice3A_5, %mul3A_7 : vector<1x64xf32>
    %mul3A_9 = arith.mulf %mul3A_8, %mul3A_4 : vector<1x64xf32>
    %reduce_sum3A_10 = vector.shape_cast %mul3A_9 : vector<1x64xf32> to vector<1x1x64xf32>
    %reduce_sum3A_11 = arith.constant dense<0.000000e+00> : vector<1xf32>
    %reduce_sum3A_12 = vector.multi_reduction <add>, %reduce_sum3A_10, %reduce_sum3A_11 [1, 2] : vector<1x1x64xf32> to vector<1xf32>
    %reduce_sum3A_13 = vector.shape_cast %reduce_sum3A_12 : vector<1xf32> to vector<1x1x1xf32>
    %reduce_sum3A_14 = vector.extract %reduce_sum3A_13[0, 0, 0] : f32 from vector<1x1x1xf32>
    %mul3A_15 = arith.constant 6.400000e+01 : f32
    %mul3A_16 = arith.mulf %mul3A_15, %reduce_sum3A_14 : f32
    %sub3A = arith.constant 1.000000e+00 : f32
    %sub3A_17 = arith.subf %mul3A_16, %sub3A : f32
    %reduce_min3A = vector.shape_cast %mul3A_8 : vector<1x64xf32> to vector<1x1x64xf32>
    %reduce_min3A_18 = arith.constant dense<0x7F800000> : vector<1xf32>
    %reduce_min3A_19 = vector.multi_reduction <minimumf>, %reduce_min3A, %reduce_min3A_18 [1, 2] : vector<1x1x64xf32> to vector<1xf32>
    %reduce_min3A_20 = vector.shape_cast %reduce_min3A_19 : vector<1xf32> to vector<1x1x1xf32>
    %reduce_min3A_21 = vector.extract %reduce_min3A_20[0, 0, 0] : f32 from vector<1x1x1xf32>
    %reduce_max3A = vector.shape_cast %mul3A_8 : vector<1x64xf32> to vector<1x1x64xf32>
    %reduce_max3A_22 = arith.constant dense<0xFF800000> : vector<1xf32>
    %reduce_max3A_23 = vector.multi_reduction <maximumf>, %reduce_max3A, %reduce_max3A_22 [1, 2] : vector<1x1x64xf32> to vector<1xf32>
    %reduce_max3A_24 = vector.shape_cast %reduce_max3A_23 : vector<1xf32> to vector<1x1x1xf32>
    %reduce_max3A_25 = vector.extract %reduce_max3A_24[0, 0, 0] : f32 from vector<1x1x1xf32>
    %reduce_sum3A_26 = vector.shape_cast %mul3A_8 : vector<1x64xf32> to vector<1x1x64xf32>
    %reduce_sum3A_27 = arith.constant dense<0.000000e+00> : vector<1xf32>
    %reduce_sum3A_28 = vector.multi_reduction <add>, %reduce_sum3A_26, %reduce_sum3A_27 [1, 2] : vector<1x1x64xf32> to vector<1xf32>
    %reduce_sum3A_29 = vector.shape_cast %reduce_sum3A_28 : vector<1xf32> to vector<1x1x1xf32>
    %reduce_sum3A_30 = vector.extract %reduce_sum3A_29[0, 0, 0] : f32 from vector<1x1x1xf32>
    %mul3A_31 = arith.constant 1.562500e-02 : f32
    %mul3A_32 = arith.mulf %reduce_sum3A_30, %mul3A_31 : f32
    %sub3A_33 = vector.broadcast %mul3A_32 : f32 to vector<1x64xf32>
    %sub3A_34 = arith.subf %mul3A_8, %sub3A_33 : vector<1x64xf32>
    %integer_pow3A = arith.mulf %sub3A_34, %sub3A_34 : vector<1x64xf32>
    %reduce_sum3A_35 = vector.shape_cast %integer_pow3A : vector<1x64xf32> to vector<1x1x64xf32>
    %reduce_sum3A_36 = arith.constant dense<0.000000e+00> : vector<1xf32>
    %reduce_sum3A_37 = vector.multi_reduction <add>, %reduce_sum3A_35, %reduce_sum3A_36 [1, 2] : vector<1x1x64xf32> to vector<1xf32>
    %reduce_sum3A_38 = vector.shape_cast %reduce_sum3A_37 : vector<1xf32> to vector<1x1x1xf32>
    %reduce_sum3A_39 = vector.extract %reduce_sum3A_38[0, 0, 0] : f32 from vector<1x1x1xf32>
    %mul3A_40 = arith.constant 0.0158730168 : f32
    %mul3A_41 = arith.mulf %reduce_sum3A_39, %mul3A_40 : f32
    %sqrt3A = math.sqrt %mul3A_41 : f32
    %swap3A = arith.constant 0 : index
    %swap3A_42 = arith.constant 0 : index
    %swap3A_43 = memref.load %arg1[%swap3A, %swap3A_42] : memref<1x1xf32, #tpu.memory_space<smem>>
    memref.store %sub3A_17, %arg1[%swap3A, %swap3A_42] : memref<1x1xf32, #tpu.memory_space<smem>>
    %swap3A_44 = arith.constant 0 : index
    %swap3A_45 = arith.constant 0 : index
    %swap3A_46 = memref.load %arg2[%swap3A_44, %swap3A_45] : memref<1x1xf32, #tpu.memory_space<smem>>
    memref.store %reduce_min3A_21, %arg2[%swap3A_44, %swap3A_45] : memref<1x1xf32, #tpu.memory_space<smem>>
    %swap3A_47 = arith.constant 0 : index
    %swap3A_48 = arith.constant 0 : index
    %swap3A_49 = memref.load %arg3[%swap3A_47, %swap3A_48] : memref<1x1xf32, #tpu.memory_space<smem>>
    memref.store %reduce_max3A_25, %arg3[%swap3A_47, %swap3A_48] : memref<1x1xf32, #tpu.memory_space<smem>>
    %swap3A_50 = arith.constant 0 : index
    %swap3A_51 = arith.constant 0 : index
    %swap3A_52 = memref.load %arg4[%swap3A_50, %swap3A_51] : memref<1x1xf32, #tpu.memory_space<smem>>
    memref.store %sqrt3A, %arg4[%swap3A_50, %swap3A_51] : memref<1x1xf32, #tpu.memory_space<smem>>
    return
  }
}

</mosaic_0001>

<sc_bundles>
// kernel: kernel.4.cloned.1.call-start
scs
__scs_entry_jumppad:
0x0: {  	(pc) =	sbr.rel $0x88, $3  }
0x1: {  	(tag) =	ssettag $0x0;
	lr =	simm.s32 $0x1  }
0x2: {  	[smem:$0x3FA0] =	sst lr;
	_ =	strace $0xD0000000  }
0x3: {  	_ = 	snop  }
0x4: {  	_ = 	snop  }
0x5: {  	_ = 	snop  }
0x6: {  	_ = 	snop  }
0x7: {  	_ = 	snop  }
__scs_overlays_trampoline_lowered:
0x8: {  	[smem:$0x3FAF] =	sst s0  }
0x9: {  	[smem:$0x3FB0] =	sst s1  }
0xa: {  	[smem:$0x3FB1] =	sst s2  }
0xb: {  	[smem:$0x3FB2] =	sst s3  }
0xc: {  	[smem:$0x3FB3] =	sst s4  }
0xd: {  	[smem:$0x3FB4] =	sst s5  }
0xe: {  	[smem:$0x3FB5] =	sst s6  }
0xf: {  	[smem:$0x3FB6] =	sst s7  }
0x10: {  	[smem:$0x3FB7] =	sst s8  }
0x11: {  	[smem:$0x3FB8] =	sst s9;
	s0 =	simm.s32 @!p0 $0x0  }
0x12: {  	s1 =	sld [smem:$0x3F9E];
	s0 =	simm.s32 @p0 $0x1  }
0x13: {  	[smem:$0x3FB9] =	sst s0;
	s0 =	simm.s32 @!p1 $0x0  }
0x14: {  	s2 =	sld [smem:$0x3F9D];
	s0 =	simm.s32 @p1 $0x1  }
0x15: {  	[smem:$0x3FBA] =	sst s0;
	s0 =	simm.s32 @!p2 $0x0  }
0x16: {  	s3 =	sld [smem:$0x3FDB];
	s0 =	simm.s32 @p2 $0x1  }
0x17: {  	s4 =	simm.s32 $0x1BF5;
	[smem:$0x3FBC] =	sst s0  }
0x18: {  	s0 =	sld [smem:$0x3F9F];
	_ =	swait.ge [sflag:s4], $0x0  }
0x19: {  	s7 =	sld [smem:$0x3FA0]  }
0x1a: {  	s8 =	sadd.s32 $0xFFFFE003, lr  }
0x1b: {  	s9 =	sadd.s32 $0xFFFFFEF7, lr;
	s5 =	simm.s32 $0xFFFFFFFF;
	p2 =	slt.u32 s8, $0xFFFFF086  }
0x1c: {  	p1 =	slt.u32 s9, $0xF7A;
	s5 =	simm.s32 @!p2 $0x0  }
0x1d: {  	s5 =	simm.s32 @p1 $0x1;
	p0 =	seq.s32 s7, s2  }
0x1e: {  	s7 =	smul.u32 @!p0 $0xF7A, s2;
	p2 =	seq.s32 @!p0 s5, $0x0  }
0x1f: {  	s9 =	smul.u32 $0xF7A, s1;
	s8 =	simm.s32 @!p0 $0x1BF5;
	p2 =	por !p2, p0  }
0x20: {  	[sflag:s8] =	ssyncset.s32 @!p0 $0xFFFFF086;
	s6 =	sadd.s32 @!p0 s3, s7;
	s7 =	simm.s32 @!p0 $0x108  }
0x21: {  	s3 =	sadd.s32 s3, s9;
	s6 =	sadd.s32 @!p0 $0x88, s6;
	s7 =	simm.s32 @p2 $0x1082  }
0x22: {  	[simem:s7], [sflag:s8] =	dma.local @!p0 [hbm:s6], $0xF7A  }
0x23: {  	s9 =	sor.u32 $0xD0000000, s2;
	s6 =	simm.s32 $0x108;
	_ =	swait.ge @!p0 [sflag:s8], $0x0  }
0x24: {  	s3 =	sadd.s32 $0x88, s3;
	s6 =	simm.s32 @!p1 $0x1082;
	[sflag:s4] =	ssyncset.s32 $0xFFFFF086  }
0x25: {  	[simem:s6], [sflag:s4] =	dma.local [hbm:s3], $0xF7A  }
0x26: {  	[smem:$0x3FA0] =	sst s1;
	(tag) =	ssettag s2;
	_ =	strace s9  }
0x27: {  	s1 =	sld [smem:$0x3FB0]  }
0x28: {  	s2 =	sld [smem:$0x3FB1]  }
0x29: {  	s4 =	sld [smem:$0x3FB3]  }
0x2a: {  	p0 =	seq.s32 s5, $0x0;
	s5 =	sld [smem:$0x3FB4]  }
0x2b: {  	s6 =	sld [smem:$0x3FB5]  }
0x2c: {  	s7 =	sld [smem:$0x3FB6]  }
0x2d: {  	s3 =	simm.s32 $0x108;
	s8 =	sld [smem:$0x3FB7]  }
0x2e: {  	s3 =	simm.s32 @!p0 $0x1082;
	s9 =	sld [smem:$0x3FB8]  }
0x2f: {  	lr =	sadd.s32 s0, s3;
	s0 =	sld [smem:$0x3FAF]  }
0x30: {  	s3 =	sld [smem:$0x3FB2]  }
0x31: {  	[smem:$0x3FBB] =	sst s10  }
0x32: {  	s10 =	sld [smem:$0x3FB9];
	_ =	sdelay $0x3  }
0x33: {  	p0 =	seq.s32 s10, $0x1;
	s10 =	sld [smem:$0x3FBB];
	_ =	sdelay $0x3  }
0x34: {  	[smem:$0x3FBB] =	sst s10  }
0x35: {  	s10 =	sld [smem:$0x3FBA];
	_ =	sdelay $0x3  }
0x36: {  	p1 =	seq.s32 s10, $0x1;
	s10 =	sld [smem:$0x3FBB];
	_ =	sdelay $0x3  }
0x37: {  	[smem:$0x3FBB] =	sst s10  }
0x38: {  	s10 =	sld [smem:$0x3FBC]  }
0x39: {  	_ = 	snop;
	(pc) =	sbr.ind lr, $3  }
0x3a: {  	_ = 	snop  }
0x3b: {  	_ = 	snop  }
0x3c: {  	p2 =	seq.s32 s10, $0x1;
	s10 =	sld [smem:$0x3FBB]  }
0x3d: {  	_ =	shalt  }
0x3e: {  	_ =	shalt  }
0x3f: {  	_ =	shalt  }
0x40: {  	_ =	shalt  }
0x41: {  	_ =	shalt  }
0x42: {  	_ =	shalt  }
0x43: {  	_ =	shalt  }
0x44: {  	_ =	shalt  }
0x45: {  	_ =	shalt  }
0x46: {  	_ =	shalt  }
0x47: {  	_ =	shalt  }
0x48: {  	_ =	shalt  }
0x49: {  	_ =	shalt  }
0x4a: {  	_ =	shalt  }
0x4b: {  	_ =	shalt  }
0x4c: {  	_ =	shalt  }
0x4d: {  	_ =	shalt  }
0x4e: {  	_ =	shalt  }
0x4f: {  	_ =	shalt  }
0x50: {  	_ =	shalt  }
0x51: {  	_ =	shalt  }
0x52: {  	_ =	shalt  }
0x53: {  	_ =	shalt  }
0x54: {  	_ =	shalt  }
0x55: {  	_ =	shalt  }
0x56: {  	_ =	shalt  }
0x57: {  	_ =	shalt  }
0x58: {  	_ =	shalt  }
0x59: {  	_ =	shalt  }
0x5a: {  	_ =	shalt  }
0x5b: {  	_ =	shalt  }
0x5c: {  	_ =	shalt  }
0x5d: {  	_ =	shalt  }
0x5e: {  	_ =	shalt  }
0x5f: {  	_ =	shalt  }
0x60: {  	_ =	shalt  }
0x61: {  	_ =	shalt  }
0x62: {  	_ =	shalt  }
0x63: {  	_ =	shalt  }
0x64: {  	_ =	shalt  }
0x65: {  	_ =	shalt  }
0x66: {  	_ =	shalt  }
0x67: {  	_ =	shalt  }
0x68: {  	_ =	shalt  }
0x69: {  	_ =	shalt  }
0x6a: {  	_ =	shalt  }
0x6b: {  	_ =	shalt  }
0x6c: {  	_ =	shalt  }
0x6d: {  	_ =	shalt  }
0x6e: {  	_ =	shalt  }
0x6f: {  	_ =	shalt  }
0x70: {  	_ =	shalt  }
0x71: {  	_ =	shalt  }
0x72: {  	_ =	shalt  }
0x73: {  	_ =	shalt  }
0x74: {  	_ =	shalt  }
0x75: {  	_ =	shalt  }
0x76: {  	_ =	shalt  }
0x77: {  	_ =	shalt  }
0x78: {  	_ =	shalt  }
0x79: {  	_ =	shalt  }
0x7a: {  	_ =	shalt  }
0x7b: {  	_ =	shalt  }
0x7c: {  	_ =	shalt  }
0x7d: {  	_ =	shalt  }
0x7e: {  	_ =	shalt  }
0x7f: {  	_ =	shalt  }
0x80: {  	_ =	shalt  }
0x81: {  	_ =	shalt  }
0x82: {  	_ =	shalt  }
0x83: {  	_ =	shalt  }
0x84: {  	_ =	shalt  }
0x85: {  	_ =	shalt  }
0x86: {  	_ =	shalt  }
0x87: {  	_ =	shalt  }
.Lfunc_end0:
.L_simem_size_0:
called_computation_lowered:
.L_overlay_start_0:
0x88: {  	s2 =	sld [smem:$0x3FD9]  }
0x89: {  	s3 =	sld [smem:$0x3FFE];
	_ =	sdelay $0x1  }
0x8a: {  	s1 =	srdreg.scid  }
0x8b: {  	s0 =	sand.u32 $0x1, s1  }
0x8c: {  	s14 =	sshll.u32 s0, $0xA;
	s2 =	sadd.s32 s3, s2  }
0x8d: {  	s2 =	sadd.s32 s2, s14  }
0x8e: {  	[smem:$0x3FC7] =	sst s2  }
0x8f: {  	_ = 	snop  }
0x90: {  	s2 =	sld [smem:$0x3FD0];
	_ =	sdelay $0x2  }
0x91: {  	s15 =	simm.s32 $0xA;
	s4 =	simm.s32 $0x10  }
0x92: {  	[smem:s4], [sflag:s15] =	dma.local [hbm:s2], $0x1  }
0x93: {  	_ =	swait.eq [sflag:s15], $0x1  }
0x94: {  	s16 =	sld [smem:$0x10];
	[sflag:s15] =	ssyncset.done $0x0  }
0x95: {  	s17 =	sld [smem:$0x11];
	[sflag:s15] =	ssyncadd.s32 $0xFFFFFFFF  }
0x96: {  	s18 =	sld [smem:$0x13];
	(tm) =	ssettm $0x1  }
0x97: {  	s5 =	sld [smem:$0x3FFB];
	_ =	sdelay $0x3  }
0x98: {  	_ =	strace s5  }
0x99: {  	s5 =	sld [smem:$0x3FFC];
	_ =	sdelay $0x3  }
0x9a: {  	_ =	strace s5  }
0x9b: {  	s5 =	sld [smem:$0x3FFD];
	_ =	sdelay $0x3  }
0x9c: {  	_ =	strace s5  }
0x9d: {  	_ =	strace $0x8FFFFFFF  }
0x9e: {  	s19 =	sld [smem:$0x3FDB];
	_ =	sdelay $0x1  }
0x9f: {  	s6 =	simm.s32 $_scs_section_size  }
0xa0: {  	s7 =	simm.s32 $_size__tile_overlayer_lowered;
	s8 =	simm.s32 $_tile_overlayer_lowered  }
0xa1: {  	s22 =	simm.s32 $0x1BFF;
	s21 =	sshll.u32 s8, $0x1;
	s5 =	sadd.s32 s6, s19  }
0xa2: {  	s9 =	simm.s32 $0x0;
	s20 =	sshll.u32 s7, $0x1;
	s7 =	sadd.s32 s21, s5  }
0xa3: {  	[timem:s9], [sflag:s22] =	dma.local [hbm:s7], s20  }
0xa4: {  	_ =	swait.ge [sflag:s22], s20  }
0xa5: {  	s6 =	ssub.s32 $0x0, s20;
	[sflag:s22] =	ssyncset.done $0x0  }
0xa6: {  	[sflag:s22] =	ssyncadd.s32 s6;
	_ =	sdelay $0x1  }
0xa7: {  	s23 =	simm.s32 $0x1B8B  }
0xa8: {  	_ =	swait.ge [sflag:s23], $0x1  }
0xa9: {  	[sflag:s23] =	ssyncset.done $0x0  }
0xaa: {  	s25 =	simm.s32 $0x1B8E;
	s24 =	sld [smem:$0x3FFE];
	[sflag:s23] =	ssyncadd.s32 $0xFFFFFFFF  }
0xab: {  	s26 =	simm.s32 $execute0_lowered;
	[smem:$0x3FD2] =	sst s25  }
0xac: {  	s7 =	sshll.u32 s26, $0x1;
	_ =	strace $0x80000046;
	[dreg:$0x1] =	wrdreg $0xFFFFFFFF  }
0xad: {  	s28 =	simm.s32 $_size_execute0_lowered;
	s5 =	sadd.s32 s5, s7;
	[dreg:$0x0] =	wrdreg $0x0  }
0xae: {  	s7 =	sshll.u32 s28, $0x1;
	[dreg:$0x2] =	wrdreg s5  }
0xaf: {  	[dreg:$0x3] =	wrdreg s7  }
0xb0: {  	[dreg:$0x4] =	wrdreg $0xC0  }
0xb1: {  	_ =	task [dreg:s9], $0x5FFFF  }
0xb2: {  	[dreg:$0x1] =	wrdreg $0xFFFFFFFF  }
0xb3: {  	[dreg:$0x0] =	wrdreg $0x60  }
0xb4: {  	[dreg:$0x2] =	wrdreg s24  }
0xb5: {  	[dreg:$0x3] =	wrdreg s16  }
0xb6: {  	[dreg:$0x4] =	wrdreg s18  }
0xb7: {  	[dreg:$0x5] =	wrdreg s17  }
0xb8: {  	[dreg:$0x6] =	wrdreg $0x9  }
0xb9: {  	_ =	task.clear_ibuf [dreg:s9], $0x7FFFF;
	_ =	strace $0x90000046  }
0xba: {  	s29 =	simm.s32 $0x9;
	_ =	strace $0x80000048  }
0xbb: {  	_ =	swait.ge [sflag:s29], $0x1  }
0xbc: {  	[sflag:s29] =	ssyncadd.s32 $0xFFFFFFFF  }
0xbd: {  	_ =	strace $0x90000048  }
0xbe: {  	_ =	sfence  }
0xbf: {  	s30 =	sld [smem:$0x0];
	_ =	sdelay $0x2  }
0xc0: {  	s31 =	sshll.u32 s1, $0xD;
	s1 =	sshrl.u32 s1, $0x2  }
0xc1: {  	s3 =	sand.u32 $0x4000, s31;
	s1 =	sadd.s32 s1, s30  }
0xc2: {  	s0 =	sor.u32 s3, s0;
	s1 =	sshll.u32 s1, $0x11  }
0xc3: {  	s0 =	sor.u32 s1, s0  }
0xc4: {  	s0 =	sadd.s32 $0x8F2B, s0  }
0xc5: {  	[sflag:s0] =	ssyncadd.remote.s32 $0x1  }
0xc6: {  	_ =	sfence.sel $0xFFFF  }
0xc7: {  	[dreg:$0x0] =	wrdreg $0xFFFFFFFF;
	(pc) =	sbr.abs _section_cstart, $3  }
0xc8: {  	[dreg:$0x1] =	wrdreg $0xFFFFFFFF  }
0xc9: {  	_ =	task.clear_ibuf [dreg:s9], $0x2FFFF;
	_ =	strace $0x9FFFFFFF  }
0xca: {  	(tm) =	ssettm $0x7FFFFFFF  }
0xcb: {  	_ =	shalt  }
tec
execute0_lowered:
.L_overlay_start_1:
0x0: {  	(tag) =	ssettag $0x1  }
0x1: {  	s0 =	rddreg [dreg:$0x0]  }
0x2: {  	s1 =	rddreg [dreg:$0x1]  }
0x3: {  	s3 =	rddreg [dreg:$0x2]  }
0x4: {  	s4 =	rddreg [dreg:$0x3]  }
0x5: {  	s5 =	srdreg.scid;
	s8 =	stileid.u32  }
0x6: {  	s2 =	simm.s32 $0x0;
	s5 =	sand.u32 $0x1, s5;
	s6 =	sshll.u32 s8, $0x1  }
0x7: {  	[smem:$0x7FF] =	sst s2;
	s8 =	sshll.u32 s8, $0x7;
	s6 =	sor.u32 s5, s6  }
0x8: {  	_ =	strace $0x80000047;
	s7 =	sshll.u32 s5, $0x6;
	s14 =	sshll.u32 s6, $0x6  }
0x9: {  	s7 =	sor.u32 s7, s8;
	s16 =	sshll.u32 s6, $0x4;
	s1 =	sadd.s32 s1, s14  }
0xa: {  	s9 =	sadd.s32 s7, s0;
	s15 =	sadd.s32 s3, s14;
	[dreg:$0x15] =	wrdreg s1  }
0xb: {  	s10 =	sadd.s32 s16, s0;
	s0 =	sadd.s32 s4, s14;
	[dreg:$0x16] =	wrdreg s15  }
0xc: {  	s18 =	sadd.s32 $0xC00, s9;
	[dreg:$0x17] =	wrdreg s0  }
0xd: {  	s19 =	sadd.s32 $0x1400, s9;
	[dreg:$0x5] =	wrdreg s18  }
0xe: {  	s20 =	sadd.s32 $0x1C00, s9;
	[dreg:$0x6] =	wrdreg s19  }
0xf: {  	s21 =	sadd.s32 $0x2400, s9;
	[dreg:$0x7] =	wrdreg s20  }
0x10: {  	s22 =	sadd.s32 $0x2C00, s9;
	[dreg:$0x8] =	wrdreg s21  }
0x11: {  	s23 =	sadd.s32 $0x3400, s9;
	[dreg:$0x9] =	wrdreg s22  }
0x12: {  	s24 =	sadd.s32 $0x3C00, s9;
	[dreg:$0xa] =	wrdreg s23  }
0x13: {  	s25 =	sadd.s32 $0x4400, s9;
	[dreg:$0xb] =	wrdreg s24  }
0x14: {  	s26 =	sadd.s32 $0x4C00, s9;
	[dreg:$0xc] =	wrdreg s25  }
0x15: {  	s5 =	ssub.s32 $0x2, s5;
	s28 =	sadd.s32 $0x5400, s9;
	[dreg:$0xd] =	wrdreg s26  }
0x16: {  	s17 =	sshrl.u32 s5, $0x1;
	s29 =	sadd.s32 $0x5C00, s9;
	[dreg:$0xe] =	wrdreg s28  }
0x17: {  	s11 =	ssub.s32 s5, s17;
	s5 =	sadd.s32 $0x6400, s9;
	[dreg:$0xf] =	wrdreg s29  }
0x18: {  	s7 =	sadd.s32 $0x6C00, s9;
	[dreg:$0x10] =	wrdreg s5  }
0x19: {  	s8 =	sadd.s32 $0x7400, s9;
	[dreg:$0x11] =	wrdreg s7  }
0x1a: {  	s12 =	sadd.s32 $0x7C00, s9;
	[dreg:$0x12] =	wrdreg s8  }
0x1b: {  	s13 =	sadd.s32 $0x8400, s9;
	[dreg:$0x13] =	wrdreg s12  }
0x1c: {  	s16 =	sadd.s32 $0x8C00, s9;
	[dreg:$0x14] =	wrdreg s13  }
0x1d: {  	s17 =	sadd.s32 $0x9400, s9;
	[dreg:$0x18] =	wrdreg s16  }
0x1e: {  	s1 =	sadd.s32 $0xF400, s9;
	[dreg:$0x19] =	wrdreg s17  }
0x1f: {  	s3 =	sadd.s32 $0xFC00, s9;
	[smem:$0x7E6] =	sst s1  }
0x20: {  	s4 =	sadd.s32 $0x10400, s9;
	[smem:$0x7E7] =	sst s3  }
0x21: {  	s6 =	sadd.s32 $0x11400, s9;
	[smem:$0x7E8] =	sst s4  }
0x22: {  	s14 =	sadd.s32 $0x13C00, s9;
	[smem:$0x7EA] =	sst s6  }
0x23: {  	s15 =	sadd.s32 $0x14400, s9;
	[smem:$0x7EF] =	sst s14  }
0x24: {  	s18 =	sadd.s32 $0x9C00, s9;
	[smem:$0x7F0] =	sst s15  }
0x25: {  	s19 =	sadd.s32 $0xA400, s9;
	[dreg:$0x1a] =	wrdreg s18  }
0x26: {  	s20 =	sadd.s32 $0xAC00, s9;
	[dreg:$0x1b] =	wrdreg s19  }
0x27: {  	s21 =	sadd.s32 $0xB400, s9;
	[dreg:$0x1c] =	wrdreg s20  }
0x28: {  	s22 =	sadd.s32 $0xBC00, s9;
	[dreg:$0x1d] =	wrdreg s21  }
0x29: {  	s23 =	sadd.s32 $0xC400, s9;
	[dreg:$0x1e] =	wrdreg s22  }
0x2a: {  	s24 =	sadd.s32 $0xCC00, s9;
	[dreg:$0x1f] =	wrdreg s23  }
0x2b: {  	s25 =	sadd.s32 $0xD400, s9;
	[smem:$0x7E1] =	sst s24  }
0x2c: {  	s26 =	sadd.s32 $0xDC00, s9;
	[smem:$0x7E2] =	sst s25  }
0x2d: {  	s28 =	sadd.s32 $0xE400, s9;
	[smem:$0x7E3] =	sst s26  }
0x2e: {  	s29 =	sadd.s32 $0xEC00, s9;
	[smem:$0x7E4] =	sst s28  }
0x2f: {  	s5 =	sadd.s32 $0x10C00, s9;
	[smem:$0x7E5] =	sst s29  }
0x30: {  	s7 =	sadd.s32 $0x11C00, s9;
	[smem:$0x7E9] =	sst s5  }
0x31: {  	s30 =	sadd.s32 $0x1B400, s9;
	s8 =	sadd.s32 $0x12400, s9;
	[smem:$0x7EB] =	sst s7  }
0x32: {  	s31 =	sadd.s32 $0x1BC00, s9;
	s12 =	sadd.s32 $0x12C00, s9;
	[smem:$0x7EC] =	sst s8  }
0x33: {  	s0 =	sadd.s32 $0x1C400, s9;
	s13 =	sadd.s32 $0x13400, s9;
	[smem:$0x7ED] =	sst s12  }
0x34: {  	s10 =	sadd.s32 $0x20C00, s10;
	s16 =	sadd.s32 $0x14C00, s9;
	[smem:$0x7EE] =	sst s13  }
0x35: {  	s11 =	smax.u32 s11, $0x1;
	s17 =	sadd.s32 $0x15400, s9;
	[smem:$0x7F1] =	sst s16  }
0x36: {  	s1 =	sadd.s32 $0x1CC00, s9;
	[smem:$0x7F2] =	sst s17;
	s18 =	sadd.s32 $0x15C00, s9  }
0x37: {  	s3 =	sadd.s32 $0x1D400, s9;
	s19 =	sadd.s32 $0x16400, s9;
	[smem:$0x7F3] =	sst s18  }
0x38: {  	s4 =	sadd.s32 $0x1DC00, s9;
	s20 =	sadd.s32 $0x16C00, s9;
	[smem:$0x7F4] =	sst s19  }
0x39: {  	vm0 =	vmmov $0x1;
	v2 =	vimm.s32 $0x0;
	s6 =	sadd.s32 $0x1EC00, s9;
	s21 =	sadd.s32 $0x17400, s9;
	[smem:$0x7F5] =	sst s20  }
0x3a: {  	v0 =	vimm.f32 $0.0e+00;
	v2 =	vsel vm0, $0xFFFFFFFF, v2;
	s14 =	simm.s32 $0x2;
	s22 =	sadd.s32 $0x17C00, s9;
	[smem:$0x7F6] =	sst s21  }
0x3b: {  	v1 =	vimm.f32 $1.000000000e+00;
	vm0 =	vmmov $0x3;
	[tilespmem:$0x1FFC0] =	vst v2;
	v2 =	vimm.s32 $0x0;
	s15 =	simm.s32 $0x10680;
	s23 =	sadd.s32 $0x18400, s9;
	[smem:$0x7F7] =	sst s22  }
0x3c: {  	vm4 =	vmmov $0x1f;
	vm5 =	vmmov $0x3f;
	v2 =	vsel vm0, $0xFFFFFFFF, v2;
	s24 =	sadd.s32 $0x18C00, s9;
	s25 =	sadd.s32 $0x19400, s9;
	[smem:$0x7F8] =	sst s23  }
0x3d: {  	vm6 =	vmmov $0x7f;
	vm0 =	vmmov $0x7;
	[tilespmem:$0x1FFD0] =	vst v2;
	v2 =	vimm.s32 $0x0;
	s26 =	sadd.s32 $0x19C00, s9;
	s28 =	sadd.s32 $0x1A400, s9;
	[smem:$0x7F9] =	sst s24  }
0x3e: {  	vm7 =	vmmov $0xff;
	vm8 =	vmmov $0x1ff;
	v2 =	vsel vm0, $0xFFFFFFFF, v2;
	s29 =	sadd.s32 $0x1AC00, s9;
	s5 =	sadd.s32 $0x1E400, s9;
	[smem:$0x7FA] =	sst s25  }
0x3f: {  	vm9 =	vmmov $0x3ff;
	vm0 =	vmmov $0xf;
	[tilespmem:$0x1FFE0] =	vst v2;
	v2 =	vimm.s32 $0x0;
	s7 =	sadd.s32 $0x1F400, s9;
	s8 =	sadd.s32 $0x1FC00, s9;
	[smem:$0x7FB] =	sst s26  }
0x40: {  	vm10 =	vmmov $0x7ff;
	vm11 =	vmmov $0xfff;
	s9 =	sadd.s32 $0x20400, s9;
	v2 =	vsel vm0, $0xFFFFFFFF, v2;
	s12 =	simm.s32 $0x1;
	[smem:$0x7FC] =	sst s28  }
0x41: {  	vm12 =	vmmov $0x1fff;
	vm13 =	vmmov $0x3fff;
	vm14 =	vmmov $0x7fff;
	s13 =	simm.s32 $0x10400;
	s16 =	simm.s32 $0x0;
	[smem:$0x7FD] =	sst s29;
	[tilespmem:$0x1FFF0] =	vst v2  }
.LBB2_1:
0x42: {  	s17 =	rddreg [dreg:$0x5]  }
0x43: {  	s26 =	rddreg [dreg:$0x6]  }
0x44: {  	[tilespmem:s2], [sflag:$0x1] =	stream.linear.gather [hbm4b:s17+s2], $0x200, $0x38;
	[tilespmem:$0x10F00] =	vst v63  }
0x45: {  	s18 =	simm.s32 $0x200;
	s28 =	rddreg [dreg:$0x7]  }
0x46: {  	[tilespmem:s18], [sflag:$0x1] =	stream.linear.gather [hbm4b:s26+s2], $0x200, $0x38;
	[tilespmem:$0x10F00] =	vst v63  }
0x47: {  	s29 =	simm.s32 $0x400;
	s19 =	rddreg [dreg:$0x8]  }
0x48: {  	[tilespmem:s29], [sflag:$0x1] =	stream.linear.gather [hbm4b:s28+s2], $0x200, $0x38;
	[tilespmem:$0x10F00] =	vst v63  }
0x49: {  	s20 =	simm.s32 $0x600;
	s21 =	rddreg [dreg:$0x9]  }
0x4a: {  	[tilespmem:s20], [sflag:$0x1] =	stream.linear.gather [hbm4b:s19+s2], $0x200, $0x38;
	[tilespmem:$0x10F00] =	vst v63  }
0x4b: {  	s22 =	simm.s32 $0x800;
	s23 =	rddreg [dreg:$0xa]  }
0x4c: {  	[tilespmem:s22], [sflag:$0x1] =	stream.linear.gather [hbm4b:s21+s2], $0x200, $0x38;
	[tilespmem:$0x10F00] =	vst v63  }
0x4d: {  	s24 =	simm.s32 $0xA00;
	s25 =	rddreg [dreg:$0xb]  }
0x4e: {  	[tilespmem:s24], [sflag:$0x1] =	stream.linear.gather [hbm4b:s23+s2], $0x200, $0x38;
	[tilespmem:$0x10F00] =	vst v63  }
0x4f: {  	s26 =	simm.s32 $0xC00;
	s28 =	rddreg [dreg:$0xc]  }
0x50: {  	[tilespmem:s26], [sflag:$0x1] =	stream.linear.gather [hbm4b:s25+s2], $0x200, $0x38;
	[tilespmem:$0x10F00] =	vst v63  }
0x51: {  	s29 =	simm.s32 $0xE00;
	s19 =	rddreg [dreg:$0xd]  }
0x52: {  	[tilespmem:s29], [sflag:$0x1] =	stream.linear.gather [hbm4b:s28+s2], $0x200, $0x38;
	[tilespmem:$0x10F00] =	vst v63  }
0x53: {  	s20 =	simm.s32 $0x1000;
	s21 =	rddreg [dreg:$0xe]  }
0x54: {  	[tilespmem:s20], [sflag:$0x1] =	stream.linear.gather [hbm4b:s19+s2], $0x200, $0x38;
	[tilespmem:$0x10F00] =	vst v63  }
0x55: {  	s22 =	simm.s32 $0x1200;
	s23 =	rddreg [dreg:$0xf]  }
0x56: {  	[tilespmem:s22], [sflag:$0x1] =	stream.linear.gather [hbm4b:s21+s2], $0x200, $0x38;
	[tilespmem:$0x10F00] =	vst v63  }
0x57: {  	s24 =	simm.s32 $0x1400;
	s25 =	rddreg [dreg:$0x10]  }
0x58: {  	[tilespmem:s24], [sflag:$0x1] =	stream.linear.gather [hbm4b:s23+s2], $0x200, $0x38;
	[tilespmem:$0x10F00] =	vst v63  }
0x59: {  	s26 =	simm.s32 $0x1600;
	s28 =	rddreg [dreg:$0x11]  }
0x5a: {  	[tilespmem:s26], [sflag:$0x1] =	stream.linear.gather [hbm4b:s25+s2], $0x200, $0x38;
	[tilespmem:$0x10F00] =	vst v63  }
0x5b: {  	s29 =	simm.s32 $0x1800;
	s19 =	rddreg [dreg:$0x12]  }
0x5c: {  	[tilespmem:s29], [sflag:$0x1] =	stream.linear.gather [hbm4b:s28+s2], $0x200, $0x38;
	[tilespmem:$0x10F00] =	vst v63  }
0x5d: {  	s20 =	simm.s32 $0x1A00;
	s21 =	rddreg [dreg:$0x13]  }
0x5e: {  	[tilespmem:s20], [sflag:$0x1] =	stream.linear.gather [hbm4b:s19+s2], $0x200, $0x38;
	[tilespmem:$0x10F00] =	vst v63  }
0x5f: {  	s22 =	simm.s32 $0x1C00;
	s23 =	rddreg [dreg:$0x14]  }
0x60: {  	[tilespmem:s22], [sflag:$0x1] =	stream.linear.gather [hbm4b:s21+s2], $0x200, $0x38;
	[tilespmem:$0x10F00] =	vst v63  }
0x61: {  	s24 =	simm.s32 $0x1E00;
	s25 =	rddreg [dreg:$0x18]  }
0x62: {  	[tilespmem:s24], [sflag:$0x1] =	stream.linear.gather [hbm4b:s23+s2], $0x200, $0x38;
	[tilespmem:$0x10F00] =	vst v63  }
0x63: {  	s26 =	simm.s32 $0x2000;
	s28 =	rddreg [dreg:$0x19]  }
0x64: {  	[tilespmem:s26], [sflag:$0x1] =	stream.linear.gather [hbm4b:s25+s2], $0x200, $0x38;
	[tilespmem:$0x10F00] =	vst v63  }
0x65: {  	s29 =	simm.s32 $0x2200;
	s19 =	rddreg [dreg:$0x1a]  }
0x66: {  	[tilespmem:s29], [sflag:$0x1] =	stream.linear.gather [hbm4b:s28+s2], $0x200, $0x38;
	[tilespmem:$0x10F00] =	vst v63  }
0x67: {  	s20 =	simm.s32 $0x2400;
	s21 =	rddreg [dreg:$0x1b]  }
0x68: {  	[tilespmem:s20], [sflag:$0x1] =	stream.linear.gather [hbm4b:s19+s2], $0x200, $0x38;
	[tilespmem:$0x10F00] =	vst v63  }
0x69: {  	s22 =	simm.s32 $0x2600;
	s23 =	rddreg [dreg:$0x1c]  }
0x6a: {  	[tilespmem:s22], [sflag:$0x1] =	stream.linear.gather [hbm4b:s21+s2], $0x200, $0x38;
	[tilespmem:$0x10F00] =	vst v63  }
0x6b: {  	s24 =	simm.s32 $0x2800;
	s25 =	rddreg [dreg:$0x1d]  }
0x6c: {  	[tilespmem:s24], [sflag:$0x1] =	stream.linear.gather [hbm4b:s23+s2], $0x200, $0x38;
	[tilespmem:$0x10F00] =	vst v63  }
0x6d: {  	s26 =	simm.s32 $0x2A00;
	s28 =	rddreg [dreg:$0x1e]  }
0x6e: {  	[tilespmem:s26], [sflag:$0x1] =	stream.linear.gather [hbm4b:s25+s2], $0x200, $0x38;
	[tilespmem:$0x10F00] =	vst v63  }
0x6f: {  	s29 =	simm.s32 $0x2C00;
	s19 =	rddreg [dreg:$0x1f]  }
0x70: {  	[tilespmem:s29], [sflag:$0x1] =	stream.linear.gather [hbm4b:s28+s2], $0x200, $0x38;
	[tilespmem:$0x10F00] =	vst v63  }
0x71: {  	s20 =	simm.s32 $0x2E00;
	s21 =	sld [smem:$0x7E1]  }
0x72: {  	[tilespmem:s20], [sflag:$0x1] =	stream.linear.gather [hbm4b:s19+s2], $0x200, $0x38;
	[tilespmem:$0x10F00] =	vst v63  }
0x73: {  	s22 =	simm.s32 $0x3000;
	s23 =	sld [smem:$0x7E2]  }
0x74: {  	[tilespmem:s22], [sflag:$0x1] =	stream.linear.gather [hbm4b:s21+s2], $0x200, $0x38;
	[tilespmem:$0x10F00] =	vst v63  }
0x75: {  	s24 =	simm.s32 $0x3200;
	s25 =	sld [smem:$0x7E3]  }
0x76: {  	[tilespmem:s24], [sflag:$0x1] =	stream.linear.gather [hbm4b:s23+s2], $0x200, $0x38;
	[tilespmem:$0x10F00] =	vst v63  }
0x77: {  	s26 =	simm.s32 $0x3400;
	s28 =	sld [smem:$0x7E4]  }
0x78: {  	[tilespmem:s26], [sflag:$0x1] =	stream.linear.gather [hbm4b:s25+s2], $0x200, $0x38;
	[tilespmem:$0x10F00] =	vst v63  }
0x79: {  	s29 =	simm.s32 $0x3600;
	s19 =	sld [smem:$0x7E5]  }
0x7a: {  	[tilespmem:s29], [sflag:$0x1] =	stream.linear.gather [hbm4b:s28+s2], $0x200, $0x38;
	[tilespmem:$0x10F00] =	vst v63  }
0x7b: {  	s20 =	simm.s32 $0x3800;
	s21 =	sld [smem:$0x7E6]  }
0x7c: {  	[tilespmem:s20], [sflag:$0x1] =	stream.linear.gather [hbm4b:s19+s2], $0x200, $0x38;
	[tilespmem:$0x10F00] =	vst v63  }
0x7d: {  	s22 =	simm.s32 $0x3A00;
	s23 =	sld [smem:$0x7E7]  }
0x7e: {  	[tilespmem:s22], [sflag:$0x1] =	stream.linear.gather [hbm4b:s21+s2], $0x200, $0x38;
	[tilespmem:$0x10F00] =	vst v63  }
0x7f: {  	s24 =	simm.s32 $0x3C00;
	s25 =	sld [smem:$0x7E8]  }
0x80: {  	[tilespmem:s24], [sflag:$0x1] =	stream.linear.gather [hbm4b:s23+s2], $0x200, $0x38;
	[tilespmem:$0x10F00] =	vst v63  }
0x81: {  	s26 =	simm.s32 $0x3E00;
	s28 =	sld [smem:$0x7E9]  }
0x82: {  	[tilespmem:s26], [sflag:$0x1] =	stream.linear.gather [hbm4b:s25+s2], $0x200, $0x38;
	[tilespmem:$0x10F00] =	vst v63  }
0x83: {  	s29 =	simm.s32 $0x4000;
	s19 =	sld [smem:$0x7EA]  }
0x84: {  	[tilespmem:s29], [sflag:$0x1] =	stream.linear.gather [hbm4b:s28+s2], $0x200, $0x38;
	[tilespmem:$0x10F00] =	vst v63  }
0x85: {  	s20 =	simm.s32 $0x4200;
	s21 =	sld [smem:$0x7EB]  }
0x86: {  	[tilespmem:s20], [sflag:$0x1] =	stream.linear.gather [hbm4b:s19+s2], $0x200, $0x38;
	[tilespmem:$0x10F00] =	vst v63  }
0x87: {  	s22 =	simm.s32 $0x4400;
	s23 =	sld [smem:$0x7EC]  }
0x88: {  	[tilespmem:s22], [sflag:$0x1] =	stream.linear.gather [hbm4b:s21+s2], $0x200, $0x38;
	[tilespmem:$0x10F00] =	vst v63  }
0x89: {  	s24 =	simm.s32 $0x4600;
	s25 =	sld [smem:$0x7ED]  }
0x8a: {  	[tilespmem:s24], [sflag:$0x1] =	stream.linear.gather [hbm4b:s23+s2], $0x200, $0x38;
	[tilespmem:$0x10F00] =	vst v63  }
0x8b: {  	s26 =	simm.s32 $0x4800;
	s28 =	sld [smem:$0x7EE]  }
0x8c: {  	[tilespmem:s26], [sflag:$0x1] =	stream.linear.gather [hbm4b:s25+s2], $0x200, $0x38;
	[tilespmem:$0x10F00] =	vst v63  }
0x8d: {  	s29 =	simm.s32 $0x4A00;
	s19 =	sld [smem:$0x7EF]  }
0x8e: {  	[tilespmem:s29], [sflag:$0x1] =	stream.linear.gather [hbm4b:s28+s2], $0x200, $0x38;
	[tilespmem:$0x10F00] =	vst v63  }
0x8f: {  	s20 =	simm.s32 $0x4C00;
	s21 =	sld [smem:$0x7F0]  }
0x90: {  	[tilespmem:s20], [sflag:$0x1] =	stream.linear.gather [hbm4b:s19+s2], $0x200, $0x38;
	[tilespmem:$0x10F00] =	vst v63  }
0x91: {  	s22 =	simm.s32 $0x4E00;
	s23 =	sld [smem:$0x7F1]  }
0x92: {  	[tilespmem:s22], [sflag:$0x1] =	stream.linear.gather [hbm4b:s21+s2], $0x200, $0x38;
	[tilespmem:$0x10F00] =	vst v63  }
0x93: {  	s24 =	simm.s32 $0x5000;
	s25 =	sld [smem:$0x7F2]  }
0x94: {  	[tilespmem:s24], [sflag:$0x1] =	stream.linear.gather [hbm4b:s23+s2], $0x200, $0x38;
	[tilespmem:$0x10F00] =	vst v63  }
0x95: {  	s26 =	simm.s32 $0x5200;
	s28 =	sld [smem:$0x7F3]  }
0x96: {  	[tilespmem:s26], [sflag:$0x1] =	stream.linear.gather [hbm4b:s25+s2], $0x200, $0x38;
	[tilespmem:$0x10F00] =	vst v63  }
0x97: {  	s29 =	simm.s32 $0x5400;
	s19 =	sld [smem:$0x7F4]  }
0x98: {  	[tilespmem:s29], [sflag:$0x1] =	stream.linear.gather [hbm4b:s28+s2], $0x200, $0x38;
	[tilespmem:$0x10F00] =	vst v63  }
0x99: {  	s20 =	simm.s32 $0x5600;
	s21 =	sld [smem:$0x7F5]  }
0x9a: {  	[tilespmem:s20], [sflag:$0x1] =	stream.linear.gather [hbm4b:s19+s2], $0x200, $0x38;
	[tilespmem:$0x10F00] =	vst v63  }
0x9b: {  	s22 =	simm.s32 $0x5800;
	s23 =	sld [smem:$0x7F6]  }
0x9c: {  	[tilespmem:s22], [sflag:$0x1] =	stream.linear.gather [hbm4b:s21+s2], $0x200, $0x38;
	[tilespmem:$0x10F00] =	vst v63  }
0x9d: {  	s24 =	simm.s32 $0x5A00;
	s25 =	sld [smem:$0x7F7]  }
0x9e: {  	[tilespmem:s24], [sflag:$0x1] =	stream.linear.gather [hbm4b:s23+s2], $0x200, $0x38;
	[tilespmem:$0x10F00] =	vst v63  }
0x9f: {  	s26 =	simm.s32 $0x5C00;
	s28 =	sld [smem:$0x7F8]  }
0xa0: {  	[tilespmem:s26], [sflag:$0x1] =	stream.linear.gather [hbm4b:s25+s2], $0x200, $0x38;
	[tilespmem:$0x10F00] =	vst v63  }
0xa1: {  	s29 =	simm.s32 $0x5E00;
	s19 =	sld [smem:$0x7F9]  }
0xa2: {  	[tilespmem:s29], [sflag:$0x1] =	stream.linear.gather [hbm4b:s28+s2], $0x200, $0x38;
	[tilespmem:$0x10F00] =	vst v63  }
0xa3: {  	s20 =	simm.s32 $0x6000;
	s21 =	sld [smem:$0x7FA]  }
0xa4: {  	[tilespmem:s20], [sflag:$0x1] =	stream.linear.gather [hbm4b:s19+s2], $0x200, $0x38;
	[tilespmem:$0x10F00] =	vst v63  }
0xa5: {  	s22 =	simm.s32 $0x6200;
	s23 =	sld [smem:$0x7FB]  }
0xa6: {  	[tilespmem:s22], [sflag:$0x1] =	stream.linear.gather [hbm4b:s21+s2], $0x200, $0x38;
	[tilespmem:$0x10F00] =	vst v63  }
0xa7: {  	s24 =	simm.s32 $0x6400;
	s25 =	sld [smem:$0x7FC]  }
0xa8: {  	[tilespmem:s24], [sflag:$0x1] =	stream.linear.gather [hbm4b:s23+s2], $0x200, $0x38;
	[tilespmem:$0x10F00] =	vst v63  }
0xa9: {  	s26 =	simm.s32 $0x6600;
	s28 =	sld [smem:$0x7FD]  }
0xaa: {  	[tilespmem:s26], [sflag:$0x1] =	stream.linear.gather [hbm4b:s25+s2], $0x200, $0x38;
	[tilespmem:$0x10F00] =	vst v63  }
0xab: {  	s29 =	simm.s32 $0x6800  }
0xac: {  	[tilespmem:s29], [sflag:$0x1] =	stream.linear.gather [hbm4b:s28+s2], $0x200, $0x38;
	[tilespmem:$0x10F00] =	vst v63  }
0xad: {  	s18 =	simm.s32 $0x6A00  }
0xae: {  	[tilespmem:s18], [sflag:$0x1] =	stream.linear.gather [hbm4b:s30+s2], $0x200, $0x38;
	[tilespmem:$0x10F00] =	vst v63  }
0xaf: {  	s19 =	simm.s32 $0x6C00  }
0xb0: {  	[tilespmem:s19], [sflag:$0x1] =	stream.linear.gather [hbm4b:s31+s2], $0x200, $0x38;
	[tilespmem:$0x10F00] =	vst v63  }
0xb1: {  	s20 =	simm.s32 $0x6E00  }
0xb2: {  	[tilespmem:s20], [sflag:$0x1] =	stream.linear.gather [hbm4b:s0+s2], $0x200, $0x38;
	[tilespmem:$0x10F00] =	vst v63  }
0xb3: {  	s21 =	simm.s32 $0x7000  }
0xb4: {  	[tilespmem:s21], [sflag:$0x1] =	stream.linear.gather [hbm4b:s1+s2], $0x200, $0x38;
	[tilespmem:$0x10F00] =	vst v63  }
0xb5: {  	s22 =	simm.s32 $0x7200  }
0xb6: {  	[tilespmem:s22], [sflag:$0x1] =	stream.linear.gather [hbm4b:s3+s2], $0x200, $0x38;
	[tilespmem:$0x10F00] =	vst v63  }
0xb7: {  	s23 =	simm.s32 $0x7400  }
0xb8: {  	[tilespmem:s23], [sflag:$0x1] =	stream.linear.gather [hbm4b:s4+s2], $0x200, $0x38;
	[tilespmem:$0x10F00] =	vst v63  }
0xb9: {  	s24 =	simm.s32 $0x7600  }
0xba: {  	[tilespmem:s24], [sflag:$0x1] =	stream.linear.gather [hbm4b:s5+s2], $0x200, $0x38;
	[tilespmem:$0x10F00] =	vst v63  }
0xbb: {  	s25 =	simm.s32 $0x7800  }
0xbc: {  	[tilespmem:s25], [sflag:$0x1] =	stream.linear.gather [hbm4b:s6+s2], $0x200, $0x38;
	[tilespmem:$0x10F00] =	vst v63  }
0xbd: {  	s26 =	simm.s32 $0x7A00  }
0xbe: {  	[tilespmem:s26], [sflag:$0x1] =	stream.linear.gather [hbm4b:s7+s2], $0x200, $0x38;
	[tilespmem:$0x10F00] =	vst v63  }
0xbf: {  	s28 =	simm.s32 $0x7C00  }
0xc0: {  	[tilespmem:s28], [sflag:$0x1] =	stream.linear.gather [hbm4b:s8+s2], $0x200, $0x38;
	[tilespmem:$0x10F00] =	vst v63  }
0xc1: {  	s29 =	simm.s32 $0x7E00  }
0xc2: {  	[tilespmem:s29], [sflag:$0x1] =	stream.linear.gather [hbm4b:s9+s2], $0x200, $0x38;
	[tilespmem:$0x10F00] =	vst v63  }
0xc3: {  	_ =	swait.ge [sflag:s12], $0x200  }
0xc4: {  	[sflag:s12] =	ssyncset.done $0x0  }
0xc5: {  	[sflag:s12] =	ssyncadd.s32 $0xFFFFFE00  }
0xc6: {  	_ =	swait.ge [sflag:s12], $0x200  }
0xc7: {  	[sflag:s12] =	ssyncset.done $0x0  }
0xc8: {  	[sflag:s12] =	ssyncadd.s32 $0xFFFFFE00  }
0xc9: {  	_ =	swait.ge [sflag:s12], $0x200  }
0xca: {  	[sflag:s12] =	ssyncset.done $0x0  }
0xcb: {  	[sflag:s12] =	ssyncadd.s32 $0xFFFFFE00  }
0xcc: {  	_ =	swait.ge [sflag:s12], $0x200  }
0xcd: {  	[sflag:s12] =	ssyncset.done $0x0  }
0xce: {  	[sflag:s12] =	ssyncadd.s32 $0xFFFFFE00  }
0xcf: {  	_ =	swait.ge [sflag:s12], $0x200  }
0xd0: {  	[sflag:s12] =	ssyncset.done $0x0  }
0xd1: {  	[sflag:s12] =	ssyncadd.s32 $0xFFFFFE00  }
0xd2: {  	_ =	swait.ge [sflag:s12], $0x200  }
0xd3: {  	[sflag:s12] =	ssyncset.done $0x0  }
0xd4: {  	[sflag:s12] =	ssyncadd.s32 $0xFFFFFE00  }
0xd5: {  	_ =	swait.ge [sflag:s12], $0x200  }
0xd6: {  	[sflag:s12] =	ssyncset.done $0x0  }
0xd7: {  	[sflag:s12] =	ssyncadd.s32 $0xFFFFFE00  }
0xd8: {  	_ =	swait.ge [sflag:s12], $0x200  }
0xd9: {  	[sflag:s12] =	ssyncset.done $0x0  }
0xda: {  	[sflag:s12] =	ssyncadd.s32 $0xFFFFFE00  }
0xdb: {  	_ =	swait.ge [sflag:s12], $0x200  }
0xdc: {  	[sflag:s12] =	ssyncset.done $0x0  }
0xdd: {  	[sflag:s12] =	ssyncadd.s32 $0xFFFFFE00  }
0xde: {  	_ =	swait.ge [sflag:s12], $0x200  }
0xdf: {  	[sflag:s12] =	ssyncset.done $0x0  }
0xe0: {  	[sflag:s12] =	ssyncadd.s32 $0xFFFFFE00  }
0xe1: {  	_ =	swait.ge [sflag:s12], $0x200  }
0xe2: {  	[sflag:s12] =	ssyncset.done $0x0  }
0xe3: {  	[sflag:s12] =	ssyncadd.s32 $0xFFFFFE00  }
0xe4: {  	_ =	swait.ge [sflag:s12], $0x200  }
0xe5: {  	[sflag:s12] =	ssyncset.done $0x0  }
0xe6: {  	[sflag:s12] =	ssyncadd.s32 $0xFFFFFE00  }
0xe7: {  	_ =	swait.ge [sflag:s12], $0x200  }
0xe8: {  	[sflag:s12] =	ssyncset.done $0x0  }
0xe9: {  	[sflag:s12] =	ssyncadd.s32 $0xFFFFFE00  }
0xea: {  	_ =	swait.ge [sflag:s12], $0x200  }
0xeb: {  	[sflag:s12] =	ssyncset.done $0x0  }
0xec: {  	[sflag:s12] =	ssyncadd.s32 $0xFFFFFE00  }
0xed: {  	_ =	swait.ge [sflag:s12], $0x200  }
0xee: {  	[sflag:s12] =	ssyncset.done $0x0  }
0xef: {  	[sflag:s12] =	ssyncadd.s32 $0xFFFFFE00  }
0xf0: {  	_ =	swait.ge [sflag:s12], $0x200  }
0xf1: {  	[sflag:s12] =	ssyncset.done $0x0  }
0xf2: {  	[sflag:s12] =	ssyncadd.s32 $0xFFFFFE00  }
0xf3: {  	_ =	swait.ge [sflag:s12], $0x200  }
0xf4: {  	[sflag:s12] =	ssyncset.done $0x0  }
0xf5: {  	[sflag:s12] =	ssyncadd.s32 $0xFFFFFE00  }
0xf6: {  	_ =	swait.ge [sflag:s12], $0x200  }
0xf7: {  	[sflag:s12] =	ssyncset.done $0x0  }
0xf8: {  	[sflag:s12] =	ssyncadd.s32 $0xFFFFFE00  }
0xf9: {  	_ =	swait.ge [sflag:s12], $0x200  }
0xfa: {  	[sflag:s12] =	ssyncset.done $0x0  }
0xfb: {  	[sflag:s12] =	ssyncadd.s32 $0xFFFFFE00  }
0xfc: {  	_ =	swait.ge [sflag:s12], $0x200  }
0xfd: {  	[sflag:s12] =	ssyncset.done $0x0  }
0xfe: {  	[sflag:s12] =	ssyncadd.s32 $0xFFFFFE00  }
0xff: {  	_ =	swait.ge [sflag:s12], $0x200  }
0x100: {  	[sflag:s12] =	ssyncset.done $0x0  }
0x101: {  	[sflag:s12] =	ssyncadd.s32 $0xFFFFFE00  }
0x102: {  	_ =	swait.ge [sflag:s12], $0x200  }
0x103: {  	[sflag:s12] =	ssyncset.done $0x0  }
0x104: {  	[sflag:s12] =	ssyncadd.s32 $0xFFFFFE00  }
0x105: {  	_ =	swait.ge [sflag:s12], $0x200  }
0x106: {  	[sflag:s12] =	ssyncset.done $0x0  }
0x107: {  	[sflag:s12] =	ssyncadd.s32 $0xFFFFFE00  }
0x108: {  	_ =	swait.ge [sflag:s12], $0x200  }
0x109: {  	[sflag:s12] =	ssyncset.done $0x0  }
0x10a: {  	[sflag:s12] =	ssyncadd.s32 $0xFFFFFE00  }
0x10b: {  	_ =	swait.ge [sflag:s12], $0x200  }
0x10c: {  	[sflag:s12] =	ssyncset.done $0x0  }
0x10d: {  	[sflag:s12] =	ssyncadd.s32 $0xFFFFFE00  }
0x10e: {  	_ =	swait.ge [sflag:s12], $0x200  }
0x10f: {  	[sflag:s12] =	ssyncset.done $0x0  }
0x110: {  	[sflag:s12] =	ssyncadd.s32 $0xFFFFFE00  }
0x111: {  	_ =	swait.ge [sflag:s12], $0x200  }
0x112: {  	[sflag:s12] =	ssyncset.done $0x0  }
0x113: {  	[sflag:s12] =	ssyncadd.s32 $0xFFFFFE00  }
0x114: {  	_ =	swait.ge [sflag:s12], $0x200  }
0x115: {  	[sflag:s12] =	ssyncset.done $0x0  }
0x116: {  	[sflag:s12] =	ssyncadd.s32 $0xFFFFFE00  }
0x117: {  	_ =	swait.ge [sflag:s12], $0x200  }
0x118: {  	[sflag:s12] =	ssyncset.done $0x0  }
0x119: {  	[sflag:s12] =	ssyncadd.s32 $0xFFFFFE00  }
0x11a: {  	_ =	swait.ge [sflag:s12], $0x200  }
0x11b: {  	[sflag:s12] =	ssyncset.done $0x0  }
0x11c: {  	[sflag:s12] =	ssyncadd.s32 $0xFFFFFE00  }
0x11d: {  	_ =	swait.ge [sflag:s12], $0x200  }
0x11e: {  	[sflag:s12] =	ssyncset.done $0x0  }
0x11f: {  	[sflag:s12] =	ssyncadd.s32 $0xFFFFFE00  }
0x120: {  	_ =	swait.ge [sflag:s12], $0x200  }
0x121: {  	[sflag:s12] =	ssyncset.done $0x0  }
0x122: {  	[sflag:s12] =	ssyncadd.s32 $0xFFFFFE00  }
0x123: {  	_ =	swait.ge [sflag:s12], $0x200  }
0x124: {  	[sflag:s12] =	ssyncset.done $0x0  }
0x125: {  	[sflag:s12] =	ssyncadd.s32 $0xFFFFFE00  }
0x126: {  	_ =	swait.ge [sflag:s12], $0x200  }
0x127: {  	[sflag:s12] =	ssyncset.done $0x0  }
0x128: {  	[sflag:s12] =	ssyncadd.s32 $0xFFFFFE00  }
0x129: {  	_ =	swait.ge [sflag:s12], $0x200  }
0x12a: {  	[sflag:s12] =	ssyncset.done $0x0  }
0x12b: {  	[sflag:s12] =	ssyncadd.s32 $0xFFFFFE00  }
0x12c: {  	_ =	swait.ge [sflag:s12], $0x200  }
0x12d: {  	[sflag:s12] =	ssyncset.done $0x0  }
0x12e: {  	[sflag:s12] =	ssyncadd.s32 $0xFFFFFE00  }
0x12f: {  	_ =	swait.ge [sflag:s12], $0x200  }
0x130: {  	[sflag:s12] =	ssyncset.done $0x0  }
0x131: {  	[sflag:s12] =	ssyncadd.s32 $0xFFFFFE00  }
0x132: {  	_ =	swait.ge [sflag:s12], $0x200  }
0x133: {  	[sflag:s12] =	ssyncset.done $0x0  }
0x134: {  	[sflag:s12] =	ssyncadd.s32 $0xFFFFFE00  }
0x135: {  	_ =	swait.ge [sflag:s12], $0x200  }
0x136: {  	[sflag:s12] =	ssyncset.done $0x0  }
0x137: {  	[sflag:s12] =	ssyncadd.s32 $0xFFFFFE00  }
0x138: {  	_ =	swait.ge [sflag:s12], $0x200  }
0x139: {  	[sflag:s12] =	ssyncset.done $0x0  }
0x13a: {  	[sflag:s12] =	ssyncadd.s32 $0xFFFFFE00  }
0x13b: {  	_ =	swait.ge [sflag:s12], $0x200  }
0x13c: {  	[sflag:s12] =	ssyncset.done $0x0  }
0x13d: {  	[sflag:s12] =	ssyncadd.s32 $0xFFFFFE00  }
0x13e: {  	_ =	swait.ge [sflag:s12], $0x200  }
0x13f: {  	[sflag:s12] =	ssyncset.done $0x0  }
0x140: {  	[sflag:s12] =	ssyncadd.s32 $0xFFFFFE00  }
0x141: {  	_ =	swait.ge [sflag:s12], $0x200  }
0x142: {  	[sflag:s12] =	ssyncset.done $0x0  }
0x143: {  	[sflag:s12] =	ssyncadd.s32 $0xFFFFFE00  }
0x144: {  	_ =	swait.ge [sflag:s12], $0x200  }
0x145: {  	[sflag:s12] =	ssyncset.done $0x0  }
0x146: {  	[sflag:s12] =	ssyncadd.s32 $0xFFFFFE00  }
0x147: {  	_ =	swait.ge [sflag:s12], $0x200  }
0x148: {  	[sflag:s12] =	ssyncset.done $0x0  }
0x149: {  	[sflag:s12] =	ssyncadd.s32 $0xFFFFFE00  }
0x14a: {  	_ =	swait.ge [sflag:s12], $0x200  }
0x14b: {  	[sflag:s12] =	ssyncset.done $0x0  }
0x14c: {  	[sflag:s12] =	ssyncadd.s32 $0xFFFFFE00  }
0x14d: {  	_ =	swait.ge [sflag:s12], $0x200  }
0x14e: {  	[sflag:s12] =	ssyncset.done $0x0  }
0x14f: {  	[sflag:s12] =	ssyncadd.s32 $0xFFFFFE00  }
0x150: {  	_ =	swait.ge [sflag:s12], $0x200  }
0x151: {  	[sflag:s12] =	ssyncset.done $0x0  }
0x152: {  	[sflag:s12] =	ssyncadd.s32 $0xFFFFFE00  }
0x153: {  	_ =	swait.ge [sflag:s12], $0x200  }
0x154: {  	[sflag:s12] =	ssyncset.done $0x0  }
0x155: {  	[sflag:s12] =	ssyncadd.s32 $0xFFFFFE00  }
0x156: {  	_ =	swait.ge [sflag:s12], $0x200  }
0x157: {  	[sflag:s12] =	ssyncset.done $0x0  }
0x158: {  	[sflag:s12] =	ssyncadd.s32 $0xFFFFFE00  }
0x159: {  	_ =	swait.ge [sflag:s12], $0x200  }
0x15a: {  	[sflag:s12] =	ssyncset.done $0x0  }
0x15b: {  	[sflag:s12] =	ssyncadd.s32 $0xFFFFFE00  }
0x15c: {  	_ =	swait.ge [sflag:s12], $0x200  }
0x15d: {  	[sflag:s12] =	ssyncset.done $0x0  }
0x15e: {  	[sflag:s12] =	ssyncadd.s32 $0xFFFFFE00  }
0x15f: {  	_ =	swait.ge [sflag:s12], $0x200  }
0x160: {  	[sflag:s12] =	ssyncset.done $0x0  }
0x161: {  	[sflag:s12] =	ssyncadd.s32 $0xFFFFFE00  }
0x162: {  	_ =	swait.ge [sflag:s12], $0x200  }
0x163: {  	[sflag:s12] =	ssyncset.done $0x0  }
0x164: {  	[sflag:s12] =	ssyncadd.s32 $0xFFFFFE00  }
0x165: {  	_ =	swait.ge [sflag:s12], $0x200  }
0x166: {  	[sflag:s12] =	ssyncset.done $0x0  }
0x167: {  	[sflag:s12] =	ssyncadd.s32 $0xFFFFFE00  }
0x168: {  	_ =	swait.ge [sflag:s12], $0x200  }
0x169: {  	[sflag:s12] =	ssyncset.done $0x0  }
0x16a: {  	[sflag:s12] =	ssyncadd.s32 $0xFFFFFE00  }
0x16b: {  	_ =	swait.ge [sflag:s12], $0x200  }
0x16c: {  	[sflag:s12] =	ssyncset.done $0x0  }
0x16d: {  	[sflag:s12] =	ssyncadd.s32 $0xFFFFFE00  }
0x16e: {  	_ =	swait.ge [sflag:s12], $0x200  }
0x16f: {  	[sflag:s12] =	ssyncset.done $0x0  }
0x170: {  	[sflag:s12] =	ssyncadd.s32 $0xFFFFFE00  }
0x171: {  	_ =	swait.ge [sflag:s12], $0x200  }
0x172: {  	[sflag:s12] =	ssyncset.done $0x0  }
0x173: {  	[sflag:s12] =	ssyncadd.s32 $0xFFFFFE00  }
0x174: {  	_ =	swait.ge [sflag:s12], $0x200  }
0x175: {  	[sflag:s12] =	ssyncset.done $0x0  }
0x176: {  	[sflag:s12] =	ssyncadd.s32 $0xFFFFFE00  }
0x177: {  	_ =	swait.ge [sflag:s12], $0x200  }
0x178: {  	[sflag:s12] =	ssyncset.done $0x0  }
0x179: {  	[sflag:s12] =	ssyncadd.s32 $0xFFFFFE00  }
0x17a: {  	_ =	swait.ge [sflag:s12], $0x200  }
0x17b: {  	[sflag:s12] =	ssyncset.done $0x0  }
0x17c: {  	[sflag:s12] =	ssyncadd.s32 $0xFFFFFE00  }
0x17d: {  	_ =	swait.ge [sflag:s12], $0x200  }
0x17e: {  	[sflag:s12] =	ssyncset.done $0x0  }
0x17f: {  	[sflag:s12] =	ssyncadd.s32 $0xFFFFFE00  }
0x180: {  	_ =	swait.ge [sflag:s12], $0x200  }
0x181: {  	[sflag:s12] =	ssyncset.done $0x0  }
0x182: {  	[sflag:s12] =	ssyncadd.s32 $0xFFFFFE00  }
0x183: {  	[tilespmem:$0x10000] =	vst v0  }
0x184: {  	[tilespmem:$0x10010] =	vst v0  }
0x185: {  	[tilespmem:$0x10020] =	vst v0  }
0x186: {  	[tilespmem:$0x10030] =	vst v0  }
0x187: {  	[tilespmem:$0x10040] =	vst v0  }
0x188: {  	[tilespmem:$0x10050] =	vst v0  }
0x189: {  	[tilespmem:$0x10060] =	vst v0  }
0x18a: {  	[tilespmem:$0x10070] =	vst v0  }
0x18b: {  	[tilespmem:$0x10080] =	vst v0  }
0x18c: {  	[tilespmem:$0x10090] =	vst v0  }
0x18d: {  	[tilespmem:$0x100A0] =	vst v0  }
0x18e: {  	[tilespmem:$0x100B0] =	vst v0  }
0x18f: {  	[tilespmem:$0x100C0] =	vst v0  }
0x190: {  	[tilespmem:$0x100D0] =	vst v0  }
0x191: {  	[tilespmem:$0x100E0] =	vst v0  }
0x192: {  	[tilespmem:$0x100F0] =	vst v0  }
0x193: {  	[tilespmem:$0x10100] =	vst v0  }
0x194: {  	[tilespmem:$0x10110] =	vst v0  }
0x195: {  	[tilespmem:$0x10120] =	vst v0  }
0x196: {  	[tilespmem:$0x10130] =	vst v0  }
0x197: {  	[tilespmem:$0x10140] =	vst v0  }
0x198: {  	[tilespmem:$0x10150] =	vst v0  }
0x199: {  	[tilespmem:$0x10160] =	vst v0  }
0x19a: {  	[tilespmem:$0x10170] =	vst v0  }
0x19b: {  	[tilespmem:$0x10180] =	vst v0  }
0x19c: {  	[tilespmem:$0x10190] =	vst v0  }
0x19d: {  	[tilespmem:$0x101A0] =	vst v0  }
0x19e: {  	[tilespmem:$0x101B0] =	vst v0  }
0x19f: {  	[tilespmem:$0x101C0] =	vst v0  }
0x1a0: {  	[tilespmem:$0x101D0] =	vst v0  }
0x1a1: {  	[tilespmem:$0x101E0] =	vst v0  }
0x1a2: {  	[tilespmem:$0x101F0] =	vst v0  }
0x1a3: {  	[tilespmem:$0x10200] =	vst v0  }
0x1a4: {  	[tilespmem:$0x10210] =	vst v0  }
0x1a5: {  	[tilespmem:$0x10220] =	vst v0  }
0x1a6: {  	[tilespmem:$0x10230] =	vst v0  }
0x1a7: {  	[tilespmem:$0x10240] =	vst v0  }
0x1a8: {  	[tilespmem:$0x10250] =	vst v0  }
0x1a9: {  	[tilespmem:$0x10260] =	vst v0  }
0x1aa: {  	[tilespmem:$0x10270] =	vst v0  }
0x1ab: {  	[tilespmem:$0x10280] =	vst v0  }
0x1ac: {  	[tilespmem:$0x10290] =	vst v0  }
0x1ad: {  	[tilespmem:$0x102A0] =	vst v0  }
0x1ae: {  	[tilespmem:$0x102B0] =	vst v0  }
0x1af: {  	[tilespmem:$0x102C0] =	vst v0  }
0x1b0: {  	[tilespmem:$0x102D0] =	vst v0  }
0x1b1: {  	[tilespmem:$0x102E0] =	vst v0  }
0x1b2: {  	[tilespmem:$0x102F0] =	vst v0  }
0x1b3: {  	[tilespmem:$0x10300] =	vst v0  }
0x1b4: {  	[tilespmem:$0x10310] =	vst v0  }
0x1b5: {  	[tilespmem:$0x10320] =	vst v0  }
0x1b6: {  	[tilespmem:$0x10330] =	vst v0  }
0x1b7: {  	[tilespmem:$0x10340] =	vst v0  }
0x1b8: {  	[tilespmem:$0x10350] =	vst v0  }
0x1b9: {  	[tilespmem:$0x10360] =	vst v0  }
0x1ba: {  	[tilespmem:$0x10370] =	vst v0  }
0x1bb: {  	[tilespmem:$0x10380] =	vst v0  }
0x1bc: {  	[tilespmem:$0x10390] =	vst v0  }
0x1bd: {  	[tilespmem:$0x103A0] =	vst v0  }
0x1be: {  	[tilespmem:$0x103B0] =	vst v0  }
0x1bf: {  	[tilespmem:$0x103C0] =	vst v0  }
0x1c0: {  	[tilespmem:$0x103D0] =	vst v0  }
0x1c1: {  	[tilespmem:$0x103E0] =	vst v0  }
0x1c2: {  	[tilespmem:$0x103F0] =	vst v0  }
0x1c3: {  	[tilespmem:$0x10400] =	vst v0  }
0x1c4: {  	[tilespmem:$0x10410] =	vst v0  }
0x1c5: {  	s18 =	simm.s32 $0x0;
	[tilespmem:$0x10420] =	vst v0  }
0x1c6: {  	s19 =	simm.s32 $0x0;
	s20 =	simm.s32 $0x0;
	s24 =	simm.s32 $0x8040;
	[tilespmem:$0x10430] =	vst v0  }
.LBB2_2:
0x1c7: {  	s17 =	sshll.u32 s19, $0x2;
	s21 =	sand.u32 $0x7, s18  }
0x1c8: {  	s17 =	sand.u32 $0xFFFFFE00, s17;
	s21 =	sshll.u32 s21, $0x6  }
0x1c9: {  	s17 =	sor.u32 s21, s17  }
0x1ca: {  	s17 =	sshrl.u32 s17, $0x2  }
0x1cb: {  	s17 =	sadd.s32 $0x800, s17  }
0x1cc: {  	v2 =	vld [tilespmem:s17+$0xFFFFF800]  }
0x1cd: {  	v5 =	vld [tilespmem:s17+$0x600]  }
0x1ce: {  	v7 =	vld [tilespmem:s17+$0x400]  }
0x1cf: {  	v4 =	vld [tilespmem:s17+$0xFFFFFE00]  }
0x1d0: {  	v6 =	vld [tilespmem:s17+$0xFFFFFA00]  }
0x1d1: {  	v9 =	vld [tilespmem:s17+$0xFFFFFC00]  }
0x1d2: {  	v10 =	vimm.f32 $-Inf  }
0x1d3: {  	v14 =	vimm.f32 $0.0e+00;
	v3 =	vld [tilespmem:s17+$0x200];
	v8 =	vmul.f32 $1.442695020e+00, v2;
	vm0 =	vgt.f32 v2, v10  }
0x1d4: {  	v2 =	vmax.f32 v10, v2;
	v10 =	vmul.f32 $1.442695020e+00, v4;
	v13 =	vmul.f32 $1.442695020e+00, v5  }
0x1d5: {  	v11 =	vimm.s32 $0x0;
	v12 =	vld [tilespmem:s17+$0x0];
	v16 =	vmul.f32 $1.442695020e+00, v7;
	v17 =	vmul.f32 $1.442695020e+00, v6  }
0x1d6: {  	s25 =	simm.s32 $0x0;
	v18 =	vmul.f32 $1.442695020e+00, v9;
	v15 =	vmax.f32 v2, v6;
	(erf) = vpow2.f32 v8  }
0x1d7: {  	s17 =	sadd.s32 $0x1000, s17;
	v11 =	vsel vm0, s25, v11;
	vm0 =	vgt.f32 v6, v2;
	(erf) = vpow2.f32 v13  }
0x1d8: {  	s26 =	simm.s32 $0x1;
	v8 =	vmul.f32 $1.442695020e+00, v3;
	v19 =	vmax.f32 v15, v9;
	(erf) = vpow2.f32 v18;
	v18 =	vld [tilespmem:s17+$0xFFFFF800]  }
0x1d9: {  	v11 =	vsel vm0, s26, v11;
	vm2 =	vgt.f32 v9, v15;
	v13 =	vmax.f32 v19, v4  }
0x1da: {  	s29 =	simm.s32 $0x2;
	vm0 =	vgt.f32 v4, v19;
	v4 =	vmul.f32 $1.442695020e+00, v12;
	(erf) = vpow2.f32 v10  }
0x1db: {  	s22 =	simm.s32 $0x3;
	v21 =	vld [tilespmem:s17+$0xFFFFFA00];
	v9 =	vsel vm2, s29, v11;
	v6 =	vmax.f32 v13, v12;
	(erf) = vpow2.f32 v8  }
0x1dc: {  	v2 =	vld [tilespmem:s17+$0x600];
	v9 =	vsel vm0, s22, v9;
	v10 =	vmax.f32 v6, v3;
	(erf) = vpow2.f32 v4  }
0x1dd: {  	vm1 =	vgt.f32 v3, v6;
	v6 =	vld [tilespmem:s17+$0xFFFFFE00];
	v8 =	vmax.f32 v10, v7;
	v15 =	vmul.f32 $1.442695020e+00, v18  }
0x1de: {  	s23 =	simm.s32 $0x4;
	vm15 =	vgt.f32 v12, v13;
	v3 =	vld [tilespmem:s17+$0x200];
	vm2 =	vgt.f32 v7, v10;
	v11 =	vmax.f32 v8, v5  }
0x1df: {  	s25 =	simm.s32 $0x5;
	v7 =	vld [tilespmem:s17+$0xFFFFFC00];
	vm3 =	vgt.f32 v5, v8;
	v5 =	vsel vm15, s23, v9;
	v10 =	vpop (erf);
	(erf) = vpow2.f32 v15  }
0x1e0: {  	s26 =	simm.s32 $0x6;
	v4 =	vld [tilespmem:s17+$0x400];
	v12 =	vsel vm1, s25, v5;
	vm0 =	vgt.f32 v18, v11;
	v8 =	vpop (erf);
	(erf) = vpow2.f32 v17  }
0x1e1: {  	s29 =	simm.s32 $0x7;
	v5 =	vld [tilespmem:s17+$0x0];
	v24 =	vmax.f32 v11, v18;
	v18 =	vmul.f32 $1.442695020e+00, v2;
	v11 =	vsel vm2, s26, v12;
	[tilespmem:s24+$0xFFFFFFC0] =	vst v10  }
0x1e2: {  	v20 =	vmul.f32 $1.442695020e+00, v6;
	v23 =	vsel vm3, s29, v11;
	v19 =	vmax.f32 v24, v21;
	[tilespmem:s24+$0x30] =	vst v8;
	v13 =	vpop (erf)  }
0x1e3: {  	s22 =	simm.s32 $0x8;
	vm15 =	vgt.f32 v21, v24;
	v15 =	vmul.f32 $1.442695020e+00, v3;
	(erf) = vpow2.f32 v16;
	[tilespmem:s24+$0xFFFFFFE0] =	vst v13;
	v12 =	vpop (erf)  }
0x1e4: {  	v25 =	vmul.f32 $1.442695020e+00, v7;
	v22 =	vmax.f32 v19, v7;
	v23 =	vsel vm0, s22, v23;
	[tilespmem:s24+$0xFFFFFFF0] =	vst v12;
	v11 =	vpop (erf)  }
0x1e5: {  	s28 =	simm.s32 $0x9;
	s21 =	sshll.u32 s20, $0x4;
	s23 =	smov.u32 s24;
	v9 =	vmul.f32 $1.442695020e+00, v4;
	(erf) = vpow2.f32 v18;
	v18 =	vmax.f32 v22, v6;
	[tilespmem:s24+$0x10] =	vst v11;
	v17 =	vpop (erf)  }
0x1e6: {  	s25 =	simm.s32 $0x10;
	s26 =	sadd.s32 $0x1000, s17;
	s17 =	smov.u32 s24;
	v16 =	vmul.f32 $1.442695020e+00, v21;
	v21 =	vmax.f32 v18, v5;
	(erf) = vpow2.f32 v25;
	[tilespmem:s24+$0x0] =	vst v17  }
.LBB2_3:
0x1e7: {  	p0 =	slt.u32 s25, $0x38  }
0x1e8: {  	v24 =	vld [tilespmem:s26+$0xFFFFF800];
	v23 =	vsel vm15, s28, v23;
	vm2 =	vgt.f32 v6, v22;
	v6 =	vpop (erf);
	(erf) = vpow2.f32 v20;
	s23 =	sadd.s32 $0x80, s23;
	s28 =	smov.u32 s25;
	s25 =	sadd.s32 $0x8, s25  }
0x1e9: {  	v22 =	vmul.f32 $1.442695020e+00, v5;
	vm0 =	vgt.f32 v3, v21;
	v20 =	vld [tilespmem:s26+$0x600];
	[tilespmem:s23+$0xFFFFFFC0] =	vst v6;
	v14 =	vadd.f32 v10, v14;
	v25 =	vpop (erf)  }
0x1ea: {  	vm1 =	vgt.f32 v7, v19;
	v7 =	vmax.f32 v21, v3;
	v10 =	vmovc v6;
	v26 =	vld [tilespmem:s26+$0x400];
	(erf) = vpow2.f32 v15;
	[tilespmem:s17+$0xFFFFFFD0] =	vst v25  }
0x1eb: {  	s29 =	sadd.s32 $0x2, s22;
	v15 =	vmax.f32 v7, v4;
	v3 =	vld [tilespmem:s26+$0x200];
	(erf) = vpow2.f32 v22;
	v14 =	vadd.f32 v25, v14  }
0x1ec: {  	v19 =	vsel vm1, s29, v23;
	vm1 =	vgt.f32 v4, v7;
	v21 =	vmax.f32 v15, v2;
	v6 =	vld [tilespmem:s26+$0xFFFFFE00];
	v23 =	vpop (erf)  }
0x1ed: {  	s29 =	sadd.s32 $0x3, s22;
	v22 =	vmul.f32 $1.442695020e+00, v24;
	vm15 =	vgt.f32 v24, v21;
	v7 =	vld [tilespmem:s26+$0xFFFFFC00];
	v27 =	vadd.f32 v13, v14;
	[tilespmem:s17+$0x20] =	vst v23;
	s17 =	smov.u32 s23  }
0x1ee: {  	vm3 =	vgt.f32 v2, v15;
	v14 =	vsel vm2, s29, v19;
	vm2 =	vgt.f32 v5, v18;
	s29 =	sadd.s32 $0x4, s22;
	v5 =	vld [tilespmem:s26+$0x0];
	v25 =	vpop (erf)  }
0x1ef: {  	v14 =	vsel vm2, s29, v14;
	s29 =	sadd.s32 $0x5, s22;
	v2 =	vmovc v20;
	v18 =	vld [tilespmem:s26+$0xFFFFFA00];
	(erf) = vpow2.f32 v22;
	[tilespmem:s23+$0x30] =	vst v25;
	v19 =	vadd.f32 v12, v27;
	v4 =	vmovc v26  }
0x1f0: {  	v14 =	vsel vm0, s29, v14;
	v15 =	vmul.f32 $1.442695020e+00, v3;
	(erf) = vpow2.f32 v16;
	v13 =	vpop (erf)  }
0x1f1: {  	v21 =	vmax.f32 v21, v24;
	s29 =	sadd.s32 $0x6, s22;
	v20 =	vmul.f32 $1.442695020e+00, v6;
	[tilespmem:s23+$0xFFFFFFE0] =	vst v13;
	v12 =	vpop (erf);
	v16 =	vadd.f32 v17, v19  }
0x1f2: {  	v26 =	vmul.f32 $1.442695020e+00, v2;
	v24 =	vmul.f32 $1.442695020e+00, v4;
	v14 =	vsel vm1, s29, v14;
	s29 =	sadd.s32 $0x7, s22;
	s22 =	smov.u32 s28;
	[tilespmem:s23+$0xFFFFFFF0] =	vst v12  }
.Ltmp0:
0x1f3: {  	v14 =	vsel vm3, s29, v14;
	(erf) = vpow2.f32 v9;
	v28 =	vadd.f32 v11, v16;
	v11 =	vpop (erf);
	(pc) =	sbr.rel @p0 .LBB2_3-.Ltmp0, $4  }
0x1f4: {  	v27 =	vmul.f32 $1.442695020e+00, v7;
	v16 =	vmul.f32 $1.442695020e+00, v18;
	v19 =	vmax.f32 v21, v18;
	[tilespmem:s23+$0x10] =	vst v11;
	v17 =	vpop (erf)  }
0x1f5: {  	v9 =	vmovc v24;
	v22 =	vmax.f32 v19, v7;
	(erf) = vpow2.f32 v26;
	[tilespmem:s23+$0x0] =	vst v17;
	v26 =	vadd.f32 v23, v28  }
0x1f6: {  	v23 =	vsel vm15, s22, v14;
	vm15 =	vgt.f32 v18, v21;
	v18 =	vmax.f32 v22, v6  }
0x1f7: {  	s26 =	sadd.s32 $0x1000, s26;
	s28 =	sadd.s32 $0x1, s22;
	v21 =	vmax.f32 v18, v5;
	(erf) = vpow2.f32 v27;
	v14 =	vadd.f32 v8, v26;
	v8 =	vmovc v25  }
0x1f8: {  	_ = 	snop  }
0x1f9: {  	v24 =	vpop (erf);
	v10 =	vadd.f32 v10, v14  }
0x1fa: {  	v47 =	vpop (erf)  }
0x1fb: {  	v10 =	vadd.f32 v47, v10;
	_ =	sdelay $0x1  }
0x1fc: {  	v10 =	vadd.f32 v13, v10  }
0x1fd: {  	(erf) = vpow2.f32 v20;
	v48 =	vmul.f32 $1.442695020e+00, v5  }
0x1fe: {  	(erf) = vpow2.f32 v15;
	v10 =	vadd.f32 v12, v10  }
0x1ff: {  	(erf) = vpow2.f32 v48  }
0x200: {  	(erf) = vpow2.f32 v16;
	v10 =	vadd.f32 v17, v10;
	_ =	sdelay $0x1  }
0x201: {  	v10 =	vadd.f32 v11, v10  }
0x202: {  	v49 =	vpop (erf)  }
0x203: {  	v50 =	vpop (erf);
	v10 =	vadd.f32 v49, v10  }
0x204: {  	v51 =	vpop (erf)  }
0x205: {  	v52 =	vpop (erf);
	v8 =	vadd.f32 v8, v10  }
0x206: {  	v53 =	vpop (erf)  }
0x207: {  	v54 =	vpop (erf);
	v8 =	vadd.f32 v24, v8  }
0x208: {  	v55 =	vpop (erf)  }
0x209: {  	(erf) = vpow2.f32 v9;
	v8 =	vadd.f32 v55, v8  }
0x20a: {  	s23 =	sadd.s32 $0x80, s23  }
0x20b: {  	[tilespmem:s23+$0xFFFFFFC0] =	vst v24;
	v8 =	vadd.f32 v51, v8  }
0x20c: {  	[tilespmem:s17+$0xFFFFFFD0] =	vst v47  }
0x20d: {  	v56 =	vsel vm15, s28, v23;
	vm0 =	vgt.f32 v7, v19;
	s25 =	sadd.s32 $0x2, s22;
	[tilespmem:s17+$0x20] =	vst v49;
	v8 =	vadd.f32 v52, v8  }
0x20e: {  	vm1 =	vgt.f32 v6, v22;
	v58 =	vmax.f32 v21, v3;
	s29 =	sadd.s32 $0x3, s22;
	v59 =	vsel vm0, s25, v56;
	[tilespmem:s23+$0x30] =	vst v50  }
0x20f: {  	vm0 =	vgt.f32 v5, v18;
	s25 =	sadd.s32 $0x4, s22;
	[tilespmem:s23+$0xFFFFFFE0] =	vst v51;
	v57 =	vadd.f32 v54, v8;
	v8 =	vsel vm1, s29, v59  }
0x210: {  	s26 =	sadd.s32 $0x5, s22;
	[tilespmem:s23+$0xFFFFFFF0] =	vst v52;
	vm1 =	vgt.f32 v3, v21;
	v3 =	vmax.f32 v58, v4;
	v61 =	vsel vm0, s25, v8  }
0x211: {  	s28 =	sadd.s32 $0x6, s22;
	[tilespmem:s23+$0x10] =	vst v53;
	vm0 =	vgt.f32 v4, v58;
	v60 =	vadd.f32 v53, v57;
	v63 =	vsel vm1, s26, v61  }
0x212: {  	s20 =	sadd.s32 $0x1, s20;
	[tilespmem:s23+$0x0] =	vst v54;
	v62 =	vpop (erf);
	s29 =	sadd.s32 $0x7, s22;
	vm1 =	vgt.f32 v2, v3;
	v4 =	vsel vm0, s28, v63  }
0x213: {  	p0 =	sne.s32 s20, $0x20;
	[tilespmem:s23+$0xFFFFFFD0] =	vst v55;
	v5 =	vadd.f32 v62, v60;
	v4 =	vsel vm1, s29, v4  }
.Ltmp1:
0x214: {  	[tilespmem:s23+$0x20] =	vst v62;
	v2 =	vmax.f32 v3, v2;
	(pc) =	sbr.rel @p0 .LBB2_2-.Ltmp1, $4  }
0x215: {  	[tilespmem:s21+$0x10B00] =	vst v2;
	v5 =	vadd.f32 v50, v5  }
0x216: {  	[tilespmem:s21+$0x10480] =	vst v4  }
0x217: {  	[tilespmem:s21+$0x10900] =	vst v5  }
0x218: {  	s19 =	sadd.s32 $0x10, s19;
	s18 =	sadd.s32 $0x1, s18;
	s24 =	sadd.s32 $0x400, s24;
	[tilespmem:v4+s13+$0x0] =	vst.idx.add.f32.msk $0xffff, v1  }
0x219: {  	s17 =	simm.s32 $0x10920  }
0x21a: {  	v2 =	vld [tilespmem:s17+$0xFFFFFFE0]  }
0x21b: {  	v3 =	vld [tilespmem:s17+$0x0];
	_ =	sdelay $0x1  }
0x21c: {  	v4 =	vld [tilespmem:s17+$0xFFFFFFF0];
	_ =	sdelay $0x1  }
0x21d: {  	(erf) = vrcp.f32 v2  }
0x21e: {  	s26 =	simm.s32 $0x10960;
	v2 =	vld [tilespmem:s17+$0x10];
	(erf) = vrcp.f32 v3  }
0x21f: {  	v3 =	vld [tilespmem:s26+$0xFFFFFFE0]  }
0x220: {  	(erf) = vrcp.f32 v4;
	v4 =	vld [tilespmem:s26+$0x0];
	_ =	sdelay $0x1  }
0x221: {  	v5 =	vld [tilespmem:s26+$0xFFFFFFF0]  }
0x222: {  	s28 =	simm.s32 $0x109A0;
	(erf) = vrcp.f32 v2  }
0x223: {  	v7 =	vld [tilespmem:s28+$0xFFFFFFE0];
	(erf) = vrcp.f32 v3  }
0x224: {  	v9 =	vld [tilespmem:s28+$0xFFFFFFF0];
	(erf) = vrcp.f32 v4  }
0x225: {  	v2 =	vld [tilespmem:s26+$0x10];
	v3 =	vpop (erf)  }
0x226: {  	s18 =	simm.s32 $0x10D20;
	v10 =	vld [tilespmem:s28+$0x0];
	(erf) = vrcp.f32 v5;
	v12 =	vpop (erf)  }
0x227: {  	s19 =	simm.s32 $0x10B20;
	v14 =	vld [tilespmem:s28+$0x10];
	[tilespmem:s18+$0x0] =	vst v12  }
0x228: {  	[tilespmem:s18+$0xFFFFFFE0] =	vst v3;
	v8 =	vpop (erf);
	v11 =	vld [tilespmem:s19+$0x0]  }
0x229: {  	v4 =	vld [tilespmem:s19+$0xFFFFFFE0];
	[tilespmem:s18+$0xFFFFFFF0] =	vst v8  }
0x22a: {  	s29 =	simm.s32 $0x109E0;
	(erf) = vrcp.f32 v2;
	v13 =	vld [tilespmem:s19+$0xFFFFFFF0]  }
0x22b: {  	v15 =	vld [tilespmem:s29+$0xFFFFFFE0];
	(erf) = vrcp.f32 v7;
	v6 =	vpop (erf)  }
0x22c: {  	v17 =	vld [tilespmem:s29+$0xFFFFFFF0];
	v5 =	vpop (erf)  }
0x22d: {  	s20 =	simm.s32 $0x10D60;
	v18 =	vld [tilespmem:s29+$0x0];
	(erf) = vrcp.f32 v10;
	[tilespmem:s18+$0x10] =	vst v6;
	v10 =	vpop (erf);
	v7 =	vmul.f32 $1.442695020e+00, v11  }
0x22e: {  	s21 =	simm.s32 $0x10B60;
	v4 =	vmul.f32 $1.442695020e+00, v4;
	(erf) = vrcp.f32 v9;
	v11 =	vld [tilespmem:s19+$0x10];
	[tilespmem:s20+$0x0] =	vst v10  }
0x22f: {  	v2 =	vpop (erf);
	v19 =	vld [tilespmem:s21+$0x0];
	(erf) = vpow2.f32 v7;
	v7 =	vmul.f32 $1.442695020e+00, v13  }
0x230: {  	v21 =	vld [tilespmem:s29+$0x10];
	[tilespmem:s20+$0xFFFFFFE0] =	vst v5;
	(erf) = vpow2.f32 v4  }
0x231: {  	s23 =	simm.s32 $0x10A20;
	v9 =	vld [tilespmem:s21+$0xFFFFFFE0];
	(erf) = vrcp.f32 v14  }
0x232: {  	v16 =	vld [tilespmem:s23+$0xFFFFFFF0];
	[tilespmem:s20+$0xFFFFFFF0] =	vst v2;
	(erf) = vpow2.f32 v7  }
0x233: {  	v14 =	vld [tilespmem:s21+$0xFFFFFFF0];
	v11 =	vmul.f32 $1.442695020e+00, v11;
	v7 =	vpop (erf);
	(erf) = vrcp.f32 v15  }
0x234: {  	s19 =	simm.s32 $0x10DA0;
	v13 =	vld [tilespmem:s23+$0xFFFFFFE0];
	v15 =	vmul.f32 $1.442695020e+00, v19;
	(erf) = vrcp.f32 v18;
	v4 =	vpop (erf);
	[tilespmem:s20+$0x10] =	vst v7  }
0x235: {  	s18 =	simm.s32 $0x10BA0;
	[tilespmem:s19+$0xFFFFFFE0] =	vst v4;
	v22 =	vld [tilespmem:s21+$0x10];
	(erf) = vpow2.f32 v11  }
0x236: {  	v23 =	vmul.f32 $1.442695020e+00, v9;
	v9 =	vpop (erf);
	(erf) = vrcp.f32 v17;
	v19 =	vld [tilespmem:s18+$0xFFFFFFE0]  }
0x237: {  	v20 =	vld [tilespmem:s23+$0x0];
	v11 =	vpop (erf);
	(erf) = vpow2.f32 v15  }
0x238: {  	[tilespmem:s19+$0x0] =	vst v9;
	v24 =	vmul.f32 $1.442695020e+00, v14;
	v17 =	vld [tilespmem:s23+$0x10];
	(erf) = vpow2.f32 v23;
	v15 =	vpop (erf)  }
0x239: {  	s22 =	simm.s32 $0x10;
	s17 =	simm.s32 $0x106A0;
	[tilespmem:s19+$0xFFFFFFF0] =	vst v11;
	v18 =	vld [tilespmem:s18+$0x0];
	(erf) = vrcp.f32 v21;
	v15 =	vmul.f32 v15, v12;
	v21 =	vpop (erf)  }
0x23a: {  	s20 =	simm.s32 $0x10DE0;
	s21 =	simm.s32 $0x10BA0;
	s23 =	simm.s32 $0x10A60;
	v14 =	vld [tilespmem:s18+$0xFFFFFFF0];
	v12 =	vpop (erf);
	v22 =	vmul.f32 $1.442695020e+00, v22;
	(erf) = vpow2.f32 v24  }
.LBB2_6:
0x23b: {  	(erf) = vrcp.f32 v13;
	v23 =	vmul.f32 $1.442695020e+00, v19;
	[tilespmem:s17+$0x0] =	vst v15;
	v15 =	vpop (erf)  }
0x23c: {  	s22 =	sadd.s32 $0x4, s22;
	v13 =	vld [tilespmem:s23+$0xFFFFFFE0];
	v24 =	vmovc v9;
	v25 =	vmovc v11;
	v26 =	vmov v6;
	v6 =	vmov v7;
	v7 =	vmov v12;
	s24 =	smov.u32 s17;
	s17 =	sadd.s32 $0x40, s17  }
0x23d: {  	s18 =	sadd.s32 $0x40, s18;
	v21 =	vmul.f32 v21, v3;
	v3 =	vmov v5;
	v12 =	vld [tilespmem:s23+$0xFFFFFFF0];
	p0 =	slt.u32 s22, $0x1C;
	(erf) = vrcp.f32 v20;
	v11 =	vpop (erf);
	[tilespmem:s19+$0x10] =	vst v7;
	s19 =	smov.u32 s20  }
0x23e: {  	v5 =	vmov v4;
	[tilespmem:s20+$0xFFFFFFE0] =	vst v11;
	v9 =	vpop (erf);
	v18 =	vmul.f32 $1.442695020e+00, v18;
	v27 =	vld [tilespmem:s21+$0x10];
	s21 =	smov.u32 s18;
	(erf) = vpow2.f32 v22  }
.Ltmp2:
0x23f: {  	v28 =	vmul.f32 v15, v8;
	v4 =	vmov v11;
	(erf) = vrcp.f32 v16;
	v19 =	vld [tilespmem:s18+$0xFFFFFFE0];
	[tilespmem:s20+$0x0] =	vst v9;
	v8 =	vpop (erf);
	(pc) =	sbr.rel @p0 .LBB2_6-.Ltmp2, $4  }
0x240: {  	v20 =	vld [tilespmem:s23+$0x0];
	v11 =	vpop (erf);
	(erf) = vpow2.f32 v18;
	[tilespmem:s24+$0xFFFFFFE0] =	vst v21;
	v22 =	vmul.f32 v8, v26;
	v8 =	vmov v2  }
0x241: {  	v26 =	vmul.f32 $1.442695020e+00, v14;
	v2 =	vmov v25;
	[tilespmem:s20+$0xFFFFFFF0] =	vst v11;
	v18 =	vld [tilespmem:s18+$0x0];
	(erf) = vpow2.f32 v23;
	v15 =	vpop (erf)  }
0x242: {  	v16 =	vmov v12;
	(erf) = vrcp.f32 v17;
	v14 =	vld [tilespmem:s18+$0xFFFFFFF0];
	v15 =	vmul.f32 v15, v10;
	v21 =	vpop (erf);
	[tilespmem:s24+$0x10] =	vst v22  }
0x243: {  	s20 =	sadd.s32 $0x40, s20;
	v22 =	vmul.f32 $1.442695020e+00, v27;
	v10 =	vmov v24;
	v17 =	vld [tilespmem:s23+$0x10];
	s23 =	sadd.s32 $0x40, s23;
	v12 =	vpop (erf);
	(erf) = vpow2.f32 v26;
	[tilespmem:s24+$0xFFFFFFF0] =	vst v28  }
0x244: {  	(erf) = vrcp.f32 v13;
	v35 =	vpop (erf)  }
0x245: {  	(erf) = vrcp.f32 v20;
	v36 =	vpop (erf)  }
0x246: {  	v23 =	vpop (erf);
	v18 =	vmul.f32 $1.442695020e+00, v18;
	(erf) = vpow2.f32 v22  }
0x247: {  	v19 =	vmul.f32 $1.442695020e+00, v19;
	(erf) = vrcp.f32 v16;
	v37 =	vpop (erf)  }
0x248: {  	v38 =	vpop (erf);
	(erf) = vpow2.f32 v18  }
0x249: {  	[tilespmem:s19+$0x10] =	vst v12;
	(erf) = vpow2.f32 v19;
	v39 =	vpop (erf)  }
0x24a: {  	s18 =	sadd.s32 $0x40, s18;
	v24 =	vld [tilespmem:s21+$0x10];
	[tilespmem:s20+$0xFFFFFFE0] =	vst v36;
	(erf) = vrcp.f32 v17;
	v40 =	vpop (erf)  }
0x24b: {  	[tilespmem:s20+$0x0] =	vst v23;
	v42 =	vld [tilespmem:s18+$0xFFFFFFE0];
	v41 =	vpop (erf)  }
0x24c: {  	v26 =	vld [tilespmem:s18+$0x0];
	v25 =	vpop (erf)  }
0x24d: {  	v3 =	vmul.f32 v21, v3;
	[tilespmem:s20+$0xFFFFFFF0] =	vst v38;
	v27 =	vpop (erf)  }
0x24e: {  	s23 =	sadd.s32 $0x40, s20;
	v8 =	vmul.f32 v35, v8;
	v14 =	vmul.f32 $1.442695020e+00, v14;
	v44 =	vld [tilespmem:s18+$0xFFFFFFF0];
	[tilespmem:s20+$0x10] =	vst v41;
	v28 =	vpop (erf)  }
0x24f: {  	s24 =	sadd.s32 $0x40, s18;
	v6 =	vmul.f32 v37, v6;
	v10 =	vmul.f32 v39, v10;
	v46 =	vld [tilespmem:s18+$0x10];
	v43 =	vpop (erf);
	[tilespmem:s23+$0x0] =	vst v28  }
0x250: {  	v45 =	vmul.f32 $1.442695020e+00, v24;
	v21 =	vmul.f32 $1.442695020e+00, v42;
	[tilespmem:s23+$0xFFFFFFE0] =	vst v27;
	v29 =	vpop (erf);
	v48 =	vld [tilespmem:s24+$0x0]  }
0x251: {  	v47 =	vmul.f32 $1.442695020e+00, v26;
	(erf) = vpow2.f32 v14;
	v49 =	vld [tilespmem:s24+$0xFFFFFFE0];
	v30 =	vpop (erf);
	[tilespmem:s23+$0xFFFFFFF0] =	vst v29  }
0x252: {  	v2 =	vmul.f32 v25, v2;
	(erf) = vpow2.f32 v45;
	v31 =	vpop (erf);
	v51 =	vld [tilespmem:s24+$0xFFFFFFF0]  }
0x253: {  	v52 =	vmul.f32 $1.442695020e+00, v44;
	(erf) = vpow2.f32 v47;
	v50 =	vpop (erf)  }
0x254: {  	(erf) = vpow2.f32 v21;
	v54 =	vmul.f32 $1.442695020e+00, v46;
	[tilespmem:s23+$0x10] =	vst v50  }
0x255: {  	[tilespmem:s17+$0xFFFFFFE0] =	vst v3;
	(erf) = vpow2.f32 v52;
	v53 =	vld [tilespmem:s24+$0x10];
	v3 =	vmul.f32 $1.442695020e+00, v48  }
0x256: {  	[tilespmem:s17+$0x0] =	vst v15;
	(erf) = vpow2.f32 v54;
	v55 =	vmul.f32 $1.442695020e+00, v49  }
0x257: {  	[tilespmem:s17+$0xFFFFFFF0] =	vst v8;
	(erf) = vpow2.f32 v3;
	v3 =	vmul.f32 $1.442695020e+00, v51  }
0x258: {  	s25 =	sadd.s32 $0x40, s17;
	[tilespmem:s17+$0x10] =	vst v6;
	v5 =	vmul.f32 v40, v5;
	(erf) = vpow2.f32 v55  }
0x259: {  	[tilespmem:s25+$0xFFFFFFF0] =	vst v2;
	v2 =	vmul.f32 v31, v4;
	(erf) = vpow2.f32 v3  }
0x25a: {  	[tilespmem:s25+$0x0] =	vst v10;
	v57 =	vpop (erf);
	v3 =	vmul.f32 v30, v9;
	v56 =	vmul.f32 $1.442695020e+00, v53  }
0x25b: {  	s26 =	sadd.s32 $0x40, s25;
	[tilespmem:s25+$0xFFFFFFE0] =	vst v5;
	v7 =	vmul.f32 v43, v7;
	v58 =	vpop (erf)  }
0x25c: {  	[tilespmem:s26+$0x0] =	vst v3;
	v3 =	vmul.f32 v58, v12;
	(erf) = vpow2.f32 v56  }
0x25d: {  	[tilespmem:s25+$0x10] =	vst v7;
	v5 =	vmul.f32 v57, v11;
	v59 =	vpop (erf)  }
0x25e: {  	[tilespmem:s26+$0xFFFFFFE0] =	vst v2;
	v2 =	vpop (erf)  }
0x25f: {  	v4 =	vmul.f32 v59, v23;
	[tilespmem:s26+$0xFFFFFFF0] =	vst v5;
	v2 =	vmul.f32 v2, v36  }
0x260: {  	s28 =	sadd.s32 $0x40, s26;
	[tilespmem:s26+$0x10] =	vst v3;
	v3 =	vpop (erf)  }
0x261: {  	[tilespmem:s28+$0x0] =	vst v4;
	v60 =	vpop (erf);
	v3 =	vmul.f32 v3, v38  }
0x262: {  	[tilespmem:s28+$0xFFFFFFE0] =	vst v2;
	v61 =	vmul.f32 v60, v41;
	v62 =	vpop (erf)  }
0x263: {  	v2 =	vpop (erf);
	v5 =	vmul.f32 v62, v28;
	[tilespmem:s28+$0xFFFFFFF0] =	vst v3  }
0x264: {  	s29 =	sadd.s32 $0x40, s28;
	[tilespmem:s28+$0x10] =	vst v61;
	v63 =	vpop (erf);
	v2 =	vmul.f32 v2, v27  }
0x265: {  	[tilespmem:s29+$0x0] =	vst v5;
	v4 =	vmul.f32 v63, v29;
	v3 =	vpop (erf)  }
0x266: {  	[tilespmem:s29+$0xFFFFFFE0] =	vst v2;
	v3 =	vmul.f32 v3, v50  }
0x267: {  	[tilespmem:s29+$0xFFFFFFF0] =	vst v4  }
0x268: {  	s17 =	simm.s32 $0x8040;
	s18 =	simm.s32 $0x0;
	[tilespmem:s29+$0x10] =	vst v3  }
.LBB2_8:
0x269: {  	v3 =	vld [tilespmem:s17+$0x30]  }
0x26a: {  	v4 =	vld [tilespmem:s17+$0xFFFFFFD0]  }
0x26b: {  	v6 =	vld [tilespmem:s17+$0xFFFFFFE0]  }
0x26c: {  	v9 =	vld [tilespmem:s17+$0xFFFFFFF0]  }
0x26d: {  	v12 =	vld [tilespmem:s17+$0x0]  }
0x26e: {  	s19 =	sshll.u32 s18, $0x4;
	v13 =	vld [tilespmem:s17+$0x10]  }
0x26f: {  	v14 =	vld [tilespmem:s17+$0x20];
	s19 =	sand.u32 $0x3FFFFFF0, s19  }
0x270: {  	v2 =	vld [tilespmem:s19+$0x10D00]  }
0x271: {  	v11 =	vld [tilespmem:s17+$0xFFFFFFC0];
	s19 =	simm.s32 $0x10040  }
0x272: {  	v5 =	vld [tilespmem:s19+$0x30]  }
0x273: {  	v15 =	vld [tilespmem:s19+$0xFFFFFFC0]  }
0x274: {  	v16 =	vld [tilespmem:s19+$0xFFFFFFD0]  }
0x275: {  	v10 =	vld [tilespmem:s19+$0xFFFFFFE0];
	v3 =	vmul.f32 v3, v2  }
0x276: {  	v8 =	vld [tilespmem:s19+$0xFFFFFFF0];
	v17 =	vmul.f32 v4, v2;
	v7 =	vmul.f32 v6, v2  }
0x277: {  	v18 =	vmul.f32 v11, v2;
	v11 =	vld [tilespmem:s19+$0x0];
	v6 =	vmul.f32 v12, v2;
	v4 =	vadd.f32 v3, v5  }
0x278: {  	v5 =	vmul.f32 v9, v2;
	v3 =	vmul.f32 v13, v2;
	v9 =	vld [tilespmem:s19+$0x10]  }
0x279: {  	s20 =	simm.s32 $0x0;
	s21 =	sadd.s32 $0x80, s17;
	s22 =	simm.s32 $0x10040;
	v12 =	vld [tilespmem:s19+$0x20];
	v13 =	vadd.f32 v17, v16;
	[tilespmem:s19+$0x30] =	vst v4;
	v4 =	vmul.f32 v14, v2;
	v14 =	vadd.f32 v18, v15  }
.LBB2_9:
0x27a: {  	v15 =	vld [tilespmem:s21+$0x30];
	s20 =	sadd.s32 $0x8, s20;
	v7 =	vadd.f32 v7, v10  }
0x27b: {  	s22 =	sadd.s32 $0x80, s22;
	v10 =	vld [tilespmem:s21+$0xFFFFFFD0];
	p0 =	slt.u32 s20, $0x38;
	[tilespmem:s19+$0xFFFFFFC0] =	vst v14;
	v5 =	vadd.f32 v5, v8  }
0x27c: {  	v8 =	vld [tilespmem:s22+$0x30];
	[tilespmem:s19+$0xFFFFFFD0] =	vst v13;
	v6 =	vadd.f32 v6, v11  }
0x27d: {  	v11 =	vld [tilespmem:s21+$0xFFFFFFE0];
	[tilespmem:s19+$0xFFFFFFE0] =	vst v7;
	v3 =	vadd.f32 v3, v9  }
0x27e: {  	v9 =	vld [tilespmem:s21+$0xFFFFFFF0];
	[tilespmem:s19+$0xFFFFFFF0] =	vst v5;
	v4 =	vadd.f32 v4, v12  }
0x27f: {  	v12 =	vld [tilespmem:s21+$0x0];
	v5 =	vmul.f32 v15, v2;
	[tilespmem:s19+$0x0] =	vst v6  }
0x280: {  	v13 =	vmul.f32 v10, v2;
	v14 =	vld [tilespmem:s21+$0x10];
	[tilespmem:s19+$0x10] =	vst v3  }
0x281: {  	v15 =	vld [tilespmem:s21+$0x20];
	v3 =	vadd.f32 v5, v8;
	[tilespmem:s19+$0x20] =	vst v4;
	s19 =	smov.u32 s22  }
0x282: {  	v16 =	vld [tilespmem:s21+$0xFFFFFFC0];
	v7 =	vmul.f32 v11, v2  }
0x283: {  	v17 =	vld [tilespmem:s22+$0xFFFFFFC0];
	v5 =	vmul.f32 v9, v2;
	[tilespmem:s22+$0x30] =	vst v3  }
0x284: {  	v18 =	vld [tilespmem:s22+$0xFFFFFFD0];
	v6 =	vmul.f32 v12, v2  }
.Ltmp3:
0x285: {  	v10 =	vld [tilespmem:s22+$0xFFFFFFE0];
	v3 =	vmul.f32 v14, v2;
	(pc) =	sbr.rel @p0 .LBB2_9-.Ltmp3, $4  }
0x286: {  	v8 =	vld [tilespmem:s22+$0xFFFFFFF0];
	v4 =	vmul.f32 v15, v2  }
0x287: {  	v12 =	vmul.f32 v16, v2;
	v11 =	vld [tilespmem:s22+$0x0]  }
0x288: {  	v9 =	vld [tilespmem:s22+$0x10]  }
0x289: {  	s21 =	sadd.s32 $0x80, s21;
	v14 =	vadd.f32 v12, v17;
	v13 =	vadd.f32 v13, v18;
	v12 =	vld [tilespmem:s22+$0x20]  }
0x28a: {  	_ = 	snop  }
0x28b: {  	v2 =	vadd.f32 v7, v10;
	s18 =	sadd.s32 $0x1, s18;
	[tilespmem:s19+$0xFFFFFFC0] =	vst v14  }
0x28c: {  	v5 =	vadd.f32 v5, v8;
	[tilespmem:s19+$0xFFFFFFD0] =	vst v13;
	p0 =	sne.s32 s18, $0x20  }
.Ltmp4:
0x28d: {  	v6 =	vadd.f32 v6, v11;
	[tilespmem:s19+$0xFFFFFFE0] =	vst v2;
	(pc) =	sbr.rel @p0 .LBB2_8-.Ltmp4, $4  }
0x28e: {  	v2 =	vadd.f32 v3, v9;
	[tilespmem:s19+$0xFFFFFFF0] =	vst v5  }
0x28f: {  	v3 =	vadd.f32 v4, v12;
	[tilespmem:s19+$0x0] =	vst v6  }
0x290: {  	[tilespmem:s19+$0x10] =	vst v2  }
0x291: {  	s17 =	sadd.s32 $0x400, s17;
	[tilespmem:s19+$0x20] =	vst v3  }
0x292: {  	v2 =	vld [tilespmem:$0x10000]  }
0x293: {  	v3 =	vld [tilespmem:$0x10010]  }
0x294: {  	v4 =	vld [tilespmem:$0x10020]  }
0x295: {  	v5 =	vld [tilespmem:$0x10030]  }
0x296: {  	v6 =	vld [tilespmem:$0x10040]  }
0x297: {  	v35 =	vld [tilespmem:$0x10070]  }
0x298: {  	v36 =	vld [tilespmem:$0x10080]  }
0x299: {  	v37 =	vld [tilespmem:$0x10090]  }
0x29a: {  	v38 =	vld [tilespmem:$0x100C0]  }
0x29b: {  	(xrf2) =	vadd.scan.msk.f32 $0xffff, v2;
	v2 =	vld [tilespmem:$0x10050]  }
0x29c: {  	(xrf2) =	vadd.scan.msk.f32 $0xffff, v3;
	v3 =	vld [tilespmem:$0x10060]  }
0x29d: {  	v39 =	vld [tilespmem:$0x100D0];
	(xrf2) =	vadd.scan.msk.f32 $0xffff, v4  }
0x29e: {  	v40 =	vld [tilespmem:$0x100E0];
	(xrf2) =	vadd.scan.msk.f32 $0xffff, v5  }
0x29f: {  	v41 =	vld [tilespmem:$0x10110];
	(xrf2) =	vadd.scan.msk.f32 $0xffff, v6  }
0x2a0: {  	(xrf2) =	vadd.scan.msk.f32 $0xffff, v2;
	v2 =	vld [tilespmem:$0x100A0]  }
0x2a1: {  	(xrf2) =	vadd.scan.msk.f32 $0xffff, v3;
	v3 =	vld [tilespmem:$0x100B0]  }
0x2a2: {  	v42 =	vld [tilespmem:$0x10120];
	(xrf2) =	vadd.scan.msk.f32 $0xffff, v35  }
0x2a3: {  	v43 =	vld [tilespmem:$0x10130];
	(xrf2) =	vadd.scan.msk.f32 $0xffff, v36  }
0x2a4: {  	v44 =	vld [tilespmem:$0x10160];
	(xrf2) =	vadd.scan.msk.f32 $0xffff, v37  }
0x2a5: {  	v7, _, _ =	vpop (xrf2);
	(xrf2) =	vadd.scan.msk.f32 $0xffff, v2;
	v2 =	vld [tilespmem:$0x100F0]  }
0x2a6: {  	v8, _, _ =	vpop (xrf2);
	(xrf2) =	vadd.scan.msk.f32 $0xffff, v3;
	v3 =	vld [tilespmem:$0x10100]  }
0x2a7: {  	v45 =	vld [tilespmem:$0x10170];
	v9, _, _ =	vpop (xrf2);
	(xrf2) =	vadd.scan.msk.f32 $0xffff, v38  }
0x2a8: {  	v46 =	vld [tilespmem:$0x10180];
	v10, _, _ =	vpop (xrf2);
	(xrf2) =	vadd.scan.msk.f32 $0xffff, v39  }
0x2a9: {  	v19 =	vld [tilespmem:$0x101A0];
	v11, _, _ =	vpop (xrf2);
	(xrf2) =	vadd.scan.msk.f32 $0xffff, v40  }
0x2aa: {  	v12, _, _ =	vpop (xrf2);
	(xrf2) =	vadd.scan.msk.f32 $0xffff, v2;
	v2 =	vld [tilespmem:$0x10140]  }
0x2ab: {  	v13, _, _ =	vpop (xrf2);
	(xrf2) =	vadd.scan.msk.f32 $0xffff, v3;
	v3 =	vld [tilespmem:$0x10150]  }
0x2ac: {  	v47 =	vld [tilespmem:$0x101B0];
	v14, _, _ =	vpop (xrf2);
	(xrf2) =	vadd.scan.msk.f32 $0xffff, v41  }
0x2ad: {  	v48 =	vld [tilespmem:$0x101C0];
	v15, _, _ =	vpop (xrf2);
	(xrf2) =	vadd.scan.msk.f32 $0xffff, v42  }
0x2ae: {  	v49 =	vld [tilespmem:$0x101D0];
	v16, _, _ =	vpop (xrf2);
	(xrf2) =	vadd.scan.msk.f32 $0xffff, v43  }
0x2af: {  	v17, _, _ =	vpop (xrf2);
	(xrf2) =	vadd.scan.msk.f32 $0xffff, v2;
	v2 =	vld [tilespmem:$0x10190]  }
0x2b0: {  	v50 =	vld [tilespmem:$0x101F0];
	v18, _, _ =	vpop (xrf2);
	(xrf2) =	vadd.scan.msk.f32 $0xffff, v3  }
0x2b1: {  	v51 =	vld [tilespmem:$0x10200];
	v20, _, _ =	vpop (xrf2);
	(xrf2) =	vadd.scan.msk.f32 $0xffff, v44  }
0x2b2: {  	v52 =	vld [tilespmem:$0x10210];
	v21, _, _ =	vpop (xrf2);
	(xrf2) =	vadd.scan.msk.f32 $0xffff, v45  }
0x2b3: {  	v53 =	vld [tilespmem:$0x10220];
	v22, _, _ =	vpop (xrf2);
	(xrf2) =	vadd.scan.msk.f32 $0xffff, v46  }
0x2b4: {  	v3, _, _ =	vpop (xrf2);
	(xrf2) =	vadd.scan.msk.f32 $0xffff, v2;
	v2 =	vld [tilespmem:$0x101E0]  }
0x2b5: {  	v54 =	vld [tilespmem:$0x10240];
	v23, _, _ =	vpop (xrf2);
	(xrf2) =	vadd.scan.msk.f32 $0xffff, v19  }
0x2b6: {  	v31 =	vld [tilespmem:$0x1FFC0];
	v24, _, _ =	vpop (xrf2);
	(xrf2) =	vadd.scan.msk.f32 $0xffff, v47  }
0x2b7: {  	v59 =	vld [tilespmem:$0x1FFD0];
	v25, _, _ =	vpop (xrf2);
	(xrf2) =	vadd.scan.msk.f32 $0xffff, v48  }
0x2b8: {  	v61 =	vld [tilespmem:$0x1FFE0];
	v26, _, _ =	vpop (xrf2);
	(xrf2) =	vadd.scan.msk.f32 $0xffff, v49  }
0x2b9: {  	v27, _, _ =	vpop (xrf2);
	(xrf2) =	vadd.scan.msk.f32 $0xffff, v2;
	v2 =	vld [tilespmem:$0x10230]  }
0x2ba: {  	v33 =	vld [tilespmem:$0x1FFF0];
	v28, _, _ =	vpop (xrf2);
	(xrf2) =	vadd.scan.msk.f32 $0xffff, v50  }
0x2bb: {  	v55 =	vld [tilespmem:$0x10250];
	v7 =	vbroadcast v7, $0xF;
	v8 =	vbroadcast v8, $0xF;
	v29, _, _ =	vpop (xrf2);
	(xrf2) =	vadd.scan.msk.f32 $0xffff, v51  }
0x2bc: {  	v56 =	vld [tilespmem:$0x10260];
	vm0 =	vnez.u8 v31;
	v9 =	vbroadcast v9, $0xF;
	v30, _, _ =	vpop (xrf2);
	(xrf2) =	vadd.scan.msk.f32 $0xffff, v52  }
0x2bd: {  	v58 =	vld [tilespmem:$0x10270];
	vm1 =	vnez.u8 v59;
	v7 =	vsel vm0, v7, v8;
	v57 =	vbroadcast v10, $0xF;
	v10, _, _ =	vpop (xrf2);
	(xrf2) =	vadd.scan.msk.f32 $0xffff, v53  }
0x2be: {  	vm2 =	vnez.u8 v61;
	v7 =	vsel vm1, v7, v9;
	v60 =	vbroadcast v11, $0xF;
	v11, _, _ =	vpop (xrf2);
	(xrf2) =	vadd.scan.msk.f32 $0xffff, v2;
	v2 =	vld [tilespmem:$0x10280]  }
0x2bf: {  	v63 =	vld [tilespmem:$0x10290];
	vm3 =	vnez.u8 v33;
	v7 =	vsel vm2, v7, v57;
	v62 =	vbroadcast v12, $0xF;
	v12, _, _ =	vpop (xrf2);
	(xrf2) =	vadd.scan.msk.f32 $0xffff, v54  }
0x2c0: {  	v35 =	vld [tilespmem:$0x102A0];
	v7 =	vsel vm3, v7, v60;
	v34 =	vbroadcast v13, $0xF;
	v13, _, _ =	vpop (xrf2);
	(xrf2) =	vadd.scan.msk.f32 $0xffff, v55  }
0x2c1: {  	v37 =	vld [tilespmem:$0x102B0];
	v7 =	vsel vm4, v7, v62;
	v36 =	vbroadcast v14, $0xF;
	v14, _, _ =	vpop (xrf2);
	(xrf2) =	vadd.scan.msk.f32 $0xffff, v56  }
0x2c2: {  	v39 =	vld [tilespmem:$0x102C0];
	v7 =	vsel vm5, v7, v34;
	v38 =	vbroadcast v15, $0xF;
	v15, _, _ =	vpop (xrf2);
	(xrf2) =	vadd.scan.msk.f32 $0xffff, v58  }
0x2c3: {  	v41 =	vld [tilespmem:$0x102D0];
	v7 =	vsel vm6, v7, v36;
	v40 =	vbroadcast v16, $0xF;
	v16, _, _ =	vpop (xrf2);
	(xrf2) =	vadd.scan.msk.f32 $0xffff, v2  }
0x2c4: {  	v43 =	vld [tilespmem:$0x102E0];
	v7 =	vsel vm7, v7, v38;
	v42 =	vbroadcast v17, $0xF;
	v2, _, _ =	vpop (xrf2);
	(xrf2) =	vadd.scan.msk.f32 $0xffff, v63  }
0x2c5: {  	v7 =	vsel vm8, v7, v40;
	v18 =	vbroadcast v18, $0xF;
	v47 =	vld [tilespmem:$0x102F0];
	v46, _, _ =	vpop (xrf2);
	(xrf2) =	vadd.scan.msk.f32 $0xffff, v35  }
0x2c6: {  	v7 =	vsel vm9, v7, v42;
	v20 =	vbroadcast v20, $0xF;
	v21 =	vbroadcast v21, $0xF;
	v50 =	vld [tilespmem:$0x10300];
	v49, _, _ =	vpop (xrf2);
	(xrf2) =	vadd.scan.msk.f32 $0xffff, v37  }
0x2c7: {  	v7 =	vsel vm10, v7, v18;
	v44 =	vbroadcast v23, $0xF;
	v45 =	vbroadcast v24, $0xF;
	v53 =	vld [tilespmem:$0x10310];
	v52, _, _ =	vpop (xrf2);
	(xrf2) =	vadd.scan.msk.f32 $0xffff, v39  }
0x2c8: {  	v7 =	vsel vm11, v7, v20;
	v22 =	vbroadcast v22, $0xF;
	v48 =	vbroadcast v25, $0xF;
	v56 =	vld [tilespmem:$0x10320];
	v55, _, _ =	vpop (xrf2);
	(xrf2) =	vadd.scan.msk.f32 $0xffff, v41  }
0x2c9: {  	v59 =	vld [tilespmem:$0x10330];
	v7 =	vsel vm12, v7, v21;
	v8 =	vsel vm0, v44, v45;
	v51 =	vbroadcast v26, $0xF;
	v58, _, _ =	vpop (xrf2);
	(xrf2) =	vadd.scan.msk.f32 $0xffff, v43  }
0x2ca: {  	v62 =	vld [tilespmem:$0x10340];
	v7 =	vsel vm13, v7, v22;
	v8 =	vsel vm1, v8, v48;
	v54 =	vbroadcast v27, $0xF;
	v61, _, _ =	vpop (xrf2);
	(xrf2) =	vadd.scan.msk.f32 $0xffff, v47  }
0x2cb: {  	v33 =	vld [tilespmem:$0x10350];
	v3 =	vsel vm14, v7, v3;
	v57 =	vbroadcast v28, $0xF;
	v8 =	vsel vm2, v8, v51;
	v32, _, _ =	vpop (xrf2);
	(xrf2) =	vadd.scan.msk.f32 $0xffff, v50  }
0x2cc: {  	v36 =	vld [tilespmem:$0x10360];
	v60 =	vbroadcast v29, $0xF;
	v34 =	vbroadcast v10, $0xF;
	v8 =	vsel vm3, v8, v54;
	v35, _, _ =	vpop (xrf2);
	(xrf2) =	vadd.scan.msk.f32 $0xffff, v53  }
0x2cd: {  	v38 =	vld [tilespmem:$0x10370];
	v11 =	vbroadcast v11, $0xF;
	v8 =	vsel vm4, v8, v57;
	v63 =	vbroadcast v30, $0xF;
	v37, _, _ =	vpop (xrf2);
	(xrf2) =	vadd.scan.msk.f32 $0xffff, v56  }
0x2ce: {  	v8 =	vsel vm5, v8, v60;
	v15 =	vbroadcast v15, $0xF;
	v26 =	vbroadcast v16, $0xF;
	v41 =	vld [tilespmem:$0x10380];
	v40, _, _ =	vpop (xrf2);
	(xrf2) =	vadd.scan.msk.f32 $0xffff, v59  }
0x2cf: {  	v45 =	vld [tilespmem:$0x10390];
	v8 =	vsel vm6, v8, v63;
	v46 =	vbroadcast v46, $0xF;
	v39 =	vbroadcast v12, $0xF;
	v44, _, _ =	vpop (xrf2);
	(xrf2) =	vadd.scan.msk.f32 $0xffff, v62  }
0x2d0: {  	v8 =	vsel vm7, v8, v34;
	v51 =	vbroadcast v52, $0xF;
	v47 =	vbroadcast v49, $0xF;
	v49 =	vld [tilespmem:$0x103A0];
	v48, _, _ =	vpop (xrf2);
	(xrf2) =	vadd.scan.msk.f32 $0xffff, v33  }
0x2d1: {  	v42 =	vsel vm8, v8, v11;
	v43 =	vbroadcast v13, $0xF;
	v54 =	vbroadcast v55, $0xF;
	v53 =	vld [tilespmem:$0x103B0];
	v52, _, _ =	vpop (xrf2);
	(xrf2) =	vadd.scan.msk.f32 $0xffff, v36  }
0x2d2: {  	v7 =	vsel vm9, v42, v39;
	v58 =	vbroadcast v58, $0xF;
	v50 =	vbroadcast v14, $0xF;
	v56 =	vld [tilespmem:$0x103C0];
	v55, _, _ =	vpop (xrf2);
	(xrf2) =	vadd.scan.msk.f32 $0xffff, v38  }
0x2d3: {  	v60 =	vld [tilespmem:$0x103D0];
	v7 =	vsel vm10, v7, v43;
	v61 =	vbroadcast v61, $0xF;
	v9 =	vsel vm0, v46, v47;
	v59, _, _ =	vpop (xrf2);
	(xrf2) =	vadd.scan.msk.f32 $0xffff, v41  }
0x2d4: {  	v63 =	vld [tilespmem:$0x103E0];
	v27 =	vbroadcast v32, $0xF;
	v7 =	vsel vm11, v7, v50;
	v57 =	vsel vm1, v9, v51;
	v62, _, _ =	vpop (xrf2);
	(xrf2) =	vadd.scan.msk.f32 $0xffff, v45  }
0x2d5: {  	v29 =	vbroadcast v35, $0xF;
	v7 =	vsel vm12, v7, v15;
	v8 =	vsel vm2, v57, v54;
	v25, _, _ =	vpop (xrf2);
	(xrf2) =	vadd.scan.msk.f32 $0xffff, v49  }
0x2d6: {  	v30 =	vbroadcast v37, $0xF;
	v8 =	vsel vm3, v8, v58;
	v12 =	vbroadcast v40, $0xF;
	v28, _, _ =	vpop (xrf2);
	(xrf2) =	vadd.scan.msk.f32 $0xffff, v53  }
0x2d7: {  	v32 =	vld [tilespmem:$0x103F0];
	v5 =	vsel vm13, v7, v26;
	v9 =	vbroadcast v25, $0xF;
	v13 =	vbroadcast v28, $0xF;
	v31, _, _ =	vpop (xrf2);
	(xrf2) =	vadd.scan.msk.f32 $0xffff, v56  }
0x2d8: {  	v8 =	vsel vm4, v8, v61;
	v39 =	vbroadcast v44, $0xF;
	v33, _, _ =	vpop (xrf2);
	(xrf2) =	vadd.scan.msk.f32 $0xffff, v60;
	v34 =	vbroadcast v31, $0xF  }
0x2d9: {  	v8 =	vsel vm5, v8, v27;
	v9 =	vsel vm0, v9, v13;
	v7 =	vbroadcast v33, $0xF;
	v35, _, _ =	vpop (xrf2);
	(xrf2) =	vadd.scan.msk.f32 $0xffff, v63  }
0x2da: {  	v6 =	vsel vm6, v8, v29;
	v36, _, _ =	vpop (xrf2);
	v8 =	vsel vm1, v9, v34;
	v37 =	vbroadcast v35, $0xF  }
0x2db: {  	v6 =	vsel vm7, v6, v30;
	v38, _, _ =	vpop (xrf2);
	v7 =	vsel vm2, v8, v7;
	v4 =	vbroadcast v36, $0xF  }
0x2dc: {  	v55 =	vbroadcast v55, $0xF;
	(xrf2) =	vadd.scan.msk.f32 $0xffff, v32;
	v7 =	vsel vm3, v7, v37;
	v40 =	vbroadcast v38, $0xF;
	v41, _, _ =	vpop (xrf2)  }
0x2dd: {  	v6 =	vsel vm8, v6, v12;
	v42, _, _ =	vpop (xrf2);
	v4 =	vsel vm4, v7, v4;
	v43 =	vbroadcast v41, $0xF  }
0x2de: {  	v45 =	vbroadcast v48, $0xF;
	v44, _, _ =	vpop (xrf2);
	v4 =	vsel vm5, v4, v40;
	v46 =	vbroadcast v42, $0xF  }
0x2df: {  	v48 =	vbroadcast v52, $0xF;
	v47, _, _ =	vpop (xrf2);
	v4 =	vsel vm6, v4, v43;
	v49 =	vbroadcast v44, $0xF  }
0x2e0: {  	v58 =	vbroadcast v59, $0xF;
	v50, _, _ =	vpop (xrf2);
	v4 =	vsel vm7, v4, v46;
	v51 =	vbroadcast v47, $0xF  }
0x2e1: {  	v6 =	vsel vm9, v6, v39;
	v52, _, _ =	vpop (xrf2);
	v4 =	vsel vm8, v4, v49;
	v53 =	vbroadcast v50, $0xF  }
0x2e2: {  	v6 =	vsel vm10, v6, v45;
	v54, _, _ =	vpop (xrf2);
	v4 =	vsel vm9, v4, v51;
	v56 =	vbroadcast v52, $0xF  }
0x2e3: {  	v61 =	vld [tilespmem:$0x10410];
	v6 =	vsel vm11, v6, v48;
	v57, _, _ =	vpop (xrf2);
	v4 =	vsel vm10, v4, v53;
	v8 =	vbroadcast v54, $0xF  }
0x2e4: {  	v6 =	vsel vm12, v6, v55;
	v60 =	vld [tilespmem:$0x10400];
	v4 =	vsel vm11, v4, v56;
	v59 =	vbroadcast v57, $0xF  }
0x2e5: {  	[tilespmem:$0x10880] =	vst v3;
	v2 =	vsel vm14, v5, v2;
	v3 =	vsel vm13, v6, v58;
	v63 =	vld [tilespmem:$0x10420];
	v4 =	vsel vm12, v4, v8  }
0x2e6: {  	[tilespmem:$0x10890] =	vst v2;
	v2 =	vsel vm14, v3, v62;
	v62, _, _ =	vpop (xrf2);
	v3 =	vsel vm13, v4, v59  }
0x2e7: {  	[tilespmem:$0x108A0] =	vst v2;
	v2 =	vsel vm14, v3, v62;
	v3 =	vld [tilespmem:$0x10430]  }
0x2e8: {  	[tilespmem:$0x108D0] =	vst v61  }
0x2e9: {  	[tilespmem:$0x108C0] =	vst v60  }
0x2ea: {  	[tilespmem:$0x108E0] =	vst v63  }
0x2eb: {  	[tilespmem:$0x108B0] =	vst v2  }
0x2ec: {  	s17 =	rddreg [dreg:$0x15];
	s18 =	simm.s32 $0x10480;
	[tilespmem:$0x108F0] =	vst v3  }
0x2ed: {  	[hbm4b:s17+s2] =	stream.linear.scatter [tilespmem:s18], [sflag:$0x2], $0x200, $0x38;
	[tilespmem:$0x10F00] =	vst v63  }
0x2ee: {  	_ =	swait.ge [sflag:s14], $0x200  }
0x2ef: {  	[sflag:s14] =	ssyncset.done $0x0  }
0x2f0: {  	s26 =	rddreg [dreg:$0x16];
	[sflag:s14] =	ssyncadd.s32 $0xFFFFFE00  }
0x2f1: {  	[hbm4b:s26+s2] =	stream.linear.scatter [tilespmem:s15], [sflag:$0x2], $0x200, $0x38;
	[tilespmem:$0x10F00] =	vst v63  }
0x2f2: {  	_ =	swait.ge [sflag:s14], $0x200  }
0x2f3: {  	[sflag:s14] =	ssyncset.done $0x0  }
0x2f4: {  	s28 =	rddreg [dreg:$0x17];
	[sflag:s14] =	ssyncadd.s32 $0xFFFFFE00  }
0x2f5: {  	[hbm4b:s28+s2] =	stream.linear.scatter [tilespmem:s15], [sflag:$0x2], $0x200, $0x38;
	[tilespmem:$0x10F00] =	vst v63  }
0x2f6: {  	s16 =	sadd.s32 $0x1, s16;
	_ =	swait.ge [sflag:s14], $0x200  }
0x2f7: {  	p0 =	sne.s32 s16, s11;
	[sflag:s14] =	ssyncset.done $0x0  }
.Ltmp5:
0x2f8: {  	s29 =	simm.s32 $0x10880;
	[sflag:s14] =	ssyncadd.s32 $0xFFFFFE00;
	(pc) =	sbr.rel @p0 .LBB2_1-.Ltmp5, $4  }
0x2f9: {  	[hbm4b:s10+s2] =	stream.linear.scatter [tilespmem:s29], [sflag:$0x2], $0x80, $0x38;
	[tilespmem:$0x10F00] =	vst v63  }
0x2fa: {  	_ =	swait.ge [sflag:s14], $0x80  }
0x2fb: {  	[sflag:s14] =	ssyncset.done $0x0  }
0x2fc: {  	[sflag:s14] =	ssyncadd.s32 $0xFFFFFF80  }
0x2fd: {  	_ =	sfence.sel $0x180000  }
0x2fe: {  	[bflag:$0x0] =	sbarrier.arrive $0xFFFF  }
0x2ff: {  	_ =	strace $0x90000047  }
0x300: {  	s0 =	stileid.u32;
	[bflag:$0x2] =	sbarrier.arrive $0xFFFF  }
0x301: {  	p0 =	sne.s32 s0, $0x0;
	s0 =	rddreg [dreg:$0x4]  }
0x302: {  	s0 =	sadd.s32 @!p0 $0x100000, s0  }
0x303: {  	[sflag:s0] =	ssyncadd.tile.s32 @!p0 $0x1;
	_ =	shalt  }
.Lfunc_end2:
_tile_overlayer_lowered:
.L_overlay_start_2:
0x304: {  	(tag) =	ssettag $0x2  }
0x305: {  	s0 =	rddreg [dreg:$0x0];
	s2 =	stileid.u32  }
0x306: {  	s1 =	rddreg [dreg:$0x1];
	p0 =	sne.s32 s2, $0x0  }
0x307: {  	s3 =	rddreg [dreg:$0x2];
	[bflag:$0x3] =	sbarrier.arrive $0xFFFF;
	s2 =	simm.s32 @!p0 $0x1C02  }
0x308: {  	[timem:s3], [sflag:s2] =	dma.local @!p0 [hbm:s0], s1  }
0x309: {  	s0 =	simm.s32 @!p0 $0x2  }
0x30a: {  	_ =	swait.ge @!p0 [sflag:s0], s1  }
0x30b: {  	s1 =	ssub.s32 @!p0 $0x0, s1;
	[sflag:s0] =	ssyncset.done @!p0 $0x0  }
0x30c: {  	[sflag:s0] =	ssyncadd.s32 @!p0 s1  }
0x30d: {  	[bflag:$0x3] =	sbarrier.arrive $0xFFFF  }
0x30e: {  	_ =	shalt  }

</sc_bundles>
